<compile_context>
chip_gen: v7x
topology: tpu7x:2x2x1
jax: 0.10.2.dev20260603
libtpu: 0.0.44.dev20260713+nightly
codegen_flags: <defaults>
</compile_context>

<pallas_src>
import functools

import jax
import jax.numpy as jnp
from jax import lax
from jax.experimental import pallas as pl
from jax.experimental.pallas import tpu as pltpu
from jax.experimental.pallas import tpu_sc as plsc

L_PAD = 56
SENT_BLOCK = 128
GATHER_CHUNK = 128
NBUF = 4
LOOKAHEAD = 2
PACK = 64
PAIR = 2 * L_PAD


def _sc_gather(table_u32, inds):
    rows_total = inds.shape[0]
    info = plsc.get_sparse_core_info()
    num_workers = info.num_cores * info.num_subcores
    per_worker = rows_total // num_workers
    n_chunks = per_worker // GATHER_CHUNK
    mesh = plsc.VectorSubcoreMesh(core_axis_name="c", subcore_axis_name="s")

    @functools.partial(
        pl.kernel,
        mesh=mesh,
        out_type=jax.ShapeDtypeStruct((rows_total, PACK), jnp.uint32),
        scratch_types=[
            pltpu.VMEM((per_worker,), jnp.int32),
            [pltpu.VMEM((GATHER_CHUNK, PACK), jnp.uint32)] * NBUF,
            [pltpu.SemaphoreType.DMA] * NBUF,
            [pltpu.SemaphoreType.DMA] * NBUF,
            pltpu.SemaphoreType.DMA,
        ],
        compiler_params=pltpu.CompilerParams(use_tc_tiling_on_sc=False),
    )
    def gather_kernel(table_hbm, idx_hbm, out_hbm, idx_v, bufs, gsems, wsems,
                      isem):
        wid = lax.axis_index("s") * info.num_cores + lax.axis_index("c")
        base = wid * per_worker
        pltpu.async_copy(idx_hbm.at[pl.ds(base, per_worker)], idx_v,
                         isem).wait()

        def start_gather(chunk, b):
            pltpu.async_copy(
                table_hbm.at[idx_v.at[pl.ds(chunk * GATHER_CHUNK,
                                            GATHER_CHUNK)]],
                bufs[b], gsems[b])

        def wait_gather(b):
            pltpu.make_async_copy(
                table_hbm.at[idx_v.at[pl.ds(0, GATHER_CHUNK)]],
                bufs[b], gsems[b]).wait()

        def start_write(chunk, b):
            pltpu.async_copy(
                bufs[b],
                out_hbm.at[pl.ds(base + chunk * GATHER_CHUNK, GATHER_CHUNK)],
                wsems[b])

        def wait_write(b):
            pltpu.make_async_copy(
                bufs[b], out_hbm.at[pl.ds(0, GATHER_CHUNK)],
                wsems[b]).wait()

        for j in range(LOOKAHEAD):
            start_gather(j, j % NBUF)

        def group(g, carry):
            for u in range(NBUF):
                j = g * NBUF + u
                b = u
                bg = (u + LOOKAHEAD) % NBUF

                @pl.when(j < n_chunks)
                def _():
                    @pl.when(j + LOOKAHEAD < n_chunks)
                    def _():
                        @pl.when(j + LOOKAHEAD >= NBUF)
                        def _():
                            wait_write(bg)
                        start_gather(j + LOOKAHEAD, bg)

                    wait_gather(b)
                    start_write(j, b)
            return carry

        n_groups = (n_chunks + NBUF - 1) // NBUF
        lax.fori_loop(0, n_groups, group, 0)
        for b in range(min(NBUF, n_chunks)):
            wait_write(b)

    return gather_kernel(table_u32, inds)


def _tc_body(x_ref, e_ref, W_ref, b_ref, g_ref, be_ref, Wa_ref, ba_ref,
             ctx_ref, out_ref, aw_ref):
    B = SENT_BLOCK
    W = W_ref[...]
    b = b_ref[...]
    g = g_ref[...]
    be = be_ref[...]
    Wa = Wa_ref[...]
    ba = ba_ref[...]
    ctxv = ctx_ref[...]

    xq = x_ref[...]
    e0 = lax.bitcast_convert_type(xq << 16, jnp.float32)
    e1 = lax.bitcast_convert_type(xq & jnp.uint32(0xFFFF0000), jnp.float32)
    x_even = jnp.concatenate([e0[:, :64], e1[:, :64]], axis=1)
    x_odd = jnp.concatenate([e0[:, 64:], e1[:, 64:]], axis=1)
    h_even = lax.dot_general(x_even.astype(jnp.bfloat16), W,
                             (((1,), (0,)), ((), ())),
                             preferred_element_type=jnp.float32)
    h_odd = lax.dot_general(x_odd.astype(jnp.bfloat16), W,
                            (((1,), (0,)), ((), ())),
                            preferred_element_type=jnp.float32)
    h_even = h_even.astype(jnp.bfloat16)
    h_odd = h_odd.astype(jnp.bfloat16)

    e = e_ref[...]
    src_all = e[:, 0, :]
    dst_all = e[:, 1, :]

    iota_r = lax.broadcasted_iota(jnp.int32, (PAIR, 2 * 128), 0)
    iota_e = lax.broadcasted_iota(jnp.int32, (PAIR, 2 * 128), 1)
    eoff = jnp.where(iota_e >= 128, L_PAD, 0)
    qvec = jnp.where(iota_r < L_PAD, 2 * iota_r, 2 * iota_r - (PAIR - 1))
    io_i = lax.broadcasted_iota(jnp.int32, (PAIR, PAIR), 0)
    io_c = lax.broadcasted_iota(jnp.int32, (PAIR, PAIR), 1)
    qcol = jnp.where(io_c < L_PAD, 2 * io_c, 2 * io_c - (PAIR - 1))
    eyeq = (io_i == qcol).astype(jnp.float32)

    words = []
    for p in range(B // 2):
        s0, s1 = 2 * p, 2 * p + 1
        src_pair = jnp.concatenate(
            [src_all[s0:s0 + 1, :], src_all[s1:s1 + 1, :]], axis=1) + eoff[:1]
        dst_pair = jnp.concatenate(
            [dst_all[s0:s0 + 1, :], dst_all[s1:s1 + 1, :]], axis=1) + eoff[:1]
        a_dst = (iota_r == dst_pair).astype(jnp.float32)
        a_srcq = (qvec == src_pair).astype(jnp.float32)
        deg = 1.0 + jnp.sum(a_dst, axis=1, keepdims=True)
        deg_q = 1.0 + jnp.sum((qvec == dst_pair).astype(jnp.float32), axis=1,
                              keepdims=True)
        dinv = lax.rsqrt(deg)
        dinv_q = lax.rsqrt(deg_q)
        a_dst_n = (a_dst * dinv).astype(jnp.bfloat16)
        a_srcq_n = (a_srcq * dinv_q).astype(jnp.bfloat16)
        m = lax.dot_general(a_dst_n, a_srcq_n, (((1,), (1,)), ((), ())),
                            preferred_element_type=jnp.float32)
        m = (m + eyeq * (dinv * dinv)).astype(jnp.bfloat16)
        h_pair = jnp.concatenate(
            [h_even[L_PAD * p:L_PAD * (p + 1), :],
             h_odd[L_PAD * p:L_PAD * (p + 1), :]], axis=0)
        words.append(lax.dot_general(m, h_pair, (((1,), (0,)), ((), ())),
                                     preferred_element_type=jnp.float32))
    word2 = jnp.concatenate(words, axis=0) + b

    mu = jnp.mean(word2, axis=1, keepdims=True)
    cen = word2 - mu
    var = jnp.mean(cen * cen, axis=1, keepdims=True)
    normed = (cen * lax.rsqrt(var + 1e-5) * g + be).astype(jnp.bfloat16)

    ah = jnp.tanh(lax.dot_general(normed, Wa, (((1,), (0,)), ((), ())),
                                  preferred_element_type=jnp.float32) + ba)
    sc2 = lax.dot_general(ah.astype(jnp.bfloat16), ctxv,
                          (((1,), (0,)), ((), ())),
                          preferred_element_type=jnp.float32)
    sc3 = sc2.reshape(B, L_PAD)
    neg = jnp.float32(-1e30)
    lane = lax.broadcasted_iota(jnp.int32, (B, L_PAD), 1)
    scm = jnp.where(lane < 50, sc3, neg)
    mx = jnp.max(scm, axis=1, keepdims=True)
    ex = jnp.exp(scm - mx)
    aw = ex / jnp.sum(ex, axis=1, keepdims=True)

    word3 = word2.reshape(B, L_PAD, 128)
    aw50 = aw[:, :50]
    out_ref[...] = word3[:, :50, :] * aw50[:, :, None]
    aw_ref[...] = aw50


def _tc_compute(xq2, edges, W, b, g, be, Wa, ba, ctxv):
    S = edges.shape[0]
    grid = (S // SENT_BLOCK,)
    rows_per_block = SENT_BLOCK * L_PAD // 2
    return pl.pallas_call(
        _tc_body,
        grid=grid,
        in_specs=[
            pl.BlockSpec((rows_per_block, 128), lambda i: (i, 0)),
            pl.BlockSpec((SENT_BLOCK, 2, 128), lambda i: (i, 0, 0)),
            pl.BlockSpec((128, 128), lambda i: (0, 0)),
            pl.BlockSpec((1, 128), lambda i: (0, 0)),
            pl.BlockSpec((1, 128), lambda i: (0, 0)),
            pl.BlockSpec((1, 128), lambda i: (0, 0)),
            pl.BlockSpec((128, 64), lambda i: (0, 0)),
            pl.BlockSpec((1, 64), lambda i: (0, 0)),
            pl.BlockSpec((64, 1), lambda i: (0, 0)),
        ],
        out_specs=(
            pl.BlockSpec((SENT_BLOCK, 50, 128), lambda i: (i, 0, 0)),
            pl.BlockSpec((SENT_BLOCK, 50), lambda i: (i, 0)),
        ),
        out_shape=(
            jax.ShapeDtypeStruct((S, 50, 128), jnp.float32),
            jax.ShapeDtypeStruct((S, 50), jnp.float32),
        ),
        compiler_params=pltpu.CompilerParams(
            dimension_semantics=("arbitrary",),
        ),
    )(xq2, edges, W, b, g, be, Wa, ba, ctxv)


def kernel(sents, code_lenth, word_edge, table, W_gcn, b_gcn, ln_gamma,
           ln_beta, W_att, b_att, ctx):
    S, L = sents.shape
    V, E = table.shape
    inds = jnp.pad(sents, ((0, 0), (0, L_PAD - L)))
    table_u32 = lax.bitcast_convert_type(
        table.astype(jnp.bfloat16).reshape(V, PACK, 2), jnp.uint32)
    perm = jnp.concatenate([jnp.arange(0, E, 2), jnp.arange(1, E, 2)])
    W_perm = W_gcn[perm, :].astype(jnp.bfloat16)
    n_chunks = 2
    sk = S // n_chunks
    outs, aws = [], []
    for k in range(n_chunks):
        inds_k = inds[k * sk:(k + 1) * sk].reshape(-1)
        xu = _sc_gather(table_u32, inds_k)
        xq2 = xu.reshape(sk * L_PAD // 2, 128)
        o, a = _tc_compute(
            xq2, word_edge[k * sk:(k + 1) * sk], W_perm,
            b_gcn.reshape(1, -1), ln_gamma.reshape(1, -1),
            ln_beta.reshape(1, -1),
            W_att.astype(jnp.bfloat16), b_att.reshape(1, -1),
            ctx.reshape(-1, 1).astype(jnp.bfloat16))
        outs.append(o)
        aws.append(a)
    return (jnp.concatenate(outs, axis=0), jnp.concatenate(aws, axis=0))

# --- scband reference (transcript-rebuilt; emitter-appended) ---
"""Pipeline reference for scband-word-attention-63187558859129 (READ-ONLY COPY).

The authoritative reference and input builder live on the scoring server;
editing this copy changes nothing except your own understanding.
"""

import jax, jax.numpy as jnp
import numpy as np

MAX_SEQ_LEN = 50
VOCAB = 100000
EMBED_DIM = 128
HIDDEN = 128
ATT_DIM = 64
NUM_SENTS = 4096
E_PER = 128


def setup_inputs(seed: int = 0):
    key = jax.random.key(seed)
    ks = jax.random.split(key, 8)
    sents = jax.random.randint(ks[0], (NUM_SENTS, MAX_SEQ_LEN), 0, VOCAB, dtype=jnp.int32)
    code_lenth = jnp.ones((NUM_SENTS,), dtype=jnp.int32)
    word_edge = jax.random.randint(ks[1], (NUM_SENTS, 2, E_PER), 0, MAX_SEQ_LEN, dtype=jnp.int32)
    table = jax.random.normal(ks[2], (VOCAB, EMBED_DIM), dtype=jnp.float32) * 0.02
    W_gcn = jax.random.normal(ks[3], (EMBED_DIM, HIDDEN), dtype=jnp.float32) * (1.0 / np.sqrt(EMBED_DIM))
    b_gcn = jnp.zeros((HIDDEN,), dtype=jnp.float32)
    ln_gamma = jnp.ones((HIDDEN,), dtype=jnp.float32)
    ln_beta = jnp.zeros((HIDDEN,), dtype=jnp.float32)
    W_att = jax.random.normal(ks[4], (HIDDEN, ATT_DIM), dtype=jnp.float32) * (1.0 / np.sqrt(HIDDEN))
    b_att = jnp.zeros((ATT_DIM,), dtype=jnp.float32)
    ctx = jax.random.normal(ks[5], (ATT_DIM,), dtype=jnp.float32) * (1.0 / np.sqrt(ATT_DIM))
    return {"sents": sents, "code_lenth": code_lenth, "word_edge": word_edge,
            "table": table, "W_gcn": W_gcn, "b_gcn": b_gcn,
            "ln_gamma": ln_gamma, "ln_beta": ln_beta,
            "W_att": W_att, "b_att": b_att, "ctx": ctx}


def _gcn(x, src, dst, W, b, num_nodes):
    # PyG GCNConv: add self-loops, symmetric normalization, linear transform, scatter-add
    self_idx = jnp.arange(num_nodes, dtype=src.dtype)
    src = jnp.concatenate([src, self_idx])
    dst = jnp.concatenate([dst, self_idx])
    deg = jnp.zeros((num_nodes,), dtype=x.dtype).at[dst].add(1.0)
    dinv = jnp.where(deg > 0, 1.0 / jnp.sqrt(deg), 0.0)
    norm = dinv[src] * dinv[dst]
    h = x @ W
    msg = h[src] * norm[:, None]
    out = jnp.zeros((num_nodes, W.shape[1]), dtype=x.dtype).at[dst].add(msg)
    return out + b


def reference(sents, code_lenth, word_edge, table, W_gcn, b_gcn, ln_gamma, ln_beta, W_att, b_att, ctx):
    S, L = sents.shape
    N = S * L
    # embedding lookup
    x = jnp.take(table, sents.reshape(-1), axis=0)  # [N, embed_dim]
    # Batch.from_data_list: offset each sentence's local edge indices by node offset
    offsets = (jnp.arange(S, dtype=word_edge.dtype) * L)[:, None]
    src = (word_edge[:, 0, :] + offsets).reshape(-1)
    dst = (word_edge[:, 1, :] + offsets).reshape(-1)
    word_out = _gcn(x, src, dst, W_gcn, b_gcn, N)
    # layer norm (elementwise affine)
    mu = word_out.mean(axis=-1, keepdims=True)
    var = jnp.mean((word_out - mu) ** 2, axis=-1, keepdims=True)
    normed = (word_out - mu) / jnp.sqrt(var + 1e-5) * ln_gamma + ln_beta
    # attention
    att = jnp.tanh(normed @ W_att + b_att)
    att = att @ ctx  # [N]
    val = att.max()
    att = jnp.exp(att - val)
    # sum(code_lenth) == S by construction (code_lenth is all ones)
    att = att.reshape(S, MAX_SEQ_LEN)
    att_weights = att / jnp.sum(att, axis=1, keepdims=True)
    word_out = word_out.reshape(S, MAX_SEQ_LEN, word_out.shape[1])
    sents_out = word_out * att_weights[:, :, None]
    return (sents_out, att_weights)

if __name__ == "__main__":
    import jax
    _d = setup_inputs()
    print(jax.jit(kernel)(*tuple(_d.values())))

</pallas_src>

<mosaic_0001>
#map = affine_map<(d0, d1) -> (0, 0)>
#map1 = affine_map<(d0, d1) -> (0)>
module attributes {stable_mosaic.version = 14 : i64} {
  func.func @gather_kernel(%arg0: i32, %arg1: i32, %arg2: memref<100000x64xi32, #tpu.memory_space<hbm>>, %arg3: memref<114688xi32, #tpu.memory_space<hbm>>, %arg4: memref<114688x64xi32, #tpu.memory_space<hbm>>, %arg5: memref<3584xi32, #tpu.memory_space<vmem>>, %arg6: memref<128x64xi32, #tpu.memory_space<vmem>>, %arg7: memref<128x64xi32, #tpu.memory_space<vmem>>, %arg8: memref<128x64xi32, #tpu.memory_space<vmem>>, %arg9: memref<128x64xi32, #tpu.memory_space<vmem>>, %arg10: memref<!tpu.dma_semaphore, #tpu.memory_space<semaphore_mem>>, %arg11: memref<!tpu.dma_semaphore, #tpu.memory_space<semaphore_mem>>, %arg12: memref<!tpu.dma_semaphore, #tpu.memory_space<semaphore_mem>>, %arg13: memref<!tpu.dma_semaphore, #tpu.memory_space<semaphore_mem>>, %arg14: memref<!tpu.dma_semaphore, #tpu.memory_space<semaphore_mem>>, %arg15: memref<!tpu.dma_semaphore, #tpu.memory_space<semaphore_mem>>, %arg16: memref<!tpu.dma_semaphore, #tpu.memory_space<semaphore_mem>>, %arg17: memref<!tpu.dma_semaphore, #tpu.memory_space<semaphore_mem>>, %arg18: memref<!tpu.dma_semaphore, #tpu.memory_space<semaphore_mem>>) attributes {dimension_semantics = [#tpu.dimension_semantics<core_parallel>, #tpu.dimension_semantics<subcore_parallel>], iteration_bounds = array<i64: 2, 16>, scalar_prefetch = 0 : i64, scratch_operands = 14 : i64, tpu.core_type = #tpu.core_type<sc_vector_subcore>, window_params = [{transform_indices = #map}, {transform_indices = #map1}, {transform_indices = #map}]} {
    %mul3A = arith.constant 2 : i32
    %mul3A_0 = arith.muli %arg1, %mul3A : i32
    %add3A = arith.addi %mul3A_0, %arg0 : i32
    %mul3A_1 = arith.constant 3584 : i32
    %mul3A_2 = arith.muli %add3A, %mul3A_1 : i32
    %dma_start3A = tpu.memref_slice %arg3[%mul3A_2] : memref<114688xi32, #tpu.memory_space<hbm>> -> memref<3584xi32, #tpu.memory_space<hbm>>
    %dma_start3A_3 = tpu.memref_slice %arg3[%mul3A_2] : memref<114688xi32, #tpu.memory_space<hbm>> -> memref<3584xi32, #tpu.memory_space<hbm>>
    tpu.enqueue_dma source(%dma_start3A_3 : memref<3584xi32, #tpu.memory_space<hbm>>) target(%arg5 : memref<3584xi32, #tpu.memory_space<vmem>>) target_semaphore(%arg18 : memref<!tpu.dma_semaphore, #tpu.memory_space<semaphore_mem>>)
    %dma_wait3A = tpu.memref_slice %arg3[%mul3A_2] : memref<114688xi32, #tpu.memory_space<hbm>> -> memref<3584xi32, #tpu.memory_space<hbm>>
    %dma_wait3A_4 = tpu.memref_slice %arg3[%mul3A_2] : memref<114688xi32, #tpu.memory_space<hbm>> -> memref<3584xi32, #tpu.memory_space<hbm>>
    tpu.wait_dma2 semaphore(%arg18 : memref<!tpu.dma_semaphore, #tpu.memory_space<semaphore_mem>>) src(%dma_wait3A_4 : memref<3584xi32, #tpu.memory_space<hbm>>) dst(%arg5 : memref<3584xi32, #tpu.memory_space<vmem>>)
    %dma_start3A_5 = arith.constant 0 : i32
    %dma_start3A_6 = tpu.memref_slice %arg5[%dma_start3A_5] : memref<3584xi32, #tpu.memory_space<vmem>> -> memref<128xi32, #tpu.memory_space<vmem>>
    %dma_start3A_7 = arith.constant 0 : i32
    %dma_start3A_8 = arith.constant 0 : i32
    %dma_start3A_9 = tpu.memref_slice %arg2[%dma_start3A_7, %dma_start3A_8] : memref<100000x64xi32, #tpu.memory_space<hbm>> -> memref<100000x64xi32, #tpu.memory_space<hbm>>
    tpu.enqueue_indirect_dma source(%dma_start3A_9 : memref<100000x64xi32, #tpu.memory_space<hbm>>) target(%arg6 : memref<128x64xi32, #tpu.memory_space<vmem>>) offsets(%dma_start3A_6 : memref<128xi32, #tpu.memory_space<vmem>>) semaphore(%arg10 : memref<!tpu.dma_semaphore, #tpu.memory_space<semaphore_mem>>)
    %dma_start3A_10 = arith.constant 128 : i32
    %dma_start3A_11 = tpu.memref_slice %arg5[%dma_start3A_10] : memref<3584xi32, #tpu.memory_space<vmem>> -> memref<128xi32, #tpu.memory_space<vmem>>
    %dma_start3A_12 = arith.constant 0 : i32
    %dma_start3A_13 = arith.constant 0 : i32
    %dma_start3A_14 = tpu.memref_slice %arg2[%dma_start3A_12, %dma_start3A_13] : memref<100000x64xi32, #tpu.memory_space<hbm>> -> memref<100000x64xi32, #tpu.memory_space<hbm>>
    tpu.enqueue_indirect_dma source(%dma_start3A_14 : memref<100000x64xi32, #tpu.memory_space<hbm>>) target(%arg7 : memref<128x64xi32, #tpu.memory_space<vmem>>) offsets(%dma_start3A_11 : memref<128xi32, #tpu.memory_space<vmem>>) semaphore(%arg11 : memref<!tpu.dma_semaphore, #tpu.memory_space<semaphore_mem>>)
    %scan3A = arith.constant 0 : i32
    %scan3A_15 = arith.constant 0 : i32
    %scan3A_16 = arith.constant 7 : i32
    %scan3A_17 = arith.addi %scan3A_15, %scan3A_16 : i32
    %scan3A_18 = arith.constant 1 : i32
    scf.for %scan3A_44 = %scan3A_15 to %scan3A_17 step %scan3A_18  : i32 {
      %mul3A_45 = arith.constant 4 : i32
      %mul3A_46 = arith.muli %scan3A_44, %mul3A_45 : i32
      %add3A_47 = arith.constant 0 : i32
      %add3A_48 = arith.addi %mul3A_46, %add3A_47 : i32
      %lt3A = arith.constant 28 : i32
      %lt3A_49 = arith.cmpi slt, %add3A_48, %lt3A : i32
      %convert_element_type3A = arith.extui %lt3A_49 : i1 to i32
      %cond3A = arith.constant 0 : i32
      %cond3A_50 = arith.cmpi ne, %convert_element_type3A, %cond3A : i32
      scf.if %cond3A_50 {
        %add3A_78 = arith.constant 2 : i32
        %add3A_79 = arith.addi %add3A_48, %add3A_78 : i32
        %lt3A_80 = arith.constant 28 : i32
        %lt3A_81 = arith.cmpi slt, %add3A_79, %lt3A_80 : i32
        %convert_element_type3A_82 = arith.extui %lt3A_81 : i1 to i32
        %cond3A_83 = arith.constant 0 : i32
        %cond3A_84 = arith.cmpi ne, %convert_element_type3A_82, %cond3A_83 : i32
        scf.if %cond3A_84 {
          %add3A_97 = arith.constant 2 : i32
          %add3A_98 = arith.addi %add3A_48, %add3A_97 : i32
          %ge3A = arith.constant 4 : i32
          %ge3A_99 = arith.cmpi sge, %add3A_98, %ge3A : i32
          %convert_element_type3A_100 = arith.extui %ge3A_99 : i1 to i32
          %cond3A_101 = arith.constant 0 : i32
          %cond3A_102 = arith.cmpi ne, %convert_element_type3A_100, %cond3A_101 : i32
          scf.if %cond3A_102 {
            %dma_wait3A_111 = arith.constant 0 : i32
            %dma_wait3A_112 = arith.constant 0 : i32
            %dma_wait3A_113 = tpu.memref_slice %arg4[%dma_wait3A_111, %dma_wait3A_112] : memref<114688x64xi32, #tpu.memory_space<hbm>> -> memref<128x64xi32, #tpu.memory_space<hbm>>
            %dma_wait3A_114 = arith.constant 0 : i32
            %dma_wait3A_115 = arith.constant 0 : i32
            %dma_wait3A_116 = tpu.memref_slice %arg4[%dma_wait3A_114, %dma_wait3A_115] : memref<114688x64xi32, #tpu.memory_space<hbm>> -> memref<128x64xi32, #tpu.memory_space<hbm>>
            tpu.wait_dma2 semaphore(%arg16 : memref<!tpu.dma_semaphore, #tpu.memory_space<semaphore_mem>>) src(%arg8 : memref<128x64xi32, #tpu.memory_space<vmem>>) dst(%dma_wait3A_116 : memref<128x64xi32, #tpu.memory_space<hbm>>)
          } else {
          }
          %add3A_103 = arith.constant 2 : i32
          %add3A_104 = arith.addi %add3A_48, %add3A_103 : i32
          %mul3A_105 = arith.constant 128 : i32
          %mul3A_106 = arith.muli %add3A_104, %mul3A_105 : i32
          %dma_start3A_107 = tpu.memref_slice %arg5[%mul3A_106] : memref<3584xi32, #tpu.memory_space<vmem>> -> memref<128xi32, #tpu.memory_space<vmem>>
          %dma_start3A_108 = arith.constant 0 : i32
          %dma_start3A_109 = arith.constant 0 : i32
          %dma_start3A_110 = tpu.memref_slice %arg2[%dma_start3A_108, %dma_start3A_109] : memref<100000x64xi32, #tpu.memory_space<hbm>> -> memref<100000x64xi32, #tpu.memory_space<hbm>>
          tpu.enqueue_indirect_dma source(%dma_start3A_110 : memref<100000x64xi32, #tpu.memory_space<hbm>>) target(%arg8 : memref<128x64xi32, #tpu.memory_space<vmem>>) offsets(%dma_start3A_107 : memref<128xi32, #tpu.memory_space<vmem>>) semaphore(%arg12 : memref<!tpu.dma_semaphore, #tpu.memory_space<semaphore_mem>>)
        } else {
        }
        %dma_wait3A_85 = arith.constant 0 : i32
        %dma_wait3A_86 = tpu.memref_slice %arg5[%dma_wait3A_85] : memref<3584xi32, #tpu.memory_space<vmem>> -> memref<128xi32, #tpu.memory_space<vmem>>
        %dma_wait3A_87 = arith.constant 0 : i32
        %dma_wait3A_88 = arith.constant 0 : i32
        %dma_wait3A_89 = tpu.memref_slice %arg2[%dma_wait3A_87, %dma_wait3A_88] : memref<100000x64xi32, #tpu.memory_space<hbm>> -> memref<100000x64xi32, #tpu.memory_space<hbm>>
        tpu.wait_indirect_dma semaphore(%arg10 : memref<!tpu.dma_semaphore, #tpu.memory_space<semaphore_mem>>) src(%dma_wait3A_89 : memref<100000x64xi32, #tpu.memory_space<hbm>>) dst(%arg6 : memref<128x64xi32, #tpu.memory_space<vmem>>)
        %mul3A_90 = arith.constant 128 : i32
        %mul3A_91 = arith.muli %add3A_48, %mul3A_90 : i32
        %add3A_92 = arith.addi %mul3A_2, %mul3A_91 : i32
        %dma_start3A_93 = arith.constant 0 : i32
        %dma_start3A_94 = tpu.memref_slice %arg4[%add3A_92, %dma_start3A_93] : memref<114688x64xi32, #tpu.memory_space<hbm>> -> memref<128x64xi32, #tpu.memory_space<hbm>>
        %dma_start3A_95 = arith.constant 0 : i32
        %dma_start3A_96 = tpu.memref_slice %arg4[%add3A_92, %dma_start3A_95] : memref<114688x64xi32, #tpu.memory_space<hbm>> -> memref<128x64xi32, #tpu.memory_space<hbm>>
        tpu.enqueue_dma source(%arg6 : memref<128x64xi32, #tpu.memory_space<vmem>>) target(%dma_start3A_96 : memref<128x64xi32, #tpu.memory_space<hbm>>) target_semaphore(%arg14 : memref<!tpu.dma_semaphore, #tpu.memory_space<semaphore_mem>>)
      } else {
      }
      %mul3A_51 = arith.constant 4 : i32
      %mul3A_52 = arith.muli %scan3A_44, %mul3A_51 : i32
      %add3A_53 = arith.constant 1 : i32
      %add3A_54 = arith.addi %mul3A_52, %add3A_53 : i32
      %lt3A_55 = arith.constant 28 : i32
      %lt3A_56 = arith.cmpi slt, %add3A_54, %lt3A_55 : i32
      %convert_element_type3A_57 = arith.extui %lt3A_56 : i1 to i32
      %cond3A_58 = arith.constant 0 : i32
      %cond3A_59 = arith.cmpi ne, %convert_element_type3A_57, %cond3A_58 : i32
      scf.if %cond3A_59 {
        %add3A_78 = arith.constant 2 : i32
        %add3A_79 = arith.addi %add3A_54, %add3A_78 : i32
        %lt3A_80 = arith.constant 28 : i32
        %lt3A_81 = arith.cmpi slt, %add3A_79, %lt3A_80 : i32
        %convert_element_type3A_82 = arith.extui %lt3A_81 : i1 to i32
        %cond3A_83 = arith.constant 0 : i32
        %cond3A_84 = arith.cmpi ne, %convert_element_type3A_82, %cond3A_83 : i32
        scf.if %cond3A_84 {
          %add3A_97 = arith.constant 2 : i32
          %add3A_98 = arith.addi %add3A_54, %add3A_97 : i32
          %ge3A = arith.constant 4 : i32
          %ge3A_99 = arith.cmpi sge, %add3A_98, %ge3A : i32
          %convert_element_type3A_100 = arith.extui %ge3A_99 : i1 to i32
          %cond3A_101 = arith.constant 0 : i32
          %cond3A_102 = arith.cmpi ne, %convert_element_type3A_100, %cond3A_101 : i32
          scf.if %cond3A_102 {
            %dma_wait3A_111 = arith.constant 0 : i32
            %dma_wait3A_112 = arith.constant 0 : i32
            %dma_wait3A_113 = tpu.memref_slice %arg4[%dma_wait3A_111, %dma_wait3A_112] : memref<114688x64xi32, #tpu.memory_space<hbm>> -> memref<128x64xi32, #tpu.memory_space<hbm>>
            %dma_wait3A_114 = arith.constant 0 : i32
            %dma_wait3A_115 = arith.constant 0 : i32
            %dma_wait3A_116 = tpu.memref_slice %arg4[%dma_wait3A_114, %dma_wait3A_115] : memref<114688x64xi32, #tpu.memory_space<hbm>> -> memref<128x64xi32, #tpu.memory_space<hbm>>
            tpu.wait_dma2 semaphore(%arg17 : memref<!tpu.dma_semaphore, #tpu.memory_space<semaphore_mem>>) src(%arg9 : memref<128x64xi32, #tpu.memory_space<vmem>>) dst(%dma_wait3A_116 : memref<128x64xi32, #tpu.memory_space<hbm>>)
          } else {
          }
          %add3A_103 = arith.constant 2 : i32
          %add3A_104 = arith.addi %add3A_54, %add3A_103 : i32
          %mul3A_105 = arith.constant 128 : i32
          %mul3A_106 = arith.muli %add3A_104, %mul3A_105 : i32
          %dma_start3A_107 = tpu.memref_slice %arg5[%mul3A_106] : memref<3584xi32, #tpu.memory_space<vmem>> -> memref<128xi32, #tpu.memory_space<vmem>>
          %dma_start3A_108 = arith.constant 0 : i32
          %dma_start3A_109 = arith.constant 0 : i32
          %dma_start3A_110 = tpu.memref_slice %arg2[%dma_start3A_108, %dma_start3A_109] : memref<100000x64xi32, #tpu.memory_space<hbm>> -> memref<100000x64xi32, #tpu.memory_space<hbm>>
          tpu.enqueue_indirect_dma source(%dma_start3A_110 : memref<100000x64xi32, #tpu.memory_space<hbm>>) target(%arg9 : memref<128x64xi32, #tpu.memory_space<vmem>>) offsets(%dma_start3A_107 : memref<128xi32, #tpu.memory_space<vmem>>) semaphore(%arg13 : memref<!tpu.dma_semaphore, #tpu.memory_space<semaphore_mem>>)
        } else {
        }
        %dma_wait3A_85 = arith.constant 0 : i32
        %dma_wait3A_86 = tpu.memref_slice %arg5[%dma_wait3A_85] : memref<3584xi32, #tpu.memory_space<vmem>> -> memref<128xi32, #tpu.memory_space<vmem>>
        %dma_wait3A_87 = arith.constant 0 : i32
        %dma_wait3A_88 = arith.constant 0 : i32
        %dma_wait3A_89 = tpu.memref_slice %arg2[%dma_wait3A_87, %dma_wait3A_88] : memref<100000x64xi32, #tpu.memory_space<hbm>> -> memref<100000x64xi32, #tpu.memory_space<hbm>>
        tpu.wait_indirect_dma semaphore(%arg11 : memref<!tpu.dma_semaphore, #tpu.memory_space<semaphore_mem>>) src(%dma_wait3A_89 : memref<100000x64xi32, #tpu.memory_space<hbm>>) dst(%arg7 : memref<128x64xi32, #tpu.memory_space<vmem>>)
        %mul3A_90 = arith.constant 128 : i32
        %mul3A_91 = arith.muli %add3A_54, %mul3A_90 : i32
        %add3A_92 = arith.addi %mul3A_2, %mul3A_91 : i32
        %dma_start3A_93 = arith.constant 0 : i32
        %dma_start3A_94 = tpu.memref_slice %arg4[%add3A_92, %dma_start3A_93] : memref<114688x64xi32, #tpu.memory_space<hbm>> -> memref<128x64xi32, #tpu.memory_space<hbm>>
        %dma_start3A_95 = arith.constant 0 : i32
        %dma_start3A_96 = tpu.memref_slice %arg4[%add3A_92, %dma_start3A_95] : memref<114688x64xi32, #tpu.memory_space<hbm>> -> memref<128x64xi32, #tpu.memory_space<hbm>>
        tpu.enqueue_dma source(%arg7 : memref<128x64xi32, #tpu.memory_space<vmem>>) target(%dma_start3A_96 : memref<128x64xi32, #tpu.memory_space<hbm>>) target_semaphore(%arg15 : memref<!tpu.dma_semaphore, #tpu.memory_space<semaphore_mem>>)
      } else {
      }
      %mul3A_60 = arith.constant 4 : i32
      %mul3A_61 = arith.muli %scan3A_44, %mul3A_60 : i32
      %add3A_62 = arith.constant 2 : i32
      %add3A_63 = arith.addi %mul3A_61, %add3A_62 : i32
      %lt3A_64 = arith.constant 28 : i32
      %lt3A_65 = arith.cmpi slt, %add3A_63, %lt3A_64 : i32
      %convert_element_type3A_66 = arith.extui %lt3A_65 : i1 to i32
      %cond3A_67 = arith.constant 0 : i32
      %cond3A_68 = arith.cmpi ne, %convert_element_type3A_66, %cond3A_67 : i32
      scf.if %cond3A_68 {
        %add3A_78 = arith.constant 2 : i32
        %add3A_79 = arith.addi %add3A_63, %add3A_78 : i32
        %lt3A_80 = arith.constant 28 : i32
        %lt3A_81 = arith.cmpi slt, %add3A_79, %lt3A_80 : i32
        %convert_element_type3A_82 = arith.extui %lt3A_81 : i1 to i32
        %cond3A_83 = arith.constant 0 : i32
        %cond3A_84 = arith.cmpi ne, %convert_element_type3A_82, %cond3A_83 : i32
        scf.if %cond3A_84 {
          %add3A_97 = arith.constant 2 : i32
          %add3A_98 = arith.addi %add3A_63, %add3A_97 : i32
          %ge3A = arith.constant 4 : i32
          %ge3A_99 = arith.cmpi sge, %add3A_98, %ge3A : i32
          %convert_element_type3A_100 = arith.extui %ge3A_99 : i1 to i32
          %cond3A_101 = arith.constant 0 : i32
          %cond3A_102 = arith.cmpi ne, %convert_element_type3A_100, %cond3A_101 : i32
          scf.if %cond3A_102 {
            %dma_wait3A_111 = arith.constant 0 : i32
            %dma_wait3A_112 = arith.constant 0 : i32
            %dma_wait3A_113 = tpu.memref_slice %arg4[%dma_wait3A_111, %dma_wait3A_112] : memref<114688x64xi32, #tpu.memory_space<hbm>> -> memref<128x64xi32, #tpu.memory_space<hbm>>
            %dma_wait3A_114 = arith.constant 0 : i32
            %dma_wait3A_115 = arith.constant 0 : i32
            %dma_wait3A_116 = tpu.memref_slice %arg4[%dma_wait3A_114, %dma_wait3A_115] : memref<114688x64xi32, #tpu.memory_space<hbm>> -> memref<128x64xi32, #tpu.memory_space<hbm>>
            tpu.wait_dma2 semaphore(%arg14 : memref<!tpu.dma_semaphore, #tpu.memory_space<semaphore_mem>>) src(%arg6 : memref<128x64xi32, #tpu.memory_space<vmem>>) dst(%dma_wait3A_116 : memref<128x64xi32, #tpu.memory_space<hbm>>)
          } else {
          }
          %add3A_103 = arith.constant 2 : i32
          %add3A_104 = arith.addi %add3A_63, %add3A_103 : i32
          %mul3A_105 = arith.constant 128 : i32
          %mul3A_106 = arith.muli %add3A_104, %mul3A_105 : i32
          %dma_start3A_107 = tpu.memref_slice %arg5[%mul3A_106] : memref<3584xi32, #tpu.memory_space<vmem>> -> memref<128xi32, #tpu.memory_space<vmem>>
          %dma_start3A_108 = arith.constant 0 : i32
          %dma_start3A_109 = arith.constant 0 : i32
          %dma_start3A_110 = tpu.memref_slice %arg2[%dma_start3A_108, %dma_start3A_109] : memref<100000x64xi32, #tpu.memory_space<hbm>> -> memref<100000x64xi32, #tpu.memory_space<hbm>>
          tpu.enqueue_indirect_dma source(%dma_start3A_110 : memref<100000x64xi32, #tpu.memory_space<hbm>>) target(%arg6 : memref<128x64xi32, #tpu.memory_space<vmem>>) offsets(%dma_start3A_107 : memref<128xi32, #tpu.memory_space<vmem>>) semaphore(%arg10 : memref<!tpu.dma_semaphore, #tpu.memory_space<semaphore_mem>>)
        } else {
        }
        %dma_wait3A_85 = arith.constant 0 : i32
        %dma_wait3A_86 = tpu.memref_slice %arg5[%dma_wait3A_85] : memref<3584xi32, #tpu.memory_space<vmem>> -> memref<128xi32, #tpu.memory_space<vmem>>
        %dma_wait3A_87 = arith.constant 0 : i32
        %dma_wait3A_88 = arith.constant 0 : i32
        %dma_wait3A_89 = tpu.memref_slice %arg2[%dma_wait3A_87, %dma_wait3A_88] : memref<100000x64xi32, #tpu.memory_space<hbm>> -> memref<100000x64xi32, #tpu.memory_space<hbm>>
        tpu.wait_indirect_dma semaphore(%arg12 : memref<!tpu.dma_semaphore, #tpu.memory_space<semaphore_mem>>) src(%dma_wait3A_89 : memref<100000x64xi32, #tpu.memory_space<hbm>>) dst(%arg8 : memref<128x64xi32, #tpu.memory_space<vmem>>)
        %mul3A_90 = arith.constant 128 : i32
        %mul3A_91 = arith.muli %add3A_63, %mul3A_90 : i32
        %add3A_92 = arith.addi %mul3A_2, %mul3A_91 : i32
        %dma_start3A_93 = arith.constant 0 : i32
        %dma_start3A_94 = tpu.memref_slice %arg4[%add3A_92, %dma_start3A_93] : memref<114688x64xi32, #tpu.memory_space<hbm>> -> memref<128x64xi32, #tpu.memory_space<hbm>>
        %dma_start3A_95 = arith.constant 0 : i32
        %dma_start3A_96 = tpu.memref_slice %arg4[%add3A_92, %dma_start3A_95] : memref<114688x64xi32, #tpu.memory_space<hbm>> -> memref<128x64xi32, #tpu.memory_space<hbm>>
        tpu.enqueue_dma source(%arg8 : memref<128x64xi32, #tpu.memory_space<vmem>>) target(%dma_start3A_96 : memref<128x64xi32, #tpu.memory_space<hbm>>) target_semaphore(%arg16 : memref<!tpu.dma_semaphore, #tpu.memory_space<semaphore_mem>>)
      } else {
      }
      %mul3A_69 = arith.constant 4 : i32
      %mul3A_70 = arith.muli %scan3A_44, %mul3A_69 : i32
      %add3A_71 = arith.constant 3 : i32
      %add3A_72 = arith.addi %mul3A_70, %add3A_71 : i32
      %lt3A_73 = arith.constant 28 : i32
      %lt3A_74 = arith.cmpi slt, %add3A_72, %lt3A_73 : i32
      %convert_element_type3A_75 = arith.extui %lt3A_74 : i1 to i32
      %cond3A_76 = arith.constant 0 : i32
      %cond3A_77 = arith.cmpi ne, %convert_element_type3A_75, %cond3A_76 : i32
      scf.if %cond3A_77 {
        %add3A_78 = arith.constant 2 : i32
        %add3A_79 = arith.addi %add3A_72, %add3A_78 : i32
        %lt3A_80 = arith.constant 28 : i32
        %lt3A_81 = arith.cmpi slt, %add3A_79, %lt3A_80 : i32
        %convert_element_type3A_82 = arith.extui %lt3A_81 : i1 to i32
        %cond3A_83 = arith.constant 0 : i32
        %cond3A_84 = arith.cmpi ne, %convert_element_type3A_82, %cond3A_83 : i32
        scf.if %cond3A_84 {
          %add3A_97 = arith.constant 2 : i32
          %add3A_98 = arith.addi %add3A_72, %add3A_97 : i32
          %ge3A = arith.constant 4 : i32
          %ge3A_99 = arith.cmpi sge, %add3A_98, %ge3A : i32
          %convert_element_type3A_100 = arith.extui %ge3A_99 : i1 to i32
          %cond3A_101 = arith.constant 0 : i32
          %cond3A_102 = arith.cmpi ne, %convert_element_type3A_100, %cond3A_101 : i32
          scf.if %cond3A_102 {
            %dma_wait3A_111 = arith.constant 0 : i32
            %dma_wait3A_112 = arith.constant 0 : i32
            %dma_wait3A_113 = tpu.memref_slice %arg4[%dma_wait3A_111, %dma_wait3A_112] : memref<114688x64xi32, #tpu.memory_space<hbm>> -> memref<128x64xi32, #tpu.memory_space<hbm>>
            %dma_wait3A_114 = arith.constant 0 : i32
            %dma_wait3A_115 = arith.constant 0 : i32
            %dma_wait3A_116 = tpu.memref_slice %arg4[%dma_wait3A_114, %dma_wait3A_115] : memref<114688x64xi32, #tpu.memory_space<hbm>> -> memref<128x64xi32, #tpu.memory_space<hbm>>
            tpu.wait_dma2 semaphore(%arg15 : memref<!tpu.dma_semaphore, #tpu.memory_space<semaphore_mem>>) src(%arg7 : memref<128x64xi32, #tpu.memory_space<vmem>>) dst(%dma_wait3A_116 : memref<128x64xi32, #tpu.memory_space<hbm>>)
          } else {
          }
          %add3A_103 = arith.constant 2 : i32
          %add3A_104 = arith.addi %add3A_72, %add3A_103 : i32
          %mul3A_105 = arith.constant 128 : i32
          %mul3A_106 = arith.muli %add3A_104, %mul3A_105 : i32
          %dma_start3A_107 = tpu.memref_slice %arg5[%mul3A_106] : memref<3584xi32, #tpu.memory_space<vmem>> -> memref<128xi32, #tpu.memory_space<vmem>>
          %dma_start3A_108 = arith.constant 0 : i32
          %dma_start3A_109 = arith.constant 0 : i32
          %dma_start3A_110 = tpu.memref_slice %arg2[%dma_start3A_108, %dma_start3A_109] : memref<100000x64xi32, #tpu.memory_space<hbm>> -> memref<100000x64xi32, #tpu.memory_space<hbm>>
          tpu.enqueue_indirect_dma source(%dma_start3A_110 : memref<100000x64xi32, #tpu.memory_space<hbm>>) target(%arg7 : memref<128x64xi32, #tpu.memory_space<vmem>>) offsets(%dma_start3A_107 : memref<128xi32, #tpu.memory_space<vmem>>) semaphore(%arg11 : memref<!tpu.dma_semaphore, #tpu.memory_space<semaphore_mem>>)
        } else {
        }
        %dma_wait3A_85 = arith.constant 0 : i32
        %dma_wait3A_86 = tpu.memref_slice %arg5[%dma_wait3A_85] : memref<3584xi32, #tpu.memory_space<vmem>> -> memref<128xi32, #tpu.memory_space<vmem>>
        %dma_wait3A_87 = arith.constant 0 : i32
        %dma_wait3A_88 = arith.constant 0 : i32
        %dma_wait3A_89 = tpu.memref_slice %arg2[%dma_wait3A_87, %dma_wait3A_88] : memref<100000x64xi32, #tpu.memory_space<hbm>> -> memref<100000x64xi32, #tpu.memory_space<hbm>>
        tpu.wait_indirect_dma semaphore(%arg13 : memref<!tpu.dma_semaphore, #tpu.memory_space<semaphore_mem>>) src(%dma_wait3A_89 : memref<100000x64xi32, #tpu.memory_space<hbm>>) dst(%arg9 : memref<128x64xi32, #tpu.memory_space<vmem>>)
        %mul3A_90 = arith.constant 128 : i32
        %mul3A_91 = arith.muli %add3A_72, %mul3A_90 : i32
        %add3A_92 = arith.addi %mul3A_2, %mul3A_91 : i32
        %dma_start3A_93 = arith.constant 0 : i32
        %dma_start3A_94 = tpu.memref_slice %arg4[%add3A_92, %dma_start3A_93] : memref<114688x64xi32, #tpu.memory_space<hbm>> -> memref<128x64xi32, #tpu.memory_space<hbm>>
        %dma_start3A_95 = arith.constant 0 : i32
        %dma_start3A_96 = tpu.memref_slice %arg4[%add3A_92, %dma_start3A_95] : memref<114688x64xi32, #tpu.memory_space<hbm>> -> memref<128x64xi32, #tpu.memory_space<hbm>>
        tpu.enqueue_dma source(%arg9 : memref<128x64xi32, #tpu.memory_space<vmem>>) target(%dma_start3A_96 : memref<128x64xi32, #tpu.memory_space<hbm>>) target_semaphore(%arg17 : memref<!tpu.dma_semaphore, #tpu.memory_space<semaphore_mem>>)
      } else {
      }
    }
    %scan3A_19 = arith.constant 7 : i32
    %dma_wait3A_20 = arith.constant 0 : i32
    %dma_wait3A_21 = arith.constant 0 : i32
    %dma_wait3A_22 = tpu.memref_slice %arg4[%dma_wait3A_20, %dma_wait3A_21] : memref<114688x64xi32, #tpu.memory_space<hbm>> -> memref<128x64xi32, #tpu.memory_space<hbm>>
    %dma_wait3A_23 = arith.constant 0 : i32
    %dma_wait3A_24 = arith.constant 0 : i32
    %dma_wait3A_25 = tpu.memref_slice %arg4[%dma_wait3A_23, %dma_wait3A_24] : memref<114688x64xi32, #tpu.memory_space<hbm>> -> memref<128x64xi32, #tpu.memory_space<hbm>>
    tpu.wait_dma2 semaphore(%arg14 : memref<!tpu.dma_semaphore, #tpu.memory_space<semaphore_mem>>) src(%arg6 : memref<128x64xi32, #tpu.memory_space<vmem>>) dst(%dma_wait3A_25 : memref<128x64xi32, #tpu.memory_space<hbm>>)
    %dma_wait3A_26 = arith.constant 0 : i32
    %dma_wait3A_27 = arith.constant 0 : i32
    %dma_wait3A_28 = tpu.memref_slice %arg4[%dma_wait3A_26, %dma_wait3A_27] : memref<114688x64xi32, #tpu.memory_space<hbm>> -> memref<128x64xi32, #tpu.memory_space<hbm>>
    %dma_wait3A_29 = arith.constant 0 : i32
    %dma_wait3A_30 = arith.constant 0 : i32
    %dma_wait3A_31 = tpu.memref_slice %arg4[%dma_wait3A_29, %dma_wait3A_30] : memref<114688x64xi32, #tpu.memory_space<hbm>> -> memref<128x64xi32, #tpu.memory_space<hbm>>
    tpu.wait_dma2 semaphore(%arg15 : memref<!tpu.dma_semaphore, #tpu.memory_space<semaphore_mem>>) src(%arg7 : memref<128x64xi32, #tpu.memory_space<vmem>>) dst(%dma_wait3A_31 : memref<128x64xi32, #tpu.memory_space<hbm>>)
    %dma_wait3A_32 = arith.constant 0 : i32
    %dma_wait3A_33 = arith.constant 0 : i32
    %dma_wait3A_34 = tpu.memref_slice %arg4[%dma_wait3A_32, %dma_wait3A_33] : memref<114688x64xi32, #tpu.memory_space<hbm>> -> memref<128x64xi32, #tpu.memory_space<hbm>>
    %dma_wait3A_35 = arith.constant 0 : i32
    %dma_wait3A_36 = arith.constant 0 : i32
    %dma_wait3A_37 = tpu.memref_slice %arg4[%dma_wait3A_35, %dma_wait3A_36] : memref<114688x64xi32, #tpu.memory_space<hbm>> -> memref<128x64xi32, #tpu.memory_space<hbm>>
    tpu.wait_dma2 semaphore(%arg16 : memref<!tpu.dma_semaphore, #tpu.memory_space<semaphore_mem>>) src(%arg8 : memref<128x64xi32, #tpu.memory_space<vmem>>) dst(%dma_wait3A_37 : memref<128x64xi32, #tpu.memory_space<hbm>>)
    %dma_wait3A_38 = arith.constant 0 : i32
    %dma_wait3A_39 = arith.constant 0 : i32
    %dma_wait3A_40 = tpu.memref_slice %arg4[%dma_wait3A_38, %dma_wait3A_39] : memref<114688x64xi32, #tpu.memory_space<hbm>> -> memref<128x64xi32, #tpu.memory_space<hbm>>
    %dma_wait3A_41 = arith.constant 0 : i32
    %dma_wait3A_42 = arith.constant 0 : i32
    %dma_wait3A_43 = tpu.memref_slice %arg4[%dma_wait3A_41, %dma_wait3A_42] : memref<114688x64xi32, #tpu.memory_space<hbm>> -> memref<128x64xi32, #tpu.memory_space<hbm>>
    tpu.wait_dma2 semaphore(%arg17 : memref<!tpu.dma_semaphore, #tpu.memory_space<semaphore_mem>>) src(%arg9 : memref<128x64xi32, #tpu.memory_space<vmem>>) dst(%dma_wait3A_43 : memref<128x64xi32, #tpu.memory_space<hbm>>)
    return
  }
}

#map = affine_map<(d0, d1) -> (0, 0)>
#map1 = affine_map<(d0, d1) -> (0)>
module attributes {stable_mosaic.version = 14 : i64} {
  func.func @gather_kernel(%arg0: i32, %arg1: i32, %arg2: memref<100000x64xi32, #tpu.memory_space<hbm>>, %arg3: memref<114688xi32, #tpu.memory_space<hbm>>, %arg4: memref<114688x64xi32, #tpu.memory_space<hbm>>, %arg5: memref<3584xi32, #tpu.memory_space<vmem>>, %arg6: memref<128x64xi32, #tpu.memory_space<vmem>>, %arg7: memref<128x64xi32, #tpu.memory_space<vmem>>, %arg8: memref<128x64xi32, #tpu.memory_space<vmem>>, %arg9: memref<128x64xi32, #tpu.memory_space<vmem>>, %arg10: memref<!tpu.dma_semaphore, #tpu.memory_space<semaphore_mem>>, %arg11: memref<!tpu.dma_semaphore, #tpu.memory_space<semaphore_mem>>, %arg12: memref<!tpu.dma_semaphore, #tpu.memory_space<semaphore_mem>>, %arg13: memref<!tpu.dma_semaphore, #tpu.memory_space<semaphore_mem>>, %arg14: memref<!tpu.dma_semaphore, #tpu.memory_space<semaphore_mem>>, %arg15: memref<!tpu.dma_semaphore, #tpu.memory_space<semaphore_mem>>, %arg16: memref<!tpu.dma_semaphore, #tpu.memory_space<semaphore_mem>>, %arg17: memref<!tpu.dma_semaphore, #tpu.memory_space<semaphore_mem>>, %arg18: memref<!tpu.dma_semaphore, #tpu.memory_space<semaphore_mem>>) attributes {dimension_semantics = [#tpu.dimension_semantics<core_parallel>, #tpu.dimension_semantics<subcore_parallel>], iteration_bounds = array<i64: 2, 16>, scalar_prefetch = 0 : i64, scratch_operands = 14 : i64, tpu.core_type = #tpu.core_type<sc_vector_subcore>, window_params = [{transform_indices = #map}, {transform_indices = #map1}, {transform_indices = #map}]} {
    %mul3A = arith.constant 2 : i32
    %mul3A_0 = arith.muli %arg1, %mul3A : i32
    %add3A = arith.addi %mul3A_0, %arg0 : i32
    %mul3A_1 = arith.constant 3584 : i32
    %mul3A_2 = arith.muli %add3A, %mul3A_1 : i32
    %dma_start3A = tpu.memref_slice %arg3[%mul3A_2] : memref<114688xi32, #tpu.memory_space<hbm>> -> memref<3584xi32, #tpu.memory_space<hbm>>
    %dma_start3A_3 = tpu.memref_slice %arg3[%mul3A_2] : memref<114688xi32, #tpu.memory_space<hbm>> -> memref<3584xi32, #tpu.memory_space<hbm>>
    tpu.enqueue_dma source(%dma_start3A_3 : memref<3584xi32, #tpu.memory_space<hbm>>) target(%arg5 : memref<3584xi32, #tpu.memory_space<vmem>>) target_semaphore(%arg18 : memref<!tpu.dma_semaphore, #tpu.memory_space<semaphore_mem>>)
    %dma_wait3A = tpu.memref_slice %arg3[%mul3A_2] : memref<114688xi32, #tpu.memory_space<hbm>> -> memref<3584xi32, #tpu.memory_space<hbm>>
    %dma_wait3A_4 = tpu.memref_slice %arg3[%mul3A_2] : memref<114688xi32, #tpu.memory_space<hbm>> -> memref<3584xi32, #tpu.memory_space<hbm>>
    tpu.wait_dma2 semaphore(%arg18 : memref<!tpu.dma_semaphore, #tpu.memory_space<semaphore_mem>>) src(%dma_wait3A_4 : memref<3584xi32, #tpu.memory_space<hbm>>) dst(%arg5 : memref<3584xi32, #tpu.memory_space<vmem>>)
    %dma_start3A_5 = arith.constant 0 : i32
    %dma_start3A_6 = tpu.memref_slice %arg5[%dma_start3A_5] : memref<3584xi32, #tpu.memory_space<vmem>> -> memref<128xi32, #tpu.memory_space<vmem>>
    %dma_start3A_7 = arith.constant 0 : i32
    %dma_start3A_8 = arith.constant 0 : i32
    %dma_start3A_9 = tpu.memref_slice %arg2[%dma_start3A_7, %dma_start3A_8] : memref<100000x64xi32, #tpu.memory_space<hbm>> -> memref<100000x64xi32, #tpu.memory_space<hbm>>
    tpu.enqueue_indirect_dma source(%dma_start3A_9 : memref<100000x64xi32, #tpu.memory_space<hbm>>) target(%arg6 : memref<128x64xi32, #tpu.memory_space<vmem>>) offsets(%dma_start3A_6 : memref<128xi32, #tpu.memory_space<vmem>>) semaphore(%arg10 : memref<!tpu.dma_semaphore, #tpu.memory_space<semaphore_mem>>)
    %dma_start3A_10 = arith.constant 128 : i32
    %dma_start3A_11 = tpu.memref_slice %arg5[%dma_start3A_10] : memref<3584xi32, #tpu.memory_space<vmem>> -> memref<128xi32, #tpu.memory_space<vmem>>
    %dma_start3A_12 = arith.constant 0 : i32
    %dma_start3A_13 = arith.constant 0 : i32
    %dma_start3A_14 = tpu.memref_slice %arg2[%dma_start3A_12, %dma_start3A_13] : memref<100000x64xi32, #tpu.memory_space<hbm>> -> memref<100000x64xi32, #tpu.memory_space<hbm>>
    tpu.enqueue_indirect_dma source(%dma_start3A_14 : memref<100000x64xi32, #tpu.memory_space<hbm>>) target(%arg7 : memref<128x64xi32, #tpu.memory_space<vmem>>) offsets(%dma_start3A_11 : memref<128xi32, #tpu.memory_space<vmem>>) semaphore(%arg11 : memref<!tpu.dma_semaphore, #tpu.memory_space<semaphore_mem>>)
    %scan3A = arith.constant 0 : i32
    %scan3A_15 = arith.constant 0 : i32
    %scan3A_16 = arith.constant 7 : i32
    %scan3A_17 = arith.addi %scan3A_15, %scan3A_16 : i32
    %scan3A_18 = arith.constant 1 : i32
    scf.for %scan3A_44 = %scan3A_15 to %scan3A_17 step %scan3A_18  : i32 {
      %mul3A_45 = arith.constant 4 : i32
      %mul3A_46 = arith.muli %scan3A_44, %mul3A_45 : i32
      %add3A_47 = arith.constant 0 : i32
      %add3A_48 = arith.addi %mul3A_46, %add3A_47 : i32
      %lt3A = arith.constant 28 : i32
      %lt3A_49 = arith.cmpi slt, %add3A_48, %lt3A : i32
      %convert_element_type3A = arith.extui %lt3A_49 : i1 to i32
      %cond3A = arith.constant 0 : i32
      %cond3A_50 = arith.cmpi ne, %convert_element_type3A, %cond3A : i32
      scf.if %cond3A_50 {
        %add3A_78 = arith.constant 2 : i32
        %add3A_79 = arith.addi %add3A_48, %add3A_78 : i32
        %lt3A_80 = arith.constant 28 : i32
        %lt3A_81 = arith.cmpi slt, %add3A_79, %lt3A_80 : i32
        %convert_element_type3A_82 = arith.extui %lt3A_81 : i1 to i32
        %cond3A_83 = arith.constant 0 : i32
        %cond3A_84 = arith.cmpi ne, %convert_element_type3A_82, %cond3A_83 : i32
        scf.if %cond3A_84 {
          %add3A_97 = arith.constant 2 : i32
          %add3A_98 = arith.addi %add3A_48, %add3A_97 : i32
          %ge3A = arith.constant 4 : i32
          %ge3A_99 = arith.cmpi sge, %add3A_98, %ge3A : i32
          %convert_element_type3A_100 = arith.extui %ge3A_99 : i1 to i32
          %cond3A_101 = arith.constant 0 : i32
          %cond3A_102 = arith.cmpi ne, %convert_element_type3A_100, %cond3A_101 : i32
          scf.if %cond3A_102 {
            %dma_wait3A_111 = arith.constant 0 : i32
            %dma_wait3A_112 = arith.constant 0 : i32
            %dma_wait3A_113 = tpu.memref_slice %arg4[%dma_wait3A_111, %dma_wait3A_112] : memref<114688x64xi32, #tpu.memory_space<hbm>> -> memref<128x64xi32, #tpu.memory_space<hbm>>
            %dma_wait3A_114 = arith.constant 0 : i32
            %dma_wait3A_115 = arith.constant 0 : i32
            %dma_wait3A_116 = tpu.memref_slice %arg4[%dma_wait3A_114, %dma_wait3A_115] : memref<114688x64xi32, #tpu.memory_space<hbm>> -> memref<128x64xi32, #tpu.memory_space<hbm>>
            tpu.wait_dma2 semaphore(%arg16 : memref<!tpu.dma_semaphore, #tpu.memory_space<semaphore_mem>>) src(%arg8 : memref<128x64xi32, #tpu.memory_space<vmem>>) dst(%dma_wait3A_116 : memref<128x64xi32, #tpu.memory_space<hbm>>)
          } else {
          }
          %add3A_103 = arith.constant 2 : i32
          %add3A_104 = arith.addi %add3A_48, %add3A_103 : i32
          %mul3A_105 = arith.constant 128 : i32
          %mul3A_106 = arith.muli %add3A_104, %mul3A_105 : i32
          %dma_start3A_107 = tpu.memref_slice %arg5[%mul3A_106] : memref<3584xi32, #tpu.memory_space<vmem>> -> memref<128xi32, #tpu.memory_space<vmem>>
          %dma_start3A_108 = arith.constant 0 : i32
          %dma_start3A_109 = arith.constant 0 : i32
          %dma_start3A_110 = tpu.memref_slice %arg2[%dma_start3A_108, %dma_start3A_109] : memref<100000x64xi32, #tpu.memory_space<hbm>> -> memref<100000x64xi32, #tpu.memory_space<hbm>>
          tpu.enqueue_indirect_dma source(%dma_start3A_110 : memref<100000x64xi32, #tpu.memory_space<hbm>>) target(%arg8 : memref<128x64xi32, #tpu.memory_space<vmem>>) offsets(%dma_start3A_107 : memref<128xi32, #tpu.memory_space<vmem>>) semaphore(%arg12 : memref<!tpu.dma_semaphore, #tpu.memory_space<semaphore_mem>>)
        } else {
        }
        %dma_wait3A_85 = arith.constant 0 : i32
        %dma_wait3A_86 = tpu.memref_slice %arg5[%dma_wait3A_85] : memref<3584xi32, #tpu.memory_space<vmem>> -> memref<128xi32, #tpu.memory_space<vmem>>
        %dma_wait3A_87 = arith.constant 0 : i32
        %dma_wait3A_88 = arith.constant 0 : i32
        %dma_wait3A_89 = tpu.memref_slice %arg2[%dma_wait3A_87, %dma_wait3A_88] : memref<100000x64xi32, #tpu.memory_space<hbm>> -> memref<100000x64xi32, #tpu.memory_space<hbm>>
        tpu.wait_indirect_dma semaphore(%arg10 : memref<!tpu.dma_semaphore, #tpu.memory_space<semaphore_mem>>) src(%dma_wait3A_89 : memref<100000x64xi32, #tpu.memory_space<hbm>>) dst(%arg6 : memref<128x64xi32, #tpu.memory_space<vmem>>)
        %mul3A_90 = arith.constant 128 : i32
        %mul3A_91 = arith.muli %add3A_48, %mul3A_90 : i32
        %add3A_92 = arith.addi %mul3A_2, %mul3A_91 : i32
        %dma_start3A_93 = arith.constant 0 : i32
        %dma_start3A_94 = tpu.memref_slice %arg4[%add3A_92, %dma_start3A_93] : memref<114688x64xi32, #tpu.memory_space<hbm>> -> memref<128x64xi32, #tpu.memory_space<hbm>>
        %dma_start3A_95 = arith.constant 0 : i32
        %dma_start3A_96 = tpu.memref_slice %arg4[%add3A_92, %dma_start3A_95] : memref<114688x64xi32, #tpu.memory_space<hbm>> -> memref<128x64xi32, #tpu.memory_space<hbm>>
        tpu.enqueue_dma source(%arg6 : memref<128x64xi32, #tpu.memory_space<vmem>>) target(%dma_start3A_96 : memref<128x64xi32, #tpu.memory_space<hbm>>) target_semaphore(%arg14 : memref<!tpu.dma_semaphore, #tpu.memory_space<semaphore_mem>>)
      } else {
      }
      %mul3A_51 = arith.constant 4 : i32
      %mul3A_52 = arith.muli %scan3A_44, %mul3A_51 : i32
      %add3A_53 = arith.constant 1 : i32
      %add3A_54 = arith.addi %mul3A_52, %add3A_53 : i32
      %lt3A_55 = arith.constant 28 : i32
      %lt3A_56 = arith.cmpi slt, %add3A_54, %lt3A_55 : i32
      %convert_element_type3A_57 = arith.extui %lt3A_56 : i1 to i32
      %cond3A_58 = arith.constant 0 : i32
      %cond3A_59 = arith.cmpi ne, %convert_element_type3A_57, %cond3A_58 : i32
      scf.if %cond3A_59 {
        %add3A_78 = arith.constant 2 : i32
        %add3A_79 = arith.addi %add3A_54, %add3A_78 : i32
        %lt3A_80 = arith.constant 28 : i32
        %lt3A_81 = arith.cmpi slt, %add3A_79, %lt3A_80 : i32
        %convert_element_type3A_82 = arith.extui %lt3A_81 : i1 to i32
        %cond3A_83 = arith.constant 0 : i32
        %cond3A_84 = arith.cmpi ne, %convert_element_type3A_82, %cond3A_83 : i32
        scf.if %cond3A_84 {
          %add3A_97 = arith.constant 2 : i32
          %add3A_98 = arith.addi %add3A_54, %add3A_97 : i32
          %ge3A = arith.constant 4 : i32
          %ge3A_99 = arith.cmpi sge, %add3A_98, %ge3A : i32
          %convert_element_type3A_100 = arith.extui %ge3A_99 : i1 to i32
          %cond3A_101 = arith.constant 0 : i32
          %cond3A_102 = arith.cmpi ne, %convert_element_type3A_100, %cond3A_101 : i32
          scf.if %cond3A_102 {
            %dma_wait3A_111 = arith.constant 0 : i32
            %dma_wait3A_112 = arith.constant 0 : i32
            %dma_wait3A_113 = tpu.memref_slice %arg4[%dma_wait3A_111, %dma_wait3A_112] : memref<114688x64xi32, #tpu.memory_space<hbm>> -> memref<128x64xi32, #tpu.memory_space<hbm>>
            %dma_wait3A_114 = arith.constant 0 : i32
            %dma_wait3A_115 = arith.constant 0 : i32
            %dma_wait3A_116 = tpu.memref_slice %arg4[%dma_wait3A_114, %dma_wait3A_115] : memref<114688x64xi32, #tpu.memory_space<hbm>> -> memref<128x64xi32, #tpu.memory_space<hbm>>
            tpu.wait_dma2 semaphore(%arg17 : memref<!tpu.dma_semaphore, #tpu.memory_space<semaphore_mem>>) src(%arg9 : memref<128x64xi32, #tpu.memory_space<vmem>>) dst(%dma_wait3A_116 : memref<128x64xi32, #tpu.memory_space<hbm>>)
          } else {
          }
          %add3A_103 = arith.constant 2 : i32
          %add3A_104 = arith.addi %add3A_54, %add3A_103 : i32
          %mul3A_105 = arith.constant 128 : i32
          %mul3A_106 = arith.muli %add3A_104, %mul3A_105 : i32
          %dma_start3A_107 = tpu.memref_slice %arg5[%mul3A_106] : memref<3584xi32, #tpu.memory_space<vmem>> -> memref<128xi32, #tpu.memory_space<vmem>>
          %dma_start3A_108 = arith.constant 0 : i32
          %dma_start3A_109 = arith.constant 0 : i32
          %dma_start3A_110 = tpu.memref_slice %arg2[%dma_start3A_108, %dma_start3A_109] : memref<100000x64xi32, #tpu.memory_space<hbm>> -> memref<100000x64xi32, #tpu.memory_space<hbm>>
          tpu.enqueue_indirect_dma source(%dma_start3A_110 : memref<100000x64xi32, #tpu.memory_space<hbm>>) target(%arg9 : memref<128x64xi32, #tpu.memory_space<vmem>>) offsets(%dma_start3A_107 : memref<128xi32, #tpu.memory_space<vmem>>) semaphore(%arg13 : memref<!tpu.dma_semaphore, #tpu.memory_space<semaphore_mem>>)
        } else {
        }
        %dma_wait3A_85 = arith.constant 0 : i32
        %dma_wait3A_86 = tpu.memref_slice %arg5[%dma_wait3A_85] : memref<3584xi32, #tpu.memory_space<vmem>> -> memref<128xi32, #tpu.memory_space<vmem>>
        %dma_wait3A_87 = arith.constant 0 : i32
        %dma_wait3A_88 = arith.constant 0 : i32
        %dma_wait3A_89 = tpu.memref_slice %arg2[%dma_wait3A_87, %dma_wait3A_88] : memref<100000x64xi32, #tpu.memory_space<hbm>> -> memref<100000x64xi32, #tpu.memory_space<hbm>>
        tpu.wait_indirect_dma semaphore(%arg11 : memref<!tpu.dma_semaphore, #tpu.memory_space<semaphore_mem>>) src(%dma_wait3A_89 : memref<100000x64xi32, #tpu.memory_space<hbm>>) dst(%arg7 : memref<128x64xi32, #tpu.memory_space<vmem>>)
        %mul3A_90 = arith.constant 128 : i32
        %mul3A_91 = arith.muli %add3A_54, %mul3A_90 : i32
        %add3A_92 = arith.addi %mul3A_2, %mul3A_91 : i32
        %dma_start3A_93 = arith.constant 0 : i32
        %dma_start3A_94 = tpu.memref_slice %arg4[%add3A_92, %dma_start3A_93] : memref<114688x64xi32, #tpu.memory_space<hbm>> -> memref<128x64xi32, #tpu.memory_space<hbm>>
        %dma_start3A_95 = arith.constant 0 : i32
        %dma_start3A_96 = tpu.memref_slice %arg4[%add3A_92, %dma_start3A_95] : memref<114688x64xi32, #tpu.memory_space<hbm>> -> memref<128x64xi32, #tpu.memory_space<hbm>>
        tpu.enqueue_dma source(%arg7 : memref<128x64xi32, #tpu.memory_space<vmem>>) target(%dma_start3A_96 : memref<128x64xi32, #tpu.memory_space<hbm>>) target_semaphore(%arg15 : memref<!tpu.dma_semaphore, #tpu.memory_space<semaphore_mem>>)
      } else {
      }
      %mul3A_60 = arith.constant 4 : i32
      %mul3A_61 = arith.muli %scan3A_44, %mul3A_60 : i32
      %add3A_62 = arith.constant 2 : i32
      %add3A_63 = arith.addi %mul3A_61, %add3A_62 : i32
      %lt3A_64 = arith.constant 28 : i32
      %lt3A_65 = arith.cmpi slt, %add3A_63, %lt3A_64 : i32
      %convert_element_type3A_66 = arith.extui %lt3A_65 : i1 to i32
      %cond3A_67 = arith.constant 0 : i32
      %cond3A_68 = arith.cmpi ne, %convert_element_type3A_66, %cond3A_67 : i32
      scf.if %cond3A_68 {
        %add3A_78 = arith.constant 2 : i32
        %add3A_79 = arith.addi %add3A_63, %add3A_78 : i32
        %lt3A_80 = arith.constant 28 : i32
        %lt3A_81 = arith.cmpi slt, %add3A_79, %lt3A_80 : i32
        %convert_element_type3A_82 = arith.extui %lt3A_81 : i1 to i32
        %cond3A_83 = arith.constant 0 : i32
        %cond3A_84 = arith.cmpi ne, %convert_element_type3A_82, %cond3A_83 : i32
        scf.if %cond3A_84 {
          %add3A_97 = arith.constant 2 : i32
          %add3A_98 = arith.addi %add3A_63, %add3A_97 : i32
          %ge3A = arith.constant 4 : i32
          %ge3A_99 = arith.cmpi sge, %add3A_98, %ge3A : i32
          %convert_element_type3A_100 = arith.extui %ge3A_99 : i1 to i32
          %cond3A_101 = arith.constant 0 : i32
          %cond3A_102 = arith.cmpi ne, %convert_element_type3A_100, %cond3A_101 : i32
          scf.if %cond3A_102 {
            %dma_wait3A_111 = arith.constant 0 : i32
            %dma_wait3A_112 = arith.constant 0 : i32
            %dma_wait3A_113 = tpu.memref_slice %arg4[%dma_wait3A_111, %dma_wait3A_112] : memref<114688x64xi32, #tpu.memory_space<hbm>> -> memref<128x64xi32, #tpu.memory_space<hbm>>
            %dma_wait3A_114 = arith.constant 0 : i32
            %dma_wait3A_115 = arith.constant 0 : i32
            %dma_wait3A_116 = tpu.memref_slice %arg4[%dma_wait3A_114, %dma_wait3A_115] : memref<114688x64xi32, #tpu.memory_space<hbm>> -> memref<128x64xi32, #tpu.memory_space<hbm>>
            tpu.wait_dma2 semaphore(%arg14 : memref<!tpu.dma_semaphore, #tpu.memory_space<semaphore_mem>>) src(%arg6 : memref<128x64xi32, #tpu.memory_space<vmem>>) dst(%dma_wait3A_116 : memref<128x64xi32, #tpu.memory_space<hbm>>)
          } else {
          }
          %add3A_103 = arith.constant 2 : i32
          %add3A_104 = arith.addi %add3A_63, %add3A_103 : i32
          %mul3A_105 = arith.constant 128 : i32
          %mul3A_106 = arith.muli %add3A_104, %mul3A_105 : i32
          %dma_start3A_107 = tpu.memref_slice %arg5[%mul3A_106] : memref<3584xi32, #tpu.memory_space<vmem>> -> memref<128xi32, #tpu.memory_space<vmem>>
          %dma_start3A_108 = arith.constant 0 : i32
          %dma_start3A_109 = arith.constant 0 : i32
          %dma_start3A_110 = tpu.memref_slice %arg2[%dma_start3A_108, %dma_start3A_109] : memref<100000x64xi32, #tpu.memory_space<hbm>> -> memref<100000x64xi32, #tpu.memory_space<hbm>>
          tpu.enqueue_indirect_dma source(%dma_start3A_110 : memref<100000x64xi32, #tpu.memory_space<hbm>>) target(%arg6 : memref<128x64xi32, #tpu.memory_space<vmem>>) offsets(%dma_start3A_107 : memref<128xi32, #tpu.memory_space<vmem>>) semaphore(%arg10 : memref<!tpu.dma_semaphore, #tpu.memory_space<semaphore_mem>>)
        } else {
        }
        %dma_wait3A_85 = arith.constant 0 : i32
        %dma_wait3A_86 = tpu.memref_slice %arg5[%dma_wait3A_85] : memref<3584xi32, #tpu.memory_space<vmem>> -> memref<128xi32, #tpu.memory_space<vmem>>
        %dma_wait3A_87 = arith.constant 0 : i32
        %dma_wait3A_88 = arith.constant 0 : i32
        %dma_wait3A_89 = tpu.memref_slice %arg2[%dma_wait3A_87, %dma_wait3A_88] : memref<100000x64xi32, #tpu.memory_space<hbm>> -> memref<100000x64xi32, #tpu.memory_space<hbm>>
        tpu.wait_indirect_dma semaphore(%arg12 : memref<!tpu.dma_semaphore, #tpu.memory_space<semaphore_mem>>) src(%dma_wait3A_89 : memref<100000x64xi32, #tpu.memory_space<hbm>>) dst(%arg8 : memref<128x64xi32, #tpu.memory_space<vmem>>)
        %mul3A_90 = arith.constant 128 : i32
        %mul3A_91 = arith.muli %add3A_63, %mul3A_90 : i32
        %add3A_92 = arith.addi %mul3A_2, %mul3A_91 : i32
        %dma_start3A_93 = arith.constant 0 : i32
        %dma_start3A_94 = tpu.memref_slice %arg4[%add3A_92, %dma_start3A_93] : memref<114688x64xi32, #tpu.memory_space<hbm>> -> memref<128x64xi32, #tpu.memory_space<hbm>>
        %dma_start3A_95 = arith.constant 0 : i32
        %dma_start3A_96 = tpu.memref_slice %arg4[%add3A_92, %dma_start3A_95] : memref<114688x64xi32, #tpu.memory_space<hbm>> -> memref<128x64xi32, #tpu.memory_space<hbm>>
        tpu.enqueue_dma source(%arg8 : memref<128x64xi32, #tpu.memory_space<vmem>>) target(%dma_start3A_96 : memref<128x64xi32, #tpu.memory_space<hbm>>) target_semaphore(%arg16 : memref<!tpu.dma_semaphore, #tpu.memory_space<semaphore_mem>>)
      } else {
      }
      %mul3A_69 = arith.constant 4 : i32
      %mul3A_70 = arith.muli %scan3A_44, %mul3A_69 : i32
      %add3A_71 = arith.constant 3 : i32
      %add3A_72 = arith.addi %mul3A_70, %add3A_71 : i32
      %lt3A_73 = arith.constant 28 : i32
      %lt3A_74 = arith.cmpi slt, %add3A_72, %lt3A_73 : i32
      %convert_element_type3A_75 = arith.extui %lt3A_74 : i1 to i32
      %cond3A_76 = arith.constant 0 : i32
      %cond3A_77 = arith.cmpi ne, %convert_element_type3A_75, %cond3A_76 : i32
      scf.if %cond3A_77 {
        %add3A_78 = arith.constant 2 : i32
        %add3A_79 = arith.addi %add3A_72, %add3A_78 : i32
        %lt3A_80 = arith.constant 28 : i32
        %lt3A_81 = arith.cmpi slt, %add3A_79, %lt3A_80 : i32
        %convert_element_type3A_82 = arith.extui %lt3A_81 : i1 to i32
        %cond3A_83 = arith.constant 0 : i32
        %cond3A_84 = arith.cmpi ne, %convert_element_type3A_82, %cond3A_83 : i32
        scf.if %cond3A_84 {
          %add3A_97 = arith.constant 2 : i32
          %add3A_98 = arith.addi %add3A_72, %add3A_97 : i32
          %ge3A = arith.constant 4 : i32
          %ge3A_99 = arith.cmpi sge, %add3A_98, %ge3A : i32
          %convert_element_type3A_100 = arith.extui %ge3A_99 : i1 to i32
          %cond3A_101 = arith.constant 0 : i32
          %cond3A_102 = arith.cmpi ne, %convert_element_type3A_100, %cond3A_101 : i32
          scf.if %cond3A_102 {
            %dma_wait3A_111 = arith.constant 0 : i32
            %dma_wait3A_112 = arith.constant 0 : i32
            %dma_wait3A_113 = tpu.memref_slice %arg4[%dma_wait3A_111, %dma_wait3A_112] : memref<114688x64xi32, #tpu.memory_space<hbm>> -> memref<128x64xi32, #tpu.memory_space<hbm>>
            %dma_wait3A_114 = arith.constant 0 : i32
            %dma_wait3A_115 = arith.constant 0 : i32
            %dma_wait3A_116 = tpu.memref_slice %arg4[%dma_wait3A_114, %dma_wait3A_115] : memref<114688x64xi32, #tpu.memory_space<hbm>> -> memref<128x64xi32, #tpu.memory_space<hbm>>
            tpu.wait_dma2 semaphore(%arg15 : memref<!tpu.dma_semaphore, #tpu.memory_space<semaphore_mem>>) src(%arg7 : memref<128x64xi32, #tpu.memory_space<vmem>>) dst(%dma_wait3A_116 : memref<128x64xi32, #tpu.memory_space<hbm>>)
          } else {
          }
          %add3A_103 = arith.constant 2 : i32
          %add3A_104 = arith.addi %add3A_72, %add3A_103 : i32
          %mul3A_105 = arith.constant 128 : i32
          %mul3A_106 = arith.muli %add3A_104, %mul3A_105 : i32
          %dma_start3A_107 = tpu.memref_slice %arg5[%mul3A_106] : memref<3584xi32, #tpu.memory_space<vmem>> -> memref<128xi32, #tpu.memory_space<vmem>>
          %dma_start3A_108 = arith.constant 0 : i32
          %dma_start3A_109 = arith.constant 0 : i32
          %dma_start3A_110 = tpu.memref_slice %arg2[%dma_start3A_108, %dma_start3A_109] : memref<100000x64xi32, #tpu.memory_space<hbm>> -> memref<100000x64xi32, #tpu.memory_space<hbm>>
          tpu.enqueue_indirect_dma source(%dma_start3A_110 : memref<100000x64xi32, #tpu.memory_space<hbm>>) target(%arg7 : memref<128x64xi32, #tpu.memory_space<vmem>>) offsets(%dma_start3A_107 : memref<128xi32, #tpu.memory_space<vmem>>) semaphore(%arg11 : memref<!tpu.dma_semaphore, #tpu.memory_space<semaphore_mem>>)
        } else {
        }
        %dma_wait3A_85 = arith.constant 0 : i32
        %dma_wait3A_86 = tpu.memref_slice %arg5[%dma_wait3A_85] : memref<3584xi32, #tpu.memory_space<vmem>> -> memref<128xi32, #tpu.memory_space<vmem>>
        %dma_wait3A_87 = arith.constant 0 : i32
        %dma_wait3A_88 = arith.constant 0 : i32
        %dma_wait3A_89 = tpu.memref_slice %arg2[%dma_wait3A_87, %dma_wait3A_88] : memref<100000x64xi32, #tpu.memory_space<hbm>> -> memref<100000x64xi32, #tpu.memory_space<hbm>>
        tpu.wait_indirect_dma semaphore(%arg13 : memref<!tpu.dma_semaphore, #tpu.memory_space<semaphore_mem>>) src(%dma_wait3A_89 : memref<100000x64xi32, #tpu.memory_space<hbm>>) dst(%arg9 : memref<128x64xi32, #tpu.memory_space<vmem>>)
        %mul3A_90 = arith.constant 128 : i32
        %mul3A_91 = arith.muli %add3A_72, %mul3A_90 : i32
        %add3A_92 = arith.addi %mul3A_2, %mul3A_91 : i32
        %dma_start3A_93 = arith.constant 0 : i32
        %dma_start3A_94 = tpu.memref_slice %arg4[%add3A_92, %dma_start3A_93] : memref<114688x64xi32, #tpu.memory_space<hbm>> -> memref<128x64xi32, #tpu.memory_space<hbm>>
        %dma_start3A_95 = arith.constant 0 : i32
        %dma_start3A_96 = tpu.memref_slice %arg4[%add3A_92, %dma_start3A_95] : memref<114688x64xi32, #tpu.memory_space<hbm>> -> memref<128x64xi32, #tpu.memory_space<hbm>>
        tpu.enqueue_dma source(%arg9 : memref<128x64xi32, #tpu.memory_space<vmem>>) target(%dma_start3A_96 : memref<128x64xi32, #tpu.memory_space<hbm>>) target_semaphore(%arg17 : memref<!tpu.dma_semaphore, #tpu.memory_space<semaphore_mem>>)
      } else {
      }
    }
    %scan3A_19 = arith.constant 7 : i32
    %dma_wait3A_20 = arith.constant 0 : i32
    %dma_wait3A_21 = arith.constant 0 : i32
    %dma_wait3A_22 = tpu.memref_slice %arg4[%dma_wait3A_20, %dma_wait3A_21] : memref<114688x64xi32, #tpu.memory_space<hbm>> -> memref<128x64xi32, #tpu.memory_space<hbm>>
    %dma_wait3A_23 = arith.constant 0 : i32
    %dma_wait3A_24 = arith.constant 0 : i32
    %dma_wait3A_25 = tpu.memref_slice %arg4[%dma_wait3A_23, %dma_wait3A_24] : memref<114688x64xi32, #tpu.memory_space<hbm>> -> memref<128x64xi32, #tpu.memory_space<hbm>>
    tpu.wait_dma2 semaphore(%arg14 : memref<!tpu.dma_semaphore, #tpu.memory_space<semaphore_mem>>) src(%arg6 : memref<128x64xi32, #tpu.memory_space<vmem>>) dst(%dma_wait3A_25 : memref<128x64xi32, #tpu.memory_space<hbm>>)
    %dma_wait3A_26 = arith.constant 0 : i32
    %dma_wait3A_27 = arith.constant 0 : i32
    %dma_wait3A_28 = tpu.memref_slice %arg4[%dma_wait3A_26, %dma_wait3A_27] : memref<114688x64xi32, #tpu.memory_space<hbm>> -> memref<128x64xi32, #tpu.memory_space<hbm>>
    %dma_wait3A_29 = arith.constant 0 : i32
    %dma_wait3A_30 = arith.constant 0 : i32
    %dma_wait3A_31 = tpu.memref_slice %arg4[%dma_wait3A_29, %dma_wait3A_30] : memref<114688x64xi32, #tpu.memory_space<hbm>> -> memref<128x64xi32, #tpu.memory_space<hbm>>
    tpu.wait_dma2 semaphore(%arg15 : memref<!tpu.dma_semaphore, #tpu.memory_space<semaphore_mem>>) src(%arg7 : memref<128x64xi32, #tpu.memory_space<vmem>>) dst(%dma_wait3A_31 : memref<128x64xi32, #tpu.memory_space<hbm>>)
    %dma_wait3A_32 = arith.constant 0 : i32
    %dma_wait3A_33 = arith.constant 0 : i32
    %dma_wait3A_34 = tpu.memref_slice %arg4[%dma_wait3A_32, %dma_wait3A_33] : memref<114688x64xi32, #tpu.memory_space<hbm>> -> memref<128x64xi32, #tpu.memory_space<hbm>>
    %dma_wait3A_35 = arith.constant 0 : i32
    %dma_wait3A_36 = arith.constant 0 : i32
    %dma_wait3A_37 = tpu.memref_slice %arg4[%dma_wait3A_35, %dma_wait3A_36] : memref<114688x64xi32, #tpu.memory_space<hbm>> -> memref<128x64xi32, #tpu.memory_space<hbm>>
    tpu.wait_dma2 semaphore(%arg16 : memref<!tpu.dma_semaphore, #tpu.memory_space<semaphore_mem>>) src(%arg8 : memref<128x64xi32, #tpu.memory_space<vmem>>) dst(%dma_wait3A_37 : memref<128x64xi32, #tpu.memory_space<hbm>>)
    %dma_wait3A_38 = arith.constant 0 : i32
    %dma_wait3A_39 = arith.constant 0 : i32
    %dma_wait3A_40 = tpu.memref_slice %arg4[%dma_wait3A_38, %dma_wait3A_39] : memref<114688x64xi32, #tpu.memory_space<hbm>> -> memref<128x64xi32, #tpu.memory_space<hbm>>
    %dma_wait3A_41 = arith.constant 0 : i32
    %dma_wait3A_42 = arith.constant 0 : i32
    %dma_wait3A_43 = tpu.memref_slice %arg4[%dma_wait3A_41, %dma_wait3A_42] : memref<114688x64xi32, #tpu.memory_space<hbm>> -> memref<128x64xi32, #tpu.memory_space<hbm>>
    tpu.wait_dma2 semaphore(%arg17 : memref<!tpu.dma_semaphore, #tpu.memory_space<semaphore_mem>>) src(%arg9 : memref<128x64xi32, #tpu.memory_space<vmem>>) dst(%dma_wait3A_43 : memref<128x64xi32, #tpu.memory_space<hbm>>)
    return
  }
}

module attributes {stable_mosaic.version = 14 : i64} {
  func.func @_tc_body(%arg0: i32, %arg1: memref<3584x128xi32, #tpu.memory_space<vmem>>, %arg2: memref<128x2x128xi32, #tpu.memory_space<vmem>>, %arg3: memref<128x128xbf16, #tpu.memory_space<vmem>>, %arg4: memref<1x128xf32, #tpu.memory_space<vmem>>, %arg5: memref<1x128xf32, #tpu.memory_space<vmem>>, %arg6: memref<1x128xf32, #tpu.memory_space<vmem>>, %arg7: memref<128x64xbf16, #tpu.memory_space<vmem>>, %arg8: memref<1x64xf32, #tpu.memory_space<vmem>>, %arg9: memref<64x1xbf16, #tpu.memory_space<vmem>>, %arg10: memref<128x50x128xf32, #tpu.memory_space<vmem>>, %arg11: memref<128x50xf32, #tpu.memory_space<vmem>>) attributes {dimension_semantics = [#tpu.dimension_semantics<arbitrary>], iteration_bounds = array<i64: 16>, scalar_prefetch = 0 : i64, scratch_operands = 0 : i64, tpu.core_type = #tpu.core_type<tc>, window_params = [{transform_indices = @transform_0, window_bounds = array<i64: 3584, 128>}, {transform_indices = @transform_1, window_bounds = array<i64: 128, 2, 128>}, {pipeline_mode = #tpu.pipeline_mode<synchronous>, transform_indices = @transform_2, window_bounds = array<i64: 128, 128>}, {pipeline_mode = #tpu.pipeline_mode<synchronous>, transform_indices = @transform_3, window_bounds = array<i64: 1, 128>}, {pipeline_mode = #tpu.pipeline_mode<synchronous>, transform_indices = @transform_4, window_bounds = array<i64: 1, 128>}, {pipeline_mode = #tpu.pipeline_mode<synchronous>, transform_indices = @transform_5, window_bounds = array<i64: 1, 128>}, {pipeline_mode = #tpu.pipeline_mode<synchronous>, transform_indices = @transform_6, window_bounds = array<i64: 128, 64>}, {pipeline_mode = #tpu.pipeline_mode<synchronous>, transform_indices = @transform_7, window_bounds = array<i64: 1, 64>}, {pipeline_mode = #tpu.pipeline_mode<synchronous>, transform_indices = @transform_8, window_bounds = array<i64: 64, 1>}, {transform_indices = @transform_9, window_bounds = array<i64: 128, 50, 128>}, {transform_indices = @transform_10, window_bounds = array<i64: 128, 50>}]} {
    %get3A = arith.constant 0 : index
    %get3A_0 = arith.constant 0 : index
    %get3A_1 = vector.load %arg3[%get3A, %get3A_0] : memref<128x128xbf16, #tpu.memory_space<vmem>>, vector<128x128xbf16>
    %get3A_2 = arith.constant 0 : index
    %get3A_3 = arith.constant 0 : index
    %get3A_4 = vector.load %arg4[%get3A_2, %get3A_3] : memref<1x128xf32, #tpu.memory_space<vmem>>, vector<1x128xf32>
    %get3A_5 = arith.constant 0 : index
    %get3A_6 = arith.constant 0 : index
    %get3A_7 = vector.load %arg5[%get3A_5, %get3A_6] : memref<1x128xf32, #tpu.memory_space<vmem>>, vector<1x128xf32>
    %get3A_8 = arith.constant 0 : index
    %get3A_9 = arith.constant 0 : index
    %get3A_10 = vector.load %arg6[%get3A_8, %get3A_9] : memref<1x128xf32, #tpu.memory_space<vmem>>, vector<1x128xf32>
    %get3A_11 = arith.constant 0 : index
    %get3A_12 = arith.constant 0 : index
    %get3A_13 = vector.load %arg7[%get3A_11, %get3A_12] : memref<128x64xbf16, #tpu.memory_space<vmem>>, vector<128x64xbf16>
    %get3A_14 = arith.constant 0 : index
    %get3A_15 = arith.constant 0 : index
    %get3A_16 = vector.load %arg8[%get3A_14, %get3A_15] : memref<1x64xf32, #tpu.memory_space<vmem>>, vector<1x64xf32>
    %get3A_17 = arith.constant 0 : index
    %get3A_18 = arith.constant 0 : index
    %get3A_19 = vector.load %arg9[%get3A_17, %get3A_18] : memref<64x1xbf16, #tpu.memory_space<vmem>>, vector<64x1xbf16>
    %get3A_20 = arith.constant 0 : index
    %get3A_21 = arith.constant 0 : index
    %get3A_22 = vector.load %arg1[%get3A_20, %get3A_21] : memref<3584x128xi32, #tpu.memory_space<vmem>>, vector<3584x128xi32>
    %shift_left3A = arith.constant 16 : i32
    %shift_left3A_23 = vector.broadcast %shift_left3A : i32 to vector<3584x128xi32>
    %shift_left3A_24 = arith.shli %get3A_22, %shift_left3A_23 : vector<3584x128xi32>
    %bitcast_convert_type3A = tpu.bitcast %shift_left3A_24 : vector<3584x128xi32> -> vector<3584x128xf32>
    %and3A = arith.constant -65536 : i32
    %and3A_25 = vector.broadcast %and3A : i32 to vector<3584x128xi32>
    %and3A_26 = arith.andi %get3A_22, %and3A_25 : vector<3584x128xi32>
    %bitcast_convert_type3A_27 = tpu.bitcast %and3A_26 : vector<3584x128xi32> -> vector<3584x128xf32>
    %slice3A = vector.extract_strided_slice %bitcast_convert_type3A {offsets = [0, 0], sizes = [3584, 64], strides = [1, 1]} : vector<3584x128xf32> to vector<3584x64xf32>
    %slice3A_28 = vector.extract_strided_slice %bitcast_convert_type3A_27 {offsets = [0, 0], sizes = [3584, 64], strides = [1, 1]} : vector<3584x128xf32> to vector<3584x64xf32>
    %concatenate3A = tpu.concatenate %slice3A, %slice3A_28 in 1 : vector<3584x64xf32>, vector<3584x64xf32> -> vector<3584x128xf32>
    %slice3A_29 = vector.extract_strided_slice %bitcast_convert_type3A {offsets = [0, 64], sizes = [3584, 64], strides = [1, 1]} : vector<3584x128xf32> to vector<3584x64xf32>
    %slice3A_30 = vector.extract_strided_slice %bitcast_convert_type3A_27 {offsets = [0, 64], sizes = [3584, 64], strides = [1, 1]} : vector<3584x128xf32> to vector<3584x64xf32>
    %concatenate3A_31 = tpu.concatenate %slice3A_29, %slice3A_30 in 1 : vector<3584x64xf32>, vector<3584x64xf32> -> vector<3584x128xf32>
    %convert_element_type3A = arith.truncf %concatenate3A : vector<3584x128xf32> to vector<3584x128xbf16>
    %dot_general3A = arith.constant dense<0.000000e+00> : vector<3584x128xf32>
    %dot_general3A_32 = tpu.matmul %convert_element_type3A, %get3A_1, %dot_general3A {dimension_numbers = #tpu.dot_dimension_numbers<[1], [0], [0], [1], [0, 0, 1, 1], [], []>, transpose_lhs_hint = false} : vector<3584x128xbf16>, vector<128x128xbf16>, vector<3584x128xf32> -> vector<3584x128xf32>
    %convert_element_type3A_33 = arith.truncf %concatenate3A_31 : vector<3584x128xf32> to vector<3584x128xbf16>
    %dot_general3A_34 = arith.constant dense<0.000000e+00> : vector<3584x128xf32>
    %dot_general3A_35 = tpu.matmul %convert_element_type3A_33, %get3A_1, %dot_general3A_34 {dimension_numbers = #tpu.dot_dimension_numbers<[1], [0], [0], [1], [0, 0, 1, 1], [], []>, transpose_lhs_hint = false} : vector<3584x128xbf16>, vector<128x128xbf16>, vector<3584x128xf32> -> vector<3584x128xf32>
    %convert_element_type3A_36 = arith.truncf %dot_general3A_32 : vector<3584x128xf32> to vector<3584x128xbf16>
    %convert_element_type3A_37 = arith.truncf %dot_general3A_35 : vector<3584x128xf32> to vector<3584x128xbf16>
    %get3A_38 = arith.constant 0 : index
    %get3A_39 = arith.constant 0 : index
    %get3A_40 = arith.constant 0 : index
    %get3A_41 = vector.load %arg2[%get3A_38, %get3A_39, %get3A_40] : memref<128x2x128xi32, #tpu.memory_space<vmem>>, vector<128x2x128xi32>
    %slice3A_42 = vector.extract_strided_slice %get3A_41 {offsets = [0, 0, 0], sizes = [128, 1, 128], strides = [1, 1, 1]} : vector<128x2x128xi32> to vector<128x1x128xi32>
    %squeeze3A = vector.shape_cast %slice3A_42 : vector<128x1x128xi32> to vector<128x128xi32>
    %slice3A_43 = vector.extract_strided_slice %get3A_41 {offsets = [0, 1, 0], sizes = [128, 1, 128], strides = [1, 1, 1]} : vector<128x2x128xi32> to vector<128x1x128xi32>
    %squeeze3A_44 = vector.shape_cast %slice3A_43 : vector<128x1x128xi32> to vector<128x128xi32>
    %iota3A = tpu.iota {dimensions = array<i32: 0>} : vector<112x256xi32>
    %iota3A_45 = tpu.iota {dimensions = array<i32: 1>} : vector<112x256xi32>
    %ge3A = arith.constant 128 : i32
    %ge3A_46 = vector.broadcast %ge3A : i32 to vector<112x256xi32>
    %ge3A_47 = arith.cmpi sge, %iota3A_45, %ge3A_46 : vector<112x256xi32>
    %jit3A = arith.constant 56 : i32
    %jit3A_48 = arith.constant 0 : i32
    %broadcast_in_dim3A = vector.broadcast %jit3A : i32 to vector<112x256xi32>
    %broadcast_in_dim3A_49 = vector.broadcast %jit3A_48 : i32 to vector<112x256xi32>
    %select_n3A = arith.select %ge3A_47, %broadcast_in_dim3A, %broadcast_in_dim3A_49 : vector<112x256xi1>, vector<112x256xi32>
    %lt3A = arith.constant 56 : i32
    %lt3A_50 = vector.broadcast %lt3A : i32 to vector<112x256xi32>
    %lt3A_51 = arith.cmpi slt, %iota3A, %lt3A_50 : vector<112x256xi32>
    %mul3A = arith.constant 2 : i32
    %mul3A_52 = vector.broadcast %mul3A : i32 to vector<112x256xi32>
    %mul3A_53 = arith.muli %mul3A_52, %iota3A : vector<112x256xi32>
    %mul3A_54 = arith.constant 2 : i32
    %mul3A_55 = vector.broadcast %mul3A_54 : i32 to vector<112x256xi32>
    %mul3A_56 = arith.muli %mul3A_55, %iota3A : vector<112x256xi32>
    %sub3A = arith.constant 111 : i32
    %sub3A_57 = vector.broadcast %sub3A : i32 to vector<112x256xi32>
    %sub3A_58 = arith.subi %mul3A_56, %sub3A_57 : vector<112x256xi32>
    %select_n3A_59 = arith.select %lt3A_51, %mul3A_53, %sub3A_58 : vector<112x256xi1>, vector<112x256xi32>
    %iota3A_60 = tpu.iota {dimensions = array<i32: 0>} : vector<112x112xi32>
    %iota3A_61 = tpu.iota {dimensions = array<i32: 1>} : vector<112x112xi32>
    %lt3A_62 = arith.constant 56 : i32
    %lt3A_63 = vector.broadcast %lt3A_62 : i32 to vector<112x112xi32>
    %lt3A_64 = arith.cmpi slt, %iota3A_61, %lt3A_63 : vector<112x112xi32>
    %mul3A_65 = arith.constant 2 : i32
    %mul3A_66 = vector.broadcast %mul3A_65 : i32 to vector<112x112xi32>
    %mul3A_67 = arith.muli %mul3A_66, %iota3A_61 : vector<112x112xi32>
    %mul3A_68 = arith.constant 2 : i32
    %mul3A_69 = vector.broadcast %mul3A_68 : i32 to vector<112x112xi32>
    %mul3A_70 = arith.muli %mul3A_69, %iota3A_61 : vector<112x112xi32>
    %sub3A_71 = arith.constant 111 : i32
    %sub3A_72 = vector.broadcast %sub3A_71 : i32 to vector<112x112xi32>
    %sub3A_73 = arith.subi %mul3A_70, %sub3A_72 : vector<112x112xi32>
    %select_n3A_74 = arith.select %lt3A_64, %mul3A_67, %sub3A_73 : vector<112x112xi1>, vector<112x112xi32>
    %eq3A = arith.cmpi eq, %iota3A_60, %select_n3A_74 : vector<112x112xi32>
    %convert_element_type3A_75 = arith.extui %eq3A : vector<112x112xi1> to vector<112x112xi32>
    %convert_element_type3A_76 = arith.sitofp %convert_element_type3A_75 : vector<112x112xi32> to vector<112x112xf32>
    %slice3A_77 = vector.extract_strided_slice %squeeze3A {offsets = [0, 0], sizes = [1, 128], strides = [1, 1]} : vector<128x128xi32> to vector<1x128xi32>
    %slice3A_78 = vector.extract_strided_slice %squeeze3A {offsets = [1, 0], sizes = [1, 128], strides = [1, 1]} : vector<128x128xi32> to vector<1x128xi32>
    %concatenate3A_79 = tpu.concatenate %slice3A_77, %slice3A_78 in 1 : vector<1x128xi32>, vector<1x128xi32> -> vector<1x256xi32>
    %slice3A_80 = vector.extract_strided_slice %select_n3A {offsets = [0, 0], sizes = [1, 256], strides = [1, 1]} : vector<112x256xi32> to vector<1x256xi32>
    %add3A = arith.addi %concatenate3A_79, %slice3A_80 : vector<1x256xi32>
    %slice3A_81 = vector.extract_strided_slice %squeeze3A_44 {offsets = [0, 0], sizes = [1, 128], strides = [1, 1]} : vector<128x128xi32> to vector<1x128xi32>
    %slice3A_82 = vector.extract_strided_slice %squeeze3A_44 {offsets = [1, 0], sizes = [1, 128], strides = [1, 1]} : vector<128x128xi32> to vector<1x128xi32>
    %concatenate3A_83 = tpu.concatenate %slice3A_81, %slice3A_82 in 1 : vector<1x128xi32>, vector<1x128xi32> -> vector<1x256xi32>
    %slice3A_84 = vector.extract_strided_slice %select_n3A {offsets = [0, 0], sizes = [1, 256], strides = [1, 1]} : vector<112x256xi32> to vector<1x256xi32>
    %add3A_85 = arith.addi %concatenate3A_83, %slice3A_84 : vector<1x256xi32>
    %eq3A_86 = vector.broadcast %add3A_85 : vector<1x256xi32> to vector<112x256xi32>
    %eq3A_87 = arith.cmpi eq, %iota3A, %eq3A_86 : vector<112x256xi32>
    %convert_element_type3A_88 = arith.extui %eq3A_87 : vector<112x256xi1> to vector<112x256xi32>
    %convert_element_type3A_89 = arith.sitofp %convert_element_type3A_88 : vector<112x256xi32> to vector<112x256xf32>
    %eq3A_90 = vector.broadcast %add3A : vector<1x256xi32> to vector<112x256xi32>
    %eq3A_91 = arith.cmpi eq, %select_n3A_59, %eq3A_90 : vector<112x256xi32>
    %convert_element_type3A_92 = arith.extui %eq3A_91 : vector<112x256xi1> to vector<112x256xi32>
    %convert_element_type3A_93 = arith.sitofp %convert_element_type3A_92 : vector<112x256xi32> to vector<112x256xf32>
    %reduce_sum3A = arith.constant dense<0.000000e+00> : vector<112xf32>
    %reduce_sum3A_94 = vector.multi_reduction <add>, %convert_element_type3A_89, %reduce_sum3A [1] : vector<112x256xf32> to vector<112xf32>
    %broadcast_in_dim3A_95 = vector.shape_cast %reduce_sum3A_94 : vector<112xf32> to vector<112x1xf32>
    %add3A_96 = arith.constant 1.000000e+00 : f32
    %add3A_97 = vector.broadcast %add3A_96 : f32 to vector<112x1xf32>
    %add3A_98 = arith.addf %add3A_97, %broadcast_in_dim3A_95 : vector<112x1xf32>
    %eq3A_99 = vector.broadcast %add3A_85 : vector<1x256xi32> to vector<112x256xi32>
    %eq3A_100 = arith.cmpi eq, %select_n3A_59, %eq3A_99 : vector<112x256xi32>
    %convert_element_type3A_101 = arith.extui %eq3A_100 : vector<112x256xi1> to vector<112x256xi32>
    %convert_element_type3A_102 = arith.sitofp %convert_element_type3A_101 : vector<112x256xi32> to vector<112x256xf32>
    %reduce_sum3A_103 = arith.constant dense<0.000000e+00> : vector<112xf32>
    %reduce_sum3A_104 = vector.multi_reduction <add>, %convert_element_type3A_102, %reduce_sum3A_103 [1] : vector<112x256xf32> to vector<112xf32>
    %broadcast_in_dim3A_105 = vector.shape_cast %reduce_sum3A_104 : vector<112xf32> to vector<112x1xf32>
    %add3A_106 = arith.constant 1.000000e+00 : f32
    %add3A_107 = vector.broadcast %add3A_106 : f32 to vector<112x1xf32>
    %add3A_108 = arith.addf %add3A_107, %broadcast_in_dim3A_105 : vector<112x1xf32>
    %rsqrt3A = math.rsqrt %add3A_98 : vector<112x1xf32>
    %rsqrt3A_109 = math.rsqrt %add3A_108 : vector<112x1xf32>
    %mul3A_110 = vector.broadcast %rsqrt3A : vector<112x1xf32> to vector<112x256xf32>
    %mul3A_111 = arith.mulf %convert_element_type3A_89, %mul3A_110 : vector<112x256xf32>
    %convert_element_type3A_112 = arith.truncf %mul3A_111 : vector<112x256xf32> to vector<112x256xbf16>
    %mul3A_113 = vector.broadcast %rsqrt3A_109 : vector<112x1xf32> to vector<112x256xf32>
    %mul3A_114 = arith.mulf %convert_element_type3A_93, %mul3A_113 : vector<112x256xf32>
    %convert_element_type3A_115 = arith.truncf %mul3A_114 : vector<112x256xf32> to vector<112x256xbf16>
    %dot_general3A_116 = arith.constant dense<0.000000e+00> : vector<112x112xf32>
    %dot_general3A_117 = tpu.matmul %convert_element_type3A_112, %convert_element_type3A_115, %dot_general3A_116 {dimension_numbers = #tpu.dot_dimension_numbers<[1], [1], [0], [0], [0, 0, 1, 0], [], []>, transpose_lhs_hint = false} : vector<112x256xbf16>, vector<112x256xbf16>, vector<112x112xf32> -> vector<112x112xf32>
    %mul3A_118 = arith.mulf %rsqrt3A, %rsqrt3A : vector<112x1xf32>
    %mul3A_119 = vector.broadcast %mul3A_118 : vector<112x1xf32> to vector<112x112xf32>
    %mul3A_120 = arith.mulf %convert_element_type3A_76, %mul3A_119 : vector<112x112xf32>
    %add3A_121 = arith.addf %dot_general3A_117, %mul3A_120 : vector<112x112xf32>
    %convert_element_type3A_122 = arith.truncf %add3A_121 : vector<112x112xf32> to vector<112x112xbf16>
    %slice3A_123 = vector.extract_strided_slice %convert_element_type3A_36 {offsets = [0, 0], sizes = [56, 128], strides = [1, 1]} : vector<3584x128xbf16> to vector<56x128xbf16>
    %slice3A_124 = vector.extract_strided_slice %convert_element_type3A_37 {offsets = [0, 0], sizes = [56, 128], strides = [1, 1]} : vector<3584x128xbf16> to vector<56x128xbf16>
    %concatenate3A_125 = tpu.concatenate %slice3A_123, %slice3A_124 in 0 : vector<56x128xbf16>, vector<56x128xbf16> -> vector<112x128xbf16>
    %dot_general3A_126 = arith.constant dense<0.000000e+00> : vector<112x128xf32>
    %dot_general3A_127 = tpu.matmul %convert_element_type3A_122, %concatenate3A_125, %dot_general3A_126 {dimension_numbers = #tpu.dot_dimension_numbers<[1], [0], [0], [1], [0, 0, 1, 1], [], []>, transpose_lhs_hint = false} : vector<112x112xbf16>, vector<112x128xbf16>, vector<112x128xf32> -> vector<112x128xf32>
    %slice3A_128 = vector.extract_strided_slice %squeeze3A {offsets = [2, 0], sizes = [1, 128], strides = [1, 1]} : vector<128x128xi32> to vector<1x128xi32>
    %slice3A_129 = vector.extract_strided_slice %squeeze3A {offsets = [3, 0], sizes = [1, 128], strides = [1, 1]} : vector<128x128xi32> to vector<1x128xi32>
    %concatenate3A_130 = tpu.concatenate %slice3A_128, %slice3A_129 in 1 : vector<1x128xi32>, vector<1x128xi32> -> vector<1x256xi32>
    %slice3A_131 = vector.extract_strided_slice %select_n3A {offsets = [0, 0], sizes = [1, 256], strides = [1, 1]} : vector<112x256xi32> to vector<1x256xi32>
    %add3A_132 = arith.addi %concatenate3A_130, %slice3A_131 : vector<1x256xi32>
    %slice3A_133 = vector.extract_strided_slice %squeeze3A_44 {offsets = [2, 0], sizes = [1, 128], strides = [1, 1]} : vector<128x128xi32> to vector<1x128xi32>
    %slice3A_134 = vector.extract_strided_slice %squeeze3A_44 {offsets = [3, 0], sizes = [1, 128], strides = [1, 1]} : vector<128x128xi32> to vector<1x128xi32>
    %concatenate3A_135 = tpu.concatenate %slice3A_133, %slice3A_134 in 1 : vector<1x128xi32>, vector<1x128xi32> -> vector<1x256xi32>
    %slice3A_136 = vector.extract_strided_slice %select_n3A {offsets = [0, 0], sizes = [1, 256], strides = [1, 1]} : vector<112x256xi32> to vector<1x256xi32>
    %add3A_137 = arith.addi %concatenate3A_135, %slice3A_136 : vector<1x256xi32>
    %eq3A_138 = vector.broadcast %add3A_137 : vector<1x256xi32> to vector<112x256xi32>
    %eq3A_139 = arith.cmpi eq, %iota3A, %eq3A_138 : vector<112x256xi32>
    %convert_element_type3A_140 = arith.extui %eq3A_139 : vector<112x256xi1> to vector<112x256xi32>
    %convert_element_type3A_141 = arith.sitofp %convert_element_type3A_140 : vector<112x256xi32> to vector<112x256xf32>
    %eq3A_142 = vector.broadcast %add3A_132 : vector<1x256xi32> to vector<112x256xi32>
    %eq3A_143 = arith.cmpi eq, %select_n3A_59, %eq3A_142 : vector<112x256xi32>
    %convert_element_type3A_144 = arith.extui %eq3A_143 : vector<112x256xi1> to vector<112x256xi32>
    %convert_element_type3A_145 = arith.sitofp %convert_element_type3A_144 : vector<112x256xi32> to vector<112x256xf32>
    %reduce_sum3A_146 = arith.constant dense<0.000000e+00> : vector<112xf32>
    %reduce_sum3A_147 = vector.multi_reduction <add>, %convert_element_type3A_141, %reduce_sum3A_146 [1] : vector<112x256xf32> to vector<112xf32>
    %broadcast_in_dim3A_148 = vector.shape_cast %reduce_sum3A_147 : vector<112xf32> to vector<112x1xf32>
    %add3A_149 = arith.constant 1.000000e+00 : f32
    %add3A_150 = vector.broadcast %add3A_149 : f32 to vector<112x1xf32>
    %add3A_151 = arith.addf %add3A_150, %broadcast_in_dim3A_148 : vector<112x1xf32>
    %eq3A_152 = vector.broadcast %add3A_137 : vector<1x256xi32> to vector<112x256xi32>
    %eq3A_153 = arith.cmpi eq, %select_n3A_59, %eq3A_152 : vector<112x256xi32>
    %convert_element_type3A_154 = arith.extui %eq3A_153 : vector<112x256xi1> to vector<112x256xi32>
    %convert_element_type3A_155 = arith.sitofp %convert_element_type3A_154 : vector<112x256xi32> to vector<112x256xf32>
    %reduce_sum3A_156 = arith.constant dense<0.000000e+00> : vector<112xf32>
    %reduce_sum3A_157 = vector.multi_reduction <add>, %convert_element_type3A_155, %reduce_sum3A_156 [1] : vector<112x256xf32> to vector<112xf32>
    %broadcast_in_dim3A_158 = vector.shape_cast %reduce_sum3A_157 : vector<112xf32> to vector<112x1xf32>
    %add3A_159 = arith.constant 1.000000e+00 : f32
    %add3A_160 = vector.broadcast %add3A_159 : f32 to vector<112x1xf32>
    %add3A_161 = arith.addf %add3A_160, %broadcast_in_dim3A_158 : vector<112x1xf32>
    %rsqrt3A_162 = math.rsqrt %add3A_151 : vector<112x1xf32>
    %rsqrt3A_163 = math.rsqrt %add3A_161 : vector<112x1xf32>
    %mul3A_164 = vector.broadcast %rsqrt3A_162 : vector<112x1xf32> to vector<112x256xf32>
    %mul3A_165 = arith.mulf %convert_element_type3A_141, %mul3A_164 : vector<112x256xf32>
    %convert_element_type3A_166 = arith.truncf %mul3A_165 : vector<112x256xf32> to vector<112x256xbf16>
    %mul3A_167 = vector.broadcast %rsqrt3A_163 : vector<112x1xf32> to vector<112x256xf32>
    %mul3A_168 = arith.mulf %convert_element_type3A_145, %mul3A_167 : vector<112x256xf32>
    %convert_element_type3A_169 = arith.truncf %mul3A_168 : vector<112x256xf32> to vector<112x256xbf16>
    %dot_general3A_170 = arith.constant dense<0.000000e+00> : vector<112x112xf32>
    %dot_general3A_171 = tpu.matmul %convert_element_type3A_166, %convert_element_type3A_169, %dot_general3A_170 {dimension_numbers = #tpu.dot_dimension_numbers<[1], [1], [0], [0], [0, 0, 1, 0], [], []>, transpose_lhs_hint = false} : vector<112x256xbf16>, vector<112x256xbf16>, vector<112x112xf32> -> vector<112x112xf32>
    %mul3A_172 = arith.mulf %rsqrt3A_162, %rsqrt3A_162 : vector<112x1xf32>
    %mul3A_173 = vector.broadcast %mul3A_172 : vector<112x1xf32> to vector<112x112xf32>
    %mul3A_174 = arith.mulf %convert_element_type3A_76, %mul3A_173 : vector<112x112xf32>
    %add3A_175 = arith.addf %dot_general3A_171, %mul3A_174 : vector<112x112xf32>
    %convert_element_type3A_176 = arith.truncf %add3A_175 : vector<112x112xf32> to vector<112x112xbf16>
    %slice3A_177 = vector.extract_strided_slice %convert_element_type3A_36 {offsets = [56, 0], sizes = [56, 128], strides = [1, 1]} : vector<3584x128xbf16> to vector<56x128xbf16>
    %slice3A_178 = vector.extract_strided_slice %convert_element_type3A_37 {offsets = [56, 0], sizes = [56, 128], strides = [1, 1]} : vector<3584x128xbf16> to vector<56x128xbf16>
    %concatenate3A_179 = tpu.concatenate %slice3A_177, %slice3A_178 in 0 : vector<56x128xbf16>, vector<56x128xbf16> -> vector<112x128xbf16>
    %dot_general3A_180 = arith.constant dense<0.000000e+00> : vector<112x128xf32>
    %dot_general3A_181 = tpu.matmul %convert_element_type3A_176, %concatenate3A_179, %dot_general3A_180 {dimension_numbers = #tpu.dot_dimension_numbers<[1], [0], [0], [1], [0, 0, 1, 1], [], []>, transpose_lhs_hint = false} : vector<112x112xbf16>, vector<112x128xbf16>, vector<112x128xf32> -> vector<112x128xf32>
    %slice3A_182 = vector.extract_strided_slice %squeeze3A {offsets = [4, 0], sizes = [1, 128], strides = [1, 1]} : vector<128x128xi32> to vector<1x128xi32>
    %slice3A_183 = vector.extract_strided_slice %squeeze3A {offsets = [5, 0], sizes = [1, 128], strides = [1, 1]} : vector<128x128xi32> to vector<1x128xi32>
    %concatenate3A_184 = tpu.concatenate %slice3A_182, %slice3A_183 in 1 : vector<1x128xi32>, vector<1x128xi32> -> vector<1x256xi32>
    %slice3A_185 = vector.extract_strided_slice %select_n3A {offsets = [0, 0], sizes = [1, 256], strides = [1, 1]} : vector<112x256xi32> to vector<1x256xi32>
    %add3A_186 = arith.addi %concatenate3A_184, %slice3A_185 : vector<1x256xi32>
    %slice3A_187 = vector.extract_strided_slice %squeeze3A_44 {offsets = [4, 0], sizes = [1, 128], strides = [1, 1]} : vector<128x128xi32> to vector<1x128xi32>
    %slice3A_188 = vector.extract_strided_slice %squeeze3A_44 {offsets = [5, 0], sizes = [1, 128], strides = [1, 1]} : vector<128x128xi32> to vector<1x128xi32>
    %concatenate3A_189 = tpu.concatenate %slice3A_187, %slice3A_188 in 1 : vector<1x128xi32>, vector<1x128xi32> -> vector<1x256xi32>
    %slice3A_190 = vector.extract_strided_slice %select_n3A {offsets = [0, 0], sizes = [1, 256], strides = [1, 1]} : vector<112x256xi32> to vector<1x256xi32>
    %add3A_191 = arith.addi %concatenate3A_189, %slice3A_190 : vector<1x256xi32>
    %eq3A_192 = vector.broadcast %add3A_191 : vector<1x256xi32> to vector<112x256xi32>
    %eq3A_193 = arith.cmpi eq, %iota3A, %eq3A_192 : vector<112x256xi32>
    %convert_element_type3A_194 = arith.extui %eq3A_193 : vector<112x256xi1> to vector<112x256xi32>
    %convert_element_type3A_195 = arith.sitofp %convert_element_type3A_194 : vector<112x256xi32> to vector<112x256xf32>
    %eq3A_196 = vector.broadcast %add3A_186 : vector<1x256xi32> to vector<112x256xi32>
    %eq3A_197 = arith.cmpi eq, %select_n3A_59, %eq3A_196 : vector<112x256xi32>
    %convert_element_type3A_198 = arith.extui %eq3A_197 : vector<112x256xi1> to vector<112x256xi32>
    %convert_element_type3A_199 = arith.sitofp %convert_element_type3A_198 : vector<112x256xi32> to vector<112x256xf32>
    %reduce_sum3A_200 = arith.constant dense<0.000000e+00> : vector<112xf32>
    %reduce_sum3A_201 = vector.multi_reduction <add>, %convert_element_type3A_195, %reduce_sum3A_200 [1] : vector<112x256xf32> to vector<112xf32>
    %broadcast_in_dim3A_202 = vector.shape_cast %reduce_sum3A_201 : vector<112xf32> to vector<112x1xf32>
    %add3A_203 = arith.constant 1.000000e+00 : f32
    %add3A_204 = vector.broadcast %add3A_203 : f32 to vector<112x1xf32>
    %add3A_205 = arith.addf %add3A_204, %broadcast_in_dim3A_202 : vector<112x1xf32>
    %eq3A_206 = vector.broadcast %add3A_191 : vector<1x256xi32> to vector<112x256xi32>
    %eq3A_207 = arith.cmpi eq, %select_n3A_59, %eq3A_206 : vector<112x256xi32>
    %convert_element_type3A_208 = arith.extui %eq3A_207 : vector<112x256xi1> to vector<112x256xi32>
    %convert_element_type3A_209 = arith.sitofp %convert_element_type3A_208 : vector<112x256xi32> to vector<112x256xf32>
    %reduce_sum3A_210 = arith.constant dense<0.000000e+00> : vector<112xf32>
    %reduce_sum3A_211 = vector.multi_reduction <add>, %convert_element_type3A_209, %reduce_sum3A_210 [1] : vector<112x256xf32> to vector<112xf32>
    %broadcast_in_dim3A_212 = vector.shape_cast %reduce_sum3A_211 : vector<112xf32> to vector<112x1xf32>
    %add3A_213 = arith.constant 1.000000e+00 : f32
    %add3A_214 = vector.broadcast %add3A_213 : f32 to vector<112x1xf32>
    %add3A_215 = arith.addf %add3A_214, %broadcast_in_dim3A_212 : vector<112x1xf32>
    %rsqrt3A_216 = math.rsqrt %add3A_205 : vector<112x1xf32>
    %rsqrt3A_217 = math.rsqrt %add3A_215 : vector<112x1xf32>
    %mul3A_218 = vector.broadcast %rsqrt3A_216 : vector<112x1xf32> to vector<112x256xf32>
    %mul3A_219 = arith.mulf %convert_element_type3A_195, %mul3A_218 : vector<112x256xf32>
    %convert_element_type3A_220 = arith.truncf %mul3A_219 : vector<112x256xf32> to vector<112x256xbf16>
    %mul3A_221 = vector.broadcast %rsqrt3A_217 : vector<112x1xf32> to vector<112x256xf32>
    %mul3A_222 = arith.mulf %convert_element_type3A_199, %mul3A_221 : vector<112x256xf32>
    %convert_element_type3A_223 = arith.truncf %mul3A_222 : vector<112x256xf32> to vector<112x256xbf16>
    %dot_general3A_224 = arith.constant dense<0.000000e+00> : vector<112x112xf32>
    %dot_general3A_225 = tpu.matmul %convert_element_type3A_220, %convert_element_type3A_223, %dot_general3A_224 {dimension_numbers = #tpu.dot_dimension_numbers<[1], [1], [0], [0], [0, 0, 1, 0], [], []>, transpose_lhs_hint = false} : vector<112x256xbf16>, vector<112x256xbf16>, vector<112x112xf32> -> vector<112x112xf32>
    %mul3A_226 = arith.mulf %rsqrt3A_216, %rsqrt3A_216 : vector<112x1xf32>
    %mul3A_227 = vector.broadcast %mul3A_226 : vector<112x1xf32> to vector<112x112xf32>
    %mul3A_228 = arith.mulf %convert_element_type3A_76, %mul3A_227 : vector<112x112xf32>
    %add3A_229 = arith.addf %dot_general3A_225, %mul3A_228 : vector<112x112xf32>
    %convert_element_type3A_230 = arith.truncf %add3A_229 : vector<112x112xf32> to vector<112x112xbf16>
    %slice3A_231 = vector.extract_strided_slice %convert_element_type3A_36 {offsets = [112, 0], sizes = [56, 128], strides = [1, 1]} : vector<3584x128xbf16> to vector<56x128xbf16>
    %slice3A_232 = vector.extract_strided_slice %convert_element_type3A_37 {offsets = [112, 0], sizes = [56, 128], strides = [1, 1]} : vector<3584x128xbf16> to vector<56x128xbf16>
    %concatenate3A_233 = tpu.concatenate %slice3A_231, %slice3A_232 in 0 : vector<56x128xbf16>, vector<56x128xbf16> -> vector<112x128xbf16>
    %dot_general3A_234 = arith.constant dense<0.000000e+00> : vector<112x128xf32>
    %dot_general3A_235 = tpu.matmul %convert_element_type3A_230, %concatenate3A_233, %dot_general3A_234 {dimension_numbers = #tpu.dot_dimension_numbers<[1], [0], [0], [1], [0, 0, 1, 1], [], []>, transpose_lhs_hint = false} : vector<112x112xbf16>, vector<112x128xbf16>, vector<112x128xf32> -> vector<112x128xf32>
    %slice3A_236 = vector.extract_strided_slice %squeeze3A {offsets = [6, 0], sizes = [1, 128], strides = [1, 1]} : vector<128x128xi32> to vector<1x128xi32>
    %slice3A_237 = vector.extract_strided_slice %squeeze3A {offsets = [7, 0], sizes = [1, 128], strides = [1, 1]} : vector<128x128xi32> to vector<1x128xi32>
    %concatenate3A_238 = tpu.concatenate %slice3A_236, %slice3A_237 in 1 : vector<1x128xi32>, vector<1x128xi32> -> vector<1x256xi32>
    %slice3A_239 = vector.extract_strided_slice %select_n3A {offsets = [0, 0], sizes = [1, 256], strides = [1, 1]} : vector<112x256xi32> to vector<1x256xi32>
    %add3A_240 = arith.addi %concatenate3A_238, %slice3A_239 : vector<1x256xi32>
    %slice3A_241 = vector.extract_strided_slice %squeeze3A_44 {offsets = [6, 0], sizes = [1, 128], strides = [1, 1]} : vector<128x128xi32> to vector<1x128xi32>
    %slice3A_242 = vector.extract_strided_slice %squeeze3A_44 {offsets = [7, 0], sizes = [1, 128], strides = [1, 1]} : vector<128x128xi32> to vector<1x128xi32>
    %concatenate3A_243 = tpu.concatenate %slice3A_241, %slice3A_242 in 1 : vector<1x128xi32>, vector<1x128xi32> -> vector<1x256xi32>
    %slice3A_244 = vector.extract_strided_slice %select_n3A {offsets = [0, 0], sizes = [1, 256], strides = [1, 1]} : vector<112x256xi32> to vector<1x256xi32>
    %add3A_245 = arith.addi %concatenate3A_243, %slice3A_244 : vector<1x256xi32>
    %eq3A_246 = vector.broadcast %add3A_245 : vector<1x256xi32> to vector<112x256xi32>
    %eq3A_247 = arith.cmpi eq, %iota3A, %eq3A_246 : vector<112x256xi32>
    %convert_element_type3A_248 = arith.extui %eq3A_247 : vector<112x256xi1> to vector<112x256xi32>
    %convert_element_type3A_249 = arith.sitofp %convert_element_type3A_248 : vector<112x256xi32> to vector<112x256xf32>
    %eq3A_250 = vector.broadcast %add3A_240 : vector<1x256xi32> to vector<112x256xi32>
    %eq3A_251 = arith.cmpi eq, %select_n3A_59, %eq3A_250 : vector<112x256xi32>
    %convert_element_type3A_252 = arith.extui %eq3A_251 : vector<112x256xi1> to vector<112x256xi32>
    %convert_element_type3A_253 = arith.sitofp %convert_element_type3A_252 : vector<112x256xi32> to vector<112x256xf32>
    %reduce_sum3A_254 = arith.constant dense<0.000000e+00> : vector<112xf32>
    %reduce_sum3A_255 = vector.multi_reduction <add>, %convert_element_type3A_249, %reduce_sum3A_254 [1] : vector<112x256xf32> to vector<112xf32>
    %broadcast_in_dim3A_256 = vector.shape_cast %reduce_sum3A_255 : vector<112xf32> to vector<112x1xf32>
    %add3A_257 = arith.constant 1.000000e+00 : f32
    %add3A_258 = vector.broadcast %add3A_257 : f32 to vector<112x1xf32>
    %add3A_259 = arith.addf %add3A_258, %broadcast_in_dim3A_256 : vector<112x1xf32>
    %eq3A_260 = vector.broadcast %add3A_245 : vector<1x256xi32> to vector<112x256xi32>
    %eq3A_261 = arith.cmpi eq, %select_n3A_59, %eq3A_260 : vector<112x256xi32>
    %convert_element_type3A_262 = arith.extui %eq3A_261 : vector<112x256xi1> to vector<112x256xi32>
    %convert_element_type3A_263 = arith.sitofp %convert_element_type3A_262 : vector<112x256xi32> to vector<112x256xf32>
    %reduce_sum3A_264 = arith.constant dense<0.000000e+00> : vector<112xf32>
    %reduce_sum3A_265 = vector.multi_reduction <add>, %convert_element_type3A_263, %reduce_sum3A_264 [1] : vector<112x256xf32> to vector<112xf32>
    %broadcast_in_dim3A_266 = vector.shape_cast %reduce_sum3A_265 : vector<112xf32> to vector<112x1xf32>
    %add3A_267 = arith.constant 1.000000e+00 : f32
    %add3A_268 = vector.broadcast %add3A_267 : f32 to vector<112x1xf32>
    %add3A_269 = arith.addf %add3A_268, %broadcast_in_dim3A_266 : vector<112x1xf32>
    %rsqrt3A_270 = math.rsqrt %add3A_259 : vector<112x1xf32>
    %rsqrt3A_271 = math.rsqrt %add3A_269 : vector<112x1xf32>
    %mul3A_272 = vector.broadcast %rsqrt3A_270 : vector<112x1xf32> to vector<112x256xf32>
    %mul3A_273 = arith.mulf %convert_element_type3A_249, %mul3A_272 : vector<112x256xf32>
    %convert_element_type3A_274 = arith.truncf %mul3A_273 : vector<112x256xf32> to vector<112x256xbf16>
    %mul3A_275 = vector.broadcast %rsqrt3A_271 : vector<112x1xf32> to vector<112x256xf32>
    %mul3A_276 = arith.mulf %convert_element_type3A_253, %mul3A_275 : vector<112x256xf32>
    %convert_element_type3A_277 = arith.truncf %mul3A_276 : vector<112x256xf32> to vector<112x256xbf16>
    %dot_general3A_278 = arith.constant dense<0.000000e+00> : vector<112x112xf32>
    %dot_general3A_279 = tpu.matmul %convert_element_type3A_274, %convert_element_type3A_277, %dot_general3A_278 {dimension_numbers = #tpu.dot_dimension_numbers<[1], [1], [0], [0], [0, 0, 1, 0], [], []>, transpose_lhs_hint = false} : vector<112x256xbf16>, vector<112x256xbf16>, vector<112x112xf32> -> vector<112x112xf32>
    %mul3A_280 = arith.mulf %rsqrt3A_270, %rsqrt3A_270 : vector<112x1xf32>
    %mul3A_281 = vector.broadcast %mul3A_280 : vector<112x1xf32> to vector<112x112xf32>
    %mul3A_282 = arith.mulf %convert_element_type3A_76, %mul3A_281 : vector<112x112xf32>
    %add3A_283 = arith.addf %dot_general3A_279, %mul3A_282 : vector<112x112xf32>
    %convert_element_type3A_284 = arith.truncf %add3A_283 : vector<112x112xf32> to vector<112x112xbf16>
    %slice3A_285 = vector.extract_strided_slice %convert_element_type3A_36 {offsets = [168, 0], sizes = [56, 128], strides = [1, 1]} : vector<3584x128xbf16> to vector<56x128xbf16>
    %slice3A_286 = vector.extract_strided_slice %convert_element_type3A_37 {offsets = [168, 0], sizes = [56, 128], strides = [1, 1]} : vector<3584x128xbf16> to vector<56x128xbf16>
    %concatenate3A_287 = tpu.concatenate %slice3A_285, %slice3A_286 in 0 : vector<56x128xbf16>, vector<56x128xbf16> -> vector<112x128xbf16>
    %dot_general3A_288 = arith.constant dense<0.000000e+00> : vector<112x128xf32>
    %dot_general3A_289 = tpu.matmul %convert_element_type3A_284, %concatenate3A_287, %dot_general3A_288 {dimension_numbers = #tpu.dot_dimension_numbers<[1], [0], [0], [1], [0, 0, 1, 1], [], []>, transpose_lhs_hint = false} : vector<112x112xbf16>, vector<112x128xbf16>, vector<112x128xf32> -> vector<112x128xf32>
    %slice3A_290 = vector.extract_strided_slice %squeeze3A {offsets = [8, 0], sizes = [1, 128], strides = [1, 1]} : vector<128x128xi32> to vector<1x128xi32>
    %slice3A_291 = vector.extract_strided_slice %squeeze3A {offsets = [9, 0], sizes = [1, 128], strides = [1, 1]} : vector<128x128xi32> to vector<1x128xi32>
    %concatenate3A_292 = tpu.concatenate %slice3A_290, %slice3A_291 in 1 : vector<1x128xi32>, vector<1x128xi32> -> vector<1x256xi32>
    %slice3A_293 = vector.extract_strided_slice %select_n3A {offsets = [0, 0], sizes = [1, 256], strides = [1, 1]} : vector<112x256xi32> to vector<1x256xi32>
    %add3A_294 = arith.addi %concatenate3A_292, %slice3A_293 : vector<1x256xi32>
    %slice3A_295 = vector.extract_strided_slice %squeeze3A_44 {offsets = [8, 0], sizes = [1, 128], strides = [1, 1]} : vector<128x128xi32> to vector<1x128xi32>
    %slice3A_296 = vector.extract_strided_slice %squeeze3A_44 {offsets = [9, 0], sizes = [1, 128], strides = [1, 1]} : vector<128x128xi32> to vector<1x128xi32>
    %concatenate3A_297 = tpu.concatenate %slice3A_295, %slice3A_296 in 1 : vector<1x128xi32>, vector<1x128xi32> -> vector<1x256xi32>
    %slice3A_298 = vector.extract_strided_slice %select_n3A {offsets = [0, 0], sizes = [1, 256], strides = [1, 1]} : vector<112x256xi32> to vector<1x256xi32>
    %add3A_299 = arith.addi %concatenate3A_297, %slice3A_298 : vector<1x256xi32>
    %eq3A_300 = vector.broadcast %add3A_299 : vector<1x256xi32> to vector<112x256xi32>
    %eq3A_301 = arith.cmpi eq, %iota3A, %eq3A_300 : vector<112x256xi32>
    %convert_element_type3A_302 = arith.extui %eq3A_301 : vector<112x256xi1> to vector<112x256xi32>
    %convert_element_type3A_303 = arith.sitofp %convert_element_type3A_302 : vector<112x256xi32> to vector<112x256xf32>
    %eq3A_304 = vector.broadcast %add3A_294 : vector<1x256xi32> to vector<112x256xi32>
    %eq3A_305 = arith.cmpi eq, %select_n3A_59, %eq3A_304 : vector<112x256xi32>
    %convert_element_type3A_306 = arith.extui %eq3A_305 : vector<112x256xi1> to vector<112x256xi32>
    %convert_element_type3A_307 = arith.sitofp %convert_element_type3A_306 : vector<112x256xi32> to vector<112x256xf32>
    %reduce_sum3A_308 = arith.constant dense<0.000000e+00> : vector<112xf32>
    %reduce_sum3A_309 = vector.multi_reduction <add>, %convert_element_type3A_303, %reduce_sum3A_308 [1] : vector<112x256xf32> to vector<112xf32>
    %broadcast_in_dim3A_310 = vector.shape_cast %reduce_sum3A_309 : vector<112xf32> to vector<112x1xf32>
    %add3A_311 = arith.constant 1.000000e+00 : f32
    %add3A_312 = vector.broadcast %add3A_311 : f32 to vector<112x1xf32>
    %add3A_313 = arith.addf %add3A_312, %broadcast_in_dim3A_310 : vector<112x1xf32>
    %eq3A_314 = vector.broadcast %add3A_299 : vector<1x256xi32> to vector<112x256xi32>
    %eq3A_315 = arith.cmpi eq, %select_n3A_59, %eq3A_314 : vector<112x256xi32>
    %convert_element_type3A_316 = arith.extui %eq3A_315 : vector<112x256xi1> to vector<112x256xi32>
    %convert_element_type3A_317 = arith.sitofp %convert_element_type3A_316 : vector<112x256xi32> to vector<112x256xf32>
    %reduce_sum3A_318 = arith.constant dense<0.000000e+00> : vector<112xf32>
    %reduce_sum3A_319 = vector.multi_reduction <add>, %convert_element_type3A_317, %reduce_sum3A_318 [1] : vector<112x256xf32> to vector<112xf32>
    %broadcast_in_dim3A_320 = vector.shape_cast %reduce_sum3A_319 : vector<112xf32> to vector<112x1xf32>
    %add3A_321 = arith.constant 1.000000e+00 : f32
    %add3A_322 = vector.broadcast %add3A_321 : f32 to vector<112x1xf32>
    %add3A_323 = arith.addf %add3A_322, %broadcast_in_dim3A_320 : vector<112x1xf32>
    %rsqrt3A_324 = math.rsqrt %add3A_313 : vector<112x1xf32>
    %rsqrt3A_325 = math.rsqrt %add3A_323 : vector<112x1xf32>
    %mul3A_326 = vector.broadcast %rsqrt3A_324 : vector<112x1xf32> to vector<112x256xf32>
    %mul3A_327 = arith.mulf %convert_element_type3A_303, %mul3A_326 : vector<112x256xf32>
    %convert_element_type3A_328 = arith.truncf %mul3A_327 : vector<112x256xf32> to vector<112x256xbf16>
    %mul3A_329 = vector.broadcast %rsqrt3A_325 : vector<112x1xf32> to vector<112x256xf32>
    %mul3A_330 = arith.mulf %convert_element_type3A_307, %mul3A_329 : vector<112x256xf32>
    %convert_element_type3A_331 = arith.truncf %mul3A_330 : vector<112x256xf32> to vector<112x256xbf16>
    %dot_general3A_332 = arith.constant dense<0.000000e+00> : vector<112x112xf32>
    %dot_general3A_333 = tpu.matmul %convert_element_type3A_328, %convert_element_type3A_331, %dot_general3A_332 {dimension_numbers = #tpu.dot_dimension_numbers<[1], [1], [0], [0], [0, 0, 1, 0], [], []>, transpose_lhs_hint = false} : vector<112x256xbf16>, vector<112x256xbf16>, vector<112x112xf32> -> vector<112x112xf32>
    %mul3A_334 = arith.mulf %rsqrt3A_324, %rsqrt3A_324 : vector<112x1xf32>
    %mul3A_335 = vector.broadcast %mul3A_334 : vector<112x1xf32> to vector<112x112xf32>
    %mul3A_336 = arith.mulf %convert_element_type3A_76, %mul3A_335 : vector<112x112xf32>
    %add3A_337 = arith.addf %dot_general3A_333, %mul3A_336 : vector<112x112xf32>
    %convert_element_type3A_338 = arith.truncf %add3A_337 : vector<112x112xf32> to vector<112x112xbf16>
    %slice3A_339 = vector.extract_strided_slice %convert_element_type3A_36 {offsets = [224, 0], sizes = [56, 128], strides = [1, 1]} : vector<3584x128xbf16> to vector<56x128xbf16>
    %slice3A_340 = vector.extract_strided_slice %convert_element_type3A_37 {offsets = [224, 0], sizes = [56, 128], strides = [1, 1]} : vector<3584x128xbf16> to vector<56x128xbf16>
    %concatenate3A_341 = tpu.concatenate %slice3A_339, %slice3A_340 in 0 : vector<56x128xbf16>, vector<56x128xbf16> -> vector<112x128xbf16>
    %dot_general3A_342 = arith.constant dense<0.000000e+00> : vector<112x128xf32>
    %dot_general3A_343 = tpu.matmul %convert_element_type3A_338, %concatenate3A_341, %dot_general3A_342 {dimension_numbers = #tpu.dot_dimension_numbers<[1], [0], [0], [1], [0, 0, 1, 1], [], []>, transpose_lhs_hint = false} : vector<112x112xbf16>, vector<112x128xbf16>, vector<112x128xf32> -> vector<112x128xf32>
    %slice3A_344 = vector.extract_strided_slice %squeeze3A {offsets = [10, 0], sizes = [1, 128], strides = [1, 1]} : vector<128x128xi32> to vector<1x128xi32>
    %slice3A_345 = vector.extract_strided_slice %squeeze3A {offsets = [11, 0], sizes = [1, 128], strides = [1, 1]} : vector<128x128xi32> to vector<1x128xi32>
    %concatenate3A_346 = tpu.concatenate %slice3A_344, %slice3A_345 in 1 : vector<1x128xi32>, vector<1x128xi32> -> vector<1x256xi32>
    %slice3A_347 = vector.extract_strided_slice %select_n3A {offsets = [0, 0], sizes = [1, 256], strides = [1, 1]} : vector<112x256xi32> to vector<1x256xi32>
    %add3A_348 = arith.addi %concatenate3A_346, %slice3A_347 : vector<1x256xi32>
    %slice3A_349 = vector.extract_strided_slice %squeeze3A_44 {offsets = [10, 0], sizes = [1, 128], strides = [1, 1]} : vector<128x128xi32> to vector<1x128xi32>
    %slice3A_350 = vector.extract_strided_slice %squeeze3A_44 {offsets = [11, 0], sizes = [1, 128], strides = [1, 1]} : vector<128x128xi32> to vector<1x128xi32>
    %concatenate3A_351 = tpu.concatenate %slice3A_349, %slice3A_350 in 1 : vector<1x128xi32>, vector<1x128xi32> -> vector<1x256xi32>
    %slice3A_352 = vector.extract_strided_slice %select_n3A {offsets = [0, 0], sizes = [1, 256], strides = [1, 1]} : vector<112x256xi32> to vector<1x256xi32>
    %add3A_353 = arith.addi %concatenate3A_351, %slice3A_352 : vector<1x256xi32>
    %eq3A_354 = vector.broadcast %add3A_353 : vector<1x256xi32> to vector<112x256xi32>
    %eq3A_355 = arith.cmpi eq, %iota3A, %eq3A_354 : vector<112x256xi32>
    %convert_element_type3A_356 = arith.extui %eq3A_355 : vector<112x256xi1> to vector<112x256xi32>
    %convert_element_type3A_357 = arith.sitofp %convert_element_type3A_356 : vector<112x256xi32> to vector<112x256xf32>
    %eq3A_358 = vector.broadcast %add3A_348 : vector<1x256xi32> to vector<112x256xi32>
    %eq3A_359 = arith.cmpi eq, %select_n3A_59, %eq3A_358 : vector<112x256xi32>
    %convert_element_type3A_360 = arith.extui %eq3A_359 : vector<112x256xi1> to vector<112x256xi32>
    %convert_element_type3A_361 = arith.sitofp %convert_element_type3A_360 : vector<112x256xi32> to vector<112x256xf32>
    %reduce_sum3A_362 = arith.constant dense<0.000000e+00> : vector<112xf32>
    %reduce_sum3A_363 = vector.multi_reduction <add>, %convert_element_type3A_357, %reduce_sum3A_362 [1] : vector<112x256xf32> to vector<112xf32>
    %broadcast_in_dim3A_364 = vector.shape_cast %reduce_sum3A_363 : vector<112xf32> to vector<112x1xf32>
    %add3A_365 = arith.constant 1.000000e+00 : f32
    %add3A_366 = vector.broadcast %add3A_365 : f32 to vector<112x1xf32>
    %add3A_367 = arith.addf %add3A_366, %broadcast_in_dim3A_364 : vector<112x1xf32>
    %eq3A_368 = vector.broadcast %add3A_353 : vector<1x256xi32> to vector<112x256xi32>
    %eq3A_369 = arith.cmpi eq, %select_n3A_59, %eq3A_368 : vector<112x256xi32>
    %convert_element_type3A_370 = arith.extui %eq3A_369 : vector<112x256xi1> to vector<112x256xi32>
    %convert_element_type3A_371 = arith.sitofp %convert_element_type3A_370 : vector<112x256xi32> to vector<112x256xf32>
    %reduce_sum3A_372 = arith.constant dense<0.000000e+00> : vector<112xf32>
    %reduce_sum3A_373 = vector.multi_reduction <add>, %convert_element_type3A_371, %reduce_sum3A_372 [1] : vector<112x256xf32> to vector<112xf32>
    %broadcast_in_dim3A_374 = vector.shape_cast %reduce_sum3A_373 : vector<112xf32> to vector<112x1xf32>
    %add3A_375 = arith.constant 1.000000e+00 : f32
    %add3A_376 = vector.broadcast %add3A_375 : f32 to vector<112x1xf32>
    %add3A_377 = arith.addf %add3A_376, %broadcast_in_dim3A_374 : vector<112x1xf32>
    %rsqrt3A_378 = math.rsqrt %add3A_367 : vector<112x1xf32>
    %rsqrt3A_379 = math.rsqrt %add3A_377 : vector<112x1xf32>
    %mul3A_380 = vector.broadcast %rsqrt3A_378 : vector<112x1xf32> to vector<112x256xf32>
    %mul3A_381 = arith.mulf %convert_element_type3A_357, %mul3A_380 : vector<112x256xf32>
    %convert_element_type3A_382 = arith.truncf %mul3A_381 : vector<112x256xf32> to vector<112x256xbf16>
    %mul3A_383 = vector.broadcast %rsqrt3A_379 : vector<112x1xf32> to vector<112x256xf32>
    %mul3A_384 = arith.mulf %convert_element_type3A_361, %mul3A_383 : vector<112x256xf32>
    %convert_element_type3A_385 = arith.truncf %mul3A_384 : vector<112x256xf32> to vector<112x256xbf16>
    %dot_general3A_386 = arith.constant dense<0.000000e+00> : vector<112x112xf32>
    %dot_general3A_387 = tpu.matmul %convert_element_type3A_382, %convert_element_type3A_385, %dot_general3A_386 {dimension_numbers = #tpu.dot_dimension_numbers<[1], [1], [0], [0], [0, 0, 1, 0], [], []>, transpose_lhs_hint = false} : vector<112x256xbf16>, vector<112x256xbf16>, vector<112x112xf32> -> vector<112x112xf32>
    %mul3A_388 = arith.mulf %rsqrt3A_378, %rsqrt3A_378 : vector<112x1xf32>
    %mul3A_389 = vector.broadcast %mul3A_388 : vector<112x1xf32> to vector<112x112xf32>
    %mul3A_390 = arith.mulf %convert_element_type3A_76, %mul3A_389 : vector<112x112xf32>
    %add3A_391 = arith.addf %dot_general3A_387, %mul3A_390 : vector<112x112xf32>
    %convert_element_type3A_392 = arith.truncf %add3A_391 : vector<112x112xf32> to vector<112x112xbf16>
    %slice3A_393 = vector.extract_strided_slice %convert_element_type3A_36 {offsets = [280, 0], sizes = [56, 128], strides = [1, 1]} : vector<3584x128xbf16> to vector<56x128xbf16>
    %slice3A_394 = vector.extract_strided_slice %convert_element_type3A_37 {offsets = [280, 0], sizes = [56, 128], strides = [1, 1]} : vector<3584x128xbf16> to vector<56x128xbf16>
    %concatenate3A_395 = tpu.concatenate %slice3A_393, %slice3A_394 in 0 : vector<56x128xbf16>, vector<56x128xbf16> -> vector<112x128xbf16>
    %dot_general3A_396 = arith.constant dense<0.000000e+00> : vector<112x128xf32>
    %dot_general3A_397 = tpu.matmul %convert_element_type3A_392, %concatenate3A_395, %dot_general3A_396 {dimension_numbers = #tpu.dot_dimension_numbers<[1], [0], [0], [1], [0, 0, 1, 1], [], []>, transpose_lhs_hint = false} : vector<112x112xbf16>, vector<112x128xbf16>, vector<112x128xf32> -> vector<112x128xf32>
    %slice3A_398 = vector.extract_strided_slice %squeeze3A {offsets = [12, 0], sizes = [1, 128], strides = [1, 1]} : vector<128x128xi32> to vector<1x128xi32>
    %slice3A_399 = vector.extract_strided_slice %squeeze3A {offsets = [13, 0], sizes = [1, 128], strides = [1, 1]} : vector<128x128xi32> to vector<1x128xi32>
    %concatenate3A_400 = tpu.concatenate %slice3A_398, %slice3A_399 in 1 : vector<1x128xi32>, vector<1x128xi32> -> vector<1x256xi32>
    %slice3A_401 = vector.extract_strided_slice %select_n3A {offsets = [0, 0], sizes = [1, 256], strides = [1, 1]} : vector<112x256xi32> to vector<1x256xi32>
    %add3A_402 = arith.addi %concatenate3A_400, %slice3A_401 : vector<1x256xi32>
    %slice3A_403 = vector.extract_strided_slice %squeeze3A_44 {offsets = [12, 0], sizes = [1, 128], strides = [1, 1]} : vector<128x128xi32> to vector<1x128xi32>
    %slice3A_404 = vector.extract_strided_slice %squeeze3A_44 {offsets = [13, 0], sizes = [1, 128], strides = [1, 1]} : vector<128x128xi32> to vector<1x128xi32>
    %concatenate3A_405 = tpu.concatenate %slice3A_403, %slice3A_404 in 1 : vector<1x128xi32>, vector<1x128xi32> -> vector<1x256xi32>
    %slice3A_406 = vector.extract_strided_slice %select_n3A {offsets = [0, 0], sizes = [1, 256], strides = [1, 1]} : vector<112x256xi32> to vector<1x256xi32>
    %add3A_407 = arith.addi %concatenate3A_405, %slice3A_406 : vector<1x256xi32>
    %eq3A_408 = vector.broadcast %add3A_407 : vector<1x256xi32> to vector<112x256xi32>
    %eq3A_409 = arith.cmpi eq, %iota3A, %eq3A_408 : vector<112x256xi32>
    %convert_element_type3A_410 = arith.extui %eq3A_409 : vector<112x256xi1> to vector<112x256xi32>
    %convert_element_type3A_411 = arith.sitofp %convert_element_type3A_410 : vector<112x256xi32> to vector<112x256xf32>
    %eq3A_412 = vector.broadcast %add3A_402 : vector<1x256xi32> to vector<112x256xi32>
    %eq3A_413 = arith.cmpi eq, %select_n3A_59, %eq3A_412 : vector<112x256xi32>
    %convert_element_type3A_414 = arith.extui %eq3A_413 : vector<112x256xi1> to vector<112x256xi32>
    %convert_element_type3A_415 = arith.sitofp %convert_element_type3A_414 : vector<112x256xi32> to vector<112x256xf32>
    %reduce_sum3A_416 = arith.constant dense<0.000000e+00> : vector<112xf32>
    %reduce_sum3A_417 = vector.multi_reduction <add>, %convert_element_type3A_411, %reduce_sum3A_416 [1] : vector<112x256xf32> to vector<112xf32>
    %broadcast_in_dim3A_418 = vector.shape_cast %reduce_sum3A_417 : vector<112xf32> to vector<112x1xf32>
    %add3A_419 = arith.constant 1.000000e+00 : f32
    %add3A_420 = vector.broadcast %add3A_419 : f32 to vector<112x1xf32>
    %add3A_421 = arith.addf %add3A_420, %broadcast_in_dim3A_418 : vector<112x1xf32>
    %eq3A_422 = vector.broadcast %add3A_407 : vector<1x256xi32> to vector<112x256xi32>
    %eq3A_423 = arith.cmpi eq, %select_n3A_59, %eq3A_422 : vector<112x256xi32>
    %convert_element_type3A_424 = arith.extui %eq3A_423 : vector<112x256xi1> to vector<112x256xi32>
    %convert_element_type3A_425 = arith.sitofp %convert_element_type3A_424 : vector<112x256xi32> to vector<112x256xf32>
    %reduce_sum3A_426 = arith.constant dense<0.000000e+00> : vector<112xf32>
    %reduce_sum3A_427 = vector.multi_reduction <add>, %convert_element_type3A_425, %reduce_sum3A_426 [1] : vector<112x256xf32> to vector<112xf32>
    %broadcast_in_dim3A_428 = vector.shape_cast %reduce_sum3A_427 : vector<112xf32> to vector<112x1xf32>
    %add3A_429 = arith.constant 1.000000e+00 : f32
    %add3A_430 = vector.broadcast %add3A_429 : f32 to vector<112x1xf32>
    %add3A_431 = arith.addf %add3A_430, %broadcast_in_dim3A_428 : vector<112x1xf32>
    %rsqrt3A_432 = math.rsqrt %add3A_421 : vector<112x1xf32>
    %rsqrt3A_433 = math.rsqrt %add3A_431 : vector<112x1xf32>
    %mul3A_434 = vector.broadcast %rsqrt3A_432 : vector<112x1xf32> to vector<112x256xf32>
    %mul3A_435 = arith.mulf %convert_element_type3A_411, %mul3A_434 : vector<112x256xf32>
    %convert_element_type3A_436 = arith.truncf %mul3A_435 : vector<112x256xf32> to vector<112x256xbf16>
    %mul3A_437 = vector.broadcast %rsqrt3A_433 : vector<112x1xf32> to vector<112x256xf32>
    %mul3A_438 = arith.mulf %convert_element_type3A_415, %mul3A_437 : vector<112x256xf32>
    %convert_element_type3A_439 = arith.truncf %mul3A_438 : vector<112x256xf32> to vector<112x256xbf16>
    %dot_general3A_440 = arith.constant dense<0.000000e+00> : vector<112x112xf32>
    %dot_general3A_441 = tpu.matmul %convert_element_type3A_436, %convert_element_type3A_439, %dot_general3A_440 {dimension_numbers = #tpu.dot_dimension_numbers<[1], [1], [0], [0], [0, 0, 1, 0], [], []>, transpose_lhs_hint = false} : vector<112x256xbf16>, vector<112x256xbf16>, vector<112x112xf32> -> vector<112x112xf32>
    %mul3A_442 = arith.mulf %rsqrt3A_432, %rsqrt3A_432 : vector<112x1xf32>
    %mul3A_443 = vector.broadcast %mul3A_442 : vector<112x1xf32> to vector<112x112xf32>
    %mul3A_444 = arith.mulf %convert_element_type3A_76, %mul3A_443 : vector<112x112xf32>
    %add3A_445 = arith.addf %dot_general3A_441, %mul3A_444 : vector<112x112xf32>
    %convert_element_type3A_446 = arith.truncf %add3A_445 : vector<112x112xf32> to vector<112x112xbf16>
    %slice3A_447 = vector.extract_strided_slice %convert_element_type3A_36 {offsets = [336, 0], sizes = [56, 128], strides = [1, 1]} : vector<3584x128xbf16> to vector<56x128xbf16>
    %slice3A_448 = vector.extract_strided_slice %convert_element_type3A_37 {offsets = [336, 0], sizes = [56, 128], strides = [1, 1]} : vector<3584x128xbf16> to vector<56x128xbf16>
    %concatenate3A_449 = tpu.concatenate %slice3A_447, %slice3A_448 in 0 : vector<56x128xbf16>, vector<56x128xbf16> -> vector<112x128xbf16>
    %dot_general3A_450 = arith.constant dense<0.000000e+00> : vector<112x128xf32>
    %dot_general3A_451 = tpu.matmul %convert_element_type3A_446, %concatenate3A_449, %dot_general3A_450 {dimension_numbers = #tpu.dot_dimension_numbers<[1], [0], [0], [1], [0, 0, 1, 1], [], []>, transpose_lhs_hint = false} : vector<112x112xbf16>, vector<112x128xbf16>, vector<112x128xf32> -> vector<112x128xf32>
    %slice3A_452 = vector.extract_strided_slice %squeeze3A {offsets = [14, 0], sizes = [1, 128], strides = [1, 1]} : vector<128x128xi32> to vector<1x128xi32>
    %slice3A_453 = vector.extract_strided_slice %squeeze3A {offsets = [15, 0], sizes = [1, 128], strides = [1, 1]} : vector<128x128xi32> to vector<1x128xi32>
    %concatenate3A_454 = tpu.concatenate %slice3A_452, %slice3A_453 in 1 : vector<1x128xi32>, vector<1x128xi32> -> vector<1x256xi32>
    %slice3A_455 = vector.extract_strided_slice %select_n3A {offsets = [0, 0], sizes = [1, 256], strides = [1, 1]} : vector<112x256xi32> to vector<1x256xi32>
    %add3A_456 = arith.addi %concatenate3A_454, %slice3A_455 : vector<1x256xi32>
    %slice3A_457 = vector.extract_strided_slice %squeeze3A_44 {offsets = [14, 0], sizes = [1, 128], strides = [1, 1]} : vector<128x128xi32> to vector<1x128xi32>
    %slice3A_458 = vector.extract_strided_slice %squeeze3A_44 {offsets = [15, 0], sizes = [1, 128], strides = [1, 1]} : vector<128x128xi32> to vector<1x128xi32>
    %concatenate3A_459 = tpu.concatenate %slice3A_457, %slice3A_458 in 1 : vector<1x128xi32>, vector<1x128xi32> -> vector<1x256xi32>
    %slice3A_460 = vector.extract_strided_slice %select_n3A {offsets = [0, 0], sizes = [1, 256], strides = [1, 1]} : vector<112x256xi32> to vector<1x256xi32>
    %add3A_461 = arith.addi %concatenate3A_459, %slice3A_460 : vector<1x256xi32>
    %eq3A_462 = vector.broadcast %add3A_461 : vector<1x256xi32> to vector<112x256xi32>
    %eq3A_463 = arith.cmpi eq, %iota3A, %eq3A_462 : vector<112x256xi32>
    %convert_element_type3A_464 = arith.extui %eq3A_463 : vector<112x256xi1> to vector<112x256xi32>
    %convert_element_type3A_465 = arith.sitofp %convert_element_type3A_464 : vector<112x256xi32> to vector<112x256xf32>
    %eq3A_466 = vector.broadcast %add3A_456 : vector<1x256xi32> to vector<112x256xi32>
    %eq3A_467 = arith.cmpi eq, %select_n3A_59, %eq3A_466 : vector<112x256xi32>
    %convert_element_type3A_468 = arith.extui %eq3A_467 : vector<112x256xi1> to vector<112x256xi32>
    %convert_element_type3A_469 = arith.sitofp %convert_element_type3A_468 : vector<112x256xi32> to vector<112x256xf32>
    %reduce_sum3A_470 = arith.constant dense<0.000000e+00> : vector<112xf32>
    %reduce_sum3A_471 = vector.multi_reduction <add>, %convert_element_type3A_465, %reduce_sum3A_470 [1] : vector<112x256xf32> to vector<112xf32>
    %broadcast_in_dim3A_472 = vector.shape_cast %reduce_sum3A_471 : vector<112xf32> to vector<112x1xf32>
    %add3A_473 = arith.constant 1.000000e+00 : f32
    %add3A_474 = vector.broadcast %add3A_473 : f32 to vector<112x1xf32>
    %add3A_475 = arith.addf %add3A_474, %broadcast_in_dim3A_472 : vector<112x1xf32>
    %eq3A_476 = vector.broadcast %add3A_461 : vector<1x256xi32> to vector<112x256xi32>
    %eq3A_477 = arith.cmpi eq, %select_n3A_59, %eq3A_476 : vector<112x256xi32>
    %convert_element_type3A_478 = arith.extui %eq3A_477 : vector<112x256xi1> to vector<112x256xi32>
    %convert_element_type3A_479 = arith.sitofp %convert_element_type3A_478 : vector<112x256xi32> to vector<112x256xf32>
    %reduce_sum3A_480 = arith.constant dense<0.000000e+00> : vector<112xf32>
    %reduce_sum3A_481 = vector.multi_reduction <add>, %convert_element_type3A_479, %reduce_sum3A_480 [1] : vector<112x256xf32> to vector<112xf32>
    %broadcast_in_dim3A_482 = vector.shape_cast %reduce_sum3A_481 : vector<112xf32> to vector<112x1xf32>
    %add3A_483 = arith.constant 1.000000e+00 : f32
    %add3A_484 = vector.broadcast %add3A_483 : f32 to vector<112x1xf32>
    %add3A_485 = arith.addf %add3A_484, %broadcast_in_dim3A_482 : vector<112x1xf32>
    %rsqrt3A_486 = math.rsqrt %add3A_475 : vector<112x1xf32>
    %rsqrt3A_487 = math.rsqrt %add3A_485 : vector<112x1xf32>
    %mul3A_488 = vector.broadcast %rsqrt3A_486 : vector<112x1xf32> to vector<112x256xf32>
    %mul3A_489 = arith.mulf %convert_element_type3A_465, %mul3A_488 : vector<112x256xf32>
    %convert_element_type3A_490 = arith.truncf %mul3A_489 : vector<112x256xf32> to vector<112x256xbf16>
    %mul3A_491 = vector.broadcast %rsqrt3A_487 : vector<112x1xf32> to vector<112x256xf32>
    %mul3A_492 = arith.mulf %convert_element_type3A_469, %mul3A_491 : vector<112x256xf32>
    %convert_element_type3A_493 = arith.truncf %mul3A_492 : vector<112x256xf32> to vector<112x256xbf16>
    %dot_general3A_494 = arith.constant dense<0.000000e+00> : vector<112x112xf32>
    %dot_general3A_495 = tpu.matmul %convert_element_type3A_490, %convert_element_type3A_493, %dot_general3A_494 {dimension_numbers = #tpu.dot_dimension_numbers<[1], [1], [0], [0], [0, 0, 1, 0], [], []>, transpose_lhs_hint = false} : vector<112x256xbf16>, vector<112x256xbf16>, vector<112x112xf32> -> vector<112x112xf32>
    %mul3A_496 = arith.mulf %rsqrt3A_486, %rsqrt3A_486 : vector<112x1xf32>
    %mul3A_497 = vector.broadcast %mul3A_496 : vector<112x1xf32> to vector<112x112xf32>
    %mul3A_498 = arith.mulf %convert_element_type3A_76, %mul3A_497 : vector<112x112xf32>
    %add3A_499 = arith.addf %dot_general3A_495, %mul3A_498 : vector<112x112xf32>
    %convert_element_type3A_500 = arith.truncf %add3A_499 : vector<112x112xf32> to vector<112x112xbf16>
    %slice3A_501 = vector.extract_strided_slice %convert_element_type3A_36 {offsets = [392, 0], sizes = [56, 128], strides = [1, 1]} : vector<3584x128xbf16> to vector<56x128xbf16>
    %slice3A_502 = vector.extract_strided_slice %convert_element_type3A_37 {offsets = [392, 0], sizes = [56, 128], strides = [1, 1]} : vector<3584x128xbf16> to vector<56x128xbf16>
    %concatenate3A_503 = tpu.concatenate %slice3A_501, %slice3A_502 in 0 : vector<56x128xbf16>, vector<56x128xbf16> -> vector<112x128xbf16>
    %dot_general3A_504 = arith.constant dense<0.000000e+00> : vector<112x128xf32>
    %dot_general3A_505 = tpu.matmul %convert_element_type3A_500, %concatenate3A_503, %dot_general3A_504 {dimension_numbers = #tpu.dot_dimension_numbers<[1], [0], [0], [1], [0, 0, 1, 1], [], []>, transpose_lhs_hint = false} : vector<112x112xbf16>, vector<112x128xbf16>, vector<112x128xf32> -> vector<112x128xf32>
    %slice3A_506 = vector.extract_strided_slice %squeeze3A {offsets = [16, 0], sizes = [1, 128], strides = [1, 1]} : vector<128x128xi32> to vector<1x128xi32>
    %slice3A_507 = vector.extract_strided_slice %squeeze3A {offsets = [17, 0], sizes = [1, 128], strides = [1, 1]} : vector<128x128xi32> to vector<1x128xi32>
    %concatenate3A_508 = tpu.concatenate %slice3A_506, %slice3A_507 in 1 : vector<1x128xi32>, vector<1x128xi32> -> vector<1x256xi32>
    %slice3A_509 = vector.extract_strided_slice %select_n3A {offsets = [0, 0], sizes = [1, 256], strides = [1, 1]} : vector<112x256xi32> to vector<1x256xi32>
    %add3A_510 = arith.addi %concatenate3A_508, %slice3A_509 : vector<1x256xi32>
    %slice3A_511 = vector.extract_strided_slice %squeeze3A_44 {offsets = [16, 0], sizes = [1, 128], strides = [1, 1]} : vector<128x128xi32> to vector<1x128xi32>
    %slice3A_512 = vector.extract_strided_slice %squeeze3A_44 {offsets = [17, 0], sizes = [1, 128], strides = [1, 1]} : vector<128x128xi32> to vector<1x128xi32>
    %concatenate3A_513 = tpu.concatenate %slice3A_511, %slice3A_512 in 1 : vector<1x128xi32>, vector<1x128xi32> -> vector<1x256xi32>
    %slice3A_514 = vector.extract_strided_slice %select_n3A {offsets = [0, 0], sizes = [1, 256], strides = [1, 1]} : vector<112x256xi32> to vector<1x256xi32>
    %add3A_515 = arith.addi %concatenate3A_513, %slice3A_514 : vector<1x256xi32>
    %eq3A_516 = vector.broadcast %add3A_515 : vector<1x256xi32> to vector<112x256xi32>
    %eq3A_517 = arith.cmpi eq, %iota3A, %eq3A_516 : vector<112x256xi32>
    %convert_element_type3A_518 = arith.extui %eq3A_517 : vector<112x256xi1> to vector<112x256xi32>
    %convert_element_type3A_519 = arith.sitofp %convert_element_type3A_518 : vector<112x256xi32> to vector<112x256xf32>
    %eq3A_520 = vector.broadcast %add3A_510 : vector<1x256xi32> to vector<112x256xi32>
    %eq3A_521 = arith.cmpi eq, %select_n3A_59, %eq3A_520 : vector<112x256xi32>
    %convert_element_type3A_522 = arith.extui %eq3A_521 : vector<112x256xi1> to vector<112x256xi32>
    %convert_element_type3A_523 = arith.sitofp %convert_element_type3A_522 : vector<112x256xi32> to vector<112x256xf32>
    %reduce_sum3A_524 = arith.constant dense<0.000000e+00> : vector<112xf32>
    %reduce_sum3A_525 = vector.multi_reduction <add>, %convert_element_type3A_519, %reduce_sum3A_524 [1] : vector<112x256xf32> to vector<112xf32>
    %broadcast_in_dim3A_526 = vector.shape_cast %reduce_sum3A_525 : vector<112xf32> to vector<112x1xf32>
    %add3A_527 = arith.constant 1.000000e+00 : f32
    %add3A_528 = vector.broadcast %add3A_527 : f32 to vector<112x1xf32>
    %add3A_529 = arith.addf %add3A_528, %broadcast_in_dim3A_526 : vector<112x1xf32>
    %eq3A_530 = vector.broadcast %add3A_515 : vector<1x256xi32> to vector<112x256xi32>
    %eq3A_531 = arith.cmpi eq, %select_n3A_59, %eq3A_530 : vector<112x256xi32>
    %convert_element_type3A_532 = arith.extui %eq3A_531 : vector<112x256xi1> to vector<112x256xi32>
    %convert_element_type3A_533 = arith.sitofp %convert_element_type3A_532 : vector<112x256xi32> to vector<112x256xf32>
    %reduce_sum3A_534 = arith.constant dense<0.000000e+00> : vector<112xf32>
    %reduce_sum3A_535 = vector.multi_reduction <add>, %convert_element_type3A_533, %reduce_sum3A_534 [1] : vector<112x256xf32> to vector<112xf32>
    %broadcast_in_dim3A_536 = vector.shape_cast %reduce_sum3A_535 : vector<112xf32> to vector<112x1xf32>
    %add3A_537 = arith.constant 1.000000e+00 : f32
    %add3A_538 = vector.broadcast %add3A_537 : f32 to vector<112x1xf32>
    %add3A_539 = arith.addf %add3A_538, %broadcast_in_dim3A_536 : vector<112x1xf32>
    %rsqrt3A_540 = math.rsqrt %add3A_529 : vector<112x1xf32>
    %rsqrt3A_541 = math.rsqrt %add3A_539 : vector<112x1xf32>
    %mul3A_542 = vector.broadcast %rsqrt3A_540 : vector<112x1xf32> to vector<112x256xf32>
    %mul3A_543 = arith.mulf %convert_element_type3A_519, %mul3A_542 : vector<112x256xf32>
    %convert_element_type3A_544 = arith.truncf %mul3A_543 : vector<112x256xf32> to vector<112x256xbf16>
    %mul3A_545 = vector.broadcast %rsqrt3A_541 : vector<112x1xf32> to vector<112x256xf32>
    %mul3A_546 = arith.mulf %convert_element_type3A_523, %mul3A_545 : vector<112x256xf32>
    %convert_element_type3A_547 = arith.truncf %mul3A_546 : vector<112x256xf32> to vector<112x256xbf16>
    %dot_general3A_548 = arith.constant dense<0.000000e+00> : vector<112x112xf32>
    %dot_general3A_549 = tpu.matmul %convert_element_type3A_544, %convert_element_type3A_547, %dot_general3A_548 {dimension_numbers = #tpu.dot_dimension_numbers<[1], [1], [0], [0], [0, 0, 1, 0], [], []>, transpose_lhs_hint = false} : vector<112x256xbf16>, vector<112x256xbf16>, vector<112x112xf32> -> vector<112x112xf32>
    %mul3A_550 = arith.mulf %rsqrt3A_540, %rsqrt3A_540 : vector<112x1xf32>
    %mul3A_551 = vector.broadcast %mul3A_550 : vector<112x1xf32> to vector<112x112xf32>
    %mul3A_552 = arith.mulf %convert_element_type3A_76, %mul3A_551 : vector<112x112xf32>
    %add3A_553 = arith.addf %dot_general3A_549, %mul3A_552 : vector<112x112xf32>
    %convert_element_type3A_554 = arith.truncf %add3A_553 : vector<112x112xf32> to vector<112x112xbf16>
    %slice3A_555 = vector.extract_strided_slice %convert_element_type3A_36 {offsets = [448, 0], sizes = [56, 128], strides = [1, 1]} : vector<3584x128xbf16> to vector<56x128xbf16>
    %slice3A_556 = vector.extract_strided_slice %convert_element_type3A_37 {offsets = [448, 0], sizes = [56, 128], strides = [1, 1]} : vector<3584x128xbf16> to vector<56x128xbf16>
    %concatenate3A_557 = tpu.concatenate %slice3A_555, %slice3A_556 in 0 : vector<56x128xbf16>, vector<56x128xbf16> -> vector<112x128xbf16>
    %dot_general3A_558 = arith.constant dense<0.000000e+00> : vector<112x128xf32>
    %dot_general3A_559 = tpu.matmul %convert_element_type3A_554, %concatenate3A_557, %dot_general3A_558 {dimension_numbers = #tpu.dot_dimension_numbers<[1], [0], [0], [1], [0, 0, 1, 1], [], []>, transpose_lhs_hint = false} : vector<112x112xbf16>, vector<112x128xbf16>, vector<112x128xf32> -> vector<112x128xf32>
    %slice3A_560 = vector.extract_strided_slice %squeeze3A {offsets = [18, 0], sizes = [1, 128], strides = [1, 1]} : vector<128x128xi32> to vector<1x128xi32>
    %slice3A_561 = vector.extract_strided_slice %squeeze3A {offsets = [19, 0], sizes = [1, 128], strides = [1, 1]} : vector<128x128xi32> to vector<1x128xi32>
    %concatenate3A_562 = tpu.concatenate %slice3A_560, %slice3A_561 in 1 : vector<1x128xi32>, vector<1x128xi32> -> vector<1x256xi32>
    %slice3A_563 = vector.extract_strided_slice %select_n3A {offsets = [0, 0], sizes = [1, 256], strides = [1, 1]} : vector<112x256xi32> to vector<1x256xi32>
    %add3A_564 = arith.addi %concatenate3A_562, %slice3A_563 : vector<1x256xi32>
    %slice3A_565 = vector.extract_strided_slice %squeeze3A_44 {offsets = [18, 0], sizes = [1, 128], strides = [1, 1]} : vector<128x128xi32> to vector<1x128xi32>
    %slice3A_566 = vector.extract_strided_slice %squeeze3A_44 {offsets = [19, 0], sizes = [1, 128], strides = [1, 1]} : vector<128x128xi32> to vector<1x128xi32>
    %concatenate3A_567 = tpu.concatenate %slice3A_565, %slice3A_566 in 1 : vector<1x128xi32>, vector<1x128xi32> -> vector<1x256xi32>
    %slice3A_568 = vector.extract_strided_slice %select_n3A {offsets = [0, 0], sizes = [1, 256], strides = [1, 1]} : vector<112x256xi32> to vector<1x256xi32>
    %add3A_569 = arith.addi %concatenate3A_567, %slice3A_568 : vector<1x256xi32>
    %eq3A_570 = vector.broadcast %add3A_569 : vector<1x256xi32> to vector<112x256xi32>
    %eq3A_571 = arith.cmpi eq, %iota3A, %eq3A_570 : vector<112x256xi32>
    %convert_element_type3A_572 = arith.extui %eq3A_571 : vector<112x256xi1> to vector<112x256xi32>
    %convert_element_type3A_573 = arith.sitofp %convert_element_type3A_572 : vector<112x256xi32> to vector<112x256xf32>
    %eq3A_574 = vector.broadcast %add3A_564 : vector<1x256xi32> to vector<112x256xi32>
    %eq3A_575 = arith.cmpi eq, %select_n3A_59, %eq3A_574 : vector<112x256xi32>
    %convert_element_type3A_576 = arith.extui %eq3A_575 : vector<112x256xi1> to vector<112x256xi32>
    %convert_element_type3A_577 = arith.sitofp %convert_element_type3A_576 : vector<112x256xi32> to vector<112x256xf32>
    %reduce_sum3A_578 = arith.constant dense<0.000000e+00> : vector<112xf32>
    %reduce_sum3A_579 = vector.multi_reduction <add>, %convert_element_type3A_573, %reduce_sum3A_578 [1] : vector<112x256xf32> to vector<112xf32>
    %broadcast_in_dim3A_580 = vector.shape_cast %reduce_sum3A_579 : vector<112xf32> to vector<112x1xf32>
    %add3A_581 = arith.constant 1.000000e+00 : f32
    %add3A_582 = vector.broadcast %add3A_581 : f32 to vector<112x1xf32>
    %add3A_583 = arith.addf %add3A_582, %broadcast_in_dim3A_580 : vector<112x1xf32>
    %eq3A_584 = vector.broadcast %add3A_569 : vector<1x256xi32> to vector<112x256xi32>
    %eq3A_585 = arith.cmpi eq, %select_n3A_59, %eq3A_584 : vector<112x256xi32>
    %convert_element_type3A_586 = arith.extui %eq3A_585 : vector<112x256xi1> to vector<112x256xi32>
    %convert_element_type3A_587 = arith.sitofp %convert_element_type3A_586 : vector<112x256xi32> to vector<112x256xf32>
    %reduce_sum3A_588 = arith.constant dense<0.000000e+00> : vector<112xf32>
    %reduce_sum3A_589 = vector.multi_reduction <add>, %convert_element_type3A_587, %reduce_sum3A_588 [1] : vector<112x256xf32> to vector<112xf32>
    %broadcast_in_dim3A_590 = vector.shape_cast %reduce_sum3A_589 : vector<112xf32> to vector<112x1xf32>
    %add3A_591 = arith.constant 1.000000e+00 : f32
    %add3A_592 = vector.broadcast %add3A_591 : f32 to vector<112x1xf32>
    %add3A_593 = arith.addf %add3A_592, %broadcast_in_dim3A_590 : vector<112x1xf32>
    %rsqrt3A_594 = math.rsqrt %add3A_583 : vector<112x1xf32>
    %rsqrt3A_595 = math.rsqrt %add3A_593 : vector<112x1xf32>
    %mul3A_596 = vector.broadcast %rsqrt3A_594 : vector<112x1xf32> to vector<112x256xf32>
    %mul3A_597 = arith.mulf %convert_element_type3A_573, %mul3A_596 : vector<112x256xf32>
    %convert_element_type3A_598 = arith.truncf %mul3A_597 : vector<112x256xf32> to vector<112x256xbf16>
    %mul3A_599 = vector.broadcast %rsqrt3A_595 : vector<112x1xf32> to vector<112x256xf32>
    %mul3A_600 = arith.mulf %convert_element_type3A_577, %mul3A_599 : vector<112x256xf32>
    %convert_element_type3A_601 = arith.truncf %mul3A_600 : vector<112x256xf32> to vector<112x256xbf16>
    %dot_general3A_602 = arith.constant dense<0.000000e+00> : vector<112x112xf32>
    %dot_general3A_603 = tpu.matmul %convert_element_type3A_598, %convert_element_type3A_601, %dot_general3A_602 {dimension_numbers = #tpu.dot_dimension_numbers<[1], [1], [0], [0], [0, 0, 1, 0], [], []>, transpose_lhs_hint = false} : vector<112x256xbf16>, vector<112x256xbf16>, vector<112x112xf32> -> vector<112x112xf32>
    %mul3A_604 = arith.mulf %rsqrt3A_594, %rsqrt3A_594 : vector<112x1xf32>
    %mul3A_605 = vector.broadcast %mul3A_604 : vector<112x1xf32> to vector<112x112xf32>
    %mul3A_606 = arith.mulf %convert_element_type3A_76, %mul3A_605 : vector<112x112xf32>
    %add3A_607 = arith.addf %dot_general3A_603, %mul3A_606 : vector<112x112xf32>
    %convert_element_type3A_608 = arith.truncf %add3A_607 : vector<112x112xf32> to vector<112x112xbf16>
    %slice3A_609 = vector.extract_strided_slice %convert_element_type3A_36 {offsets = [504, 0], sizes = [56, 128], strides = [1, 1]} : vector<3584x128xbf16> to vector<56x128xbf16>
    %slice3A_610 = vector.extract_strided_slice %convert_element_type3A_37 {offsets = [504, 0], sizes = [56, 128], strides = [1, 1]} : vector<3584x128xbf16> to vector<56x128xbf16>
    %concatenate3A_611 = tpu.concatenate %slice3A_609, %slice3A_610 in 0 : vector<56x128xbf16>, vector<56x128xbf16> -> vector<112x128xbf16>
    %dot_general3A_612 = arith.constant dense<0.000000e+00> : vector<112x128xf32>
    %dot_general3A_613 = tpu.matmul %convert_element_type3A_608, %concatenate3A_611, %dot_general3A_612 {dimension_numbers = #tpu.dot_dimension_numbers<[1], [0], [0], [1], [0, 0, 1, 1], [], []>, transpose_lhs_hint = false} : vector<112x112xbf16>, vector<112x128xbf16>, vector<112x128xf32> -> vector<112x128xf32>
    %slice3A_614 = vector.extract_strided_slice %squeeze3A {offsets = [20, 0], sizes = [1, 128], strides = [1, 1]} : vector<128x128xi32> to vector<1x128xi32>
    %slice3A_615 = vector.extract_strided_slice %squeeze3A {offsets = [21, 0], sizes = [1, 128], strides = [1, 1]} : vector<128x128xi32> to vector<1x128xi32>
    %concatenate3A_616 = tpu.concatenate %slice3A_614, %slice3A_615 in 1 : vector<1x128xi32>, vector<1x128xi32> -> vector<1x256xi32>
    %slice3A_617 = vector.extract_strided_slice %select_n3A {offsets = [0, 0], sizes = [1, 256], strides = [1, 1]} : vector<112x256xi32> to vector<1x256xi32>
    %add3A_618 = arith.addi %concatenate3A_616, %slice3A_617 : vector<1x256xi32>
    %slice3A_619 = vector.extract_strided_slice %squeeze3A_44 {offsets = [20, 0], sizes = [1, 128], strides = [1, 1]} : vector<128x128xi32> to vector<1x128xi32>
    %slice3A_620 = vector.extract_strided_slice %squeeze3A_44 {offsets = [21, 0], sizes = [1, 128], strides = [1, 1]} : vector<128x128xi32> to vector<1x128xi32>
    %concatenate3A_621 = tpu.concatenate %slice3A_619, %slice3A_620 in 1 : vector<1x128xi32>, vector<1x128xi32> -> vector<1x256xi32>
    %slice3A_622 = vector.extract_strided_slice %select_n3A {offsets = [0, 0], sizes = [1, 256], strides = [1, 1]} : vector<112x256xi32> to vector<1x256xi32>
    %add3A_623 = arith.addi %concatenate3A_621, %slice3A_622 : vector<1x256xi32>
    %eq3A_624 = vector.broadcast %add3A_623 : vector<1x256xi32> to vector<112x256xi32>
    %eq3A_625 = arith.cmpi eq, %iota3A, %eq3A_624 : vector<112x256xi32>
    %convert_element_type3A_626 = arith.extui %eq3A_625 : vector<112x256xi1> to vector<112x256xi32>
    %convert_element_type3A_627 = arith.sitofp %convert_element_type3A_626 : vector<112x256xi32> to vector<112x256xf32>
    %eq3A_628 = vector.broadcast %add3A_618 : vector<1x256xi32> to vector<112x256xi32>
    %eq3A_629 = arith.cmpi eq, %select_n3A_59, %eq3A_628 : vector<112x256xi32>
    %convert_element_type3A_630 = arith.extui %eq3A_629 : vector<112x256xi1> to vector<112x256xi32>
    %convert_element_type3A_631 = arith.sitofp %convert_element_type3A_630 : vector<112x256xi32> to vector<112x256xf32>
    %reduce_sum3A_632 = arith.constant dense<0.000000e+00> : vector<112xf32>
    %reduce_sum3A_633 = vector.multi_reduction <add>, %convert_element_type3A_627, %reduce_sum3A_632 [1] : vector<112x256xf32> to vector<112xf32>
    %broadcast_in_dim3A_634 = vector.shape_cast %reduce_sum3A_633 : vector<112xf32> to vector<112x1xf32>
    %add3A_635 = arith.constant 1.000000e+00 : f32
    %add3A_636 = vector.broadcast %add3A_635 : f32 to vector<112x1xf32>
    %add3A_637 = arith.addf %add3A_636, %broadcast_in_dim3A_634 : vector<112x1xf32>
    %eq3A_638 = vector.broadcast %add3A_623 : vector<1x256xi32> to vector<112x256xi32>
    %eq3A_639 = arith.cmpi eq, %select_n3A_59, %eq3A_638 : vector<112x256xi32>
    %convert_element_type3A_640 = arith.extui %eq3A_639 : vector<112x256xi1> to vector<112x256xi32>
    %convert_element_type3A_641 = arith.sitofp %convert_element_type3A_640 : vector<112x256xi32> to vector<112x256xf32>
    %reduce_sum3A_642 = arith.constant dense<0.000000e+00> : vector<112xf32>
    %reduce_sum3A_643 = vector.multi_reduction <add>, %convert_element_type3A_641, %reduce_sum3A_642 [1] : vector<112x256xf32> to vector<112xf32>
    %broadcast_in_dim3A_644 = vector.shape_cast %reduce_sum3A_643 : vector<112xf32> to vector<112x1xf32>
    %add3A_645 = arith.constant 1.000000e+00 : f32
    %add3A_646 = vector.broadcast %add3A_645 : f32 to vector<112x1xf32>
    %add3A_647 = arith.addf %add3A_646, %broadcast_in_dim3A_644 : vector<112x1xf32>
    %rsqrt3A_648 = math.rsqrt %add3A_637 : vector<112x1xf32>
    %rsqrt3A_649 = math.rsqrt %add3A_647 : vector<112x1xf32>
    %mul3A_650 = vector.broadcast %rsqrt3A_648 : vector<112x1xf32> to vector<112x256xf32>
    %mul3A_651 = arith.mulf %convert_element_type3A_627, %mul3A_650 : vector<112x256xf32>
    %convert_element_type3A_652 = arith.truncf %mul3A_651 : vector<112x256xf32> to vector<112x256xbf16>
    %mul3A_653 = vector.broadcast %rsqrt3A_649 : vector<112x1xf32> to vector<112x256xf32>
    %mul3A_654 = arith.mulf %convert_element_type3A_631, %mul3A_653 : vector<112x256xf32>
    %convert_element_type3A_655 = arith.truncf %mul3A_654 : vector<112x256xf32> to vector<112x256xbf16>
    %dot_general3A_656 = arith.constant dense<0.000000e+00> : vector<112x112xf32>
    %dot_general3A_657 = tpu.matmul %convert_element_type3A_652, %convert_element_type3A_655, %dot_general3A_656 {dimension_numbers = #tpu.dot_dimension_numbers<[1], [1], [0], [0], [0, 0, 1, 0], [], []>, transpose_lhs_hint = false} : vector<112x256xbf16>, vector<112x256xbf16>, vector<112x112xf32> -> vector<112x112xf32>
    %mul3A_658 = arith.mulf %rsqrt3A_648, %rsqrt3A_648 : vector<112x1xf32>
    %mul3A_659 = vector.broadcast %mul3A_658 : vector<112x1xf32> to vector<112x112xf32>
    %mul3A_660 = arith.mulf %convert_element_type3A_76, %mul3A_659 : vector<112x112xf32>
    %add3A_661 = arith.addf %dot_general3A_657, %mul3A_660 : vector<112x112xf32>
    %convert_element_type3A_662 = arith.truncf %add3A_661 : vector<112x112xf32> to vector<112x112xbf16>
    %slice3A_663 = vector.extract_strided_slice %convert_element_type3A_36 {offsets = [560, 0], sizes = [56, 128], strides = [1, 1]} : vector<3584x128xbf16> to vector<56x128xbf16>
    %slice3A_664 = vector.extract_strided_slice %convert_element_type3A_37 {offsets = [560, 0], sizes = [56, 128], strides = [1, 1]} : vector<3584x128xbf16> to vector<56x128xbf16>
    %concatenate3A_665 = tpu.concatenate %slice3A_663, %slice3A_664 in 0 : vector<56x128xbf16>, vector<56x128xbf16> -> vector<112x128xbf16>
    %dot_general3A_666 = arith.constant dense<0.000000e+00> : vector<112x128xf32>
    %dot_general3A_667 = tpu.matmul %convert_element_type3A_662, %concatenate3A_665, %dot_general3A_666 {dimension_numbers = #tpu.dot_dimension_numbers<[1], [0], [0], [1], [0, 0, 1, 1], [], []>, transpose_lhs_hint = false} : vector<112x112xbf16>, vector<112x128xbf16>, vector<112x128xf32> -> vector<112x128xf32>
    %slice3A_668 = vector.extract_strided_slice %squeeze3A {offsets = [22, 0], sizes = [1, 128], strides = [1, 1]} : vector<128x128xi32> to vector<1x128xi32>
    %slice3A_669 = vector.extract_strided_slice %squeeze3A {offsets = [23, 0], sizes = [1, 128], strides = [1, 1]} : vector<128x128xi32> to vector<1x128xi32>
    %concatenate3A_670 = tpu.concatenate %slice3A_668, %slice3A_669 in 1 : vector<1x128xi32>, vector<1x128xi32> -> vector<1x256xi32>
    %slice3A_671 = vector.extract_strided_slice %select_n3A {offsets = [0, 0], sizes = [1, 256], strides = [1, 1]} : vector<112x256xi32> to vector<1x256xi32>
    %add3A_672 = arith.addi %concatenate3A_670, %slice3A_671 : vector<1x256xi32>
    %slice3A_673 = vector.extract_strided_slice %squeeze3A_44 {offsets = [22, 0], sizes = [1, 128], strides = [1, 1]} : vector<128x128xi32> to vector<1x128xi32>
    %slice3A_674 = vector.extract_strided_slice %squeeze3A_44 {offsets = [23, 0], sizes = [1, 128], strides = [1, 1]} : vector<128x128xi32> to vector<1x128xi32>
    %concatenate3A_675 = tpu.concatenate %slice3A_673, %slice3A_674 in 1 : vector<1x128xi32>, vector<1x128xi32> -> vector<1x256xi32>
    %slice3A_676 = vector.extract_strided_slice %select_n3A {offsets = [0, 0], sizes = [1, 256], strides = [1, 1]} : vector<112x256xi32> to vector<1x256xi32>
    %add3A_677 = arith.addi %concatenate3A_675, %slice3A_676 : vector<1x256xi32>
    %eq3A_678 = vector.broadcast %add3A_677 : vector<1x256xi32> to vector<112x256xi32>
    %eq3A_679 = arith.cmpi eq, %iota3A, %eq3A_678 : vector<112x256xi32>
    %convert_element_type3A_680 = arith.extui %eq3A_679 : vector<112x256xi1> to vector<112x256xi32>
    %convert_element_type3A_681 = arith.sitofp %convert_element_type3A_680 : vector<112x256xi32> to vector<112x256xf32>
    %eq3A_682 = vector.broadcast %add3A_672 : vector<1x256xi32> to vector<112x256xi32>
    %eq3A_683 = arith.cmpi eq, %select_n3A_59, %eq3A_682 : vector<112x256xi32>
    %convert_element_type3A_684 = arith.extui %eq3A_683 : vector<112x256xi1> to vector<112x256xi32>
    %convert_element_type3A_685 = arith.sitofp %convert_element_type3A_684 : vector<112x256xi32> to vector<112x256xf32>
    %reduce_sum3A_686 = arith.constant dense<0.000000e+00> : vector<112xf32>
    %reduce_sum3A_687 = vector.multi_reduction <add>, %convert_element_type3A_681, %reduce_sum3A_686 [1] : vector<112x256xf32> to vector<112xf32>
    %broadcast_in_dim3A_688 = vector.shape_cast %reduce_sum3A_687 : vector<112xf32> to vector<112x1xf32>
    %add3A_689 = arith.constant 1.000000e+00 : f32
    %add3A_690 = vector.broadcast %add3A_689 : f32 to vector<112x1xf32>
    %add3A_691 = arith.addf %add3A_690, %broadcast_in_dim3A_688 : vector<112x1xf32>
    %eq3A_692 = vector.broadcast %add3A_677 : vector<1x256xi32> to vector<112x256xi32>
    %eq3A_693 = arith.cmpi eq, %select_n3A_59, %eq3A_692 : vector<112x256xi32>
    %convert_element_type3A_694 = arith.extui %eq3A_693 : vector<112x256xi1> to vector<112x256xi32>
    %convert_element_type3A_695 = arith.sitofp %convert_element_type3A_694 : vector<112x256xi32> to vector<112x256xf32>
    %reduce_sum3A_696 = arith.constant dense<0.000000e+00> : vector<112xf32>
    %reduce_sum3A_697 = vector.multi_reduction <add>, %convert_element_type3A_695, %reduce_sum3A_696 [1] : vector<112x256xf32> to vector<112xf32>
    %broadcast_in_dim3A_698 = vector.shape_cast %reduce_sum3A_697 : vector<112xf32> to vector<112x1xf32>
    %add3A_699 = arith.constant 1.000000e+00 : f32
    %add3A_700 = vector.broadcast %add3A_699 : f32 to vector<112x1xf32>
    %add3A_701 = arith.addf %add3A_700, %broadcast_in_dim3A_698 : vector<112x1xf32>
    %rsqrt3A_702 = math.rsqrt %add3A_691 : vector<112x1xf32>
    %rsqrt3A_703 = math.rsqrt %add3A_701 : vector<112x1xf32>
    %mul3A_704 = vector.broadcast %rsqrt3A_702 : vector<112x1xf32> to vector<112x256xf32>
    %mul3A_705 = arith.mulf %convert_element_type3A_681, %mul3A_704 : vector<112x256xf32>
    %convert_element_type3A_706 = arith.truncf %mul3A_705 : vector<112x256xf32> to vector<112x256xbf16>
    %mul3A_707 = vector.broadcast %rsqrt3A_703 : vector<112x1xf32> to vector<112x256xf32>
    %mul3A_708 = arith.mulf %convert_element_type3A_685, %mul3A_707 : vector<112x256xf32>
    %convert_element_type3A_709 = arith.truncf %mul3A_708 : vector<112x256xf32> to vector<112x256xbf16>
    %dot_general3A_710 = arith.constant dense<0.000000e+00> : vector<112x112xf32>
    %dot_general3A_711 = tpu.matmul %convert_element_type3A_706, %convert_element_type3A_709, %dot_general3A_710 {dimension_numbers = #tpu.dot_dimension_numbers<[1], [1], [0], [0], [0, 0, 1, 0], [], []>, transpose_lhs_hint = false} : vector<112x256xbf16>, vector<112x256xbf16>, vector<112x112xf32> -> vector<112x112xf32>
    %mul3A_712 = arith.mulf %rsqrt3A_702, %rsqrt3A_702 : vector<112x1xf32>
    %mul3A_713 = vector.broadcast %mul3A_712 : vector<112x1xf32> to vector<112x112xf32>
    %mul3A_714 = arith.mulf %convert_element_type3A_76, %mul3A_713 : vector<112x112xf32>
    %add3A_715 = arith.addf %dot_general3A_711, %mul3A_714 : vector<112x112xf32>
    %convert_element_type3A_716 = arith.truncf %add3A_715 : vector<112x112xf32> to vector<112x112xbf16>
    %slice3A_717 = vector.extract_strided_slice %convert_element_type3A_36 {offsets = [616, 0], sizes = [56, 128], strides = [1, 1]} : vector<3584x128xbf16> to vector<56x128xbf16>
    %slice3A_718 = vector.extract_strided_slice %convert_element_type3A_37 {offsets = [616, 0], sizes = [56, 128], strides = [1, 1]} : vector<3584x128xbf16> to vector<56x128xbf16>
    %concatenate3A_719 = tpu.concatenate %slice3A_717, %slice3A_718 in 0 : vector<56x128xbf16>, vector<56x128xbf16> -> vector<112x128xbf16>
    %dot_general3A_720 = arith.constant dense<0.000000e+00> : vector<112x128xf32>
    %dot_general3A_721 = tpu.matmul %convert_element_type3A_716, %concatenate3A_719, %dot_general3A_720 {dimension_numbers = #tpu.dot_dimension_numbers<[1], [0], [0], [1], [0, 0, 1, 1], [], []>, transpose_lhs_hint = false} : vector<112x112xbf16>, vector<112x128xbf16>, vector<112x128xf32> -> vector<112x128xf32>
    %slice3A_722 = vector.extract_strided_slice %squeeze3A {offsets = [24, 0], sizes = [1, 128], strides = [1, 1]} : vector<128x128xi32> to vector<1x128xi32>
    %slice3A_723 = vector.extract_strided_slice %squeeze3A {offsets = [25, 0], sizes = [1, 128], strides = [1, 1]} : vector<128x128xi32> to vector<1x128xi32>
    %concatenate3A_724 = tpu.concatenate %slice3A_722, %slice3A_723 in 1 : vector<1x128xi32>, vector<1x128xi32> -> vector<1x256xi32>
    %slice3A_725 = vector.extract_strided_slice %select_n3A {offsets = [0, 0], sizes = [1, 256], strides = [1, 1]} : vector<112x256xi32> to vector<1x256xi32>
    %add3A_726 = arith.addi %concatenate3A_724, %slice3A_725 : vector<1x256xi32>
    %slice3A_727 = vector.extract_strided_slice %squeeze3A_44 {offsets = [24, 0], sizes = [1, 128], strides = [1, 1]} : vector<128x128xi32> to vector<1x128xi32>
    %slice3A_728 = vector.extract_strided_slice %squeeze3A_44 {offsets = [25, 0], sizes = [1, 128], strides = [1, 1]} : vector<128x128xi32> to vector<1x128xi32>
    %concatenate3A_729 = tpu.concatenate %slice3A_727, %slice3A_728 in 1 : vector<1x128xi32>, vector<1x128xi32> -> vector<1x256xi32>
    %slice3A_730 = vector.extract_strided_slice %select_n3A {offsets = [0, 0], sizes = [1, 256], strides = [1, 1]} : vector<112x256xi32> to vector<1x256xi32>
    %add3A_731 = arith.addi %concatenate3A_729, %slice3A_730 : vector<1x256xi32>
    %eq3A_732 = vector.broadcast %add3A_731 : vector<1x256xi32> to vector<112x256xi32>
    %eq3A_733 = arith.cmpi eq, %iota3A, %eq3A_732 : vector<112x256xi32>
    %convert_element_type3A_734 = arith.extui %eq3A_733 : vector<112x256xi1> to vector<112x256xi32>
    %convert_element_type3A_735 = arith.sitofp %convert_element_type3A_734 : vector<112x256xi32> to vector<112x256xf32>
    %eq3A_736 = vector.broadcast %add3A_726 : vector<1x256xi32> to vector<112x256xi32>
    %eq3A_737 = arith.cmpi eq, %select_n3A_59, %eq3A_736 : vector<112x256xi32>
    %convert_element_type3A_738 = arith.extui %eq3A_737 : vector<112x256xi1> to vector<112x256xi32>
    %convert_element_type3A_739 = arith.sitofp %convert_element_type3A_738 : vector<112x256xi32> to vector<112x256xf32>
    %reduce_sum3A_740 = arith.constant dense<0.000000e+00> : vector<112xf32>
    %reduce_sum3A_741 = vector.multi_reduction <add>, %convert_element_type3A_735, %reduce_sum3A_740 [1] : vector<112x256xf32> to vector<112xf32>
    %broadcast_in_dim3A_742 = vector.shape_cast %reduce_sum3A_741 : vector<112xf32> to vector<112x1xf32>
    %add3A_743 = arith.constant 1.000000e+00 : f32
    %add3A_744 = vector.broadcast %add3A_743 : f32 to vector<112x1xf32>
    %add3A_745 = arith.addf %add3A_744, %broadcast_in_dim3A_742 : vector<112x1xf32>
    %eq3A_746 = vector.broadcast %add3A_731 : vector<1x256xi32> to vector<112x256xi32>
    %eq3A_747 = arith.cmpi eq, %select_n3A_59, %eq3A_746 : vector<112x256xi32>
    %convert_element_type3A_748 = arith.extui %eq3A_747 : vector<112x256xi1> to vector<112x256xi32>
    %convert_element_type3A_749 = arith.sitofp %convert_element_type3A_748 : vector<112x256xi32> to vector<112x256xf32>
    %reduce_sum3A_750 = arith.constant dense<0.000000e+00> : vector<112xf32>
    %reduce_sum3A_751 = vector.multi_reduction <add>, %convert_element_type3A_749, %reduce_sum3A_750 [1] : vector<112x256xf32> to vector<112xf32>
    %broadcast_in_dim3A_752 = vector.shape_cast %reduce_sum3A_751 : vector<112xf32> to vector<112x1xf32>
    %add3A_753 = arith.constant 1.000000e+00 : f32
    %add3A_754 = vector.broadcast %add3A_753 : f32 to vector<112x1xf32>
    %add3A_755 = arith.addf %add3A_754, %broadcast_in_dim3A_752 : vector<112x1xf32>
    %rsqrt3A_756 = math.rsqrt %add3A_745 : vector<112x1xf32>
    %rsqrt3A_757 = math.rsqrt %add3A_755 : vector<112x1xf32>
    %mul3A_758 = vector.broadcast %rsqrt3A_756 : vector<112x1xf32> to vector<112x256xf32>
    %mul3A_759 = arith.mulf %convert_element_type3A_735, %mul3A_758 : vector<112x256xf32>
    %convert_element_type3A_760 = arith.truncf %mul3A_759 : vector<112x256xf32> to vector<112x256xbf16>
    %mul3A_761 = vector.broadcast %rsqrt3A_757 : vector<112x1xf32> to vector<112x256xf32>
    %mul3A_762 = arith.mulf %convert_element_type3A_739, %mul3A_761 : vector<112x256xf32>
    %convert_element_type3A_763 = arith.truncf %mul3A_762 : vector<112x256xf32> to vector<112x256xbf16>
    %dot_general3A_764 = arith.constant dense<0.000000e+00> : vector<112x112xf32>
    %dot_general3A_765 = tpu.matmul %convert_element_type3A_760, %convert_element_type3A_763, %dot_general3A_764 {dimension_numbers = #tpu.dot_dimension_numbers<[1], [1], [0], [0], [0, 0, 1, 0], [], []>, transpose_lhs_hint = false} : vector<112x256xbf16>, vector<112x256xbf16>, vector<112x112xf32> -> vector<112x112xf32>
    %mul3A_766 = arith.mulf %rsqrt3A_756, %rsqrt3A_756 : vector<112x1xf32>
    %mul3A_767 = vector.broadcast %mul3A_766 : vector<112x1xf32> to vector<112x112xf32>
    %mul3A_768 = arith.mulf %convert_element_type3A_76, %mul3A_767 : vector<112x112xf32>
    %add3A_769 = arith.addf %dot_general3A_765, %mul3A_768 : vector<112x112xf32>
    %convert_element_type3A_770 = arith.truncf %add3A_769 : vector<112x112xf32> to vector<112x112xbf16>
    %slice3A_771 = vector.extract_strided_slice %convert_element_type3A_36 {offsets = [672, 0], sizes = [56, 128], strides = [1, 1]} : vector<3584x128xbf16> to vector<56x128xbf16>
    %slice3A_772 = vector.extract_strided_slice %convert_element_type3A_37 {offsets = [672, 0], sizes = [56, 128], strides = [1, 1]} : vector<3584x128xbf16> to vector<56x128xbf16>
    %concatenate3A_773 = tpu.concatenate %slice3A_771, %slice3A_772 in 0 : vector<56x128xbf16>, vector<56x128xbf16> -> vector<112x128xbf16>
    %dot_general3A_774 = arith.constant dense<0.000000e+00> : vector<112x128xf32>
    %dot_general3A_775 = tpu.matmul %convert_element_type3A_770, %concatenate3A_773, %dot_general3A_774 {dimension_numbers = #tpu.dot_dimension_numbers<[1], [0], [0], [1], [0, 0, 1, 1], [], []>, transpose_lhs_hint = false} : vector<112x112xbf16>, vector<112x128xbf16>, vector<112x128xf32> -> vector<112x128xf32>
    %slice3A_776 = vector.extract_strided_slice %squeeze3A {offsets = [26, 0], sizes = [1, 128], strides = [1, 1]} : vector<128x128xi32> to vector<1x128xi32>
    %slice3A_777 = vector.extract_strided_slice %squeeze3A {offsets = [27, 0], sizes = [1, 128], strides = [1, 1]} : vector<128x128xi32> to vector<1x128xi32>
    %concatenate3A_778 = tpu.concatenate %slice3A_776, %slice3A_777 in 1 : vector<1x128xi32>, vector<1x128xi32> -> vector<1x256xi32>
    %slice3A_779 = vector.extract_strided_slice %select_n3A {offsets = [0, 0], sizes = [1, 256], strides = [1, 1]} : vector<112x256xi32> to vector<1x256xi32>
    %add3A_780 = arith.addi %concatenate3A_778, %slice3A_779 : vector<1x256xi32>
    %slice3A_781 = vector.extract_strided_slice %squeeze3A_44 {offsets = [26, 0], sizes = [1, 128], strides = [1, 1]} : vector<128x128xi32> to vector<1x128xi32>
    %slice3A_782 = vector.extract_strided_slice %squeeze3A_44 {offsets = [27, 0], sizes = [1, 128], strides = [1, 1]} : vector<128x128xi32> to vector<1x128xi32>
    %concatenate3A_783 = tpu.concatenate %slice3A_781, %slice3A_782 in 1 : vector<1x128xi32>, vector<1x128xi32> -> vector<1x256xi32>
    %slice3A_784 = vector.extract_strided_slice %select_n3A {offsets = [0, 0], sizes = [1, 256], strides = [1, 1]} : vector<112x256xi32> to vector<1x256xi32>
    %add3A_785 = arith.addi %concatenate3A_783, %slice3A_784 : vector<1x256xi32>
    %eq3A_786 = vector.broadcast %add3A_785 : vector<1x256xi32> to vector<112x256xi32>
    %eq3A_787 = arith.cmpi eq, %iota3A, %eq3A_786 : vector<112x256xi32>
    %convert_element_type3A_788 = arith.extui %eq3A_787 : vector<112x256xi1> to vector<112x256xi32>
    %convert_element_type3A_789 = arith.sitofp %convert_element_type3A_788 : vector<112x256xi32> to vector<112x256xf32>
    %eq3A_790 = vector.broadcast %add3A_780 : vector<1x256xi32> to vector<112x256xi32>
    %eq3A_791 = arith.cmpi eq, %select_n3A_59, %eq3A_790 : vector<112x256xi32>
    %convert_element_type3A_792 = arith.extui %eq3A_791 : vector<112x256xi1> to vector<112x256xi32>
    %convert_element_type3A_793 = arith.sitofp %convert_element_type3A_792 : vector<112x256xi32> to vector<112x256xf32>
    %reduce_sum3A_794 = arith.constant dense<0.000000e+00> : vector<112xf32>
    %reduce_sum3A_795 = vector.multi_reduction <add>, %convert_element_type3A_789, %reduce_sum3A_794 [1] : vector<112x256xf32> to vector<112xf32>
    %broadcast_in_dim3A_796 = vector.shape_cast %reduce_sum3A_795 : vector<112xf32> to vector<112x1xf32>
    %add3A_797 = arith.constant 1.000000e+00 : f32
    %add3A_798 = vector.broadcast %add3A_797 : f32 to vector<112x1xf32>
    %add3A_799 = arith.addf %add3A_798, %broadcast_in_dim3A_796 : vector<112x1xf32>
    %eq3A_800 = vector.broadcast %add3A_785 : vector<1x256xi32> to vector<112x256xi32>
    %eq3A_801 = arith.cmpi eq, %select_n3A_59, %eq3A_800 : vector<112x256xi32>
    %convert_element_type3A_802 = arith.extui %eq3A_801 : vector<112x256xi1> to vector<112x256xi32>
    %convert_element_type3A_803 = arith.sitofp %convert_element_type3A_802 : vector<112x256xi32> to vector<112x256xf32>
    %reduce_sum3A_804 = arith.constant dense<0.000000e+00> : vector<112xf32>
    %reduce_sum3A_805 = vector.multi_reduction <add>, %convert_element_type3A_803, %reduce_sum3A_804 [1] : vector<112x256xf32> to vector<112xf32>
    %broadcast_in_dim3A_806 = vector.shape_cast %reduce_sum3A_805 : vector<112xf32> to vector<112x1xf32>
    %add3A_807 = arith.constant 1.000000e+00 : f32
    %add3A_808 = vector.broadcast %add3A_807 : f32 to vector<112x1xf32>
    %add3A_809 = arith.addf %add3A_808, %broadcast_in_dim3A_806 : vector<112x1xf32>
    %rsqrt3A_810 = math.rsqrt %add3A_799 : vector<112x1xf32>
    %rsqrt3A_811 = math.rsqrt %add3A_809 : vector<112x1xf32>
    %mul3A_812 = vector.broadcast %rsqrt3A_810 : vector<112x1xf32> to vector<112x256xf32>
    %mul3A_813 = arith.mulf %convert_element_type3A_789, %mul3A_812 : vector<112x256xf32>
    %convert_element_type3A_814 = arith.truncf %mul3A_813 : vector<112x256xf32> to vector<112x256xbf16>
    %mul3A_815 = vector.broadcast %rsqrt3A_811 : vector<112x1xf32> to vector<112x256xf32>
    %mul3A_816 = arith.mulf %convert_element_type3A_793, %mul3A_815 : vector<112x256xf32>
    %convert_element_type3A_817 = arith.truncf %mul3A_816 : vector<112x256xf32> to vector<112x256xbf16>
    %dot_general3A_818 = arith.constant dense<0.000000e+00> : vector<112x112xf32>
    %dot_general3A_819 = tpu.matmul %convert_element_type3A_814, %convert_element_type3A_817, %dot_general3A_818 {dimension_numbers = #tpu.dot_dimension_numbers<[1], [1], [0], [0], [0, 0, 1, 0], [], []>, transpose_lhs_hint = false} : vector<112x256xbf16>, vector<112x256xbf16>, vector<112x112xf32> -> vector<112x112xf32>
    %mul3A_820 = arith.mulf %rsqrt3A_810, %rsqrt3A_810 : vector<112x1xf32>
    %mul3A_821 = vector.broadcast %mul3A_820 : vector<112x1xf32> to vector<112x112xf32>
    %mul3A_822 = arith.mulf %convert_element_type3A_76, %mul3A_821 : vector<112x112xf32>
    %add3A_823 = arith.addf %dot_general3A_819, %mul3A_822 : vector<112x112xf32>
    %convert_element_type3A_824 = arith.truncf %add3A_823 : vector<112x112xf32> to vector<112x112xbf16>
    %slice3A_825 = vector.extract_strided_slice %convert_element_type3A_36 {offsets = [728, 0], sizes = [56, 128], strides = [1, 1]} : vector<3584x128xbf16> to vector<56x128xbf16>
    %slice3A_826 = vector.extract_strided_slice %convert_element_type3A_37 {offsets = [728, 0], sizes = [56, 128], strides = [1, 1]} : vector<3584x128xbf16> to vector<56x128xbf16>
    %concatenate3A_827 = tpu.concatenate %slice3A_825, %slice3A_826 in 0 : vector<56x128xbf16>, vector<56x128xbf16> -> vector<112x128xbf16>
    %dot_general3A_828 = arith.constant dense<0.000000e+00> : vector<112x128xf32>
    %dot_general3A_829 = tpu.matmul %convert_element_type3A_824, %concatenate3A_827, %dot_general3A_828 {dimension_numbers = #tpu.dot_dimension_numbers<[1], [0], [0], [1], [0, 0, 1, 1], [], []>, transpose_lhs_hint = false} : vector<112x112xbf16>, vector<112x128xbf16>, vector<112x128xf32> -> vector<112x128xf32>
    %slice3A_830 = vector.extract_strided_slice %squeeze3A {offsets = [28, 0], sizes = [1, 128], strides = [1, 1]} : vector<128x128xi32> to vector<1x128xi32>
    %slice3A_831 = vector.extract_strided_slice %squeeze3A {offsets = [29, 0], sizes = [1, 128], strides = [1, 1]} : vector<128x128xi32> to vector<1x128xi32>
    %concatenate3A_832 = tpu.concatenate %slice3A_830, %slice3A_831 in 1 : vector<1x128xi32>, vector<1x128xi32> -> vector<1x256xi32>
    %slice3A_833 = vector.extract_strided_slice %select_n3A {offsets = [0, 0], sizes = [1, 256], strides = [1, 1]} : vector<112x256xi32> to vector<1x256xi32>
    %add3A_834 = arith.addi %concatenate3A_832, %slice3A_833 : vector<1x256xi32>
    %slice3A_835 = vector.extract_strided_slice %squeeze3A_44 {offsets = [28, 0], sizes = [1, 128], strides = [1, 1]} : vector<128x128xi32> to vector<1x128xi32>
    %slice3A_836 = vector.extract_strided_slice %squeeze3A_44 {offsets = [29, 0], sizes = [1, 128], strides = [1, 1]} : vector<128x128xi32> to vector<1x128xi32>
    %concatenate3A_837 = tpu.concatenate %slice3A_835, %slice3A_836 in 1 : vector<1x128xi32>, vector<1x128xi32> -> vector<1x256xi32>
    %slice3A_838 = vector.extract_strided_slice %select_n3A {offsets = [0, 0], sizes = [1, 256], strides = [1, 1]} : vector<112x256xi32> to vector<1x256xi32>
    %add3A_839 = arith.addi %concatenate3A_837, %slice3A_838 : vector<1x256xi32>
    %eq3A_840 = vector.broadcast %add3A_839 : vector<1x256xi32> to vector<112x256xi32>
    %eq3A_841 = arith.cmpi eq, %iota3A, %eq3A_840 : vector<112x256xi32>
    %convert_element_type3A_842 = arith.extui %eq3A_841 : vector<112x256xi1> to vector<112x256xi32>
    %convert_element_type3A_843 = arith.sitofp %convert_element_type3A_842 : vector<112x256xi32> to vector<112x256xf32>
    %eq3A_844 = vector.broadcast %add3A_834 : vector<1x256xi32> to vector<112x256xi32>
    %eq3A_845 = arith.cmpi eq, %select_n3A_59, %eq3A_844 : vector<112x256xi32>
    %convert_element_type3A_846 = arith.extui %eq3A_845 : vector<112x256xi1> to vector<112x256xi32>
    %convert_element_type3A_847 = arith.sitofp %convert_element_type3A_846 : vector<112x256xi32> to vector<112x256xf32>
    %reduce_sum3A_848 = arith.constant dense<0.000000e+00> : vector<112xf32>
    %reduce_sum3A_849 = vector.multi_reduction <add>, %convert_element_type3A_843, %reduce_sum3A_848 [1] : vector<112x256xf32> to vector<112xf32>
    %broadcast_in_dim3A_850 = vector.shape_cast %reduce_sum3A_849 : vector<112xf32> to vector<112x1xf32>
    %add3A_851 = arith.constant 1.000000e+00 : f32
    %add3A_852 = vector.broadcast %add3A_851 : f32 to vector<112x1xf32>
    %add3A_853 = arith.addf %add3A_852, %broadcast_in_dim3A_850 : vector<112x1xf32>
    %eq3A_854 = vector.broadcast %add3A_839 : vector<1x256xi32> to vector<112x256xi32>
    %eq3A_855 = arith.cmpi eq, %select_n3A_59, %eq3A_854 : vector<112x256xi32>
    %convert_element_type3A_856 = arith.extui %eq3A_855 : vector<112x256xi1> to vector<112x256xi32>
    %convert_element_type3A_857 = arith.sitofp %convert_element_type3A_856 : vector<112x256xi32> to vector<112x256xf32>
    %reduce_sum3A_858 = arith.constant dense<0.000000e+00> : vector<112xf32>
    %reduce_sum3A_859 = vector.multi_reduction <add>, %convert_element_type3A_857, %reduce_sum3A_858 [1] : vector<112x256xf32> to vector<112xf32>
    %broadcast_in_dim3A_860 = vector.shape_cast %reduce_sum3A_859 : vector<112xf32> to vector<112x1xf32>
    %add3A_861 = arith.constant 1.000000e+00 : f32
    %add3A_862 = vector.broadcast %add3A_861 : f32 to vector<112x1xf32>
    %add3A_863 = arith.addf %add3A_862, %broadcast_in_dim3A_860 : vector<112x1xf32>
    %rsqrt3A_864 = math.rsqrt %add3A_853 : vector<112x1xf32>
    %rsqrt3A_865 = math.rsqrt %add3A_863 : vector<112x1xf32>
    %mul3A_866 = vector.broadcast %rsqrt3A_864 : vector<112x1xf32> to vector<112x256xf32>
    %mul3A_867 = arith.mulf %convert_element_type3A_843, %mul3A_866 : vector<112x256xf32>
    %convert_element_type3A_868 = arith.truncf %mul3A_867 : vector<112x256xf32> to vector<112x256xbf16>
    %mul3A_869 = vector.broadcast %rsqrt3A_865 : vector<112x1xf32> to vector<112x256xf32>
    %mul3A_870 = arith.mulf %convert_element_type3A_847, %mul3A_869 : vector<112x256xf32>
    %convert_element_type3A_871 = arith.truncf %mul3A_870 : vector<112x256xf32> to vector<112x256xbf16>
    %dot_general3A_872 = arith.constant dense<0.000000e+00> : vector<112x112xf32>
    %dot_general3A_873 = tpu.matmul %convert_element_type3A_868, %convert_element_type3A_871, %dot_general3A_872 {dimension_numbers = #tpu.dot_dimension_numbers<[1], [1], [0], [0], [0, 0, 1, 0], [], []>, transpose_lhs_hint = false} : vector<112x256xbf16>, vector<112x256xbf16>, vector<112x112xf32> -> vector<112x112xf32>
    %mul3A_874 = arith.mulf %rsqrt3A_864, %rsqrt3A_864 : vector<112x1xf32>
    %mul3A_875 = vector.broadcast %mul3A_874 : vector<112x1xf32> to vector<112x112xf32>
    %mul3A_876 = arith.mulf %convert_element_type3A_76, %mul3A_875 : vector<112x112xf32>
    %add3A_877 = arith.addf %dot_general3A_873, %mul3A_876 : vector<112x112xf32>
    %convert_element_type3A_878 = arith.truncf %add3A_877 : vector<112x112xf32> to vector<112x112xbf16>
    %slice3A_879 = vector.extract_strided_slice %convert_element_type3A_36 {offsets = [784, 0], sizes = [56, 128], strides = [1, 1]} : vector<3584x128xbf16> to vector<56x128xbf16>
    %slice3A_880 = vector.extract_strided_slice %convert_element_type3A_37 {offsets = [784, 0], sizes = [56, 128], strides = [1, 1]} : vector<3584x128xbf16> to vector<56x128xbf16>
    %concatenate3A_881 = tpu.concatenate %slice3A_879, %slice3A_880 in 0 : vector<56x128xbf16>, vector<56x128xbf16> -> vector<112x128xbf16>
    %dot_general3A_882 = arith.constant dense<0.000000e+00> : vector<112x128xf32>
    %dot_general3A_883 = tpu.matmul %convert_element_type3A_878, %concatenate3A_881, %dot_general3A_882 {dimension_numbers = #tpu.dot_dimension_numbers<[1], [0], [0], [1], [0, 0, 1, 1], [], []>, transpose_lhs_hint = false} : vector<112x112xbf16>, vector<112x128xbf16>, vector<112x128xf32> -> vector<112x128xf32>
    %slice3A_884 = vector.extract_strided_slice %squeeze3A {offsets = [30, 0], sizes = [1, 128], strides = [1, 1]} : vector<128x128xi32> to vector<1x128xi32>
    %slice3A_885 = vector.extract_strided_slice %squeeze3A {offsets = [31, 0], sizes = [1, 128], strides = [1, 1]} : vector<128x128xi32> to vector<1x128xi32>
    %concatenate3A_886 = tpu.concatenate %slice3A_884, %slice3A_885 in 1 : vector<1x128xi32>, vector<1x128xi32> -> vector<1x256xi32>
    %slice3A_887 = vector.extract_strided_slice %select_n3A {offsets = [0, 0], sizes = [1, 256], strides = [1, 1]} : vector<112x256xi32> to vector<1x256xi32>
    %add3A_888 = arith.addi %concatenate3A_886, %slice3A_887 : vector<1x256xi32>
    %slice3A_889 = vector.extract_strided_slice %squeeze3A_44 {offsets = [30, 0], sizes = [1, 128], strides = [1, 1]} : vector<128x128xi32> to vector<1x128xi32>
    %slice3A_890 = vector.extract_strided_slice %squeeze3A_44 {offsets = [31, 0], sizes = [1, 128], strides = [1, 1]} : vector<128x128xi32> to vector<1x128xi32>
    %concatenate3A_891 = tpu.concatenate %slice3A_889, %slice3A_890 in 1 : vector<1x128xi32>, vector<1x128xi32> -> vector<1x256xi32>
    %slice3A_892 = vector.extract_strided_slice %select_n3A {offsets = [0, 0], sizes = [1, 256], strides = [1, 1]} : vector<112x256xi32> to vector<1x256xi32>
    %add3A_893 = arith.addi %concatenate3A_891, %slice3A_892 : vector<1x256xi32>
    %eq3A_894 = vector.broadcast %add3A_893 : vector<1x256xi32> to vector<112x256xi32>
    %eq3A_895 = arith.cmpi eq, %iota3A, %eq3A_894 : vector<112x256xi32>
    %convert_element_type3A_896 = arith.extui %eq3A_895 : vector<112x256xi1> to vector<112x256xi32>
    %convert_element_type3A_897 = arith.sitofp %convert_element_type3A_896 : vector<112x256xi32> to vector<112x256xf32>
    %eq3A_898 = vector.broadcast %add3A_888 : vector<1x256xi32> to vector<112x256xi32>
    %eq3A_899 = arith.cmpi eq, %select_n3A_59, %eq3A_898 : vector<112x256xi32>
    %convert_element_type3A_900 = arith.extui %eq3A_899 : vector<112x256xi1> to vector<112x256xi32>
    %convert_element_type3A_901 = arith.sitofp %convert_element_type3A_900 : vector<112x256xi32> to vector<112x256xf32>
    %reduce_sum3A_902 = arith.constant dense<0.000000e+00> : vector<112xf32>
    %reduce_sum3A_903 = vector.multi_reduction <add>, %convert_element_type3A_897, %reduce_sum3A_902 [1] : vector<112x256xf32> to vector<112xf32>
    %broadcast_in_dim3A_904 = vector.shape_cast %reduce_sum3A_903 : vector<112xf32> to vector<112x1xf32>
    %add3A_905 = arith.constant 1.000000e+00 : f32
    %add3A_906 = vector.broadcast %add3A_905 : f32 to vector<112x1xf32>
    %add3A_907 = arith.addf %add3A_906, %broadcast_in_dim3A_904 : vector<112x1xf32>
    %eq3A_908 = vector.broadcast %add3A_893 : vector<1x256xi32> to vector<112x256xi32>
    %eq3A_909 = arith.cmpi eq, %select_n3A_59, %eq3A_908 : vector<112x256xi32>
    %convert_element_type3A_910 = arith.extui %eq3A_909 : vector<112x256xi1> to vector<112x256xi32>
    %convert_element_type3A_911 = arith.sitofp %convert_element_type3A_910 : vector<112x256xi32> to vector<112x256xf32>
    %reduce_sum3A_912 = arith.constant dense<0.000000e+00> : vector<112xf32>
    %reduce_sum3A_913 = vector.multi_reduction <add>, %convert_element_type3A_911, %reduce_sum3A_912 [1] : vector<112x256xf32> to vector<112xf32>
    %broadcast_in_dim3A_914 = vector.shape_cast %reduce_sum3A_913 : vector<112xf32> to vector<112x1xf32>
    %add3A_915 = arith.constant 1.000000e+00 : f32
    %add3A_916 = vector.broadcast %add3A_915 : f32 to vector<112x1xf32>
    %add3A_917 = arith.addf %add3A_916, %broadcast_in_dim3A_914 : vector<112x1xf32>
    %rsqrt3A_918 = math.rsqrt %add3A_907 : vector<112x1xf32>
    %rsqrt3A_919 = math.rsqrt %add3A_917 : vector<112x1xf32>
    %mul3A_920 = vector.broadcast %rsqrt3A_918 : vector<112x1xf32> to vector<112x256xf32>
    %mul3A_921 = arith.mulf %convert_element_type3A_897, %mul3A_920 : vector<112x256xf32>
    %convert_element_type3A_922 = arith.truncf %mul3A_921 : vector<112x256xf32> to vector<112x256xbf16>
    %mul3A_923 = vector.broadcast %rsqrt3A_919 : vector<112x1xf32> to vector<112x256xf32>
    %mul3A_924 = arith.mulf %convert_element_type3A_901, %mul3A_923 : vector<112x256xf32>
    %convert_element_type3A_925 = arith.truncf %mul3A_924 : vector<112x256xf32> to vector<112x256xbf16>
    %dot_general3A_926 = arith.constant dense<0.000000e+00> : vector<112x112xf32>
    %dot_general3A_927 = tpu.matmul %convert_element_type3A_922, %convert_element_type3A_925, %dot_general3A_926 {dimension_numbers = #tpu.dot_dimension_numbers<[1], [1], [0], [0], [0, 0, 1, 0], [], []>, transpose_lhs_hint = false} : vector<112x256xbf16>, vector<112x256xbf16>, vector<112x112xf32> -> vector<112x112xf32>
    %mul3A_928 = arith.mulf %rsqrt3A_918, %rsqrt3A_918 : vector<112x1xf32>
    %mul3A_929 = vector.broadcast %mul3A_928 : vector<112x1xf32> to vector<112x112xf32>
    %mul3A_930 = arith.mulf %convert_element_type3A_76, %mul3A_929 : vector<112x112xf32>
    %add3A_931 = arith.addf %dot_general3A_927, %mul3A_930 : vector<112x112xf32>
    %convert_element_type3A_932 = arith.truncf %add3A_931 : vector<112x112xf32> to vector<112x112xbf16>
    %slice3A_933 = vector.extract_strided_slice %convert_element_type3A_36 {offsets = [840, 0], sizes = [56, 128], strides = [1, 1]} : vector<3584x128xbf16> to vector<56x128xbf16>
    %slice3A_934 = vector.extract_strided_slice %convert_element_type3A_37 {offsets = [840, 0], sizes = [56, 128], strides = [1, 1]} : vector<3584x128xbf16> to vector<56x128xbf16>
    %concatenate3A_935 = tpu.concatenate %slice3A_933, %slice3A_934 in 0 : vector<56x128xbf16>, vector<56x128xbf16> -> vector<112x128xbf16>
    %dot_general3A_936 = arith.constant dense<0.000000e+00> : vector<112x128xf32>
    %dot_general3A_937 = tpu.matmul %convert_element_type3A_932, %concatenate3A_935, %dot_general3A_936 {dimension_numbers = #tpu.dot_dimension_numbers<[1], [0], [0], [1], [0, 0, 1, 1], [], []>, transpose_lhs_hint = false} : vector<112x112xbf16>, vector<112x128xbf16>, vector<112x128xf32> -> vector<112x128xf32>
    %slice3A_938 = vector.extract_strided_slice %squeeze3A {offsets = [32, 0], sizes = [1, 128], strides = [1, 1]} : vector<128x128xi32> to vector<1x128xi32>
    %slice3A_939 = vector.extract_strided_slice %squeeze3A {offsets = [33, 0], sizes = [1, 128], strides = [1, 1]} : vector<128x128xi32> to vector<1x128xi32>
    %concatenate3A_940 = tpu.concatenate %slice3A_938, %slice3A_939 in 1 : vector<1x128xi32>, vector<1x128xi32> -> vector<1x256xi32>
    %slice3A_941 = vector.extract_strided_slice %select_n3A {offsets = [0, 0], sizes = [1, 256], strides = [1, 1]} : vector<112x256xi32> to vector<1x256xi32>
    %add3A_942 = arith.addi %concatenate3A_940, %slice3A_941 : vector<1x256xi32>
    %slice3A_943 = vector.extract_strided_slice %squeeze3A_44 {offsets = [32, 0], sizes = [1, 128], strides = [1, 1]} : vector<128x128xi32> to vector<1x128xi32>
    %slice3A_944 = vector.extract_strided_slice %squeeze3A_44 {offsets = [33, 0], sizes = [1, 128], strides = [1, 1]} : vector<128x128xi32> to vector<1x128xi32>
    %concatenate3A_945 = tpu.concatenate %slice3A_943, %slice3A_944 in 1 : vector<1x128xi32>, vector<1x128xi32> -> vector<1x256xi32>
    %slice3A_946 = vector.extract_strided_slice %select_n3A {offsets = [0, 0], sizes = [1, 256], strides = [1, 1]} : vector<112x256xi32> to vector<1x256xi32>
    %add3A_947 = arith.addi %concatenate3A_945, %slice3A_946 : vector<1x256xi32>
    %eq3A_948 = vector.broadcast %add3A_947 : vector<1x256xi32> to vector<112x256xi32>
    %eq3A_949 = arith.cmpi eq, %iota3A, %eq3A_948 : vector<112x256xi32>
    %convert_element_type3A_950 = arith.extui %eq3A_949 : vector<112x256xi1> to vector<112x256xi32>
    %convert_element_type3A_951 = arith.sitofp %convert_element_type3A_950 : vector<112x256xi32> to vector<112x256xf32>
    %eq3A_952 = vector.broadcast %add3A_942 : vector<1x256xi32> to vector<112x256xi32>
    %eq3A_953 = arith.cmpi eq, %select_n3A_59, %eq3A_952 : vector<112x256xi32>
    %convert_element_type3A_954 = arith.extui %eq3A_953 : vector<112x256xi1> to vector<112x256xi32>
    %convert_element_type3A_955 = arith.sitofp %convert_element_type3A_954 : vector<112x256xi32> to vector<112x256xf32>
    %reduce_sum3A_956 = arith.constant dense<0.000000e+00> : vector<112xf32>
    %reduce_sum3A_957 = vector.multi_reduction <add>, %convert_element_type3A_951, %reduce_sum3A_956 [1] : vector<112x256xf32> to vector<112xf32>
    %broadcast_in_dim3A_958 = vector.shape_cast %reduce_sum3A_957 : vector<112xf32> to vector<112x1xf32>
    %add3A_959 = arith.constant 1.000000e+00 : f32
    %add3A_960 = vector.broadcast %add3A_959 : f32 to vector<112x1xf32>
    %add3A_961 = arith.addf %add3A_960, %broadcast_in_dim3A_958 : vector<112x1xf32>
    %eq3A_962 = vector.broadcast %add3A_947 : vector<1x256xi32> to vector<112x256xi32>
    %eq3A_963 = arith.cmpi eq, %select_n3A_59, %eq3A_962 : vector<112x256xi32>
    %convert_element_type3A_964 = arith.extui %eq3A_963 : vector<112x256xi1> to vector<112x256xi32>
    %convert_element_type3A_965 = arith.sitofp %convert_element_type3A_964 : vector<112x256xi32> to vector<112x256xf32>
    %reduce_sum3A_966 = arith.constant dense<0.000000e+00> : vector<112xf32>
    %reduce_sum3A_967 = vector.multi_reduction <add>, %convert_element_type3A_965, %reduce_sum3A_966 [1] : vector<112x256xf32> to vector<112xf32>
    %broadcast_in_dim3A_968 = vector.shape_cast %reduce_sum3A_967 : vector<112xf32> to vector<112x1xf32>
    %add3A_969 = arith.constant 1.000000e+00 : f32
    %add3A_970 = vector.broadcast %add3A_969 : f32 to vector<112x1xf32>
    %add3A_971 = arith.addf %add3A_970, %broadcast_in_dim3A_968 : vector<112x1xf32>
    %rsqrt3A_972 = math.rsqrt %add3A_961 : vector<112x1xf32>
    %rsqrt3A_973 = math.rsqrt %add3A_971 : vector<112x1xf32>
    %mul3A_974 = vector.broadcast %rsqrt3A_972 : vector<112x1xf32> to vector<112x256xf32>
    %mul3A_975 = arith.mulf %convert_element_type3A_951, %mul3A_974 : vector<112x256xf32>
    %convert_element_type3A_976 = arith.truncf %mul3A_975 : vector<112x256xf32> to vector<112x256xbf16>
    %mul3A_977 = vector.broadcast %rsqrt3A_973 : vector<112x1xf32> to vector<112x256xf32>
    %mul3A_978 = arith.mulf %convert_element_type3A_955, %mul3A_977 : vector<112x256xf32>
    %convert_element_type3A_979 = arith.truncf %mul3A_978 : vector<112x256xf32> to vector<112x256xbf16>
    %dot_general3A_980 = arith.constant dense<0.000000e+00> : vector<112x112xf32>
    %dot_general3A_981 = tpu.matmul %convert_element_type3A_976, %convert_element_type3A_979, %dot_general3A_980 {dimension_numbers = #tpu.dot_dimension_numbers<[1], [1], [0], [0], [0, 0, 1, 0], [], []>, transpose_lhs_hint = false} : vector<112x256xbf16>, vector<112x256xbf16>, vector<112x112xf32> -> vector<112x112xf32>
    %mul3A_982 = arith.mulf %rsqrt3A_972, %rsqrt3A_972 : vector<112x1xf32>
    %mul3A_983 = vector.broadcast %mul3A_982 : vector<112x1xf32> to vector<112x112xf32>
    %mul3A_984 = arith.mulf %convert_element_type3A_76, %mul3A_983 : vector<112x112xf32>
    %add3A_985 = arith.addf %dot_general3A_981, %mul3A_984 : vector<112x112xf32>
    %convert_element_type3A_986 = arith.truncf %add3A_985 : vector<112x112xf32> to vector<112x112xbf16>
    %slice3A_987 = vector.extract_strided_slice %convert_element_type3A_36 {offsets = [896, 0], sizes = [56, 128], strides = [1, 1]} : vector<3584x128xbf16> to vector<56x128xbf16>
    %slice3A_988 = vector.extract_strided_slice %convert_element_type3A_37 {offsets = [896, 0], sizes = [56, 128], strides = [1, 1]} : vector<3584x128xbf16> to vector<56x128xbf16>
    %concatenate3A_989 = tpu.concatenate %slice3A_987, %slice3A_988 in 0 : vector<56x128xbf16>, vector<56x128xbf16> -> vector<112x128xbf16>
    %dot_general3A_990 = arith.constant dense<0.000000e+00> : vector<112x128xf32>
    %dot_general3A_991 = tpu.matmul %convert_element_type3A_986, %concatenate3A_989, %dot_general3A_990 {dimension_numbers = #tpu.dot_dimension_numbers<[1], [0], [0], [1], [0, 0, 1, 1], [], []>, transpose_lhs_hint = false} : vector<112x112xbf16>, vector<112x128xbf16>, vector<112x128xf32> -> vector<112x128xf32>
    %slice3A_992 = vector.extract_strided_slice %squeeze3A {offsets = [34, 0], sizes = [1, 128], strides = [1, 1]} : vector<128x128xi32> to vector<1x128xi32>
    %slice3A_993 = vector.extract_strided_slice %squeeze3A {offsets = [35, 0], sizes = [1, 128], strides = [1, 1]} : vector<128x128xi32> to vector<1x128xi32>
    %concatenate3A_994 = tpu.concatenate %slice3A_992, %slice3A_993 in 1 : vector<1x128xi32>, vector<1x128xi32> -> vector<1x256xi32>
    %slice3A_995 = vector.extract_strided_slice %select_n3A {offsets = [0, 0], sizes = [1, 256], strides = [1, 1]} : vector<112x256xi32> to vector<1x256xi32>
    %add3A_996 = arith.addi %concatenate3A_994, %slice3A_995 : vector<1x256xi32>
    %slice3A_997 = vector.extract_strided_slice %squeeze3A_44 {offsets = [34, 0], sizes = [1, 128], strides = [1, 1]} : vector<128x128xi32> to vector<1x128xi32>
    %slice3A_998 = vector.extract_strided_slice %squeeze3A_44 {offsets = [35, 0], sizes = [1, 128], strides = [1, 1]} : vector<128x128xi32> to vector<1x128xi32>
    %concatenate3A_999 = tpu.concatenate %slice3A_997, %slice3A_998 in 1 : vector<1x128xi32>, vector<1x128xi32> -> vector<1x256xi32>
    %slice3A_1000 = vector.extract_strided_slice %select_n3A {offsets = [0, 0], sizes = [1, 256], strides = [1, 1]} : vector<112x256xi32> to vector<1x256xi32>
    %add3A_1001 = arith.addi %concatenate3A_999, %slice3A_1000 : vector<1x256xi32>
    %eq3A_1002 = vector.broadcast %add3A_1001 : vector<1x256xi32> to vector<112x256xi32>
    %eq3A_1003 = arith.cmpi eq, %iota3A, %eq3A_1002 : vector<112x256xi32>
    %convert_element_type3A_1004 = arith.extui %eq3A_1003 : vector<112x256xi1> to vector<112x256xi32>
    %convert_element_type3A_1005 = arith.sitofp %convert_element_type3A_1004 : vector<112x256xi32> to vector<112x256xf32>
    %eq3A_1006 = vector.broadcast %add3A_996 : vector<1x256xi32> to vector<112x256xi32>
    %eq3A_1007 = arith.cmpi eq, %select_n3A_59, %eq3A_1006 : vector<112x256xi32>
    %convert_element_type3A_1008 = arith.extui %eq3A_1007 : vector<112x256xi1> to vector<112x256xi32>
    %convert_element_type3A_1009 = arith.sitofp %convert_element_type3A_1008 : vector<112x256xi32> to vector<112x256xf32>
    %reduce_sum3A_1010 = arith.constant dense<0.000000e+00> : vector<112xf32>
    %reduce_sum3A_1011 = vector.multi_reduction <add>, %convert_element_type3A_1005, %reduce_sum3A_1010 [1] : vector<112x256xf32> to vector<112xf32>
    %broadcast_in_dim3A_1012 = vector.shape_cast %reduce_sum3A_1011 : vector<112xf32> to vector<112x1xf32>
    %add3A_1013 = arith.constant 1.000000e+00 : f32
    %add3A_1014 = vector.broadcast %add3A_1013 : f32 to vector<112x1xf32>
    %add3A_1015 = arith.addf %add3A_1014, %broadcast_in_dim3A_1012 : vector<112x1xf32>
    %eq3A_1016 = vector.broadcast %add3A_1001 : vector<1x256xi32> to vector<112x256xi32>
    %eq3A_1017 = arith.cmpi eq, %select_n3A_59, %eq3A_1016 : vector<112x256xi32>
    %convert_element_type3A_1018 = arith.extui %eq3A_1017 : vector<112x256xi1> to vector<112x256xi32>
    %convert_element_type3A_1019 = arith.sitofp %convert_element_type3A_1018 : vector<112x256xi32> to vector<112x256xf32>
    %reduce_sum3A_1020 = arith.constant dense<0.000000e+00> : vector<112xf32>
    %reduce_sum3A_1021 = vector.multi_reduction <add>, %convert_element_type3A_1019, %reduce_sum3A_1020 [1] : vector<112x256xf32> to vector<112xf32>
    %broadcast_in_dim3A_1022 = vector.shape_cast %reduce_sum3A_1021 : vector<112xf32> to vector<112x1xf32>
    %add3A_1023 = arith.constant 1.000000e+00 : f32
    %add3A_1024 = vector.broadcast %add3A_1023 : f32 to vector<112x1xf32>
    %add3A_1025 = arith.addf %add3A_1024, %broadcast_in_dim3A_1022 : vector<112x1xf32>
    %rsqrt3A_1026 = math.rsqrt %add3A_1015 : vector<112x1xf32>
    %rsqrt3A_1027 = math.rsqrt %add3A_1025 : vector<112x1xf32>
    %mul3A_1028 = vector.broadcast %rsqrt3A_1026 : vector<112x1xf32> to vector<112x256xf32>
    %mul3A_1029 = arith.mulf %convert_element_type3A_1005, %mul3A_1028 : vector<112x256xf32>
    %convert_element_type3A_1030 = arith.truncf %mul3A_1029 : vector<112x256xf32> to vector<112x256xbf16>
    %mul3A_1031 = vector.broadcast %rsqrt3A_1027 : vector<112x1xf32> to vector<112x256xf32>
    %mul3A_1032 = arith.mulf %convert_element_type3A_1009, %mul3A_1031 : vector<112x256xf32>
    %convert_element_type3A_1033 = arith.truncf %mul3A_1032 : vector<112x256xf32> to vector<112x256xbf16>
    %dot_general3A_1034 = arith.constant dense<0.000000e+00> : vector<112x112xf32>
    %dot_general3A_1035 = tpu.matmul %convert_element_type3A_1030, %convert_element_type3A_1033, %dot_general3A_1034 {dimension_numbers = #tpu.dot_dimension_numbers<[1], [1], [0], [0], [0, 0, 1, 0], [], []>, transpose_lhs_hint = false} : vector<112x256xbf16>, vector<112x256xbf16>, vector<112x112xf32> -> vector<112x112xf32>
    %mul3A_1036 = arith.mulf %rsqrt3A_1026, %rsqrt3A_1026 : vector<112x1xf32>
    %mul3A_1037 = vector.broadcast %mul3A_1036 : vector<112x1xf32> to vector<112x112xf32>
    %mul3A_1038 = arith.mulf %convert_element_type3A_76, %mul3A_1037 : vector<112x112xf32>
    %add3A_1039 = arith.addf %dot_general3A_1035, %mul3A_1038 : vector<112x112xf32>
    %convert_element_type3A_1040 = arith.truncf %add3A_1039 : vector<112x112xf32> to vector<112x112xbf16>
    %slice3A_1041 = vector.extract_strided_slice %convert_element_type3A_36 {offsets = [952, 0], sizes = [56, 128], strides = [1, 1]} : vector<3584x128xbf16> to vector<56x128xbf16>
    %slice3A_1042 = vector.extract_strided_slice %convert_element_type3A_37 {offsets = [952, 0], sizes = [56, 128], strides = [1, 1]} : vector<3584x128xbf16> to vector<56x128xbf16>
    %concatenate3A_1043 = tpu.concatenate %slice3A_1041, %slice3A_1042 in 0 : vector<56x128xbf16>, vector<56x128xbf16> -> vector<112x128xbf16>
    %dot_general3A_1044 = arith.constant dense<0.000000e+00> : vector<112x128xf32>
    %dot_general3A_1045 = tpu.matmul %convert_element_type3A_1040, %concatenate3A_1043, %dot_general3A_1044 {dimension_numbers = #tpu.dot_dimension_numbers<[1], [0], [0], [1], [0, 0, 1, 1], [], []>, transpose_lhs_hint = false} : vector<112x112xbf16>, vector<112x128xbf16>, vector<112x128xf32> -> vector<112x128xf32>
    %slice3A_1046 = vector.extract_strided_slice %squeeze3A {offsets = [36, 0], sizes = [1, 128], strides = [1, 1]} : vector<128x128xi32> to vector<1x128xi32>
    %slice3A_1047 = vector.extract_strided_slice %squeeze3A {offsets = [37, 0], sizes = [1, 128], strides = [1, 1]} : vector<128x128xi32> to vector<1x128xi32>
    %concatenate3A_1048 = tpu.concatenate %slice3A_1046, %slice3A_1047 in 1 : vector<1x128xi32>, vector<1x128xi32> -> vector<1x256xi32>
    %slice3A_1049 = vector.extract_strided_slice %select_n3A {offsets = [0, 0], sizes = [1, 256], strides = [1, 1]} : vector<112x256xi32> to vector<1x256xi32>
    %add3A_1050 = arith.addi %concatenate3A_1048, %slice3A_1049 : vector<1x256xi32>
    %slice3A_1051 = vector.extract_strided_slice %squeeze3A_44 {offsets = [36, 0], sizes = [1, 128], strides = [1, 1]} : vector<128x128xi32> to vector<1x128xi32>
    %slice3A_1052 = vector.extract_strided_slice %squeeze3A_44 {offsets = [37, 0], sizes = [1, 128], strides = [1, 1]} : vector<128x128xi32> to vector<1x128xi32>
    %concatenate3A_1053 = tpu.concatenate %slice3A_1051, %slice3A_1052 in 1 : vector<1x128xi32>, vector<1x128xi32> -> vector<1x256xi32>
    %slice3A_1054 = vector.extract_strided_slice %select_n3A {offsets = [0, 0], sizes = [1, 256], strides = [1, 1]} : vector<112x256xi32> to vector<1x256xi32>
    %add3A_1055 = arith.addi %concatenate3A_1053, %slice3A_1054 : vector<1x256xi32>
    %eq3A_1056 = vector.broadcast %add3A_1055 : vector<1x256xi32> to vector<112x256xi32>
    %eq3A_1057 = arith.cmpi eq, %iota3A, %eq3A_1056 : vector<112x256xi32>
    %convert_element_type3A_1058 = arith.extui %eq3A_1057 : vector<112x256xi1> to vector<112x256xi32>
    %convert_element_type3A_1059 = arith.sitofp %convert_element_type3A_1058 : vector<112x256xi32> to vector<112x256xf32>
    %eq3A_1060 = vector.broadcast %add3A_1050 : vector<1x256xi32> to vector<112x256xi32>
    %eq3A_1061 = arith.cmpi eq, %select_n3A_59, %eq3A_1060 : vector<112x256xi32>
    %convert_element_type3A_1062 = arith.extui %eq3A_1061 : vector<112x256xi1> to vector<112x256xi32>
    %convert_element_type3A_1063 = arith.sitofp %convert_element_type3A_1062 : vector<112x256xi32> to vector<112x256xf32>
    %reduce_sum3A_1064 = arith.constant dense<0.000000e+00> : vector<112xf32>
    %reduce_sum3A_1065 = vector.multi_reduction <add>, %convert_element_type3A_1059, %reduce_sum3A_1064 [1] : vector<112x256xf32> to vector<112xf32>
    %broadcast_in_dim3A_1066 = vector.shape_cast %reduce_sum3A_1065 : vector<112xf32> to vector<112x1xf32>
    %add3A_1067 = arith.constant 1.000000e+00 : f32
    %add3A_1068 = vector.broadcast %add3A_1067 : f32 to vector<112x1xf32>
    %add3A_1069 = arith.addf %add3A_1068, %broadcast_in_dim3A_1066 : vector<112x1xf32>
    %eq3A_1070 = vector.broadcast %add3A_1055 : vector<1x256xi32> to vector<112x256xi32>
    %eq3A_1071 = arith.cmpi eq, %select_n3A_59, %eq3A_1070 : vector<112x256xi32>
    %convert_element_type3A_1072 = arith.extui %eq3A_1071 : vector<112x256xi1> to vector<112x256xi32>
    %convert_element_type3A_1073 = arith.sitofp %convert_element_type3A_1072 : vector<112x256xi32> to vector<112x256xf32>
    %reduce_sum3A_1074 = arith.constant dense<0.000000e+00> : vector<112xf32>
    %reduce_sum3A_1075 = vector.multi_reduction <add>, %convert_element_type3A_1073, %reduce_sum3A_1074 [1] : vector<112x256xf32> to vector<112xf32>
    %broadcast_in_dim3A_1076 = vector.shape_cast %reduce_sum3A_1075 : vector<112xf32> to vector<112x1xf32>
    %add3A_1077 = arith.constant 1.000000e+00 : f32
    %add3A_1078 = vector.broadcast %add3A_1077 : f32 to vector<112x1xf32>
    %add3A_1079 = arith.addf %add3A_1078, %broadcast_in_dim3A_1076 : vector<112x1xf32>
    %rsqrt3A_1080 = math.rsqrt %add3A_1069 : vector<112x1xf32>
    %rsqrt3A_1081 = math.rsqrt %add3A_1079 : vector<112x1xf32>
    %mul3A_1082 = vector.broadcast %rsqrt3A_1080 : vector<112x1xf32> to vector<112x256xf32>
    %mul3A_1083 = arith.mulf %convert_element_type3A_1059, %mul3A_1082 : vector<112x256xf32>
    %convert_element_type3A_1084 = arith.truncf %mul3A_1083 : vector<112x256xf32> to vector<112x256xbf16>
    %mul3A_1085 = vector.broadcast %rsqrt3A_1081 : vector<112x1xf32> to vector<112x256xf32>
    %mul3A_1086 = arith.mulf %convert_element_type3A_1063, %mul3A_1085 : vector<112x256xf32>
    %convert_element_type3A_1087 = arith.truncf %mul3A_1086 : vector<112x256xf32> to vector<112x256xbf16>
    %dot_general3A_1088 = arith.constant dense<0.000000e+00> : vector<112x112xf32>
    %dot_general3A_1089 = tpu.matmul %convert_element_type3A_1084, %convert_element_type3A_1087, %dot_general3A_1088 {dimension_numbers = #tpu.dot_dimension_numbers<[1], [1], [0], [0], [0, 0, 1, 0], [], []>, transpose_lhs_hint = false} : vector<112x256xbf16>, vector<112x256xbf16>, vector<112x112xf32> -> vector<112x112xf32>
    %mul3A_1090 = arith.mulf %rsqrt3A_1080, %rsqrt3A_1080 : vector<112x1xf32>
    %mul3A_1091 = vector.broadcast %mul3A_1090 : vector<112x1xf32> to vector<112x112xf32>
    %mul3A_1092 = arith.mulf %convert_element_type3A_76, %mul3A_1091 : vector<112x112xf32>
    %add3A_1093 = arith.addf %dot_general3A_1089, %mul3A_1092 : vector<112x112xf32>
    %convert_element_type3A_1094 = arith.truncf %add3A_1093 : vector<112x112xf32> to vector<112x112xbf16>
    %slice3A_1095 = vector.extract_strided_slice %convert_element_type3A_36 {offsets = [1008, 0], sizes = [56, 128], strides = [1, 1]} : vector<3584x128xbf16> to vector<56x128xbf16>
    %slice3A_1096 = vector.extract_strided_slice %convert_element_type3A_37 {offsets = [1008, 0], sizes = [56, 128], strides = [1, 1]} : vector<3584x128xbf16> to vector<56x128xbf16>
    %concatenate3A_1097 = tpu.concatenate %slice3A_1095, %slice3A_1096 in 0 : vector<56x128xbf16>, vector<56x128xbf16> -> vector<112x128xbf16>
    %dot_general3A_1098 = arith.constant dense<0.000000e+00> : vector<112x128xf32>
    %dot_general3A_1099 = tpu.matmul %convert_element_type3A_1094, %concatenate3A_1097, %dot_general3A_1098 {dimension_numbers = #tpu.dot_dimension_numbers<[1], [0], [0], [1], [0, 0, 1, 1], [], []>, transpose_lhs_hint = false} : vector<112x112xbf16>, vector<112x128xbf16>, vector<112x128xf32> -> vector<112x128xf32>
    %slice3A_1100 = vector.extract_strided_slice %squeeze3A {offsets = [38, 0], sizes = [1, 128], strides = [1, 1]} : vector<128x128xi32> to vector<1x128xi32>
    %slice3A_1101 = vector.extract_strided_slice %squeeze3A {offsets = [39, 0], sizes = [1, 128], strides = [1, 1]} : vector<128x128xi32> to vector<1x128xi32>
    %concatenate3A_1102 = tpu.concatenate %slice3A_1100, %slice3A_1101 in 1 : vector<1x128xi32>, vector<1x128xi32> -> vector<1x256xi32>
    %slice3A_1103 = vector.extract_strided_slice %select_n3A {offsets = [0, 0], sizes = [1, 256], strides = [1, 1]} : vector<112x256xi32> to vector<1x256xi32>
    %add3A_1104 = arith.addi %concatenate3A_1102, %slice3A_1103 : vector<1x256xi32>
    %slice3A_1105 = vector.extract_strided_slice %squeeze3A_44 {offsets = [38, 0], sizes = [1, 128], strides = [1, 1]} : vector<128x128xi32> to vector<1x128xi32>
    %slice3A_1106 = vector.extract_strided_slice %squeeze3A_44 {offsets = [39, 0], sizes = [1, 128], strides = [1, 1]} : vector<128x128xi32> to vector<1x128xi32>
    %concatenate3A_1107 = tpu.concatenate %slice3A_1105, %slice3A_1106 in 1 : vector<1x128xi32>, vector<1x128xi32> -> vector<1x256xi32>
    %slice3A_1108 = vector.extract_strided_slice %select_n3A {offsets = [0, 0], sizes = [1, 256], strides = [1, 1]} : vector<112x256xi32> to vector<1x256xi32>
    %add3A_1109 = arith.addi %concatenate3A_1107, %slice3A_1108 : vector<1x256xi32>
    %eq3A_1110 = vector.broadcast %add3A_1109 : vector<1x256xi32> to vector<112x256xi32>
    %eq3A_1111 = arith.cmpi eq, %iota3A, %eq3A_1110 : vector<112x256xi32>
    %convert_element_type3A_1112 = arith.extui %eq3A_1111 : vector<112x256xi1> to vector<112x256xi32>
    %convert_element_type3A_1113 = arith.sitofp %convert_element_type3A_1112 : vector<112x256xi32> to vector<112x256xf32>
    %eq3A_1114 = vector.broadcast %add3A_1104 : vector<1x256xi32> to vector<112x256xi32>
    %eq3A_1115 = arith.cmpi eq, %select_n3A_59, %eq3A_1114 : vector<112x256xi32>
    %convert_element_type3A_1116 = arith.extui %eq3A_1115 : vector<112x256xi1> to vector<112x256xi32>
    %convert_element_type3A_1117 = arith.sitofp %convert_element_type3A_1116 : vector<112x256xi32> to vector<112x256xf32>
    %reduce_sum3A_1118 = arith.constant dense<0.000000e+00> : vector<112xf32>
    %reduce_sum3A_1119 = vector.multi_reduction <add>, %convert_element_type3A_1113, %reduce_sum3A_1118 [1] : vector<112x256xf32> to vector<112xf32>
    %broadcast_in_dim3A_1120 = vector.shape_cast %reduce_sum3A_1119 : vector<112xf32> to vector<112x1xf32>
    %add3A_1121 = arith.constant 1.000000e+00 : f32
    %add3A_1122 = vector.broadcast %add3A_1121 : f32 to vector<112x1xf32>
    %add3A_1123 = arith.addf %add3A_1122, %broadcast_in_dim3A_1120 : vector<112x1xf32>
    %eq3A_1124 = vector.broadcast %add3A_1109 : vector<1x256xi32> to vector<112x256xi32>
    %eq3A_1125 = arith.cmpi eq, %select_n3A_59, %eq3A_1124 : vector<112x256xi32>
    %convert_element_type3A_1126 = arith.extui %eq3A_1125 : vector<112x256xi1> to vector<112x256xi32>
    %convert_element_type3A_1127 = arith.sitofp %convert_element_type3A_1126 : vector<112x256xi32> to vector<112x256xf32>
    %reduce_sum3A_1128 = arith.constant dense<0.000000e+00> : vector<112xf32>
    %reduce_sum3A_1129 = vector.multi_reduction <add>, %convert_element_type3A_1127, %reduce_sum3A_1128 [1] : vector<112x256xf32> to vector<112xf32>
    %broadcast_in_dim3A_1130 = vector.shape_cast %reduce_sum3A_1129 : vector<112xf32> to vector<112x1xf32>
    %add3A_1131 = arith.constant 1.000000e+00 : f32
    %add3A_1132 = vector.broadcast %add3A_1131 : f32 to vector<112x1xf32>
    %add3A_1133 = arith.addf %add3A_1132, %broadcast_in_dim3A_1130 : vector<112x1xf32>
    %rsqrt3A_1134 = math.rsqrt %add3A_1123 : vector<112x1xf32>
    %rsqrt3A_1135 = math.rsqrt %add3A_1133 : vector<112x1xf32>
    %mul3A_1136 = vector.broadcast %rsqrt3A_1134 : vector<112x1xf32> to vector<112x256xf32>
    %mul3A_1137 = arith.mulf %convert_element_type3A_1113, %mul3A_1136 : vector<112x256xf32>
    %convert_element_type3A_1138 = arith.truncf %mul3A_1137 : vector<112x256xf32> to vector<112x256xbf16>
    %mul3A_1139 = vector.broadcast %rsqrt3A_1135 : vector<112x1xf32> to vector<112x256xf32>
    %mul3A_1140 = arith.mulf %convert_element_type3A_1117, %mul3A_1139 : vector<112x256xf32>
    %convert_element_type3A_1141 = arith.truncf %mul3A_1140 : vector<112x256xf32> to vector<112x256xbf16>
    %dot_general3A_1142 = arith.constant dense<0.000000e+00> : vector<112x112xf32>
    %dot_general3A_1143 = tpu.matmul %convert_element_type3A_1138, %convert_element_type3A_1141, %dot_general3A_1142 {dimension_numbers = #tpu.dot_dimension_numbers<[1], [1], [0], [0], [0, 0, 1, 0], [], []>, transpose_lhs_hint = false} : vector<112x256xbf16>, vector<112x256xbf16>, vector<112x112xf32> -> vector<112x112xf32>
    %mul3A_1144 = arith.mulf %rsqrt3A_1134, %rsqrt3A_1134 : vector<112x1xf32>
    %mul3A_1145 = vector.broadcast %mul3A_1144 : vector<112x1xf32> to vector<112x112xf32>
    %mul3A_1146 = arith.mulf %convert_element_type3A_76, %mul3A_1145 : vector<112x112xf32>
    %add3A_1147 = arith.addf %dot_general3A_1143, %mul3A_1146 : vector<112x112xf32>
    %convert_element_type3A_1148 = arith.truncf %add3A_1147 : vector<112x112xf32> to vector<112x112xbf16>
    %slice3A_1149 = vector.extract_strided_slice %convert_element_type3A_36 {offsets = [1064, 0], sizes = [56, 128], strides = [1, 1]} : vector<3584x128xbf16> to vector<56x128xbf16>
    %slice3A_1150 = vector.extract_strided_slice %convert_element_type3A_37 {offsets = [1064, 0], sizes = [56, 128], strides = [1, 1]} : vector<3584x128xbf16> to vector<56x128xbf16>
    %concatenate3A_1151 = tpu.concatenate %slice3A_1149, %slice3A_1150 in 0 : vector<56x128xbf16>, vector<56x128xbf16> -> vector<112x128xbf16>
    %dot_general3A_1152 = arith.constant dense<0.000000e+00> : vector<112x128xf32>
    %dot_general3A_1153 = tpu.matmul %convert_element_type3A_1148, %concatenate3A_1151, %dot_general3A_1152 {dimension_numbers = #tpu.dot_dimension_numbers<[1], [0], [0], [1], [0, 0, 1, 1], [], []>, transpose_lhs_hint = false} : vector<112x112xbf16>, vector<112x128xbf16>, vector<112x128xf32> -> vector<112x128xf32>
    %slice3A_1154 = vector.extract_strided_slice %squeeze3A {offsets = [40, 0], sizes = [1, 128], strides = [1, 1]} : vector<128x128xi32> to vector<1x128xi32>
    %slice3A_1155 = vector.extract_strided_slice %squeeze3A {offsets = [41, 0], sizes = [1, 128], strides = [1, 1]} : vector<128x128xi32> to vector<1x128xi32>
    %concatenate3A_1156 = tpu.concatenate %slice3A_1154, %slice3A_1155 in 1 : vector<1x128xi32>, vector<1x128xi32> -> vector<1x256xi32>
    %slice3A_1157 = vector.extract_strided_slice %select_n3A {offsets = [0, 0], sizes = [1, 256], strides = [1, 1]} : vector<112x256xi32> to vector<1x256xi32>
    %add3A_1158 = arith.addi %concatenate3A_1156, %slice3A_1157 : vector<1x256xi32>
    %slice3A_1159 = vector.extract_strided_slice %squeeze3A_44 {offsets = [40, 0], sizes = [1, 128], strides = [1, 1]} : vector<128x128xi32> to vector<1x128xi32>
    %slice3A_1160 = vector.extract_strided_slice %squeeze3A_44 {offsets = [41, 0], sizes = [1, 128], strides = [1, 1]} : vector<128x128xi32> to vector<1x128xi32>
    %concatenate3A_1161 = tpu.concatenate %slice3A_1159, %slice3A_1160 in 1 : vector<1x128xi32>, vector<1x128xi32> -> vector<1x256xi32>
    %slice3A_1162 = vector.extract_strided_slice %select_n3A {offsets = [0, 0], sizes = [1, 256], strides = [1, 1]} : vector<112x256xi32> to vector<1x256xi32>
    %add3A_1163 = arith.addi %concatenate3A_1161, %slice3A_1162 : vector<1x256xi32>
    %eq3A_1164 = vector.broadcast %add3A_1163 : vector<1x256xi32> to vector<112x256xi32>
    %eq3A_1165 = arith.cmpi eq, %iota3A, %eq3A_1164 : vector<112x256xi32>
    %convert_element_type3A_1166 = arith.extui %eq3A_1165 : vector<112x256xi1> to vector<112x256xi32>
    %convert_element_type3A_1167 = arith.sitofp %convert_element_type3A_1166 : vector<112x256xi32> to vector<112x256xf32>
    %eq3A_1168 = vector.broadcast %add3A_1158 : vector<1x256xi32> to vector<112x256xi32>
    %eq3A_1169 = arith.cmpi eq, %select_n3A_59, %eq3A_1168 : vector<112x256xi32>
    %convert_element_type3A_1170 = arith.extui %eq3A_1169 : vector<112x256xi1> to vector<112x256xi32>
    %convert_element_type3A_1171 = arith.sitofp %convert_element_type3A_1170 : vector<112x256xi32> to vector<112x256xf32>
    %reduce_sum3A_1172 = arith.constant dense<0.000000e+00> : vector<112xf32>
    %reduce_sum3A_1173 = vector.multi_reduction <add>, %convert_element_type3A_1167, %reduce_sum3A_1172 [1] : vector<112x256xf32> to vector<112xf32>
    %broadcast_in_dim3A_1174 = vector.shape_cast %reduce_sum3A_1173 : vector<112xf32> to vector<112x1xf32>
    %add3A_1175 = arith.constant 1.000000e+00 : f32
    %add3A_1176 = vector.broadcast %add3A_1175 : f32 to vector<112x1xf32>
    %add3A_1177 = arith.addf %add3A_1176, %broadcast_in_dim3A_1174 : vector<112x1xf32>
    %eq3A_1178 = vector.broadcast %add3A_1163 : vector<1x256xi32> to vector<112x256xi32>
    %eq3A_1179 = arith.cmpi eq, %select_n3A_59, %eq3A_1178 : vector<112x256xi32>
    %convert_element_type3A_1180 = arith.extui %eq3A_1179 : vector<112x256xi1> to vector<112x256xi32>
    %convert_element_type3A_1181 = arith.sitofp %convert_element_type3A_1180 : vector<112x256xi32> to vector<112x256xf32>
    %reduce_sum3A_1182 = arith.constant dense<0.000000e+00> : vector<112xf32>
    %reduce_sum3A_1183 = vector.multi_reduction <add>, %convert_element_type3A_1181, %reduce_sum3A_1182 [1] : vector<112x256xf32> to vector<112xf32>
    %broadcast_in_dim3A_1184 = vector.shape_cast %reduce_sum3A_1183 : vector<112xf32> to vector<112x1xf32>
    %add3A_1185 = arith.constant 1.000000e+00 : f32
    %add3A_1186 = vector.broadcast %add3A_1185 : f32 to vector<112x1xf32>
    %add3A_1187 = arith.addf %add3A_1186, %broadcast_in_dim3A_1184 : vector<112x1xf32>
    %rsqrt3A_1188 = math.rsqrt %add3A_1177 : vector<112x1xf32>
    %rsqrt3A_1189 = math.rsqrt %add3A_1187 : vector<112x1xf32>
    %mul3A_1190 = vector.broadcast %rsqrt3A_1188 : vector<112x1xf32> to vector<112x256xf32>
    %mul3A_1191 = arith.mulf %convert_element_type3A_1167, %mul3A_1190 : vector<112x256xf32>
    %convert_element_type3A_1192 = arith.truncf %mul3A_1191 : vector<112x256xf32> to vector<112x256xbf16>
    %mul3A_1193 = vector.broadcast %rsqrt3A_1189 : vector<112x1xf32> to vector<112x256xf32>
    %mul3A_1194 = arith.mulf %convert_element_type3A_1171, %mul3A_1193 : vector<112x256xf32>
    %convert_element_type3A_1195 = arith.truncf %mul3A_1194 : vector<112x256xf32> to vector<112x256xbf16>
    %dot_general3A_1196 = arith.constant dense<0.000000e+00> : vector<112x112xf32>
    %dot_general3A_1197 = tpu.matmul %convert_element_type3A_1192, %convert_element_type3A_1195, %dot_general3A_1196 {dimension_numbers = #tpu.dot_dimension_numbers<[1], [1], [0], [0], [0, 0, 1, 0], [], []>, transpose_lhs_hint = false} : vector<112x256xbf16>, vector<112x256xbf16>, vector<112x112xf32> -> vector<112x112xf32>
    %mul3A_1198 = arith.mulf %rsqrt3A_1188, %rsqrt3A_1188 : vector<112x1xf32>
    %mul3A_1199 = vector.broadcast %mul3A_1198 : vector<112x1xf32> to vector<112x112xf32>
    %mul3A_1200 = arith.mulf %convert_element_type3A_76, %mul3A_1199 : vector<112x112xf32>
    %add3A_1201 = arith.addf %dot_general3A_1197, %mul3A_1200 : vector<112x112xf32>
    %convert_element_type3A_1202 = arith.truncf %add3A_1201 : vector<112x112xf32> to vector<112x112xbf16>
    %slice3A_1203 = vector.extract_strided_slice %convert_element_type3A_36 {offsets = [1120, 0], sizes = [56, 128], strides = [1, 1]} : vector<3584x128xbf16> to vector<56x128xbf16>
    %slice3A_1204 = vector.extract_strided_slice %convert_element_type3A_37 {offsets = [1120, 0], sizes = [56, 128], strides = [1, 1]} : vector<3584x128xbf16> to vector<56x128xbf16>
    %concatenate3A_1205 = tpu.concatenate %slice3A_1203, %slice3A_1204 in 0 : vector<56x128xbf16>, vector<56x128xbf16> -> vector<112x128xbf16>
    %dot_general3A_1206 = arith.constant dense<0.000000e+00> : vector<112x128xf32>
    %dot_general3A_1207 = tpu.matmul %convert_element_type3A_1202, %concatenate3A_1205, %dot_general3A_1206 {dimension_numbers = #tpu.dot_dimension_numbers<[1], [0], [0], [1], [0, 0, 1, 1], [], []>, transpose_lhs_hint = false} : vector<112x112xbf16>, vector<112x128xbf16>, vector<112x128xf32> -> vector<112x128xf32>
    %slice3A_1208 = vector.extract_strided_slice %squeeze3A {offsets = [42, 0], sizes = [1, 128], strides = [1, 1]} : vector<128x128xi32> to vector<1x128xi32>
    %slice3A_1209 = vector.extract_strided_slice %squeeze3A {offsets = [43, 0], sizes = [1, 128], strides = [1, 1]} : vector<128x128xi32> to vector<1x128xi32>
    %concatenate3A_1210 = tpu.concatenate %slice3A_1208, %slice3A_1209 in 1 : vector<1x128xi32>, vector<1x128xi32> -> vector<1x256xi32>
    %slice3A_1211 = vector.extract_strided_slice %select_n3A {offsets = [0, 0], sizes = [1, 256], strides = [1, 1]} : vector<112x256xi32> to vector<1x256xi32>
    %add3A_1212 = arith.addi %concatenate3A_1210, %slice3A_1211 : vector<1x256xi32>
    %slice3A_1213 = vector.extract_strided_slice %squeeze3A_44 {offsets = [42, 0], sizes = [1, 128], strides = [1, 1]} : vector<128x128xi32> to vector<1x128xi32>
    %slice3A_1214 = vector.extract_strided_slice %squeeze3A_44 {offsets = [43, 0], sizes = [1, 128], strides = [1, 1]} : vector<128x128xi32> to vector<1x128xi32>
    %concatenate3A_1215 = tpu.concatenate %slice3A_1213, %slice3A_1214 in 1 : vector<1x128xi32>, vector<1x128xi32> -> vector<1x256xi32>
    %slice3A_1216 = vector.extract_strided_slice %select_n3A {offsets = [0, 0], sizes = [1, 256], strides = [1, 1]} : vector<112x256xi32> to vector<1x256xi32>
    %add3A_1217 = arith.addi %concatenate3A_1215, %slice3A_1216 : vector<1x256xi32>
    %eq3A_1218 = vector.broadcast %add3A_1217 : vector<1x256xi32> to vector<112x256xi32>
    %eq3A_1219 = arith.cmpi eq, %iota3A, %eq3A_1218 : vector<112x256xi32>
    %convert_element_type3A_1220 = arith.extui %eq3A_1219 : vector<112x256xi1> to vector<112x256xi32>
    %convert_element_type3A_1221 = arith.sitofp %convert_element_type3A_1220 : vector<112x256xi32> to vector<112x256xf32>
    %eq3A_1222 = vector.broadcast %add3A_1212 : vector<1x256xi32> to vector<112x256xi32>
    %eq3A_1223 = arith.cmpi eq, %select_n3A_59, %eq3A_1222 : vector<112x256xi32>
    %convert_element_type3A_1224 = arith.extui %eq3A_1223 : vector<112x256xi1> to vector<112x256xi32>
    %convert_element_type3A_1225 = arith.sitofp %convert_element_type3A_1224 : vector<112x256xi32> to vector<112x256xf32>
    %reduce_sum3A_1226 = arith.constant dense<0.000000e+00> : vector<112xf32>
    %reduce_sum3A_1227 = vector.multi_reduction <add>, %convert_element_type3A_1221, %reduce_sum3A_1226 [1] : vector<112x256xf32> to vector<112xf32>
    %broadcast_in_dim3A_1228 = vector.shape_cast %reduce_sum3A_1227 : vector<112xf32> to vector<112x1xf32>
    %add3A_1229 = arith.constant 1.000000e+00 : f32
    %add3A_1230 = vector.broadcast %add3A_1229 : f32 to vector<112x1xf32>
    %add3A_1231 = arith.addf %add3A_1230, %broadcast_in_dim3A_1228 : vector<112x1xf32>
    %eq3A_1232 = vector.broadcast %add3A_1217 : vector<1x256xi32> to vector<112x256xi32>
    %eq3A_1233 = arith.cmpi eq, %select_n3A_59, %eq3A_1232 : vector<112x256xi32>
    %convert_element_type3A_1234 = arith.extui %eq3A_1233 : vector<112x256xi1> to vector<112x256xi32>
    %convert_element_type3A_1235 = arith.sitofp %convert_element_type3A_1234 : vector<112x256xi32> to vector<112x256xf32>
    %reduce_sum3A_1236 = arith.constant dense<0.000000e+00> : vector<112xf32>
    %reduce_sum3A_1237 = vector.multi_reduction <add>, %convert_element_type3A_1235, %reduce_sum3A_1236 [1] : vector<112x256xf32> to vector<112xf32>
    %broadcast_in_dim3A_1238 = vector.shape_cast %reduce_sum3A_1237 : vector<112xf32> to vector<112x1xf32>
    %add3A_1239 = arith.constant 1.000000e+00 : f32
    %add3A_1240 = vector.broadcast %add3A_1239 : f32 to vector<112x1xf32>
    %add3A_1241 = arith.addf %add3A_1240, %broadcast_in_dim3A_1238 : vector<112x1xf32>
    %rsqrt3A_1242 = math.rsqrt %add3A_1231 : vector<112x1xf32>
    %rsqrt3A_1243 = math.rsqrt %add3A_1241 : vector<112x1xf32>
    %mul3A_1244 = vector.broadcast %rsqrt3A_1242 : vector<112x1xf32> to vector<112x256xf32>
    %mul3A_1245 = arith.mulf %convert_element_type3A_1221, %mul3A_1244 : vector<112x256xf32>
    %convert_element_type3A_1246 = arith.truncf %mul3A_1245 : vector<112x256xf32> to vector<112x256xbf16>
    %mul3A_1247 = vector.broadcast %rsqrt3A_1243 : vector<112x1xf32> to vector<112x256xf32>
    %mul3A_1248 = arith.mulf %convert_element_type3A_1225, %mul3A_1247 : vector<112x256xf32>
    %convert_element_type3A_1249 = arith.truncf %mul3A_1248 : vector<112x256xf32> to vector<112x256xbf16>
    %dot_general3A_1250 = arith.constant dense<0.000000e+00> : vector<112x112xf32>
    %dot_general3A_1251 = tpu.matmul %convert_element_type3A_1246, %convert_element_type3A_1249, %dot_general3A_1250 {dimension_numbers = #tpu.dot_dimension_numbers<[1], [1], [0], [0], [0, 0, 1, 0], [], []>, transpose_lhs_hint = false} : vector<112x256xbf16>, vector<112x256xbf16>, vector<112x112xf32> -> vector<112x112xf32>
    %mul3A_1252 = arith.mulf %rsqrt3A_1242, %rsqrt3A_1242 : vector<112x1xf32>
    %mul3A_1253 = vector.broadcast %mul3A_1252 : vector<112x1xf32> to vector<112x112xf32>
    %mul3A_1254 = arith.mulf %convert_element_type3A_76, %mul3A_1253 : vector<112x112xf32>
    %add3A_1255 = arith.addf %dot_general3A_1251, %mul3A_1254 : vector<112x112xf32>
    %convert_element_type3A_1256 = arith.truncf %add3A_1255 : vector<112x112xf32> to vector<112x112xbf16>
    %slice3A_1257 = vector.extract_strided_slice %convert_element_type3A_36 {offsets = [1176, 0], sizes = [56, 128], strides = [1, 1]} : vector<3584x128xbf16> to vector<56x128xbf16>
    %slice3A_1258 = vector.extract_strided_slice %convert_element_type3A_37 {offsets = [1176, 0], sizes = [56, 128], strides = [1, 1]} : vector<3584x128xbf16> to vector<56x128xbf16>
    %concatenate3A_1259 = tpu.concatenate %slice3A_1257, %slice3A_1258 in 0 : vector<56x128xbf16>, vector<56x128xbf16> -> vector<112x128xbf16>
    %dot_general3A_1260 = arith.constant dense<0.000000e+00> : vector<112x128xf32>
    %dot_general3A_1261 = tpu.matmul %convert_element_type3A_1256, %concatenate3A_1259, %dot_general3A_1260 {dimension_numbers = #tpu.dot_dimension_numbers<[1], [0], [0], [1], [0, 0, 1, 1], [], []>, transpose_lhs_hint = false} : vector<112x112xbf16>, vector<112x128xbf16>, vector<112x128xf32> -> vector<112x128xf32>
    %slice3A_1262 = vector.extract_strided_slice %squeeze3A {offsets = [44, 0], sizes = [1, 128], strides = [1, 1]} : vector<128x128xi32> to vector<1x128xi32>
    %slice3A_1263 = vector.extract_strided_slice %squeeze3A {offsets = [45, 0], sizes = [1, 128], strides = [1, 1]} : vector<128x128xi32> to vector<1x128xi32>
    %concatenate3A_1264 = tpu.concatenate %slice3A_1262, %slice3A_1263 in 1 : vector<1x128xi32>, vector<1x128xi32> -> vector<1x256xi32>
    %slice3A_1265 = vector.extract_strided_slice %select_n3A {offsets = [0, 0], sizes = [1, 256], strides = [1, 1]} : vector<112x256xi32> to vector<1x256xi32>
    %add3A_1266 = arith.addi %concatenate3A_1264, %slice3A_1265 : vector<1x256xi32>
    %slice3A_1267 = vector.extract_strided_slice %squeeze3A_44 {offsets = [44, 0], sizes = [1, 128], strides = [1, 1]} : vector<128x128xi32> to vector<1x128xi32>
    %slice3A_1268 = vector.extract_strided_slice %squeeze3A_44 {offsets = [45, 0], sizes = [1, 128], strides = [1, 1]} : vector<128x128xi32> to vector<1x128xi32>
    %concatenate3A_1269 = tpu.concatenate %slice3A_1267, %slice3A_1268 in 1 : vector<1x128xi32>, vector<1x128xi32> -> vector<1x256xi32>
    %slice3A_1270 = vector.extract_strided_slice %select_n3A {offsets = [0, 0], sizes = [1, 256], strides = [1, 1]} : vector<112x256xi32> to vector<1x256xi32>
    %add3A_1271 = arith.addi %concatenate3A_1269, %slice3A_1270 : vector<1x256xi32>
    %eq3A_1272 = vector.broadcast %add3A_1271 : vector<1x256xi32> to vector<112x256xi32>
    %eq3A_1273 = arith.cmpi eq, %iota3A, %eq3A_1272 : vector<112x256xi32>
    %convert_element_type3A_1274 = arith.extui %eq3A_1273 : vector<112x256xi1> to vector<112x256xi32>
    %convert_element_type3A_1275 = arith.sitofp %convert_element_type3A_1274 : vector<112x256xi32> to vector<112x256xf32>
    %eq3A_1276 = vector.broadcast %add3A_1266 : vector<1x256xi32> to vector<112x256xi32>
    %eq3A_1277 = arith.cmpi eq, %select_n3A_59, %eq3A_1276 : vector<112x256xi32>
    %convert_element_type3A_1278 = arith.extui %eq3A_1277 : vector<112x256xi1> to vector<112x256xi32>
    %convert_element_type3A_1279 = arith.sitofp %convert_element_type3A_1278 : vector<112x256xi32> to vector<112x256xf32>
    %reduce_sum3A_1280 = arith.constant dense<0.000000e+00> : vector<112xf32>
    %reduce_sum3A_1281 = vector.multi_reduction <add>, %convert_element_type3A_1275, %reduce_sum3A_1280 [1] : vector<112x256xf32> to vector<112xf32>
    %broadcast_in_dim3A_1282 = vector.shape_cast %reduce_sum3A_1281 : vector<112xf32> to vector<112x1xf32>
    %add3A_1283 = arith.constant 1.000000e+00 : f32
    %add3A_1284 = vector.broadcast %add3A_1283 : f32 to vector<112x1xf32>
    %add3A_1285 = arith.addf %add3A_1284, %broadcast_in_dim3A_1282 : vector<112x1xf32>
    %eq3A_1286 = vector.broadcast %add3A_1271 : vector<1x256xi32> to vector<112x256xi32>
    %eq3A_1287 = arith.cmpi eq, %select_n3A_59, %eq3A_1286 : vector<112x256xi32>
    %convert_element_type3A_1288 = arith.extui %eq3A_1287 : vector<112x256xi1> to vector<112x256xi32>
    %convert_element_type3A_1289 = arith.sitofp %convert_element_type3A_1288 : vector<112x256xi32> to vector<112x256xf32>
    %reduce_sum3A_1290 = arith.constant dense<0.000000e+00> : vector<112xf32>
    %reduce_sum3A_1291 = vector.multi_reduction <add>, %convert_element_type3A_1289, %reduce_sum3A_1290 [1] : vector<112x256xf32> to vector<112xf32>
    %broadcast_in_dim3A_1292 = vector.shape_cast %reduce_sum3A_1291 : vector<112xf32> to vector<112x1xf32>
    %add3A_1293 = arith.constant 1.000000e+00 : f32
    %add3A_1294 = vector.broadcast %add3A_1293 : f32 to vector<112x1xf32>
    %add3A_1295 = arith.addf %add3A_1294, %broadcast_in_dim3A_1292 : vector<112x1xf32>
    %rsqrt3A_1296 = math.rsqrt %add3A_1285 : vector<112x1xf32>
    %rsqrt3A_1297 = math.rsqrt %add3A_1295 : vector<112x1xf32>
    %mul3A_1298 = vector.broadcast %rsqrt3A_1296 : vector<112x1xf32> to vector<112x256xf32>
    %mul3A_1299 = arith.mulf %convert_element_type3A_1275, %mul3A_1298 : vector<112x256xf32>
    %convert_element_type3A_1300 = arith.truncf %mul3A_1299 : vector<112x256xf32> to vector<112x256xbf16>
    %mul3A_1301 = vector.broadcast %rsqrt3A_1297 : vector<112x1xf32> to vector<112x256xf32>
    %mul3A_1302 = arith.mulf %convert_element_type3A_1279, %mul3A_1301 : vector<112x256xf32>
    %convert_element_type3A_1303 = arith.truncf %mul3A_1302 : vector<112x256xf32> to vector<112x256xbf16>
    %dot_general3A_1304 = arith.constant dense<0.000000e+00> : vector<112x112xf32>
    %dot_general3A_1305 = tpu.matmul %convert_element_type3A_1300, %convert_element_type3A_1303, %dot_general3A_1304 {dimension_numbers = #tpu.dot_dimension_numbers<[1], [1], [0], [0], [0, 0, 1, 0], [], []>, transpose_lhs_hint = false} : vector<112x256xbf16>, vector<112x256xbf16>, vector<112x112xf32> -> vector<112x112xf32>
    %mul3A_1306 = arith.mulf %rsqrt3A_1296, %rsqrt3A_1296 : vector<112x1xf32>
    %mul3A_1307 = vector.broadcast %mul3A_1306 : vector<112x1xf32> to vector<112x112xf32>
    %mul3A_1308 = arith.mulf %convert_element_type3A_76, %mul3A_1307 : vector<112x112xf32>
    %add3A_1309 = arith.addf %dot_general3A_1305, %mul3A_1308 : vector<112x112xf32>
    %convert_element_type3A_1310 = arith.truncf %add3A_1309 : vector<112x112xf32> to vector<112x112xbf16>
    %slice3A_1311 = vector.extract_strided_slice %convert_element_type3A_36 {offsets = [1232, 0], sizes = [56, 128], strides = [1, 1]} : vector<3584x128xbf16> to vector<56x128xbf16>
    %slice3A_1312 = vector.extract_strided_slice %convert_element_type3A_37 {offsets = [1232, 0], sizes = [56, 128], strides = [1, 1]} : vector<3584x128xbf16> to vector<56x128xbf16>
    %concatenate3A_1313 = tpu.concatenate %slice3A_1311, %slice3A_1312 in 0 : vector<56x128xbf16>, vector<56x128xbf16> -> vector<112x128xbf16>
    %dot_general3A_1314 = arith.constant dense<0.000000e+00> : vector<112x128xf32>
    %dot_general3A_1315 = tpu.matmul %convert_element_type3A_1310, %concatenate3A_1313, %dot_general3A_1314 {dimension_numbers = #tpu.dot_dimension_numbers<[1], [0], [0], [1], [0, 0, 1, 1], [], []>, transpose_lhs_hint = false} : vector<112x112xbf16>, vector<112x128xbf16>, vector<112x128xf32> -> vector<112x128xf32>
    %slice3A_1316 = vector.extract_strided_slice %squeeze3A {offsets = [46, 0], sizes = [1, 128], strides = [1, 1]} : vector<128x128xi32> to vector<1x128xi32>
    %slice3A_1317 = vector.extract_strided_slice %squeeze3A {offsets = [47, 0], sizes = [1, 128], strides = [1, 1]} : vector<128x128xi32> to vector<1x128xi32>
    %concatenate3A_1318 = tpu.concatenate %slice3A_1316, %slice3A_1317 in 1 : vector<1x128xi32>, vector<1x128xi32> -> vector<1x256xi32>
    %slice3A_1319 = vector.extract_strided_slice %select_n3A {offsets = [0, 0], sizes = [1, 256], strides = [1, 1]} : vector<112x256xi32> to vector<1x256xi32>
    %add3A_1320 = arith.addi %concatenate3A_1318, %slice3A_1319 : vector<1x256xi32>
    %slice3A_1321 = vector.extract_strided_slice %squeeze3A_44 {offsets = [46, 0], sizes = [1, 128], strides = [1, 1]} : vector<128x128xi32> to vector<1x128xi32>
    %slice3A_1322 = vector.extract_strided_slice %squeeze3A_44 {offsets = [47, 0], sizes = [1, 128], strides = [1, 1]} : vector<128x128xi32> to vector<1x128xi32>
    %concatenate3A_1323 = tpu.concatenate %slice3A_1321, %slice3A_1322 in 1 : vector<1x128xi32>, vector<1x128xi32> -> vector<1x256xi32>
    %slice3A_1324 = vector.extract_strided_slice %select_n3A {offsets = [0, 0], sizes = [1, 256], strides = [1, 1]} : vector<112x256xi32> to vector<1x256xi32>
    %add3A_1325 = arith.addi %concatenate3A_1323, %slice3A_1324 : vector<1x256xi32>
    %eq3A_1326 = vector.broadcast %add3A_1325 : vector<1x256xi32> to vector<112x256xi32>
    %eq3A_1327 = arith.cmpi eq, %iota3A, %eq3A_1326 : vector<112x256xi32>
    %convert_element_type3A_1328 = arith.extui %eq3A_1327 : vector<112x256xi1> to vector<112x256xi32>
    %convert_element_type3A_1329 = arith.sitofp %convert_element_type3A_1328 : vector<112x256xi32> to vector<112x256xf32>
    %eq3A_1330 = vector.broadcast %add3A_1320 : vector<1x256xi32> to vector<112x256xi32>
    %eq3A_1331 = arith.cmpi eq, %select_n3A_59, %eq3A_1330 : vector<112x256xi32>
    %convert_element_type3A_1332 = arith.extui %eq3A_1331 : vector<112x256xi1> to vector<112x256xi32>
    %convert_element_type3A_1333 = arith.sitofp %convert_element_type3A_1332 : vector<112x256xi32> to vector<112x256xf32>
    %reduce_sum3A_1334 = arith.constant dense<0.000000e+00> : vector<112xf32>
    %reduce_sum3A_1335 = vector.multi_reduction <add>, %convert_element_type3A_1329, %reduce_sum3A_1334 [1] : vector<112x256xf32> to vector<112xf32>
    %broadcast_in_dim3A_1336 = vector.shape_cast %reduce_sum3A_1335 : vector<112xf32> to vector<112x1xf32>
    %add3A_1337 = arith.constant 1.000000e+00 : f32
    %add3A_1338 = vector.broadcast %add3A_1337 : f32 to vector<112x1xf32>
    %add3A_1339 = arith.addf %add3A_1338, %broadcast_in_dim3A_1336 : vector<112x1xf32>
    %eq3A_1340 = vector.broadcast %add3A_1325 : vector<1x256xi32> to vector<112x256xi32>
    %eq3A_1341 = arith.cmpi eq, %select_n3A_59, %eq3A_1340 : vector<112x256xi32>
    %convert_element_type3A_1342 = arith.extui %eq3A_1341 : vector<112x256xi1> to vector<112x256xi32>
    %convert_element_type3A_1343 = arith.sitofp %convert_element_type3A_1342 : vector<112x256xi32> to vector<112x256xf32>
    %reduce_sum3A_1344 = arith.constant dense<0.000000e+00> : vector<112xf32>
    %reduce_sum3A_1345 = vector.multi_reduction <add>, %convert_element_type3A_1343, %reduce_sum3A_1344 [1] : vector<112x256xf32> to vector<112xf32>
    %broadcast_in_dim3A_1346 = vector.shape_cast %reduce_sum3A_1345 : vector<112xf32> to vector<112x1xf32>
    %add3A_1347 = arith.constant 1.000000e+00 : f32
    %add3A_1348 = vector.broadcast %add3A_1347 : f32 to vector<112x1xf32>
    %add3A_1349 = arith.addf %add3A_1348, %broadcast_in_dim3A_1346 : vector<112x1xf32>
    %rsqrt3A_1350 = math.rsqrt %add3A_1339 : vector<112x1xf32>
    %rsqrt3A_1351 = math.rsqrt %add3A_1349 : vector<112x1xf32>
    %mul3A_1352 = vector.broadcast %rsqrt3A_1350 : vector<112x1xf32> to vector<112x256xf32>
    %mul3A_1353 = arith.mulf %convert_element_type3A_1329, %mul3A_1352 : vector<112x256xf32>
    %convert_element_type3A_1354 = arith.truncf %mul3A_1353 : vector<112x256xf32> to vector<112x256xbf16>
    %mul3A_1355 = vector.broadcast %rsqrt3A_1351 : vector<112x1xf32> to vector<112x256xf32>
    %mul3A_1356 = arith.mulf %convert_element_type3A_1333, %mul3A_1355 : vector<112x256xf32>
    %convert_element_type3A_1357 = arith.truncf %mul3A_1356 : vector<112x256xf32> to vector<112x256xbf16>
    %dot_general3A_1358 = arith.constant dense<0.000000e+00> : vector<112x112xf32>
    %dot_general3A_1359 = tpu.matmul %convert_element_type3A_1354, %convert_element_type3A_1357, %dot_general3A_1358 {dimension_numbers = #tpu.dot_dimension_numbers<[1], [1], [0], [0], [0, 0, 1, 0], [], []>, transpose_lhs_hint = false} : vector<112x256xbf16>, vector<112x256xbf16>, vector<112x112xf32> -> vector<112x112xf32>
    %mul3A_1360 = arith.mulf %rsqrt3A_1350, %rsqrt3A_1350 : vector<112x1xf32>
    %mul3A_1361 = vector.broadcast %mul3A_1360 : vector<112x1xf32> to vector<112x112xf32>
    %mul3A_1362 = arith.mulf %convert_element_type3A_76, %mul3A_1361 : vector<112x112xf32>
    %add3A_1363 = arith.addf %dot_general3A_1359, %mul3A_1362 : vector<112x112xf32>
    %convert_element_type3A_1364 = arith.truncf %add3A_1363 : vector<112x112xf32> to vector<112x112xbf16>
    %slice3A_1365 = vector.extract_strided_slice %convert_element_type3A_36 {offsets = [1288, 0], sizes = [56, 128], strides = [1, 1]} : vector<3584x128xbf16> to vector<56x128xbf16>
    %slice3A_1366 = vector.extract_strided_slice %convert_element_type3A_37 {offsets = [1288, 0], sizes = [56, 128], strides = [1, 1]} : vector<3584x128xbf16> to vector<56x128xbf16>
    %concatenate3A_1367 = tpu.concatenate %slice3A_1365, %slice3A_1366 in 0 : vector<56x128xbf16>, vector<56x128xbf16> -> vector<112x128xbf16>
    %dot_general3A_1368 = arith.constant dense<0.000000e+00> : vector<112x128xf32>
    %dot_general3A_1369 = tpu.matmul %convert_element_type3A_1364, %concatenate3A_1367, %dot_general3A_1368 {dimension_numbers = #tpu.dot_dimension_numbers<[1], [0], [0], [1], [0, 0, 1, 1], [], []>, transpose_lhs_hint = false} : vector<112x112xbf16>, vector<112x128xbf16>, vector<112x128xf32> -> vector<112x128xf32>
    %slice3A_1370 = vector.extract_strided_slice %squeeze3A {offsets = [48, 0], sizes = [1, 128], strides = [1, 1]} : vector<128x128xi32> to vector<1x128xi32>
    %slice3A_1371 = vector.extract_strided_slice %squeeze3A {offsets = [49, 0], sizes = [1, 128], strides = [1, 1]} : vector<128x128xi32> to vector<1x128xi32>
    %concatenate3A_1372 = tpu.concatenate %slice3A_1370, %slice3A_1371 in 1 : vector<1x128xi32>, vector<1x128xi32> -> vector<1x256xi32>
    %slice3A_1373 = vector.extract_strided_slice %select_n3A {offsets = [0, 0], sizes = [1, 256], strides = [1, 1]} : vector<112x256xi32> to vector<1x256xi32>
    %add3A_1374 = arith.addi %concatenate3A_1372, %slice3A_1373 : vector<1x256xi32>
    %slice3A_1375 = vector.extract_strided_slice %squeeze3A_44 {offsets = [48, 0], sizes = [1, 128], strides = [1, 1]} : vector<128x128xi32> to vector<1x128xi32>
    %slice3A_1376 = vector.extract_strided_slice %squeeze3A_44 {offsets = [49, 0], sizes = [1, 128], strides = [1, 1]} : vector<128x128xi32> to vector<1x128xi32>
    %concatenate3A_1377 = tpu.concatenate %slice3A_1375, %slice3A_1376 in 1 : vector<1x128xi32>, vector<1x128xi32> -> vector<1x256xi32>
    %slice3A_1378 = vector.extract_strided_slice %select_n3A {offsets = [0, 0], sizes = [1, 256], strides = [1, 1]} : vector<112x256xi32> to vector<1x256xi32>
    %add3A_1379 = arith.addi %concatenate3A_1377, %slice3A_1378 : vector<1x256xi32>
    %eq3A_1380 = vector.broadcast %add3A_1379 : vector<1x256xi32> to vector<112x256xi32>
    %eq3A_1381 = arith.cmpi eq, %iota3A, %eq3A_1380 : vector<112x256xi32>
    %convert_element_type3A_1382 = arith.extui %eq3A_1381 : vector<112x256xi1> to vector<112x256xi32>
    %convert_element_type3A_1383 = arith.sitofp %convert_element_type3A_1382 : vector<112x256xi32> to vector<112x256xf32>
    %eq3A_1384 = vector.broadcast %add3A_1374 : vector<1x256xi32> to vector<112x256xi32>
    %eq3A_1385 = arith.cmpi eq, %select_n3A_59, %eq3A_1384 : vector<112x256xi32>
    %convert_element_type3A_1386 = arith.extui %eq3A_1385 : vector<112x256xi1> to vector<112x256xi32>
    %convert_element_type3A_1387 = arith.sitofp %convert_element_type3A_1386 : vector<112x256xi32> to vector<112x256xf32>
    %reduce_sum3A_1388 = arith.constant dense<0.000000e+00> : vector<112xf32>
    %reduce_sum3A_1389 = vector.multi_reduction <add>, %convert_element_type3A_1383, %reduce_sum3A_1388 [1] : vector<112x256xf32> to vector<112xf32>
    %broadcast_in_dim3A_1390 = vector.shape_cast %reduce_sum3A_1389 : vector<112xf32> to vector<112x1xf32>
    %add3A_1391 = arith.constant 1.000000e+00 : f32
    %add3A_1392 = vector.broadcast %add3A_1391 : f32 to vector<112x1xf32>
    %add3A_1393 = arith.addf %add3A_1392, %broadcast_in_dim3A_1390 : vector<112x1xf32>
    %eq3A_1394 = vector.broadcast %add3A_1379 : vector<1x256xi32> to vector<112x256xi32>
    %eq3A_1395 = arith.cmpi eq, %select_n3A_59, %eq3A_1394 : vector<112x256xi32>
    %convert_element_type3A_1396 = arith.extui %eq3A_1395 : vector<112x256xi1> to vector<112x256xi32>
    %convert_element_type3A_1397 = arith.sitofp %convert_element_type3A_1396 : vector<112x256xi32> to vector<112x256xf32>
    %reduce_sum3A_1398 = arith.constant dense<0.000000e+00> : vector<112xf32>
    %reduce_sum3A_1399 = vector.multi_reduction <add>, %convert_element_type3A_1397, %reduce_sum3A_1398 [1] : vector<112x256xf32> to vector<112xf32>
    %broadcast_in_dim3A_1400 = vector.shape_cast %reduce_sum3A_1399 : vector<112xf32> to vector<112x1xf32>
    %add3A_1401 = arith.constant 1.000000e+00 : f32
    %add3A_1402 = vector.broadcast %add3A_1401 : f32 to vector<112x1xf32>
    %add3A_1403 = arith.addf %add3A_1402, %broadcast_in_dim3A_1400 : vector<112x1xf32>
    %rsqrt3A_1404 = math.rsqrt %add3A_1393 : vector<112x1xf32>
    %rsqrt3A_1405 = math.rsqrt %add3A_1403 : vector<112x1xf32>
    %mul3A_1406 = vector.broadcast %rsqrt3A_1404 : vector<112x1xf32> to vector<112x256xf32>
    %mul3A_1407 = arith.mulf %convert_element_type3A_1383, %mul3A_1406 : vector<112x256xf32>
    %convert_element_type3A_1408 = arith.truncf %mul3A_1407 : vector<112x256xf32> to vector<112x256xbf16>
    %mul3A_1409 = vector.broadcast %rsqrt3A_1405 : vector<112x1xf32> to vector<112x256xf32>
    %mul3A_1410 = arith.mulf %convert_element_type3A_1387, %mul3A_1409 : vector<112x256xf32>
    %convert_element_type3A_1411 = arith.truncf %mul3A_1410 : vector<112x256xf32> to vector<112x256xbf16>
    %dot_general3A_1412 = arith.constant dense<0.000000e+00> : vector<112x112xf32>
    %dot_general3A_1413 = tpu.matmul %convert_element_type3A_1408, %convert_element_type3A_1411, %dot_general3A_1412 {dimension_numbers = #tpu.dot_dimension_numbers<[1], [1], [0], [0], [0, 0, 1, 0], [], []>, transpose_lhs_hint = false} : vector<112x256xbf16>, vector<112x256xbf16>, vector<112x112xf32> -> vector<112x112xf32>
    %mul3A_1414 = arith.mulf %rsqrt3A_1404, %rsqrt3A_1404 : vector<112x1xf32>
    %mul3A_1415 = vector.broadcast %mul3A_1414 : vector<112x1xf32> to vector<112x112xf32>
    %mul3A_1416 = arith.mulf %convert_element_type3A_76, %mul3A_1415 : vector<112x112xf32>
    %add3A_1417 = arith.addf %dot_general3A_1413, %mul3A_1416 : vector<112x112xf32>
    %convert_element_type3A_1418 = arith.truncf %add3A_1417 : vector<112x112xf32> to vector<112x112xbf16>
    %slice3A_1419 = vector.extract_strided_slice %convert_element_type3A_36 {offsets = [1344, 0], sizes = [56, 128], strides = [1, 1]} : vector<3584x128xbf16> to vector<56x128xbf16>
    %slice3A_1420 = vector.extract_strided_slice %convert_element_type3A_37 {offsets = [1344, 0], sizes = [56, 128], strides = [1, 1]} : vector<3584x128xbf16> to vector<56x128xbf16>
    %concatenate3A_1421 = tpu.concatenate %slice3A_1419, %slice3A_1420 in 0 : vector<56x128xbf16>, vector<56x128xbf16> -> vector<112x128xbf16>
    %dot_general3A_1422 = arith.constant dense<0.000000e+00> : vector<112x128xf32>
    %dot_general3A_1423 = tpu.matmul %convert_element_type3A_1418, %concatenate3A_1421, %dot_general3A_1422 {dimension_numbers = #tpu.dot_dimension_numbers<[1], [0], [0], [1], [0, 0, 1, 1], [], []>, transpose_lhs_hint = false} : vector<112x112xbf16>, vector<112x128xbf16>, vector<112x128xf32> -> vector<112x128xf32>
    %slice3A_1424 = vector.extract_strided_slice %squeeze3A {offsets = [50, 0], sizes = [1, 128], strides = [1, 1]} : vector<128x128xi32> to vector<1x128xi32>
    %slice3A_1425 = vector.extract_strided_slice %squeeze3A {offsets = [51, 0], sizes = [1, 128], strides = [1, 1]} : vector<128x128xi32> to vector<1x128xi32>
    %concatenate3A_1426 = tpu.concatenate %slice3A_1424, %slice3A_1425 in 1 : vector<1x128xi32>, vector<1x128xi32> -> vector<1x256xi32>
    %slice3A_1427 = vector.extract_strided_slice %select_n3A {offsets = [0, 0], sizes = [1, 256], strides = [1, 1]} : vector<112x256xi32> to vector<1x256xi32>
    %add3A_1428 = arith.addi %concatenate3A_1426, %slice3A_1427 : vector<1x256xi32>
    %slice3A_1429 = vector.extract_strided_slice %squeeze3A_44 {offsets = [50, 0], sizes = [1, 128], strides = [1, 1]} : vector<128x128xi32> to vector<1x128xi32>
    %slice3A_1430 = vector.extract_strided_slice %squeeze3A_44 {offsets = [51, 0], sizes = [1, 128], strides = [1, 1]} : vector<128x128xi32> to vector<1x128xi32>
    %concatenate3A_1431 = tpu.concatenate %slice3A_1429, %slice3A_1430 in 1 : vector<1x128xi32>, vector<1x128xi32> -> vector<1x256xi32>
    %slice3A_1432 = vector.extract_strided_slice %select_n3A {offsets = [0, 0], sizes = [1, 256], strides = [1, 1]} : vector<112x256xi32> to vector<1x256xi32>
    %add3A_1433 = arith.addi %concatenate3A_1431, %slice3A_1432 : vector<1x256xi32>
    %eq3A_1434 = vector.broadcast %add3A_1433 : vector<1x256xi32> to vector<112x256xi32>
    %eq3A_1435 = arith.cmpi eq, %iota3A, %eq3A_1434 : vector<112x256xi32>
    %convert_element_type3A_1436 = arith.extui %eq3A_1435 : vector<112x256xi1> to vector<112x256xi32>
    %convert_element_type3A_1437 = arith.sitofp %convert_element_type3A_1436 : vector<112x256xi32> to vector<112x256xf32>
    %eq3A_1438 = vector.broadcast %add3A_1428 : vector<1x256xi32> to vector<112x256xi32>
    %eq3A_1439 = arith.cmpi eq, %select_n3A_59, %eq3A_1438 : vector<112x256xi32>
    %convert_element_type3A_1440 = arith.extui %eq3A_1439 : vector<112x256xi1> to vector<112x256xi32>
    %convert_element_type3A_1441 = arith.sitofp %convert_element_type3A_1440 : vector<112x256xi32> to vector<112x256xf32>
    %reduce_sum3A_1442 = arith.constant dense<0.000000e+00> : vector<112xf32>
    %reduce_sum3A_1443 = vector.multi_reduction <add>, %convert_element_type3A_1437, %reduce_sum3A_1442 [1] : vector<112x256xf32> to vector<112xf32>
    %broadcast_in_dim3A_1444 = vector.shape_cast %reduce_sum3A_1443 : vector<112xf32> to vector<112x1xf32>
    %add3A_1445 = arith.constant 1.000000e+00 : f32
    %add3A_1446 = vector.broadcast %add3A_1445 : f32 to vector<112x1xf32>
    %add3A_1447 = arith.addf %add3A_1446, %broadcast_in_dim3A_1444 : vector<112x1xf32>
    %eq3A_1448 = vector.broadcast %add3A_1433 : vector<1x256xi32> to vector<112x256xi32>
    %eq3A_1449 = arith.cmpi eq, %select_n3A_59, %eq3A_1448 : vector<112x256xi32>
    %convert_element_type3A_1450 = arith.extui %eq3A_1449 : vector<112x256xi1> to vector<112x256xi32>
    %convert_element_type3A_1451 = arith.sitofp %convert_element_type3A_1450 : vector<112x256xi32> to vector<112x256xf32>
    %reduce_sum3A_1452 = arith.constant dense<0.000000e+00> : vector<112xf32>
    %reduce_sum3A_1453 = vector.multi_reduction <add>, %convert_element_type3A_1451, %reduce_sum3A_1452 [1] : vector<112x256xf32> to vector<112xf32>
    %broadcast_in_dim3A_1454 = vector.shape_cast %reduce_sum3A_1453 : vector<112xf32> to vector<112x1xf32>
    %add3A_1455 = arith.constant 1.000000e+00 : f32
    %add3A_1456 = vector.broadcast %add3A_1455 : f32 to vector<112x1xf32>
    %add3A_1457 = arith.addf %add3A_1456, %broadcast_in_dim3A_1454 : vector<112x1xf32>
    %rsqrt3A_1458 = math.rsqrt %add3A_1447 : vector<112x1xf32>
    %rsqrt3A_1459 = math.rsqrt %add3A_1457 : vector<112x1xf32>
    %mul3A_1460 = vector.broadcast %rsqrt3A_1458 : vector<112x1xf32> to vector<112x256xf32>
    %mul3A_1461 = arith.mulf %convert_element_type3A_1437, %mul3A_1460 : vector<112x256xf32>
    %convert_element_type3A_1462 = arith.truncf %mul3A_1461 : vector<112x256xf32> to vector<112x256xbf16>
    %mul3A_1463 = vector.broadcast %rsqrt3A_1459 : vector<112x1xf32> to vector<112x256xf32>
    %mul3A_1464 = arith.mulf %convert_element_type3A_1441, %mul3A_1463 : vector<112x256xf32>
    %convert_element_type3A_1465 = arith.truncf %mul3A_1464 : vector<112x256xf32> to vector<112x256xbf16>
    %dot_general3A_1466 = arith.constant dense<0.000000e+00> : vector<112x112xf32>
    %dot_general3A_1467 = tpu.matmul %convert_element_type3A_1462, %convert_element_type3A_1465, %dot_general3A_1466 {dimension_numbers = #tpu.dot_dimension_numbers<[1], [1], [0], [0], [0, 0, 1, 0], [], []>, transpose_lhs_hint = false} : vector<112x256xbf16>, vector<112x256xbf16>, vector<112x112xf32> -> vector<112x112xf32>
    %mul3A_1468 = arith.mulf %rsqrt3A_1458, %rsqrt3A_1458 : vector<112x1xf32>
    %mul3A_1469 = vector.broadcast %mul3A_1468 : vector<112x1xf32> to vector<112x112xf32>
    %mul3A_1470 = arith.mulf %convert_element_type3A_76, %mul3A_1469 : vector<112x112xf32>
    %add3A_1471 = arith.addf %dot_general3A_1467, %mul3A_1470 : vector<112x112xf32>
    %convert_element_type3A_1472 = arith.truncf %add3A_1471 : vector<112x112xf32> to vector<112x112xbf16>
    %slice3A_1473 = vector.extract_strided_slice %convert_element_type3A_36 {offsets = [1400, 0], sizes = [56, 128], strides = [1, 1]} : vector<3584x128xbf16> to vector<56x128xbf16>
    %slice3A_1474 = vector.extract_strided_slice %convert_element_type3A_37 {offsets = [1400, 0], sizes = [56, 128], strides = [1, 1]} : vector<3584x128xbf16> to vector<56x128xbf16>
    %concatenate3A_1475 = tpu.concatenate %slice3A_1473, %slice3A_1474 in 0 : vector<56x128xbf16>, vector<56x128xbf16> -> vector<112x128xbf16>
    %dot_general3A_1476 = arith.constant dense<0.000000e+00> : vector<112x128xf32>
    %dot_general3A_1477 = tpu.matmul %convert_element_type3A_1472, %concatenate3A_1475, %dot_general3A_1476 {dimension_numbers = #tpu.dot_dimension_numbers<[1], [0], [0], [1], [0, 0, 1, 1], [], []>, transpose_lhs_hint = false} : vector<112x112xbf16>, vector<112x128xbf16>, vector<112x128xf32> -> vector<112x128xf32>
    %slice3A_1478 = vector.extract_strided_slice %squeeze3A {offsets = [52, 0], sizes = [1, 128], strides = [1, 1]} : vector<128x128xi32> to vector<1x128xi32>
    %slice3A_1479 = vector.extract_strided_slice %squeeze3A {offsets = [53, 0], sizes = [1, 128], strides = [1, 1]} : vector<128x128xi32> to vector<1x128xi32>
    %concatenate3A_1480 = tpu.concatenate %slice3A_1478, %slice3A_1479 in 1 : vector<1x128xi32>, vector<1x128xi32> -> vector<1x256xi32>
    %slice3A_1481 = vector.extract_strided_slice %select_n3A {offsets = [0, 0], sizes = [1, 256], strides = [1, 1]} : vector<112x256xi32> to vector<1x256xi32>
    %add3A_1482 = arith.addi %concatenate3A_1480, %slice3A_1481 : vector<1x256xi32>
    %slice3A_1483 = vector.extract_strided_slice %squeeze3A_44 {offsets = [52, 0], sizes = [1, 128], strides = [1, 1]} : vector<128x128xi32> to vector<1x128xi32>
    %slice3A_1484 = vector.extract_strided_slice %squeeze3A_44 {offsets = [53, 0], sizes = [1, 128], strides = [1, 1]} : vector<128x128xi32> to vector<1x128xi32>
    %concatenate3A_1485 = tpu.concatenate %slice3A_1483, %slice3A_1484 in 1 : vector<1x128xi32>, vector<1x128xi32> -> vector<1x256xi32>
    %slice3A_1486 = vector.extract_strided_slice %select_n3A {offsets = [0, 0], sizes = [1, 256], strides = [1, 1]} : vector<112x256xi32> to vector<1x256xi32>
    %add3A_1487 = arith.addi %concatenate3A_1485, %slice3A_1486 : vector<1x256xi32>
    %eq3A_1488 = vector.broadcast %add3A_1487 : vector<1x256xi32> to vector<112x256xi32>
    %eq3A_1489 = arith.cmpi eq, %iota3A, %eq3A_1488 : vector<112x256xi32>
    %convert_element_type3A_1490 = arith.extui %eq3A_1489 : vector<112x256xi1> to vector<112x256xi32>
    %convert_element_type3A_1491 = arith.sitofp %convert_element_type3A_1490 : vector<112x256xi32> to vector<112x256xf32>
    %eq3A_1492 = vector.broadcast %add3A_1482 : vector<1x256xi32> to vector<112x256xi32>
    %eq3A_1493 = arith.cmpi eq, %select_n3A_59, %eq3A_1492 : vector<112x256xi32>
    %convert_element_type3A_1494 = arith.extui %eq3A_1493 : vector<112x256xi1> to vector<112x256xi32>
    %convert_element_type3A_1495 = arith.sitofp %convert_element_type3A_1494 : vector<112x256xi32> to vector<112x256xf32>
    %reduce_sum3A_1496 = arith.constant dense<0.000000e+00> : vector<112xf32>
    %reduce_sum3A_1497 = vector.multi_reduction <add>, %convert_element_type3A_1491, %reduce_sum3A_1496 [1] : vector<112x256xf32> to vector<112xf32>
    %broadcast_in_dim3A_1498 = vector.shape_cast %reduce_sum3A_1497 : vector<112xf32> to vector<112x1xf32>
    %add3A_1499 = arith.constant 1.000000e+00 : f32
    %add3A_1500 = vector.broadcast %add3A_1499 : f32 to vector<112x1xf32>
    %add3A_1501 = arith.addf %add3A_1500, %broadcast_in_dim3A_1498 : vector<112x1xf32>
    %eq3A_1502 = vector.broadcast %add3A_1487 : vector<1x256xi32> to vector<112x256xi32>
    %eq3A_1503 = arith.cmpi eq, %select_n3A_59, %eq3A_1502 : vector<112x256xi32>
    %convert_element_type3A_1504 = arith.extui %eq3A_1503 : vector<112x256xi1> to vector<112x256xi32>
    %convert_element_type3A_1505 = arith.sitofp %convert_element_type3A_1504 : vector<112x256xi32> to vector<112x256xf32>
    %reduce_sum3A_1506 = arith.constant dense<0.000000e+00> : vector<112xf32>
    %reduce_sum3A_1507 = vector.multi_reduction <add>, %convert_element_type3A_1505, %reduce_sum3A_1506 [1] : vector<112x256xf32> to vector<112xf32>
    %broadcast_in_dim3A_1508 = vector.shape_cast %reduce_sum3A_1507 : vector<112xf32> to vector<112x1xf32>
    %add3A_1509 = arith.constant 1.000000e+00 : f32
    %add3A_1510 = vector.broadcast %add3A_1509 : f32 to vector<112x1xf32>
    %add3A_1511 = arith.addf %add3A_1510, %broadcast_in_dim3A_1508 : vector<112x1xf32>
    %rsqrt3A_1512 = math.rsqrt %add3A_1501 : vector<112x1xf32>
    %rsqrt3A_1513 = math.rsqrt %add3A_1511 : vector<112x1xf32>
    %mul3A_1514 = vector.broadcast %rsqrt3A_1512 : vector<112x1xf32> to vector<112x256xf32>
    %mul3A_1515 = arith.mulf %convert_element_type3A_1491, %mul3A_1514 : vector<112x256xf32>
    %convert_element_type3A_1516 = arith.truncf %mul3A_1515 : vector<112x256xf32> to vector<112x256xbf16>
    %mul3A_1517 = vector.broadcast %rsqrt3A_1513 : vector<112x1xf32> to vector<112x256xf32>
    %mul3A_1518 = arith.mulf %convert_element_type3A_1495, %mul3A_1517 : vector<112x256xf32>
    %convert_element_type3A_1519 = arith.truncf %mul3A_1518 : vector<112x256xf32> to vector<112x256xbf16>
    %dot_general3A_1520 = arith.constant dense<0.000000e+00> : vector<112x112xf32>
    %dot_general3A_1521 = tpu.matmul %convert_element_type3A_1516, %convert_element_type3A_1519, %dot_general3A_1520 {dimension_numbers = #tpu.dot_dimension_numbers<[1], [1], [0], [0], [0, 0, 1, 0], [], []>, transpose_lhs_hint = false} : vector<112x256xbf16>, vector<112x256xbf16>, vector<112x112xf32> -> vector<112x112xf32>
    %mul3A_1522 = arith.mulf %rsqrt3A_1512, %rsqrt3A_1512 : vector<112x1xf32>
    %mul3A_1523 = vector.broadcast %mul3A_1522 : vector<112x1xf32> to vector<112x112xf32>
    %mul3A_1524 = arith.mulf %convert_element_type3A_76, %mul3A_1523 : vector<112x112xf32>
    %add3A_1525 = arith.addf %dot_general3A_1521, %mul3A_1524 : vector<112x112xf32>
    %convert_element_type3A_1526 = arith.truncf %add3A_1525 : vector<112x112xf32> to vector<112x112xbf16>
    %slice3A_1527 = vector.extract_strided_slice %convert_element_type3A_36 {offsets = [1456, 0], sizes = [56, 128], strides = [1, 1]} : vector<3584x128xbf16> to vector<56x128xbf16>
    %slice3A_1528 = vector.extract_strided_slice %convert_element_type3A_37 {offsets = [1456, 0], sizes = [56, 128], strides = [1, 1]} : vector<3584x128xbf16> to vector<56x128xbf16>
    %concatenate3A_1529 = tpu.concatenate %slice3A_1527, %slice3A_1528 in 0 : vector<56x128xbf16>, vector<56x128xbf16> -> vector<112x128xbf16>
    %dot_general3A_1530 = arith.constant dense<0.000000e+00> : vector<112x128xf32>
    %dot_general3A_1531 = tpu.matmul %convert_element_type3A_1526, %concatenate3A_1529, %dot_general3A_1530 {dimension_numbers = #tpu.dot_dimension_numbers<[1], [0], [0], [1], [0, 0, 1, 1], [], []>, transpose_lhs_hint = false} : vector<112x112xbf16>, vector<112x128xbf16>, vector<112x128xf32> -> vector<112x128xf32>
    %slice3A_1532 = vector.extract_strided_slice %squeeze3A {offsets = [54, 0], sizes = [1, 128], strides = [1, 1]} : vector<128x128xi32> to vector<1x128xi32>
    %slice3A_1533 = vector.extract_strided_slice %squeeze3A {offsets = [55, 0], sizes = [1, 128], strides = [1, 1]} : vector<128x128xi32> to vector<1x128xi32>
    %concatenate3A_1534 = tpu.concatenate %slice3A_1532, %slice3A_1533 in 1 : vector<1x128xi32>, vector<1x128xi32> -> vector<1x256xi32>
    %slice3A_1535 = vector.extract_strided_slice %select_n3A {offsets = [0, 0], sizes = [1, 256], strides = [1, 1]} : vector<112x256xi32> to vector<1x256xi32>
    %add3A_1536 = arith.addi %concatenate3A_1534, %slice3A_1535 : vector<1x256xi32>
    %slice3A_1537 = vector.extract_strided_slice %squeeze3A_44 {offsets = [54, 0], sizes = [1, 128], strides = [1, 1]} : vector<128x128xi32> to vector<1x128xi32>
    %slice3A_1538 = vector.extract_strided_slice %squeeze3A_44 {offsets = [55, 0], sizes = [1, 128], strides = [1, 1]} : vector<128x128xi32> to vector<1x128xi32>
    %concatenate3A_1539 = tpu.concatenate %slice3A_1537, %slice3A_1538 in 1 : vector<1x128xi32>, vector<1x128xi32> -> vector<1x256xi32>
    %slice3A_1540 = vector.extract_strided_slice %select_n3A {offsets = [0, 0], sizes = [1, 256], strides = [1, 1]} : vector<112x256xi32> to vector<1x256xi32>
    %add3A_1541 = arith.addi %concatenate3A_1539, %slice3A_1540 : vector<1x256xi32>
    %eq3A_1542 = vector.broadcast %add3A_1541 : vector<1x256xi32> to vector<112x256xi32>
    %eq3A_1543 = arith.cmpi eq, %iota3A, %eq3A_1542 : vector<112x256xi32>
    %convert_element_type3A_1544 = arith.extui %eq3A_1543 : vector<112x256xi1> to vector<112x256xi32>
    %convert_element_type3A_1545 = arith.sitofp %convert_element_type3A_1544 : vector<112x256xi32> to vector<112x256xf32>
    %eq3A_1546 = vector.broadcast %add3A_1536 : vector<1x256xi32> to vector<112x256xi32>
    %eq3A_1547 = arith.cmpi eq, %select_n3A_59, %eq3A_1546 : vector<112x256xi32>
    %convert_element_type3A_1548 = arith.extui %eq3A_1547 : vector<112x256xi1> to vector<112x256xi32>
    %convert_element_type3A_1549 = arith.sitofp %convert_element_type3A_1548 : vector<112x256xi32> to vector<112x256xf32>
    %reduce_sum3A_1550 = arith.constant dense<0.000000e+00> : vector<112xf32>
    %reduce_sum3A_1551 = vector.multi_reduction <add>, %convert_element_type3A_1545, %reduce_sum3A_1550 [1] : vector<112x256xf32> to vector<112xf32>
    %broadcast_in_dim3A_1552 = vector.shape_cast %reduce_sum3A_1551 : vector<112xf32> to vector<112x1xf32>
    %add3A_1553 = arith.constant 1.000000e+00 : f32
    %add3A_1554 = vector.broadcast %add3A_1553 : f32 to vector<112x1xf32>
    %add3A_1555 = arith.addf %add3A_1554, %broadcast_in_dim3A_1552 : vector<112x1xf32>
    %eq3A_1556 = vector.broadcast %add3A_1541 : vector<1x256xi32> to vector<112x256xi32>
    %eq3A_1557 = arith.cmpi eq, %select_n3A_59, %eq3A_1556 : vector<112x256xi32>
    %convert_element_type3A_1558 = arith.extui %eq3A_1557 : vector<112x256xi1> to vector<112x256xi32>
    %convert_element_type3A_1559 = arith.sitofp %convert_element_type3A_1558 : vector<112x256xi32> to vector<112x256xf32>
    %reduce_sum3A_1560 = arith.constant dense<0.000000e+00> : vector<112xf32>
    %reduce_sum3A_1561 = vector.multi_reduction <add>, %convert_element_type3A_1559, %reduce_sum3A_1560 [1] : vector<112x256xf32> to vector<112xf32>
    %broadcast_in_dim3A_1562 = vector.shape_cast %reduce_sum3A_1561 : vector<112xf32> to vector<112x1xf32>
    %add3A_1563 = arith.constant 1.000000e+00 : f32
    %add3A_1564 = vector.broadcast %add3A_1563 : f32 to vector<112x1xf32>
    %add3A_1565 = arith.addf %add3A_1564, %broadcast_in_dim3A_1562 : vector<112x1xf32>
    %rsqrt3A_1566 = math.rsqrt %add3A_1555 : vector<112x1xf32>
    %rsqrt3A_1567 = math.rsqrt %add3A_1565 : vector<112x1xf32>
    %mul3A_1568 = vector.broadcast %rsqrt3A_1566 : vector<112x1xf32> to vector<112x256xf32>
    %mul3A_1569 = arith.mulf %convert_element_type3A_1545, %mul3A_1568 : vector<112x256xf32>
    %convert_element_type3A_1570 = arith.truncf %mul3A_1569 : vector<112x256xf32> to vector<112x256xbf16>
    %mul3A_1571 = vector.broadcast %rsqrt3A_1567 : vector<112x1xf32> to vector<112x256xf32>
    %mul3A_1572 = arith.mulf %convert_element_type3A_1549, %mul3A_1571 : vector<112x256xf32>
    %convert_element_type3A_1573 = arith.truncf %mul3A_1572 : vector<112x256xf32> to vector<112x256xbf16>
    %dot_general3A_1574 = arith.constant dense<0.000000e+00> : vector<112x112xf32>
    %dot_general3A_1575 = tpu.matmul %convert_element_type3A_1570, %convert_element_type3A_1573, %dot_general3A_1574 {dimension_numbers = #tpu.dot_dimension_numbers<[1], [1], [0], [0], [0, 0, 1, 0], [], []>, transpose_lhs_hint = false} : vector<112x256xbf16>, vector<112x256xbf16>, vector<112x112xf32> -> vector<112x112xf32>
    %mul3A_1576 = arith.mulf %rsqrt3A_1566, %rsqrt3A_1566 : vector<112x1xf32>
    %mul3A_1577 = vector.broadcast %mul3A_1576 : vector<112x1xf32> to vector<112x112xf32>
    %mul3A_1578 = arith.mulf %convert_element_type3A_76, %mul3A_1577 : vector<112x112xf32>
    %add3A_1579 = arith.addf %dot_general3A_1575, %mul3A_1578 : vector<112x112xf32>
    %convert_element_type3A_1580 = arith.truncf %add3A_1579 : vector<112x112xf32> to vector<112x112xbf16>
    %slice3A_1581 = vector.extract_strided_slice %convert_element_type3A_36 {offsets = [1512, 0], sizes = [56, 128], strides = [1, 1]} : vector<3584x128xbf16> to vector<56x128xbf16>
    %slice3A_1582 = vector.extract_strided_slice %convert_element_type3A_37 {offsets = [1512, 0], sizes = [56, 128], strides = [1, 1]} : vector<3584x128xbf16> to vector<56x128xbf16>
    %concatenate3A_1583 = tpu.concatenate %slice3A_1581, %slice3A_1582 in 0 : vector<56x128xbf16>, vector<56x128xbf16> -> vector<112x128xbf16>
    %dot_general3A_1584 = arith.constant dense<0.000000e+00> : vector<112x128xf32>
    %dot_general3A_1585 = tpu.matmul %convert_element_type3A_1580, %concatenate3A_1583, %dot_general3A_1584 {dimension_numbers = #tpu.dot_dimension_numbers<[1], [0], [0], [1], [0, 0, 1, 1], [], []>, transpose_lhs_hint = false} : vector<112x112xbf16>, vector<112x128xbf16>, vector<112x128xf32> -> vector<112x128xf32>
    %slice3A_1586 = vector.extract_strided_slice %squeeze3A {offsets = [56, 0], sizes = [1, 128], strides = [1, 1]} : vector<128x128xi32> to vector<1x128xi32>
    %slice3A_1587 = vector.extract_strided_slice %squeeze3A {offsets = [57, 0], sizes = [1, 128], strides = [1, 1]} : vector<128x128xi32> to vector<1x128xi32>
    %concatenate3A_1588 = tpu.concatenate %slice3A_1586, %slice3A_1587 in 1 : vector<1x128xi32>, vector<1x128xi32> -> vector<1x256xi32>
    %slice3A_1589 = vector.extract_strided_slice %select_n3A {offsets = [0, 0], sizes = [1, 256], strides = [1, 1]} : vector<112x256xi32> to vector<1x256xi32>
    %add3A_1590 = arith.addi %concatenate3A_1588, %slice3A_1589 : vector<1x256xi32>
    %slice3A_1591 = vector.extract_strided_slice %squeeze3A_44 {offsets = [56, 0], sizes = [1, 128], strides = [1, 1]} : vector<128x128xi32> to vector<1x128xi32>
    %slice3A_1592 = vector.extract_strided_slice %squeeze3A_44 {offsets = [57, 0], sizes = [1, 128], strides = [1, 1]} : vector<128x128xi32> to vector<1x128xi32>
    %concatenate3A_1593 = tpu.concatenate %slice3A_1591, %slice3A_1592 in 1 : vector<1x128xi32>, vector<1x128xi32> -> vector<1x256xi32>
    %slice3A_1594 = vector.extract_strided_slice %select_n3A {offsets = [0, 0], sizes = [1, 256], strides = [1, 1]} : vector<112x256xi32> to vector<1x256xi32>
    %add3A_1595 = arith.addi %concatenate3A_1593, %slice3A_1594 : vector<1x256xi32>
    %eq3A_1596 = vector.broadcast %add3A_1595 : vector<1x256xi32> to vector<112x256xi32>
    %eq3A_1597 = arith.cmpi eq, %iota3A, %eq3A_1596 : vector<112x256xi32>
    %convert_element_type3A_1598 = arith.extui %eq3A_1597 : vector<112x256xi1> to vector<112x256xi32>
    %convert_element_type3A_1599 = arith.sitofp %convert_element_type3A_1598 : vector<112x256xi32> to vector<112x256xf32>
    %eq3A_1600 = vector.broadcast %add3A_1590 : vector<1x256xi32> to vector<112x256xi32>
    %eq3A_1601 = arith.cmpi eq, %select_n3A_59, %eq3A_1600 : vector<112x256xi32>
    %convert_element_type3A_1602 = arith.extui %eq3A_1601 : vector<112x256xi1> to vector<112x256xi32>
    %convert_element_type3A_1603 = arith.sitofp %convert_element_type3A_1602 : vector<112x256xi32> to vector<112x256xf32>
    %reduce_sum3A_1604 = arith.constant dense<0.000000e+00> : vector<112xf32>
    %reduce_sum3A_1605 = vector.multi_reduction <add>, %convert_element_type3A_1599, %reduce_sum3A_1604 [1] : vector<112x256xf32> to vector<112xf32>
    %broadcast_in_dim3A_1606 = vector.shape_cast %reduce_sum3A_1605 : vector<112xf32> to vector<112x1xf32>
    %add3A_1607 = arith.constant 1.000000e+00 : f32
    %add3A_1608 = vector.broadcast %add3A_1607 : f32 to vector<112x1xf32>
    %add3A_1609 = arith.addf %add3A_1608, %broadcast_in_dim3A_1606 : vector<112x1xf32>
    %eq3A_1610 = vector.broadcast %add3A_1595 : vector<1x256xi32> to vector<112x256xi32>
    %eq3A_1611 = arith.cmpi eq, %select_n3A_59, %eq3A_1610 : vector<112x256xi32>
    %convert_element_type3A_1612 = arith.extui %eq3A_1611 : vector<112x256xi1> to vector<112x256xi32>
    %convert_element_type3A_1613 = arith.sitofp %convert_element_type3A_1612 : vector<112x256xi32> to vector<112x256xf32>
    %reduce_sum3A_1614 = arith.constant dense<0.000000e+00> : vector<112xf32>
    %reduce_sum3A_1615 = vector.multi_reduction <add>, %convert_element_type3A_1613, %reduce_sum3A_1614 [1] : vector<112x256xf32> to vector<112xf32>
    %broadcast_in_dim3A_1616 = vector.shape_cast %reduce_sum3A_1615 : vector<112xf32> to vector<112x1xf32>
    %add3A_1617 = arith.constant 1.000000e+00 : f32
    %add3A_1618 = vector.broadcast %add3A_1617 : f32 to vector<112x1xf32>
    %add3A_1619 = arith.addf %add3A_1618, %broadcast_in_dim3A_1616 : vector<112x1xf32>
    %rsqrt3A_1620 = math.rsqrt %add3A_1609 : vector<112x1xf32>
    %rsqrt3A_1621 = math.rsqrt %add3A_1619 : vector<112x1xf32>
    %mul3A_1622 = vector.broadcast %rsqrt3A_1620 : vector<112x1xf32> to vector<112x256xf32>
    %mul3A_1623 = arith.mulf %convert_element_type3A_1599, %mul3A_1622 : vector<112x256xf32>
    %convert_element_type3A_1624 = arith.truncf %mul3A_1623 : vector<112x256xf32> to vector<112x256xbf16>
    %mul3A_1625 = vector.broadcast %rsqrt3A_1621 : vector<112x1xf32> to vector<112x256xf32>
    %mul3A_1626 = arith.mulf %convert_element_type3A_1603, %mul3A_1625 : vector<112x256xf32>
    %convert_element_type3A_1627 = arith.truncf %mul3A_1626 : vector<112x256xf32> to vector<112x256xbf16>
    %dot_general3A_1628 = arith.constant dense<0.000000e+00> : vector<112x112xf32>
    %dot_general3A_1629 = tpu.matmul %convert_element_type3A_1624, %convert_element_type3A_1627, %dot_general3A_1628 {dimension_numbers = #tpu.dot_dimension_numbers<[1], [1], [0], [0], [0, 0, 1, 0], [], []>, transpose_lhs_hint = false} : vector<112x256xbf16>, vector<112x256xbf16>, vector<112x112xf32> -> vector<112x112xf32>
    %mul3A_1630 = arith.mulf %rsqrt3A_1620, %rsqrt3A_1620 : vector<112x1xf32>
    %mul3A_1631 = vector.broadcast %mul3A_1630 : vector<112x1xf32> to vector<112x112xf32>
    %mul3A_1632 = arith.mulf %convert_element_type3A_76, %mul3A_1631 : vector<112x112xf32>
    %add3A_1633 = arith.addf %dot_general3A_1629, %mul3A_1632 : vector<112x112xf32>
    %convert_element_type3A_1634 = arith.truncf %add3A_1633 : vector<112x112xf32> to vector<112x112xbf16>
    %slice3A_1635 = vector.extract_strided_slice %convert_element_type3A_36 {offsets = [1568, 0], sizes = [56, 128], strides = [1, 1]} : vector<3584x128xbf16> to vector<56x128xbf16>
    %slice3A_1636 = vector.extract_strided_slice %convert_element_type3A_37 {offsets = [1568, 0], sizes = [56, 128], strides = [1, 1]} : vector<3584x128xbf16> to vector<56x128xbf16>
    %concatenate3A_1637 = tpu.concatenate %slice3A_1635, %slice3A_1636 in 0 : vector<56x128xbf16>, vector<56x128xbf16> -> vector<112x128xbf16>
    %dot_general3A_1638 = arith.constant dense<0.000000e+00> : vector<112x128xf32>
    %dot_general3A_1639 = tpu.matmul %convert_element_type3A_1634, %concatenate3A_1637, %dot_general3A_1638 {dimension_numbers = #tpu.dot_dimension_numbers<[1], [0], [0], [1], [0, 0, 1, 1], [], []>, transpose_lhs_hint = false} : vector<112x112xbf16>, vector<112x128xbf16>, vector<112x128xf32> -> vector<112x128xf32>
    %slice3A_1640 = vector.extract_strided_slice %squeeze3A {offsets = [58, 0], sizes = [1, 128], strides = [1, 1]} : vector<128x128xi32> to vector<1x128xi32>
    %slice3A_1641 = vector.extract_strided_slice %squeeze3A {offsets = [59, 0], sizes = [1, 128], strides = [1, 1]} : vector<128x128xi32> to vector<1x128xi32>
    %concatenate3A_1642 = tpu.concatenate %slice3A_1640, %slice3A_1641 in 1 : vector<1x128xi32>, vector<1x128xi32> -> vector<1x256xi32>
    %slice3A_1643 = vector.extract_strided_slice %select_n3A {offsets = [0, 0], sizes = [1, 256], strides = [1, 1]} : vector<112x256xi32> to vector<1x256xi32>
    %add3A_1644 = arith.addi %concatenate3A_1642, %slice3A_1643 : vector<1x256xi32>
    %slice3A_1645 = vector.extract_strided_slice %squeeze3A_44 {offsets = [58, 0], sizes = [1, 128], strides = [1, 1]} : vector<128x128xi32> to vector<1x128xi32>
    %slice3A_1646 = vector.extract_strided_slice %squeeze3A_44 {offsets = [59, 0], sizes = [1, 128], strides = [1, 1]} : vector<128x128xi32> to vector<1x128xi32>
    %concatenate3A_1647 = tpu.concatenate %slice3A_1645, %slice3A_1646 in 1 : vector<1x128xi32>, vector<1x128xi32> -> vector<1x256xi32>
    %slice3A_1648 = vector.extract_strided_slice %select_n3A {offsets = [0, 0], sizes = [1, 256], strides = [1, 1]} : vector<112x256xi32> to vector<1x256xi32>
    %add3A_1649 = arith.addi %concatenate3A_1647, %slice3A_1648 : vector<1x256xi32>
    %eq3A_1650 = vector.broadcast %add3A_1649 : vector<1x256xi32> to vector<112x256xi32>
    %eq3A_1651 = arith.cmpi eq, %iota3A, %eq3A_1650 : vector<112x256xi32>
    %convert_element_type3A_1652 = arith.extui %eq3A_1651 : vector<112x256xi1> to vector<112x256xi32>
    %convert_element_type3A_1653 = arith.sitofp %convert_element_type3A_1652 : vector<112x256xi32> to vector<112x256xf32>
    %eq3A_1654 = vector.broadcast %add3A_1644 : vector<1x256xi32> to vector<112x256xi32>
    %eq3A_1655 = arith.cmpi eq, %select_n3A_59, %eq3A_1654 : vector<112x256xi32>
    %convert_element_type3A_1656 = arith.extui %eq3A_1655 : vector<112x256xi1> to vector<112x256xi32>
    %convert_element_type3A_1657 = arith.sitofp %convert_element_type3A_1656 : vector<112x256xi32> to vector<112x256xf32>
    %reduce_sum3A_1658 = arith.constant dense<0.000000e+00> : vector<112xf32>
    %reduce_sum3A_1659 = vector.multi_reduction <add>, %convert_element_type3A_1653, %reduce_sum3A_1658 [1] : vector<112x256xf32> to vector<112xf32>
    %broadcast_in_dim3A_1660 = vector.shape_cast %reduce_sum3A_1659 : vector<112xf32> to vector<112x1xf32>
    %add3A_1661 = arith.constant 1.000000e+00 : f32
    %add3A_1662 = vector.broadcast %add3A_1661 : f32 to vector<112x1xf32>
    %add3A_1663 = arith.addf %add3A_1662, %broadcast_in_dim3A_1660 : vector<112x1xf32>
    %eq3A_1664 = vector.broadcast %add3A_1649 : vector<1x256xi32> to vector<112x256xi32>
    %eq3A_1665 = arith.cmpi eq, %select_n3A_59, %eq3A_1664 : vector<112x256xi32>
    %convert_element_type3A_1666 = arith.extui %eq3A_1665 : vector<112x256xi1> to vector<112x256xi32>
    %convert_element_type3A_1667 = arith.sitofp %convert_element_type3A_1666 : vector<112x256xi32> to vector<112x256xf32>
    %reduce_sum3A_1668 = arith.constant dense<0.000000e+00> : vector<112xf32>
    %reduce_sum3A_1669 = vector.multi_reduction <add>, %convert_element_type3A_1667, %reduce_sum3A_1668 [1] : vector<112x256xf32> to vector<112xf32>
    %broadcast_in_dim3A_1670 = vector.shape_cast %reduce_sum3A_1669 : vector<112xf32> to vector<112x1xf32>
    %add3A_1671 = arith.constant 1.000000e+00 : f32
    %add3A_1672 = vector.broadcast %add3A_1671 : f32 to vector<112x1xf32>
    %add3A_1673 = arith.addf %add3A_1672, %broadcast_in_dim3A_1670 : vector<112x1xf32>
    %rsqrt3A_1674 = math.rsqrt %add3A_1663 : vector<112x1xf32>
    %rsqrt3A_1675 = math.rsqrt %add3A_1673 : vector<112x1xf32>
    %mul3A_1676 = vector.broadcast %rsqrt3A_1674 : vector<112x1xf32> to vector<112x256xf32>
    %mul3A_1677 = arith.mulf %convert_element_type3A_1653, %mul3A_1676 : vector<112x256xf32>
    %convert_element_type3A_1678 = arith.truncf %mul3A_1677 : vector<112x256xf32> to vector<112x256xbf16>
    %mul3A_1679 = vector.broadcast %rsqrt3A_1675 : vector<112x1xf32> to vector<112x256xf32>
    %mul3A_1680 = arith.mulf %convert_element_type3A_1657, %mul3A_1679 : vector<112x256xf32>
    %convert_element_type3A_1681 = arith.truncf %mul3A_1680 : vector<112x256xf32> to vector<112x256xbf16>
    %dot_general3A_1682 = arith.constant dense<0.000000e+00> : vector<112x112xf32>
    %dot_general3A_1683 = tpu.matmul %convert_element_type3A_1678, %convert_element_type3A_1681, %dot_general3A_1682 {dimension_numbers = #tpu.dot_dimension_numbers<[1], [1], [0], [0], [0, 0, 1, 0], [], []>, transpose_lhs_hint = false} : vector<112x256xbf16>, vector<112x256xbf16>, vector<112x112xf32> -> vector<112x112xf32>
    %mul3A_1684 = arith.mulf %rsqrt3A_1674, %rsqrt3A_1674 : vector<112x1xf32>
    %mul3A_1685 = vector.broadcast %mul3A_1684 : vector<112x1xf32> to vector<112x112xf32>
    %mul3A_1686 = arith.mulf %convert_element_type3A_76, %mul3A_1685 : vector<112x112xf32>
    %add3A_1687 = arith.addf %dot_general3A_1683, %mul3A_1686 : vector<112x112xf32>
    %convert_element_type3A_1688 = arith.truncf %add3A_1687 : vector<112x112xf32> to vector<112x112xbf16>
    %slice3A_1689 = vector.extract_strided_slice %convert_element_type3A_36 {offsets = [1624, 0], sizes = [56, 128], strides = [1, 1]} : vector<3584x128xbf16> to vector<56x128xbf16>
    %slice3A_1690 = vector.extract_strided_slice %convert_element_type3A_37 {offsets = [1624, 0], sizes = [56, 128], strides = [1, 1]} : vector<3584x128xbf16> to vector<56x128xbf16>
    %concatenate3A_1691 = tpu.concatenate %slice3A_1689, %slice3A_1690 in 0 : vector<56x128xbf16>, vector<56x128xbf16> -> vector<112x128xbf16>
    %dot_general3A_1692 = arith.constant dense<0.000000e+00> : vector<112x128xf32>
    %dot_general3A_1693 = tpu.matmul %convert_element_type3A_1688, %concatenate3A_1691, %dot_general3A_1692 {dimension_numbers = #tpu.dot_dimension_numbers<[1], [0], [0], [1], [0, 0, 1, 1], [], []>, transpose_lhs_hint = false} : vector<112x112xbf16>, vector<112x128xbf16>, vector<112x128xf32> -> vector<112x128xf32>
    %slice3A_1694 = vector.extract_strided_slice %squeeze3A {offsets = [60, 0], sizes = [1, 128], strides = [1, 1]} : vector<128x128xi32> to vector<1x128xi32>
    %slice3A_1695 = vector.extract_strided_slice %squeeze3A {offsets = [61, 0], sizes = [1, 128], strides = [1, 1]} : vector<128x128xi32> to vector<1x128xi32>
    %concatenate3A_1696 = tpu.concatenate %slice3A_1694, %slice3A_1695 in 1 : vector<1x128xi32>, vector<1x128xi32> -> vector<1x256xi32>
    %slice3A_1697 = vector.extract_strided_slice %select_n3A {offsets = [0, 0], sizes = [1, 256], strides = [1, 1]} : vector<112x256xi32> to vector<1x256xi32>
    %add3A_1698 = arith.addi %concatenate3A_1696, %slice3A_1697 : vector<1x256xi32>
    %slice3A_1699 = vector.extract_strided_slice %squeeze3A_44 {offsets = [60, 0], sizes = [1, 128], strides = [1, 1]} : vector<128x128xi32> to vector<1x128xi32>
    %slice3A_1700 = vector.extract_strided_slice %squeeze3A_44 {offsets = [61, 0], sizes = [1, 128], strides = [1, 1]} : vector<128x128xi32> to vector<1x128xi32>
    %concatenate3A_1701 = tpu.concatenate %slice3A_1699, %slice3A_1700 in 1 : vector<1x128xi32>, vector<1x128xi32> -> vector<1x256xi32>
    %slice3A_1702 = vector.extract_strided_slice %select_n3A {offsets = [0, 0], sizes = [1, 256], strides = [1, 1]} : vector<112x256xi32> to vector<1x256xi32>
    %add3A_1703 = arith.addi %concatenate3A_1701, %slice3A_1702 : vector<1x256xi32>
    %eq3A_1704 = vector.broadcast %add3A_1703 : vector<1x256xi32> to vector<112x256xi32>
    %eq3A_1705 = arith.cmpi eq, %iota3A, %eq3A_1704 : vector<112x256xi32>
    %convert_element_type3A_1706 = arith.extui %eq3A_1705 : vector<112x256xi1> to vector<112x256xi32>
    %convert_element_type3A_1707 = arith.sitofp %convert_element_type3A_1706 : vector<112x256xi32> to vector<112x256xf32>
    %eq3A_1708 = vector.broadcast %add3A_1698 : vector<1x256xi32> to vector<112x256xi32>
    %eq3A_1709 = arith.cmpi eq, %select_n3A_59, %eq3A_1708 : vector<112x256xi32>
    %convert_element_type3A_1710 = arith.extui %eq3A_1709 : vector<112x256xi1> to vector<112x256xi32>
    %convert_element_type3A_1711 = arith.sitofp %convert_element_type3A_1710 : vector<112x256xi32> to vector<112x256xf32>
    %reduce_sum3A_1712 = arith.constant dense<0.000000e+00> : vector<112xf32>
    %reduce_sum3A_1713 = vector.multi_reduction <add>, %convert_element_type3A_1707, %reduce_sum3A_1712 [1] : vector<112x256xf32> to vector<112xf32>
    %broadcast_in_dim3A_1714 = vector.shape_cast %reduce_sum3A_1713 : vector<112xf32> to vector<112x1xf32>
    %add3A_1715 = arith.constant 1.000000e+00 : f32
    %add3A_1716 = vector.broadcast %add3A_1715 : f32 to vector<112x1xf32>
    %add3A_1717 = arith.addf %add3A_1716, %broadcast_in_dim3A_1714 : vector<112x1xf32>
    %eq3A_1718 = vector.broadcast %add3A_1703 : vector<1x256xi32> to vector<112x256xi32>
    %eq3A_1719 = arith.cmpi eq, %select_n3A_59, %eq3A_1718 : vector<112x256xi32>
    %convert_element_type3A_1720 = arith.extui %eq3A_1719 : vector<112x256xi1> to vector<112x256xi32>
    %convert_element_type3A_1721 = arith.sitofp %convert_element_type3A_1720 : vector<112x256xi32> to vector<112x256xf32>
    %reduce_sum3A_1722 = arith.constant dense<0.000000e+00> : vector<112xf32>
    %reduce_sum3A_1723 = vector.multi_reduction <add>, %convert_element_type3A_1721, %reduce_sum3A_1722 [1] : vector<112x256xf32> to vector<112xf32>
    %broadcast_in_dim3A_1724 = vector.shape_cast %reduce_sum3A_1723 : vector<112xf32> to vector<112x1xf32>
    %add3A_1725 = arith.constant 1.000000e+00 : f32
    %add3A_1726 = vector.broadcast %add3A_1725 : f32 to vector<112x1xf32>
    %add3A_1727 = arith.addf %add3A_1726, %broadcast_in_dim3A_1724 : vector<112x1xf32>
    %rsqrt3A_1728 = math.rsqrt %add3A_1717 : vector<112x1xf32>
    %rsqrt3A_1729 = math.rsqrt %add3A_1727 : vector<112x1xf32>
    %mul3A_1730 = vector.broadcast %rsqrt3A_1728 : vector<112x1xf32> to vector<112x256xf32>
    %mul3A_1731 = arith.mulf %convert_element_type3A_1707, %mul3A_1730 : vector<112x256xf32>
    %convert_element_type3A_1732 = arith.truncf %mul3A_1731 : vector<112x256xf32> to vector<112x256xbf16>
    %mul3A_1733 = vector.broadcast %rsqrt3A_1729 : vector<112x1xf32> to vector<112x256xf32>
    %mul3A_1734 = arith.mulf %convert_element_type3A_1711, %mul3A_1733 : vector<112x256xf32>
    %convert_element_type3A_1735 = arith.truncf %mul3A_1734 : vector<112x256xf32> to vector<112x256xbf16>
    %dot_general3A_1736 = arith.constant dense<0.000000e+00> : vector<112x112xf32>
    %dot_general3A_1737 = tpu.matmul %convert_element_type3A_1732, %convert_element_type3A_1735, %dot_general3A_1736 {dimension_numbers = #tpu.dot_dimension_numbers<[1], [1], [0], [0], [0, 0, 1, 0], [], []>, transpose_lhs_hint = false} : vector<112x256xbf16>, vector<112x256xbf16>, vector<112x112xf32> -> vector<112x112xf32>
    %mul3A_1738 = arith.mulf %rsqrt3A_1728, %rsqrt3A_1728 : vector<112x1xf32>
    %mul3A_1739 = vector.broadcast %mul3A_1738 : vector<112x1xf32> to vector<112x112xf32>
    %mul3A_1740 = arith.mulf %convert_element_type3A_76, %mul3A_1739 : vector<112x112xf32>
    %add3A_1741 = arith.addf %dot_general3A_1737, %mul3A_1740 : vector<112x112xf32>
    %convert_element_type3A_1742 = arith.truncf %add3A_1741 : vector<112x112xf32> to vector<112x112xbf16>
    %slice3A_1743 = vector.extract_strided_slice %convert_element_type3A_36 {offsets = [1680, 0], sizes = [56, 128], strides = [1, 1]} : vector<3584x128xbf16> to vector<56x128xbf16>
    %slice3A_1744 = vector.extract_strided_slice %convert_element_type3A_37 {offsets = [1680, 0], sizes = [56, 128], strides = [1, 1]} : vector<3584x128xbf16> to vector<56x128xbf16>
    %concatenate3A_1745 = tpu.concatenate %slice3A_1743, %slice3A_1744 in 0 : vector<56x128xbf16>, vector<56x128xbf16> -> vector<112x128xbf16>
    %dot_general3A_1746 = arith.constant dense<0.000000e+00> : vector<112x128xf32>
    %dot_general3A_1747 = tpu.matmul %convert_element_type3A_1742, %concatenate3A_1745, %dot_general3A_1746 {dimension_numbers = #tpu.dot_dimension_numbers<[1], [0], [0], [1], [0, 0, 1, 1], [], []>, transpose_lhs_hint = false} : vector<112x112xbf16>, vector<112x128xbf16>, vector<112x128xf32> -> vector<112x128xf32>
    %slice3A_1748 = vector.extract_strided_slice %squeeze3A {offsets = [62, 0], sizes = [1, 128], strides = [1, 1]} : vector<128x128xi32> to vector<1x128xi32>
    %slice3A_1749 = vector.extract_strided_slice %squeeze3A {offsets = [63, 0], sizes = [1, 128], strides = [1, 1]} : vector<128x128xi32> to vector<1x128xi32>
    %concatenate3A_1750 = tpu.concatenate %slice3A_1748, %slice3A_1749 in 1 : vector<1x128xi32>, vector<1x128xi32> -> vector<1x256xi32>
    %slice3A_1751 = vector.extract_strided_slice %select_n3A {offsets = [0, 0], sizes = [1, 256], strides = [1, 1]} : vector<112x256xi32> to vector<1x256xi32>
    %add3A_1752 = arith.addi %concatenate3A_1750, %slice3A_1751 : vector<1x256xi32>
    %slice3A_1753 = vector.extract_strided_slice %squeeze3A_44 {offsets = [62, 0], sizes = [1, 128], strides = [1, 1]} : vector<128x128xi32> to vector<1x128xi32>
    %slice3A_1754 = vector.extract_strided_slice %squeeze3A_44 {offsets = [63, 0], sizes = [1, 128], strides = [1, 1]} : vector<128x128xi32> to vector<1x128xi32>
    %concatenate3A_1755 = tpu.concatenate %slice3A_1753, %slice3A_1754 in 1 : vector<1x128xi32>, vector<1x128xi32> -> vector<1x256xi32>
    %slice3A_1756 = vector.extract_strided_slice %select_n3A {offsets = [0, 0], sizes = [1, 256], strides = [1, 1]} : vector<112x256xi32> to vector<1x256xi32>
    %add3A_1757 = arith.addi %concatenate3A_1755, %slice3A_1756 : vector<1x256xi32>
    %eq3A_1758 = vector.broadcast %add3A_1757 : vector<1x256xi32> to vector<112x256xi32>
    %eq3A_1759 = arith.cmpi eq, %iota3A, %eq3A_1758 : vector<112x256xi32>
    %convert_element_type3A_1760 = arith.extui %eq3A_1759 : vector<112x256xi1> to vector<112x256xi32>
    %convert_element_type3A_1761 = arith.sitofp %convert_element_type3A_1760 : vector<112x256xi32> to vector<112x256xf32>
    %eq3A_1762 = vector.broadcast %add3A_1752 : vector<1x256xi32> to vector<112x256xi32>
    %eq3A_1763 = arith.cmpi eq, %select_n3A_59, %eq3A_1762 : vector<112x256xi32>
    %convert_element_type3A_1764 = arith.extui %eq3A_1763 : vector<112x256xi1> to vector<112x256xi32>
    %convert_element_type3A_1765 = arith.sitofp %convert_element_type3A_1764 : vector<112x256xi32> to vector<112x256xf32>
    %reduce_sum3A_1766 = arith.constant dense<0.000000e+00> : vector<112xf32>
    %reduce_sum3A_1767 = vector.multi_reduction <add>, %convert_element_type3A_1761, %reduce_sum3A_1766 [1] : vector<112x256xf32> to vector<112xf32>
    %broadcast_in_dim3A_1768 = vector.shape_cast %reduce_sum3A_1767 : vector<112xf32> to vector<112x1xf32>
    %add3A_1769 = arith.constant 1.000000e+00 : f32
    %add3A_1770 = vector.broadcast %add3A_1769 : f32 to vector<112x1xf32>
    %add3A_1771 = arith.addf %add3A_1770, %broadcast_in_dim3A_1768 : vector<112x1xf32>
    %eq3A_1772 = vector.broadcast %add3A_1757 : vector<1x256xi32> to vector<112x256xi32>
    %eq3A_1773 = arith.cmpi eq, %select_n3A_59, %eq3A_1772 : vector<112x256xi32>
    %convert_element_type3A_1774 = arith.extui %eq3A_1773 : vector<112x256xi1> to vector<112x256xi32>
    %convert_element_type3A_1775 = arith.sitofp %convert_element_type3A_1774 : vector<112x256xi32> to vector<112x256xf32>
    %reduce_sum3A_1776 = arith.constant dense<0.000000e+00> : vector<112xf32>
    %reduce_sum3A_1777 = vector.multi_reduction <add>, %convert_element_type3A_1775, %reduce_sum3A_1776 [1] : vector<112x256xf32> to vector<112xf32>
    %broadcast_in_dim3A_1778 = vector.shape_cast %reduce_sum3A_1777 : vector<112xf32> to vector<112x1xf32>
    %add3A_1779 = arith.constant 1.000000e+00 : f32
    %add3A_1780 = vector.broadcast %add3A_1779 : f32 to vector<112x1xf32>
    %add3A_1781 = arith.addf %add3A_1780, %broadcast_in_dim3A_1778 : vector<112x1xf32>
    %rsqrt3A_1782 = math.rsqrt %add3A_1771 : vector<112x1xf32>
    %rsqrt3A_1783 = math.rsqrt %add3A_1781 : vector<112x1xf32>
    %mul3A_1784 = vector.broadcast %rsqrt3A_1782 : vector<112x1xf32> to vector<112x256xf32>
    %mul3A_1785 = arith.mulf %convert_element_type3A_1761, %mul3A_1784 : vector<112x256xf32>
    %convert_element_type3A_1786 = arith.truncf %mul3A_1785 : vector<112x256xf32> to vector<112x256xbf16>
    %mul3A_1787 = vector.broadcast %rsqrt3A_1783 : vector<112x1xf32> to vector<112x256xf32>
    %mul3A_1788 = arith.mulf %convert_element_type3A_1765, %mul3A_1787 : vector<112x256xf32>
    %convert_element_type3A_1789 = arith.truncf %mul3A_1788 : vector<112x256xf32> to vector<112x256xbf16>
    %dot_general3A_1790 = arith.constant dense<0.000000e+00> : vector<112x112xf32>
    %dot_general3A_1791 = tpu.matmul %convert_element_type3A_1786, %convert_element_type3A_1789, %dot_general3A_1790 {dimension_numbers = #tpu.dot_dimension_numbers<[1], [1], [0], [0], [0, 0, 1, 0], [], []>, transpose_lhs_hint = false} : vector<112x256xbf16>, vector<112x256xbf16>, vector<112x112xf32> -> vector<112x112xf32>
    %mul3A_1792 = arith.mulf %rsqrt3A_1782, %rsqrt3A_1782 : vector<112x1xf32>
    %mul3A_1793 = vector.broadcast %mul3A_1792 : vector<112x1xf32> to vector<112x112xf32>
    %mul3A_1794 = arith.mulf %convert_element_type3A_76, %mul3A_1793 : vector<112x112xf32>
    %add3A_1795 = arith.addf %dot_general3A_1791, %mul3A_1794 : vector<112x112xf32>
    %convert_element_type3A_1796 = arith.truncf %add3A_1795 : vector<112x112xf32> to vector<112x112xbf16>
    %slice3A_1797 = vector.extract_strided_slice %convert_element_type3A_36 {offsets = [1736, 0], sizes = [56, 128], strides = [1, 1]} : vector<3584x128xbf16> to vector<56x128xbf16>
    %slice3A_1798 = vector.extract_strided_slice %convert_element_type3A_37 {offsets = [1736, 0], sizes = [56, 128], strides = [1, 1]} : vector<3584x128xbf16> to vector<56x128xbf16>
    %concatenate3A_1799 = tpu.concatenate %slice3A_1797, %slice3A_1798 in 0 : vector<56x128xbf16>, vector<56x128xbf16> -> vector<112x128xbf16>
    %dot_general3A_1800 = arith.constant dense<0.000000e+00> : vector<112x128xf32>
    %dot_general3A_1801 = tpu.matmul %convert_element_type3A_1796, %concatenate3A_1799, %dot_general3A_1800 {dimension_numbers = #tpu.dot_dimension_numbers<[1], [0], [0], [1], [0, 0, 1, 1], [], []>, transpose_lhs_hint = false} : vector<112x112xbf16>, vector<112x128xbf16>, vector<112x128xf32> -> vector<112x128xf32>
    %slice3A_1802 = vector.extract_strided_slice %squeeze3A {offsets = [64, 0], sizes = [1, 128], strides = [1, 1]} : vector<128x128xi32> to vector<1x128xi32>
    %slice3A_1803 = vector.extract_strided_slice %squeeze3A {offsets = [65, 0], sizes = [1, 128], strides = [1, 1]} : vector<128x128xi32> to vector<1x128xi32>
    %concatenate3A_1804 = tpu.concatenate %slice3A_1802, %slice3A_1803 in 1 : vector<1x128xi32>, vector<1x128xi32> -> vector<1x256xi32>
    %slice3A_1805 = vector.extract_strided_slice %select_n3A {offsets = [0, 0], sizes = [1, 256], strides = [1, 1]} : vector<112x256xi32> to vector<1x256xi32>
    %add3A_1806 = arith.addi %concatenate3A_1804, %slice3A_1805 : vector<1x256xi32>
    %slice3A_1807 = vector.extract_strided_slice %squeeze3A_44 {offsets = [64, 0], sizes = [1, 128], strides = [1, 1]} : vector<128x128xi32> to vector<1x128xi32>
    %slice3A_1808 = vector.extract_strided_slice %squeeze3A_44 {offsets = [65, 0], sizes = [1, 128], strides = [1, 1]} : vector<128x128xi32> to vector<1x128xi32>
    %concatenate3A_1809 = tpu.concatenate %slice3A_1807, %slice3A_1808 in 1 : vector<1x128xi32>, vector<1x128xi32> -> vector<1x256xi32>
    %slice3A_1810 = vector.extract_strided_slice %select_n3A {offsets = [0, 0], sizes = [1, 256], strides = [1, 1]} : vector<112x256xi32> to vector<1x256xi32>
    %add3A_1811 = arith.addi %concatenate3A_1809, %slice3A_1810 : vector<1x256xi32>
    %eq3A_1812 = vector.broadcast %add3A_1811 : vector<1x256xi32> to vector<112x256xi32>
    %eq3A_1813 = arith.cmpi eq, %iota3A, %eq3A_1812 : vector<112x256xi32>
    %convert_element_type3A_1814 = arith.extui %eq3A_1813 : vector<112x256xi1> to vector<112x256xi32>
    %convert_element_type3A_1815 = arith.sitofp %convert_element_type3A_1814 : vector<112x256xi32> to vector<112x256xf32>
    %eq3A_1816 = vector.broadcast %add3A_1806 : vector<1x256xi32> to vector<112x256xi32>
    %eq3A_1817 = arith.cmpi eq, %select_n3A_59, %eq3A_1816 : vector<112x256xi32>
    %convert_element_type3A_1818 = arith.extui %eq3A_1817 : vector<112x256xi1> to vector<112x256xi32>
    %convert_element_type3A_1819 = arith.sitofp %convert_element_type3A_1818 : vector<112x256xi32> to vector<112x256xf32>
    %reduce_sum3A_1820 = arith.constant dense<0.000000e+00> : vector<112xf32>
    %reduce_sum3A_1821 = vector.multi_reduction <add>, %convert_element_type3A_1815, %reduce_sum3A_1820 [1] : vector<112x256xf32> to vector<112xf32>
    %broadcast_in_dim3A_1822 = vector.shape_cast %reduce_sum3A_1821 : vector<112xf32> to vector<112x1xf32>
    %add3A_1823 = arith.constant 1.000000e+00 : f32
    %add3A_1824 = vector.broadcast %add3A_1823 : f32 to vector<112x1xf32>
    %add3A_1825 = arith.addf %add3A_1824, %broadcast_in_dim3A_1822 : vector<112x1xf32>
    %eq3A_1826 = vector.broadcast %add3A_1811 : vector<1x256xi32> to vector<112x256xi32>
    %eq3A_1827 = arith.cmpi eq, %select_n3A_59, %eq3A_1826 : vector<112x256xi32>
    %convert_element_type3A_1828 = arith.extui %eq3A_1827 : vector<112x256xi1> to vector<112x256xi32>
    %convert_element_type3A_1829 = arith.sitofp %convert_element_type3A_1828 : vector<112x256xi32> to vector<112x256xf32>
    %reduce_sum3A_1830 = arith.constant dense<0.000000e+00> : vector<112xf32>
    %reduce_sum3A_1831 = vector.multi_reduction <add>, %convert_element_type3A_1829, %reduce_sum3A_1830 [1] : vector<112x256xf32> to vector<112xf32>
    %broadcast_in_dim3A_1832 = vector.shape_cast %reduce_sum3A_1831 : vector<112xf32> to vector<112x1xf32>
    %add3A_1833 = arith.constant 1.000000e+00 : f32
    %add3A_1834 = vector.broadcast %add3A_1833 : f32 to vector<112x1xf32>
    %add3A_1835 = arith.addf %add3A_1834, %broadcast_in_dim3A_1832 : vector<112x1xf32>
    %rsqrt3A_1836 = math.rsqrt %add3A_1825 : vector<112x1xf32>
    %rsqrt3A_1837 = math.rsqrt %add3A_1835 : vector<112x1xf32>
    %mul3A_1838 = vector.broadcast %rsqrt3A_1836 : vector<112x1xf32> to vector<112x256xf32>
    %mul3A_1839 = arith.mulf %convert_element_type3A_1815, %mul3A_1838 : vector<112x256xf32>
    %convert_element_type3A_1840 = arith.truncf %mul3A_1839 : vector<112x256xf32> to vector<112x256xbf16>
    %mul3A_1841 = vector.broadcast %rsqrt3A_1837 : vector<112x1xf32> to vector<112x256xf32>
    %mul3A_1842 = arith.mulf %convert_element_type3A_1819, %mul3A_1841 : vector<112x256xf32>
    %convert_element_type3A_1843 = arith.truncf %mul3A_1842 : vector<112x256xf32> to vector<112x256xbf16>
    %dot_general3A_1844 = arith.constant dense<0.000000e+00> : vector<112x112xf32>
    %dot_general3A_1845 = tpu.matmul %convert_element_type3A_1840, %convert_element_type3A_1843, %dot_general3A_1844 {dimension_numbers = #tpu.dot_dimension_numbers<[1], [1], [0], [0], [0, 0, 1, 0], [], []>, transpose_lhs_hint = false} : vector<112x256xbf16>, vector<112x256xbf16>, vector<112x112xf32> -> vector<112x112xf32>
    %mul3A_1846 = arith.mulf %rsqrt3A_1836, %rsqrt3A_1836 : vector<112x1xf32>
    %mul3A_1847 = vector.broadcast %mul3A_1846 : vector<112x1xf32> to vector<112x112xf32>
    %mul3A_1848 = arith.mulf %convert_element_type3A_76, %mul3A_1847 : vector<112x112xf32>
    %add3A_1849 = arith.addf %dot_general3A_1845, %mul3A_1848 : vector<112x112xf32>
    %convert_element_type3A_1850 = arith.truncf %add3A_1849 : vector<112x112xf32> to vector<112x112xbf16>
    %slice3A_1851 = vector.extract_strided_slice %convert_element_type3A_36 {offsets = [1792, 0], sizes = [56, 128], strides = [1, 1]} : vector<3584x128xbf16> to vector<56x128xbf16>
    %slice3A_1852 = vector.extract_strided_slice %convert_element_type3A_37 {offsets = [1792, 0], sizes = [56, 128], strides = [1, 1]} : vector<3584x128xbf16> to vector<56x128xbf16>
    %concatenate3A_1853 = tpu.concatenate %slice3A_1851, %slice3A_1852 in 0 : vector<56x128xbf16>, vector<56x128xbf16> -> vector<112x128xbf16>
    %dot_general3A_1854 = arith.constant dense<0.000000e+00> : vector<112x128xf32>
    %dot_general3A_1855 = tpu.matmul %convert_element_type3A_1850, %concatenate3A_1853, %dot_general3A_1854 {dimension_numbers = #tpu.dot_dimension_numbers<[1], [0], [0], [1], [0, 0, 1, 1], [], []>, transpose_lhs_hint = false} : vector<112x112xbf16>, vector<112x128xbf16>, vector<112x128xf32> -> vector<112x128xf32>
    %slice3A_1856 = vector.extract_strided_slice %squeeze3A {offsets = [66, 0], sizes = [1, 128], strides = [1, 1]} : vector<128x128xi32> to vector<1x128xi32>
    %slice3A_1857 = vector.extract_strided_slice %squeeze3A {offsets = [67, 0], sizes = [1, 128], strides = [1, 1]} : vector<128x128xi32> to vector<1x128xi32>
    %concatenate3A_1858 = tpu.concatenate %slice3A_1856, %slice3A_1857 in 1 : vector<1x128xi32>, vector<1x128xi32> -> vector<1x256xi32>
    %slice3A_1859 = vector.extract_strided_slice %select_n3A {offsets = [0, 0], sizes = [1, 256], strides = [1, 1]} : vector<112x256xi32> to vector<1x256xi32>
    %add3A_1860 = arith.addi %concatenate3A_1858, %slice3A_1859 : vector<1x256xi32>
    %slice3A_1861 = vector.extract_strided_slice %squeeze3A_44 {offsets = [66, 0], sizes = [1, 128], strides = [1, 1]} : vector<128x128xi32> to vector<1x128xi32>
    %slice3A_1862 = vector.extract_strided_slice %squeeze3A_44 {offsets = [67, 0], sizes = [1, 128], strides = [1, 1]} : vector<128x128xi32> to vector<1x128xi32>
    %concatenate3A_1863 = tpu.concatenate %slice3A_1861, %slice3A_1862 in 1 : vector<1x128xi32>, vector<1x128xi32> -> vector<1x256xi32>
    %slice3A_1864 = vector.extract_strided_slice %select_n3A {offsets = [0, 0], sizes = [1, 256], strides = [1, 1]} : vector<112x256xi32> to vector<1x256xi32>
    %add3A_1865 = arith.addi %concatenate3A_1863, %slice3A_1864 : vector<1x256xi32>
    %eq3A_1866 = vector.broadcast %add3A_1865 : vector<1x256xi32> to vector<112x256xi32>
    %eq3A_1867 = arith.cmpi eq, %iota3A, %eq3A_1866 : vector<112x256xi32>
    %convert_element_type3A_1868 = arith.extui %eq3A_1867 : vector<112x256xi1> to vector<112x256xi32>
    %convert_element_type3A_1869 = arith.sitofp %convert_element_type3A_1868 : vector<112x256xi32> to vector<112x256xf32>
    %eq3A_1870 = vector.broadcast %add3A_1860 : vector<1x256xi32> to vector<112x256xi32>
    %eq3A_1871 = arith.cmpi eq, %select_n3A_59, %eq3A_1870 : vector<112x256xi32>
    %convert_element_type3A_1872 = arith.extui %eq3A_1871 : vector<112x256xi1> to vector<112x256xi32>
    %convert_element_type3A_1873 = arith.sitofp %convert_element_type3A_1872 : vector<112x256xi32> to vector<112x256xf32>
    %reduce_sum3A_1874 = arith.constant dense<0.000000e+00> : vector<112xf32>
    %reduce_sum3A_1875 = vector.multi_reduction <add>, %convert_element_type3A_1869, %reduce_sum3A_1874 [1] : vector<112x256xf32> to vector<112xf32>
    %broadcast_in_dim3A_1876 = vector.shape_cast %reduce_sum3A_1875 : vector<112xf32> to vector<112x1xf32>
    %add3A_1877 = arith.constant 1.000000e+00 : f32
    %add3A_1878 = vector.broadcast %add3A_1877 : f32 to vector<112x1xf32>
    %add3A_1879 = arith.addf %add3A_1878, %broadcast_in_dim3A_1876 : vector<112x1xf32>
    %eq3A_1880 = vector.broadcast %add3A_1865 : vector<1x256xi32> to vector<112x256xi32>
    %eq3A_1881 = arith.cmpi eq, %select_n3A_59, %eq3A_1880 : vector<112x256xi32>
    %convert_element_type3A_1882 = arith.extui %eq3A_1881 : vector<112x256xi1> to vector<112x256xi32>
    %convert_element_type3A_1883 = arith.sitofp %convert_element_type3A_1882 : vector<112x256xi32> to vector<112x256xf32>
    %reduce_sum3A_1884 = arith.constant dense<0.000000e+00> : vector<112xf32>
    %reduce_sum3A_1885 = vector.multi_reduction <add>, %convert_element_type3A_1883, %reduce_sum3A_1884 [1] : vector<112x256xf32> to vector<112xf32>
    %broadcast_in_dim3A_1886 = vector.shape_cast %reduce_sum3A_1885 : vector<112xf32> to vector<112x1xf32>
    %add3A_1887 = arith.constant 1.000000e+00 : f32
    %add3A_1888 = vector.broadcast %add3A_1887 : f32 to vector<112x1xf32>
    %add3A_1889 = arith.addf %add3A_1888, %broadcast_in_dim3A_1886 : vector<112x1xf32>
    %rsqrt3A_1890 = math.rsqrt %add3A_1879 : vector<112x1xf32>
    %rsqrt3A_1891 = math.rsqrt %add3A_1889 : vector<112x1xf32>
    %mul3A_1892 = vector.broadcast %rsqrt3A_1890 : vector<112x1xf32> to vector<112x256xf32>
    %mul3A_1893 = arith.mulf %convert_element_type3A_1869, %mul3A_1892 : vector<112x256xf32>
    %convert_element_type3A_1894 = arith.truncf %mul3A_1893 : vector<112x256xf32> to vector<112x256xbf16>
    %mul3A_1895 = vector.broadcast %rsqrt3A_1891 : vector<112x1xf32> to vector<112x256xf32>
    %mul3A_1896 = arith.mulf %convert_element_type3A_1873, %mul3A_1895 : vector<112x256xf32>
    %convert_element_type3A_1897 = arith.truncf %mul3A_1896 : vector<112x256xf32> to vector<112x256xbf16>
    %dot_general3A_1898 = arith.constant dense<0.000000e+00> : vector<112x112xf32>
    %dot_general3A_1899 = tpu.matmul %convert_element_type3A_1894, %convert_element_type3A_1897, %dot_general3A_1898 {dimension_numbers = #tpu.dot_dimension_numbers<[1], [1], [0], [0], [0, 0, 1, 0], [], []>, transpose_lhs_hint = false} : vector<112x256xbf16>, vector<112x256xbf16>, vector<112x112xf32> -> vector<112x112xf32>
    %mul3A_1900 = arith.mulf %rsqrt3A_1890, %rsqrt3A_1890 : vector<112x1xf32>
    %mul3A_1901 = vector.broadcast %mul3A_1900 : vector<112x1xf32> to vector<112x112xf32>
    %mul3A_1902 = arith.mulf %convert_element_type3A_76, %mul3A_1901 : vector<112x112xf32>
    %add3A_1903 = arith.addf %dot_general3A_1899, %mul3A_1902 : vector<112x112xf32>
    %convert_element_type3A_1904 = arith.truncf %add3A_1903 : vector<112x112xf32> to vector<112x112xbf16>
    %slice3A_1905 = vector.extract_strided_slice %convert_element_type3A_36 {offsets = [1848, 0], sizes = [56, 128], strides = [1, 1]} : vector<3584x128xbf16> to vector<56x128xbf16>
    %slice3A_1906 = vector.extract_strided_slice %convert_element_type3A_37 {offsets = [1848, 0], sizes = [56, 128], strides = [1, 1]} : vector<3584x128xbf16> to vector<56x128xbf16>
    %concatenate3A_1907 = tpu.concatenate %slice3A_1905, %slice3A_1906 in 0 : vector<56x128xbf16>, vector<56x128xbf16> -> vector<112x128xbf16>
    %dot_general3A_1908 = arith.constant dense<0.000000e+00> : vector<112x128xf32>
    %dot_general3A_1909 = tpu.matmul %convert_element_type3A_1904, %concatenate3A_1907, %dot_general3A_1908 {dimension_numbers = #tpu.dot_dimension_numbers<[1], [0], [0], [1], [0, 0, 1, 1], [], []>, transpose_lhs_hint = false} : vector<112x112xbf16>, vector<112x128xbf16>, vector<112x128xf32> -> vector<112x128xf32>
    %slice3A_1910 = vector.extract_strided_slice %squeeze3A {offsets = [68, 0], sizes = [1, 128], strides = [1, 1]} : vector<128x128xi32> to vector<1x128xi32>
    %slice3A_1911 = vector.extract_strided_slice %squeeze3A {offsets = [69, 0], sizes = [1, 128], strides = [1, 1]} : vector<128x128xi32> to vector<1x128xi32>
    %concatenate3A_1912 = tpu.concatenate %slice3A_1910, %slice3A_1911 in 1 : vector<1x128xi32>, vector<1x128xi32> -> vector<1x256xi32>
    %slice3A_1913 = vector.extract_strided_slice %select_n3A {offsets = [0, 0], sizes = [1, 256], strides = [1, 1]} : vector<112x256xi32> to vector<1x256xi32>
    %add3A_1914 = arith.addi %concatenate3A_1912, %slice3A_1913 : vector<1x256xi32>
    %slice3A_1915 = vector.extract_strided_slice %squeeze3A_44 {offsets = [68, 0], sizes = [1, 128], strides = [1, 1]} : vector<128x128xi32> to vector<1x128xi32>
    %slice3A_1916 = vector.extract_strided_slice %squeeze3A_44 {offsets = [69, 0], sizes = [1, 128], strides = [1, 1]} : vector<128x128xi32> to vector<1x128xi32>
    %concatenate3A_1917 = tpu.concatenate %slice3A_1915, %slice3A_1916 in 1 : vector<1x128xi32>, vector<1x128xi32> -> vector<1x256xi32>
    %slice3A_1918 = vector.extract_strided_slice %select_n3A {offsets = [0, 0], sizes = [1, 256], strides = [1, 1]} : vector<112x256xi32> to vector<1x256xi32>
    %add3A_1919 = arith.addi %concatenate3A_1917, %slice3A_1918 : vector<1x256xi32>
    %eq3A_1920 = vector.broadcast %add3A_1919 : vector<1x256xi32> to vector<112x256xi32>
    %eq3A_1921 = arith.cmpi eq, %iota3A, %eq3A_1920 : vector<112x256xi32>
    %convert_element_type3A_1922 = arith.extui %eq3A_1921 : vector<112x256xi1> to vector<112x256xi32>
    %convert_element_type3A_1923 = arith.sitofp %convert_element_type3A_1922 : vector<112x256xi32> to vector<112x256xf32>
    %eq3A_1924 = vector.broadcast %add3A_1914 : vector<1x256xi32> to vector<112x256xi32>
    %eq3A_1925 = arith.cmpi eq, %select_n3A_59, %eq3A_1924 : vector<112x256xi32>
    %convert_element_type3A_1926 = arith.extui %eq3A_1925 : vector<112x256xi1> to vector<112x256xi32>
    %convert_element_type3A_1927 = arith.sitofp %convert_element_type3A_1926 : vector<112x256xi32> to vector<112x256xf32>
    %reduce_sum3A_1928 = arith.constant dense<0.000000e+00> : vector<112xf32>
    %reduce_sum3A_1929 = vector.multi_reduction <add>, %convert_element_type3A_1923, %reduce_sum3A_1928 [1] : vector<112x256xf32> to vector<112xf32>
    %broadcast_in_dim3A_1930 = vector.shape_cast %reduce_sum3A_1929 : vector<112xf32> to vector<112x1xf32>
    %add3A_1931 = arith.constant 1.000000e+00 : f32
    %add3A_1932 = vector.broadcast %add3A_1931 : f32 to vector<112x1xf32>
    %add3A_1933 = arith.addf %add3A_1932, %broadcast_in_dim3A_1930 : vector<112x1xf32>
    %eq3A_1934 = vector.broadcast %add3A_1919 : vector<1x256xi32> to vector<112x256xi32>
    %eq3A_1935 = arith.cmpi eq, %select_n3A_59, %eq3A_1934 : vector<112x256xi32>
    %convert_element_type3A_1936 = arith.extui %eq3A_1935 : vector<112x256xi1> to vector<112x256xi32>
    %convert_element_type3A_1937 = arith.sitofp %convert_element_type3A_1936 : vector<112x256xi32> to vector<112x256xf32>
    %reduce_sum3A_1938 = arith.constant dense<0.000000e+00> : vector<112xf32>
    %reduce_sum3A_1939 = vector.multi_reduction <add>, %convert_element_type3A_1937, %reduce_sum3A_1938 [1] : vector<112x256xf32> to vector<112xf32>
    %broadcast_in_dim3A_1940 = vector.shape_cast %reduce_sum3A_1939 : vector<112xf32> to vector<112x1xf32>
    %add3A_1941 = arith.constant 1.000000e+00 : f32
    %add3A_1942 = vector.broadcast %add3A_1941 : f32 to vector<112x1xf32>
    %add3A_1943 = arith.addf %add3A_1942, %broadcast_in_dim3A_1940 : vector<112x1xf32>
    %rsqrt3A_1944 = math.rsqrt %add3A_1933 : vector<112x1xf32>
    %rsqrt3A_1945 = math.rsqrt %add3A_1943 : vector<112x1xf32>
    %mul3A_1946 = vector.broadcast %rsqrt3A_1944 : vector<112x1xf32> to vector<112x256xf32>
    %mul3A_1947 = arith.mulf %convert_element_type3A_1923, %mul3A_1946 : vector<112x256xf32>
    %convert_element_type3A_1948 = arith.truncf %mul3A_1947 : vector<112x256xf32> to vector<112x256xbf16>
    %mul3A_1949 = vector.broadcast %rsqrt3A_1945 : vector<112x1xf32> to vector<112x256xf32>
    %mul3A_1950 = arith.mulf %convert_element_type3A_1927, %mul3A_1949 : vector<112x256xf32>
    %convert_element_type3A_1951 = arith.truncf %mul3A_1950 : vector<112x256xf32> to vector<112x256xbf16>
    %dot_general3A_1952 = arith.constant dense<0.000000e+00> : vector<112x112xf32>
    %dot_general3A_1953 = tpu.matmul %convert_element_type3A_1948, %convert_element_type3A_1951, %dot_general3A_1952 {dimension_numbers = #tpu.dot_dimension_numbers<[1], [1], [0], [0], [0, 0, 1, 0], [], []>, transpose_lhs_hint = false} : vector<112x256xbf16>, vector<112x256xbf16>, vector<112x112xf32> -> vector<112x112xf32>
    %mul3A_1954 = arith.mulf %rsqrt3A_1944, %rsqrt3A_1944 : vector<112x1xf32>
    %mul3A_1955 = vector.broadcast %mul3A_1954 : vector<112x1xf32> to vector<112x112xf32>
    %mul3A_1956 = arith.mulf %convert_element_type3A_76, %mul3A_1955 : vector<112x112xf32>
    %add3A_1957 = arith.addf %dot_general3A_1953, %mul3A_1956 : vector<112x112xf32>
    %convert_element_type3A_1958 = arith.truncf %add3A_1957 : vector<112x112xf32> to vector<112x112xbf16>
    %slice3A_1959 = vector.extract_strided_slice %convert_element_type3A_36 {offsets = [1904, 0], sizes = [56, 128], strides = [1, 1]} : vector<3584x128xbf16> to vector<56x128xbf16>
    %slice3A_1960 = vector.extract_strided_slice %convert_element_type3A_37 {offsets = [1904, 0], sizes = [56, 128], strides = [1, 1]} : vector<3584x128xbf16> to vector<56x128xbf16>
    %concatenate3A_1961 = tpu.concatenate %slice3A_1959, %slice3A_1960 in 0 : vector<56x128xbf16>, vector<56x128xbf16> -> vector<112x128xbf16>
    %dot_general3A_1962 = arith.constant dense<0.000000e+00> : vector<112x128xf32>
    %dot_general3A_1963 = tpu.matmul %convert_element_type3A_1958, %concatenate3A_1961, %dot_general3A_1962 {dimension_numbers = #tpu.dot_dimension_numbers<[1], [0], [0], [1], [0, 0, 1, 1], [], []>, transpose_lhs_hint = false} : vector<112x112xbf16>, vector<112x128xbf16>, vector<112x128xf32> -> vector<112x128xf32>
    %slice3A_1964 = vector.extract_strided_slice %squeeze3A {offsets = [70, 0], sizes = [1, 128], strides = [1, 1]} : vector<128x128xi32> to vector<1x128xi32>
    %slice3A_1965 = vector.extract_strided_slice %squeeze3A {offsets = [71, 0], sizes = [1, 128], strides = [1, 1]} : vector<128x128xi32> to vector<1x128xi32>
    %concatenate3A_1966 = tpu.concatenate %slice3A_1964, %slice3A_1965 in 1 : vector<1x128xi32>, vector<1x128xi32> -> vector<1x256xi32>
    %slice3A_1967 = vector.extract_strided_slice %select_n3A {offsets = [0, 0], sizes = [1, 256], strides = [1, 1]} : vector<112x256xi32> to vector<1x256xi32>
    %add3A_1968 = arith.addi %concatenate3A_1966, %slice3A_1967 : vector<1x256xi32>
    %slice3A_1969 = vector.extract_strided_slice %squeeze3A_44 {offsets = [70, 0], sizes = [1, 128], strides = [1, 1]} : vector<128x128xi32> to vector<1x128xi32>
    %slice3A_1970 = vector.extract_strided_slice %squeeze3A_44 {offsets = [71, 0], sizes = [1, 128], strides = [1, 1]} : vector<128x128xi32> to vector<1x128xi32>
    %concatenate3A_1971 = tpu.concatenate %slice3A_1969, %slice3A_1970 in 1 : vector<1x128xi32>, vector<1x128xi32> -> vector<1x256xi32>
    %slice3A_1972 = vector.extract_strided_slice %select_n3A {offsets = [0, 0], sizes = [1, 256], strides = [1, 1]} : vector<112x256xi32> to vector<1x256xi32>
    %add3A_1973 = arith.addi %concatenate3A_1971, %slice3A_1972 : vector<1x256xi32>
    %eq3A_1974 = vector.broadcast %add3A_1973 : vector<1x256xi32> to vector<112x256xi32>
    %eq3A_1975 = arith.cmpi eq, %iota3A, %eq3A_1974 : vector<112x256xi32>
    %convert_element_type3A_1976 = arith.extui %eq3A_1975 : vector<112x256xi1> to vector<112x256xi32>
    %convert_element_type3A_1977 = arith.sitofp %convert_element_type3A_1976 : vector<112x256xi32> to vector<112x256xf32>
    %eq3A_1978 = vector.broadcast %add3A_1968 : vector<1x256xi32> to vector<112x256xi32>
    %eq3A_1979 = arith.cmpi eq, %select_n3A_59, %eq3A_1978 : vector<112x256xi32>
    %convert_element_type3A_1980 = arith.extui %eq3A_1979 : vector<112x256xi1> to vector<112x256xi32>
    %convert_element_type3A_1981 = arith.sitofp %convert_element_type3A_1980 : vector<112x256xi32> to vector<112x256xf32>
    %reduce_sum3A_1982 = arith.constant dense<0.000000e+00> : vector<112xf32>
    %reduce_sum3A_1983 = vector.multi_reduction <add>, %convert_element_type3A_1977, %reduce_sum3A_1982 [1] : vector<112x256xf32> to vector<112xf32>
    %broadcast_in_dim3A_1984 = vector.shape_cast %reduce_sum3A_1983 : vector<112xf32> to vector<112x1xf32>
    %add3A_1985 = arith.constant 1.000000e+00 : f32
    %add3A_1986 = vector.broadcast %add3A_1985 : f32 to vector<112x1xf32>
    %add3A_1987 = arith.addf %add3A_1986, %broadcast_in_dim3A_1984 : vector<112x1xf32>
    %eq3A_1988 = vector.broadcast %add3A_1973 : vector<1x256xi32> to vector<112x256xi32>
    %eq3A_1989 = arith.cmpi eq, %select_n3A_59, %eq3A_1988 : vector<112x256xi32>
    %convert_element_type3A_1990 = arith.extui %eq3A_1989 : vector<112x256xi1> to vector<112x256xi32>
    %convert_element_type3A_1991 = arith.sitofp %convert_element_type3A_1990 : vector<112x256xi32> to vector<112x256xf32>
    %reduce_sum3A_1992 = arith.constant dense<0.000000e+00> : vector<112xf32>
    %reduce_sum3A_1993 = vector.multi_reduction <add>, %convert_element_type3A_1991, %reduce_sum3A_1992 [1] : vector<112x256xf32> to vector<112xf32>
    %broadcast_in_dim3A_1994 = vector.shape_cast %reduce_sum3A_1993 : vector<112xf32> to vector<112x1xf32>
    %add3A_1995 = arith.constant 1.000000e+00 : f32
    %add3A_1996 = vector.broadcast %add3A_1995 : f32 to vector<112x1xf32>
    %add3A_1997 = arith.addf %add3A_1996, %broadcast_in_dim3A_1994 : vector<112x1xf32>
    %rsqrt3A_1998 = math.rsqrt %add3A_1987 : vector<112x1xf32>
    %rsqrt3A_1999 = math.rsqrt %add3A_1997 : vector<112x1xf32>
    %mul3A_2000 = vector.broadcast %rsqrt3A_1998 : vector<112x1xf32> to vector<112x256xf32>
    %mul3A_2001 = arith.mulf %convert_element_type3A_1977, %mul3A_2000 : vector<112x256xf32>
    %convert_element_type3A_2002 = arith.truncf %mul3A_2001 : vector<112x256xf32> to vector<112x256xbf16>
    %mul3A_2003 = vector.broadcast %rsqrt3A_1999 : vector<112x1xf32> to vector<112x256xf32>
    %mul3A_2004 = arith.mulf %convert_element_type3A_1981, %mul3A_2003 : vector<112x256xf32>
    %convert_element_type3A_2005 = arith.truncf %mul3A_2004 : vector<112x256xf32> to vector<112x256xbf16>
    %dot_general3A_2006 = arith.constant dense<0.000000e+00> : vector<112x112xf32>
    %dot_general3A_2007 = tpu.matmul %convert_element_type3A_2002, %convert_element_type3A_2005, %dot_general3A_2006 {dimension_numbers = #tpu.dot_dimension_numbers<[1], [1], [0], [0], [0, 0, 1, 0], [], []>, transpose_lhs_hint = false} : vector<112x256xbf16>, vector<112x256xbf16>, vector<112x112xf32> -> vector<112x112xf32>
    %mul3A_2008 = arith.mulf %rsqrt3A_1998, %rsqrt3A_1998 : vector<112x1xf32>
    %mul3A_2009 = vector.broadcast %mul3A_2008 : vector<112x1xf32> to vector<112x112xf32>
    %mul3A_2010 = arith.mulf %convert_element_type3A_76, %mul3A_2009 : vector<112x112xf32>
    %add3A_2011 = arith.addf %dot_general3A_2007, %mul3A_2010 : vector<112x112xf32>
    %convert_element_type3A_2012 = arith.truncf %add3A_2011 : vector<112x112xf32> to vector<112x112xbf16>
    %slice3A_2013 = vector.extract_strided_slice %convert_element_type3A_36 {offsets = [1960, 0], sizes = [56, 128], strides = [1, 1]} : vector<3584x128xbf16> to vector<56x128xbf16>
    %slice3A_2014 = vector.extract_strided_slice %convert_element_type3A_37 {offsets = [1960, 0], sizes = [56, 128], strides = [1, 1]} : vector<3584x128xbf16> to vector<56x128xbf16>
    %concatenate3A_2015 = tpu.concatenate %slice3A_2013, %slice3A_2014 in 0 : vector<56x128xbf16>, vector<56x128xbf16> -> vector<112x128xbf16>
    %dot_general3A_2016 = arith.constant dense<0.000000e+00> : vector<112x128xf32>
    %dot_general3A_2017 = tpu.matmul %convert_element_type3A_2012, %concatenate3A_2015, %dot_general3A_2016 {dimension_numbers = #tpu.dot_dimension_numbers<[1], [0], [0], [1], [0, 0, 1, 1], [], []>, transpose_lhs_hint = false} : vector<112x112xbf16>, vector<112x128xbf16>, vector<112x128xf32> -> vector<112x128xf32>
    %slice3A_2018 = vector.extract_strided_slice %squeeze3A {offsets = [72, 0], sizes = [1, 128], strides = [1, 1]} : vector<128x128xi32> to vector<1x128xi32>
    %slice3A_2019 = vector.extract_strided_slice %squeeze3A {offsets = [73, 0], sizes = [1, 128], strides = [1, 1]} : vector<128x128xi32> to vector<1x128xi32>
    %concatenate3A_2020 = tpu.concatenate %slice3A_2018, %slice3A_2019 in 1 : vector<1x128xi32>, vector<1x128xi32> -> vector<1x256xi32>
    %slice3A_2021 = vector.extract_strided_slice %select_n3A {offsets = [0, 0], sizes = [1, 256], strides = [1, 1]} : vector<112x256xi32> to vector<1x256xi32>
    %add3A_2022 = arith.addi %concatenate3A_2020, %slice3A_2021 : vector<1x256xi32>
    %slice3A_2023 = vector.extract_strided_slice %squeeze3A_44 {offsets = [72, 0], sizes = [1, 128], strides = [1, 1]} : vector<128x128xi32> to vector<1x128xi32>
    %slice3A_2024 = vector.extract_strided_slice %squeeze3A_44 {offsets = [73, 0], sizes = [1, 128], strides = [1, 1]} : vector<128x128xi32> to vector<1x128xi32>
    %concatenate3A_2025 = tpu.concatenate %slice3A_2023, %slice3A_2024 in 1 : vector<1x128xi32>, vector<1x128xi32> -> vector<1x256xi32>
    %slice3A_2026 = vector.extract_strided_slice %select_n3A {offsets = [0, 0], sizes = [1, 256], strides = [1, 1]} : vector<112x256xi32> to vector<1x256xi32>
    %add3A_2027 = arith.addi %concatenate3A_2025, %slice3A_2026 : vector<1x256xi32>
    %eq3A_2028 = vector.broadcast %add3A_2027 : vector<1x256xi32> to vector<112x256xi32>
    %eq3A_2029 = arith.cmpi eq, %iota3A, %eq3A_2028 : vector<112x256xi32>
    %convert_element_type3A_2030 = arith.extui %eq3A_2029 : vector<112x256xi1> to vector<112x256xi32>
    %convert_element_type3A_2031 = arith.sitofp %convert_element_type3A_2030 : vector<112x256xi32> to vector<112x256xf32>
    %eq3A_2032 = vector.broadcast %add3A_2022 : vector<1x256xi32> to vector<112x256xi32>
    %eq3A_2033 = arith.cmpi eq, %select_n3A_59, %eq3A_2032 : vector<112x256xi32>
    %convert_element_type3A_2034 = arith.extui %eq3A_2033 : vector<112x256xi1> to vector<112x256xi32>
    %convert_element_type3A_2035 = arith.sitofp %convert_element_type3A_2034 : vector<112x256xi32> to vector<112x256xf32>
    %reduce_sum3A_2036 = arith.constant dense<0.000000e+00> : vector<112xf32>
    %reduce_sum3A_2037 = vector.multi_reduction <add>, %convert_element_type3A_2031, %reduce_sum3A_2036 [1] : vector<112x256xf32> to vector<112xf32>
    %broadcast_in_dim3A_2038 = vector.shape_cast %reduce_sum3A_2037 : vector<112xf32> to vector<112x1xf32>
    %add3A_2039 = arith.constant 1.000000e+00 : f32
    %add3A_2040 = vector.broadcast %add3A_2039 : f32 to vector<112x1xf32>
    %add3A_2041 = arith.addf %add3A_2040, %broadcast_in_dim3A_2038 : vector<112x1xf32>
    %eq3A_2042 = vector.broadcast %add3A_2027 : vector<1x256xi32> to vector<112x256xi32>
    %eq3A_2043 = arith.cmpi eq, %select_n3A_59, %eq3A_2042 : vector<112x256xi32>
    %convert_element_type3A_2044 = arith.extui %eq3A_2043 : vector<112x256xi1> to vector<112x256xi32>
    %convert_element_type3A_2045 = arith.sitofp %convert_element_type3A_2044 : vector<112x256xi32> to vector<112x256xf32>
    %reduce_sum3A_2046 = arith.constant dense<0.000000e+00> : vector<112xf32>
    %reduce_sum3A_2047 = vector.multi_reduction <add>, %convert_element_type3A_2045, %reduce_sum3A_2046 [1] : vector<112x256xf32> to vector<112xf32>
    %broadcast_in_dim3A_2048 = vector.shape_cast %reduce_sum3A_2047 : vector<112xf32> to vector<112x1xf32>
    %add3A_2049 = arith.constant 1.000000e+00 : f32
    %add3A_2050 = vector.broadcast %add3A_2049 : f32 to vector<112x1xf32>
    %add3A_2051 = arith.addf %add3A_2050, %broadcast_in_dim3A_2048 : vector<112x1xf32>
    %rsqrt3A_2052 = math.rsqrt %add3A_2041 : vector<112x1xf32>
    %rsqrt3A_2053 = math.rsqrt %add3A_2051 : vector<112x1xf32>
    %mul3A_2054 = vector.broadcast %rsqrt3A_2052 : vector<112x1xf32> to vector<112x256xf32>
    %mul3A_2055 = arith.mulf %convert_element_type3A_2031, %mul3A_2054 : vector<112x256xf32>
    %convert_element_type3A_2056 = arith.truncf %mul3A_2055 : vector<112x256xf32> to vector<112x256xbf16>
    %mul3A_2057 = vector.broadcast %rsqrt3A_2053 : vector<112x1xf32> to vector<112x256xf32>
    %mul3A_2058 = arith.mulf %convert_element_type3A_2035, %mul3A_2057 : vector<112x256xf32>
    %convert_element_type3A_2059 = arith.truncf %mul3A_2058 : vector<112x256xf32> to vector<112x256xbf16>
    %dot_general3A_2060 = arith.constant dense<0.000000e+00> : vector<112x112xf32>
    %dot_general3A_2061 = tpu.matmul %convert_element_type3A_2056, %convert_element_type3A_2059, %dot_general3A_2060 {dimension_numbers = #tpu.dot_dimension_numbers<[1], [1], [0], [0], [0, 0, 1, 0], [], []>, transpose_lhs_hint = false} : vector<112x256xbf16>, vector<112x256xbf16>, vector<112x112xf32> -> vector<112x112xf32>
    %mul3A_2062 = arith.mulf %rsqrt3A_2052, %rsqrt3A_2052 : vector<112x1xf32>
    %mul3A_2063 = vector.broadcast %mul3A_2062 : vector<112x1xf32> to vector<112x112xf32>
    %mul3A_2064 = arith.mulf %convert_element_type3A_76, %mul3A_2063 : vector<112x112xf32>
    %add3A_2065 = arith.addf %dot_general3A_2061, %mul3A_2064 : vector<112x112xf32>
    %convert_element_type3A_2066 = arith.truncf %add3A_2065 : vector<112x112xf32> to vector<112x112xbf16>
    %slice3A_2067 = vector.extract_strided_slice %convert_element_type3A_36 {offsets = [2016, 0], sizes = [56, 128], strides = [1, 1]} : vector<3584x128xbf16> to vector<56x128xbf16>
    %slice3A_2068 = vector.extract_strided_slice %convert_element_type3A_37 {offsets = [2016, 0], sizes = [56, 128], strides = [1, 1]} : vector<3584x128xbf16> to vector<56x128xbf16>
    %concatenate3A_2069 = tpu.concatenate %slice3A_2067, %slice3A_2068 in 0 : vector<56x128xbf16>, vector<56x128xbf16> -> vector<112x128xbf16>
    %dot_general3A_2070 = arith.constant dense<0.000000e+00> : vector<112x128xf32>
    %dot_general3A_2071 = tpu.matmul %convert_element_type3A_2066, %concatenate3A_2069, %dot_general3A_2070 {dimension_numbers = #tpu.dot_dimension_numbers<[1], [0], [0], [1], [0, 0, 1, 1], [], []>, transpose_lhs_hint = false} : vector<112x112xbf16>, vector<112x128xbf16>, vector<112x128xf32> -> vector<112x128xf32>
    %slice3A_2072 = vector.extract_strided_slice %squeeze3A {offsets = [74, 0], sizes = [1, 128], strides = [1, 1]} : vector<128x128xi32> to vector<1x128xi32>
    %slice3A_2073 = vector.extract_strided_slice %squeeze3A {offsets = [75, 0], sizes = [1, 128], strides = [1, 1]} : vector<128x128xi32> to vector<1x128xi32>
    %concatenate3A_2074 = tpu.concatenate %slice3A_2072, %slice3A_2073 in 1 : vector<1x128xi32>, vector<1x128xi32> -> vector<1x256xi32>
    %slice3A_2075 = vector.extract_strided_slice %select_n3A {offsets = [0, 0], sizes = [1, 256], strides = [1, 1]} : vector<112x256xi32> to vector<1x256xi32>
    %add3A_2076 = arith.addi %concatenate3A_2074, %slice3A_2075 : vector<1x256xi32>
    %slice3A_2077 = vector.extract_strided_slice %squeeze3A_44 {offsets = [74, 0], sizes = [1, 128], strides = [1, 1]} : vector<128x128xi32> to vector<1x128xi32>
    %slice3A_2078 = vector.extract_strided_slice %squeeze3A_44 {offsets = [75, 0], sizes = [1, 128], strides = [1, 1]} : vector<128x128xi32> to vector<1x128xi32>
    %concatenate3A_2079 = tpu.concatenate %slice3A_2077, %slice3A_2078 in 1 : vector<1x128xi32>, vector<1x128xi32> -> vector<1x256xi32>
    %slice3A_2080 = vector.extract_strided_slice %select_n3A {offsets = [0, 0], sizes = [1, 256], strides = [1, 1]} : vector<112x256xi32> to vector<1x256xi32>
    %add3A_2081 = arith.addi %concatenate3A_2079, %slice3A_2080 : vector<1x256xi32>
    %eq3A_2082 = vector.broadcast %add3A_2081 : vector<1x256xi32> to vector<112x256xi32>
    %eq3A_2083 = arith.cmpi eq, %iota3A, %eq3A_2082 : vector<112x256xi32>
    %convert_element_type3A_2084 = arith.extui %eq3A_2083 : vector<112x256xi1> to vector<112x256xi32>
    %convert_element_type3A_2085 = arith.sitofp %convert_element_type3A_2084 : vector<112x256xi32> to vector<112x256xf32>
    %eq3A_2086 = vector.broadcast %add3A_2076 : vector<1x256xi32> to vector<112x256xi32>
    %eq3A_2087 = arith.cmpi eq, %select_n3A_59, %eq3A_2086 : vector<112x256xi32>
    %convert_element_type3A_2088 = arith.extui %eq3A_2087 : vector<112x256xi1> to vector<112x256xi32>
    %convert_element_type3A_2089 = arith.sitofp %convert_element_type3A_2088 : vector<112x256xi32> to vector<112x256xf32>
    %reduce_sum3A_2090 = arith.constant dense<0.000000e+00> : vector<112xf32>
    %reduce_sum3A_2091 = vector.multi_reduction <add>, %convert_element_type3A_2085, %reduce_sum3A_2090 [1] : vector<112x256xf32> to vector<112xf32>
    %broadcast_in_dim3A_2092 = vector.shape_cast %reduce_sum3A_2091 : vector<112xf32> to vector<112x1xf32>
    %add3A_2093 = arith.constant 1.000000e+00 : f32
    %add3A_2094 = vector.broadcast %add3A_2093 : f32 to vector<112x1xf32>
    %add3A_2095 = arith.addf %add3A_2094, %broadcast_in_dim3A_2092 : vector<112x1xf32>
    %eq3A_2096 = vector.broadcast %add3A_2081 : vector<1x256xi32> to vector<112x256xi32>
    %eq3A_2097 = arith.cmpi eq, %select_n3A_59, %eq3A_2096 : vector<112x256xi32>
    %convert_element_type3A_2098 = arith.extui %eq3A_2097 : vector<112x256xi1> to vector<112x256xi32>
    %convert_element_type3A_2099 = arith.sitofp %convert_element_type3A_2098 : vector<112x256xi32> to vector<112x256xf32>
    %reduce_sum3A_2100 = arith.constant dense<0.000000e+00> : vector<112xf32>
    %reduce_sum3A_2101 = vector.multi_reduction <add>, %convert_element_type3A_2099, %reduce_sum3A_2100 [1] : vector<112x256xf32> to vector<112xf32>
    %broadcast_in_dim3A_2102 = vector.shape_cast %reduce_sum3A_2101 : vector<112xf32> to vector<112x1xf32>
    %add3A_2103 = arith.constant 1.000000e+00 : f32
    %add3A_2104 = vector.broadcast %add3A_2103 : f32 to vector<112x1xf32>
    %add3A_2105 = arith.addf %add3A_2104, %broadcast_in_dim3A_2102 : vector<112x1xf32>
    %rsqrt3A_2106 = math.rsqrt %add3A_2095 : vector<112x1xf32>
    %rsqrt3A_2107 = math.rsqrt %add3A_2105 : vector<112x1xf32>
    %mul3A_2108 = vector.broadcast %rsqrt3A_2106 : vector<112x1xf32> to vector<112x256xf32>
    %mul3A_2109 = arith.mulf %convert_element_type3A_2085, %mul3A_2108 : vector<112x256xf32>
    %convert_element_type3A_2110 = arith.truncf %mul3A_2109 : vector<112x256xf32> to vector<112x256xbf16>
    %mul3A_2111 = vector.broadcast %rsqrt3A_2107 : vector<112x1xf32> to vector<112x256xf32>
    %mul3A_2112 = arith.mulf %convert_element_type3A_2089, %mul3A_2111 : vector<112x256xf32>
    %convert_element_type3A_2113 = arith.truncf %mul3A_2112 : vector<112x256xf32> to vector<112x256xbf16>
    %dot_general3A_2114 = arith.constant dense<0.000000e+00> : vector<112x112xf32>
    %dot_general3A_2115 = tpu.matmul %convert_element_type3A_2110, %convert_element_type3A_2113, %dot_general3A_2114 {dimension_numbers = #tpu.dot_dimension_numbers<[1], [1], [0], [0], [0, 0, 1, 0], [], []>, transpose_lhs_hint = false} : vector<112x256xbf16>, vector<112x256xbf16>, vector<112x112xf32> -> vector<112x112xf32>
    %mul3A_2116 = arith.mulf %rsqrt3A_2106, %rsqrt3A_2106 : vector<112x1xf32>
    %mul3A_2117 = vector.broadcast %mul3A_2116 : vector<112x1xf32> to vector<112x112xf32>
    %mul3A_2118 = arith.mulf %convert_element_type3A_76, %mul3A_2117 : vector<112x112xf32>
    %add3A_2119 = arith.addf %dot_general3A_2115, %mul3A_2118 : vector<112x112xf32>
    %convert_element_type3A_2120 = arith.truncf %add3A_2119 : vector<112x112xf32> to vector<112x112xbf16>
    %slice3A_2121 = vector.extract_strided_slice %convert_element_type3A_36 {offsets = [2072, 0], sizes = [56, 128], strides = [1, 1]} : vector<3584x128xbf16> to vector<56x128xbf16>
    %slice3A_2122 = vector.extract_strided_slice %convert_element_type3A_37 {offsets = [2072, 0], sizes = [56, 128], strides = [1, 1]} : vector<3584x128xbf16> to vector<56x128xbf16>
    %concatenate3A_2123 = tpu.concatenate %slice3A_2121, %slice3A_2122 in 0 : vector<56x128xbf16>, vector<56x128xbf16> -> vector<112x128xbf16>
    %dot_general3A_2124 = arith.constant dense<0.000000e+00> : vector<112x128xf32>
    %dot_general3A_2125 = tpu.matmul %convert_element_type3A_2120, %concatenate3A_2123, %dot_general3A_2124 {dimension_numbers = #tpu.dot_dimension_numbers<[1], [0], [0], [1], [0, 0, 1, 1], [], []>, transpose_lhs_hint = false} : vector<112x112xbf16>, vector<112x128xbf16>, vector<112x128xf32> -> vector<112x128xf32>
    %slice3A_2126 = vector.extract_strided_slice %squeeze3A {offsets = [76, 0], sizes = [1, 128], strides = [1, 1]} : vector<128x128xi32> to vector<1x128xi32>
    %slice3A_2127 = vector.extract_strided_slice %squeeze3A {offsets = [77, 0], sizes = [1, 128], strides = [1, 1]} : vector<128x128xi32> to vector<1x128xi32>
    %concatenate3A_2128 = tpu.concatenate %slice3A_2126, %slice3A_2127 in 1 : vector<1x128xi32>, vector<1x128xi32> -> vector<1x256xi32>
    %slice3A_2129 = vector.extract_strided_slice %select_n3A {offsets = [0, 0], sizes = [1, 256], strides = [1, 1]} : vector<112x256xi32> to vector<1x256xi32>
    %add3A_2130 = arith.addi %concatenate3A_2128, %slice3A_2129 : vector<1x256xi32>
    %slice3A_2131 = vector.extract_strided_slice %squeeze3A_44 {offsets = [76, 0], sizes = [1, 128], strides = [1, 1]} : vector<128x128xi32> to vector<1x128xi32>
    %slice3A_2132 = vector.extract_strided_slice %squeeze3A_44 {offsets = [77, 0], sizes = [1, 128], strides = [1, 1]} : vector<128x128xi32> to vector<1x128xi32>
    %concatenate3A_2133 = tpu.concatenate %slice3A_2131, %slice3A_2132 in 1 : vector<1x128xi32>, vector<1x128xi32> -> vector<1x256xi32>
    %slice3A_2134 = vector.extract_strided_slice %select_n3A {offsets = [0, 0], sizes = [1, 256], strides = [1, 1]} : vector<112x256xi32> to vector<1x256xi32>
    %add3A_2135 = arith.addi %concatenate3A_2133, %slice3A_2134 : vector<1x256xi32>
    %eq3A_2136 = vector.broadcast %add3A_2135 : vector<1x256xi32> to vector<112x256xi32>
    %eq3A_2137 = arith.cmpi eq, %iota3A, %eq3A_2136 : vector<112x256xi32>
    %convert_element_type3A_2138 = arith.extui %eq3A_2137 : vector<112x256xi1> to vector<112x256xi32>
    %convert_element_type3A_2139 = arith.sitofp %convert_element_type3A_2138 : vector<112x256xi32> to vector<112x256xf32>
    %eq3A_2140 = vector.broadcast %add3A_2130 : vector<1x256xi32> to vector<112x256xi32>
    %eq3A_2141 = arith.cmpi eq, %select_n3A_59, %eq3A_2140 : vector<112x256xi32>
    %convert_element_type3A_2142 = arith.extui %eq3A_2141 : vector<112x256xi1> to vector<112x256xi32>
    %convert_element_type3A_2143 = arith.sitofp %convert_element_type3A_2142 : vector<112x256xi32> to vector<112x256xf32>
    %reduce_sum3A_2144 = arith.constant dense<0.000000e+00> : vector<112xf32>
    %reduce_sum3A_2145 = vector.multi_reduction <add>, %convert_element_type3A_2139, %reduce_sum3A_2144 [1] : vector<112x256xf32> to vector<112xf32>
    %broadcast_in_dim3A_2146 = vector.shape_cast %reduce_sum3A_2145 : vector<112xf32> to vector<112x1xf32>
    %add3A_2147 = arith.constant 1.000000e+00 : f32
    %add3A_2148 = vector.broadcast %add3A_2147 : f32 to vector<112x1xf32>
    %add3A_2149 = arith.addf %add3A_2148, %broadcast_in_dim3A_2146 : vector<112x1xf32>
    %eq3A_2150 = vector.broadcast %add3A_2135 : vector<1x256xi32> to vector<112x256xi32>
    %eq3A_2151 = arith.cmpi eq, %select_n3A_59, %eq3A_2150 : vector<112x256xi32>
    %convert_element_type3A_2152 = arith.extui %eq3A_2151 : vector<112x256xi1> to vector<112x256xi32>
    %convert_element_type3A_2153 = arith.sitofp %convert_element_type3A_2152 : vector<112x256xi32> to vector<112x256xf32>
    %reduce_sum3A_2154 = arith.constant dense<0.000000e+00> : vector<112xf32>
    %reduce_sum3A_2155 = vector.multi_reduction <add>, %convert_element_type3A_2153, %reduce_sum3A_2154 [1] : vector<112x256xf32> to vector<112xf32>
    %broadcast_in_dim3A_2156 = vector.shape_cast %reduce_sum3A_2155 : vector<112xf32> to vector<112x1xf32>
    %add3A_2157 = arith.constant 1.000000e+00 : f32
    %add3A_2158 = vector.broadcast %add3A_2157 : f32 to vector<112x1xf32>
    %add3A_2159 = arith.addf %add3A_2158, %broadcast_in_dim3A_2156 : vector<112x1xf32>
    %rsqrt3A_2160 = math.rsqrt %add3A_2149 : vector<112x1xf32>
    %rsqrt3A_2161 = math.rsqrt %add3A_2159 : vector<112x1xf32>
    %mul3A_2162 = vector.broadcast %rsqrt3A_2160 : vector<112x1xf32> to vector<112x256xf32>
    %mul3A_2163 = arith.mulf %convert_element_type3A_2139, %mul3A_2162 : vector<112x256xf32>
    %convert_element_type3A_2164 = arith.truncf %mul3A_2163 : vector<112x256xf32> to vector<112x256xbf16>
    %mul3A_2165 = vector.broadcast %rsqrt3A_2161 : vector<112x1xf32> to vector<112x256xf32>
    %mul3A_2166 = arith.mulf %convert_element_type3A_2143, %mul3A_2165 : vector<112x256xf32>
    %convert_element_type3A_2167 = arith.truncf %mul3A_2166 : vector<112x256xf32> to vector<112x256xbf16>
    %dot_general3A_2168 = arith.constant dense<0.000000e+00> : vector<112x112xf32>
    %dot_general3A_2169 = tpu.matmul %convert_element_type3A_2164, %convert_element_type3A_2167, %dot_general3A_2168 {dimension_numbers = #tpu.dot_dimension_numbers<[1], [1], [0], [0], [0, 0, 1, 0], [], []>, transpose_lhs_hint = false} : vector<112x256xbf16>, vector<112x256xbf16>, vector<112x112xf32> -> vector<112x112xf32>
    %mul3A_2170 = arith.mulf %rsqrt3A_2160, %rsqrt3A_2160 : vector<112x1xf32>
    %mul3A_2171 = vector.broadcast %mul3A_2170 : vector<112x1xf32> to vector<112x112xf32>
    %mul3A_2172 = arith.mulf %convert_element_type3A_76, %mul3A_2171 : vector<112x112xf32>
    %add3A_2173 = arith.addf %dot_general3A_2169, %mul3A_2172 : vector<112x112xf32>
    %convert_element_type3A_2174 = arith.truncf %add3A_2173 : vector<112x112xf32> to vector<112x112xbf16>
    %slice3A_2175 = vector.extract_strided_slice %convert_element_type3A_36 {offsets = [2128, 0], sizes = [56, 128], strides = [1, 1]} : vector<3584x128xbf16> to vector<56x128xbf16>
    %slice3A_2176 = vector.extract_strided_slice %convert_element_type3A_37 {offsets = [2128, 0], sizes = [56, 128], strides = [1, 1]} : vector<3584x128xbf16> to vector<56x128xbf16>
    %concatenate3A_2177 = tpu.concatenate %slice3A_2175, %slice3A_2176 in 0 : vector<56x128xbf16>, vector<56x128xbf16> -> vector<112x128xbf16>
    %dot_general3A_2178 = arith.constant dense<0.000000e+00> : vector<112x128xf32>
    %dot_general3A_2179 = tpu.matmul %convert_element_type3A_2174, %concatenate3A_2177, %dot_general3A_2178 {dimension_numbers = #tpu.dot_dimension_numbers<[1], [0], [0], [1], [0, 0, 1, 1], [], []>, transpose_lhs_hint = false} : vector<112x112xbf16>, vector<112x128xbf16>, vector<112x128xf32> -> vector<112x128xf32>
    %slice3A_2180 = vector.extract_strided_slice %squeeze3A {offsets = [78, 0], sizes = [1, 128], strides = [1, 1]} : vector<128x128xi32> to vector<1x128xi32>
    %slice3A_2181 = vector.extract_strided_slice %squeeze3A {offsets = [79, 0], sizes = [1, 128], strides = [1, 1]} : vector<128x128xi32> to vector<1x128xi32>
    %concatenate3A_2182 = tpu.concatenate %slice3A_2180, %slice3A_2181 in 1 : vector<1x128xi32>, vector<1x128xi32> -> vector<1x256xi32>
    %slice3A_2183 = vector.extract_strided_slice %select_n3A {offsets = [0, 0], sizes = [1, 256], strides = [1, 1]} : vector<112x256xi32> to vector<1x256xi32>
    %add3A_2184 = arith.addi %concatenate3A_2182, %slice3A_2183 : vector<1x256xi32>
    %slice3A_2185 = vector.extract_strided_slice %squeeze3A_44 {offsets = [78, 0], sizes = [1, 128], strides = [1, 1]} : vector<128x128xi32> to vector<1x128xi32>
    %slice3A_2186 = vector.extract_strided_slice %squeeze3A_44 {offsets = [79, 0], sizes = [1, 128], strides = [1, 1]} : vector<128x128xi32> to vector<1x128xi32>
    %concatenate3A_2187 = tpu.concatenate %slice3A_2185, %slice3A_2186 in 1 : vector<1x128xi32>, vector<1x128xi32> -> vector<1x256xi32>
    %slice3A_2188 = vector.extract_strided_slice %select_n3A {offsets = [0, 0], sizes = [1, 256], strides = [1, 1]} : vector<112x256xi32> to vector<1x256xi32>
    %add3A_2189 = arith.addi %concatenate3A_2187, %slice3A_2188 : vector<1x256xi32>
    %eq3A_2190 = vector.broadcast %add3A_2189 : vector<1x256xi32> to vector<112x256xi32>
    %eq3A_2191 = arith.cmpi eq, %iota3A, %eq3A_2190 : vector<112x256xi32>
    %convert_element_type3A_2192 = arith.extui %eq3A_2191 : vector<112x256xi1> to vector<112x256xi32>
    %convert_element_type3A_2193 = arith.sitofp %convert_element_type3A_2192 : vector<112x256xi32> to vector<112x256xf32>
    %eq3A_2194 = vector.broadcast %add3A_2184 : vector<1x256xi32> to vector<112x256xi32>
    %eq3A_2195 = arith.cmpi eq, %select_n3A_59, %eq3A_2194 : vector<112x256xi32>
    %convert_element_type3A_2196 = arith.extui %eq3A_2195 : vector<112x256xi1> to vector<112x256xi32>
    %convert_element_type3A_2197 = arith.sitofp %convert_element_type3A_2196 : vector<112x256xi32> to vector<112x256xf32>
    %reduce_sum3A_2198 = arith.constant dense<0.000000e+00> : vector<112xf32>
    %reduce_sum3A_2199 = vector.multi_reduction <add>, %convert_element_type3A_2193, %reduce_sum3A_2198 [1] : vector<112x256xf32> to vector<112xf32>
    %broadcast_in_dim3A_2200 = vector.shape_cast %reduce_sum3A_2199 : vector<112xf32> to vector<112x1xf32>
    %add3A_2201 = arith.constant 1.000000e+00 : f32
    %add3A_2202 = vector.broadcast %add3A_2201 : f32 to vector<112x1xf32>
    %add3A_2203 = arith.addf %add3A_2202, %broadcast_in_dim3A_2200 : vector<112x1xf32>
    %eq3A_2204 = vector.broadcast %add3A_2189 : vector<1x256xi32> to vector<112x256xi32>
    %eq3A_2205 = arith.cmpi eq, %select_n3A_59, %eq3A_2204 : vector<112x256xi32>
    %convert_element_type3A_2206 = arith.extui %eq3A_2205 : vector<112x256xi1> to vector<112x256xi32>
    %convert_element_type3A_2207 = arith.sitofp %convert_element_type3A_2206 : vector<112x256xi32> to vector<112x256xf32>
    %reduce_sum3A_2208 = arith.constant dense<0.000000e+00> : vector<112xf32>
    %reduce_sum3A_2209 = vector.multi_reduction <add>, %convert_element_type3A_2207, %reduce_sum3A_2208 [1] : vector<112x256xf32> to vector<112xf32>
    %broadcast_in_dim3A_2210 = vector.shape_cast %reduce_sum3A_2209 : vector<112xf32> to vector<112x1xf32>
    %add3A_2211 = arith.constant 1.000000e+00 : f32
    %add3A_2212 = vector.broadcast %add3A_2211 : f32 to vector<112x1xf32>
    %add3A_2213 = arith.addf %add3A_2212, %broadcast_in_dim3A_2210 : vector<112x1xf32>
    %rsqrt3A_2214 = math.rsqrt %add3A_2203 : vector<112x1xf32>
    %rsqrt3A_2215 = math.rsqrt %add3A_2213 : vector<112x1xf32>
    %mul3A_2216 = vector.broadcast %rsqrt3A_2214 : vector<112x1xf32> to vector<112x256xf32>
    %mul3A_2217 = arith.mulf %convert_element_type3A_2193, %mul3A_2216 : vector<112x256xf32>
    %convert_element_type3A_2218 = arith.truncf %mul3A_2217 : vector<112x256xf32> to vector<112x256xbf16>
    %mul3A_2219 = vector.broadcast %rsqrt3A_2215 : vector<112x1xf32> to vector<112x256xf32>
    %mul3A_2220 = arith.mulf %convert_element_type3A_2197, %mul3A_2219 : vector<112x256xf32>
    %convert_element_type3A_2221 = arith.truncf %mul3A_2220 : vector<112x256xf32> to vector<112x256xbf16>
    %dot_general3A_2222 = arith.constant dense<0.000000e+00> : vector<112x112xf32>
    %dot_general3A_2223 = tpu.matmul %convert_element_type3A_2218, %convert_element_type3A_2221, %dot_general3A_2222 {dimension_numbers = #tpu.dot_dimension_numbers<[1], [1], [0], [0], [0, 0, 1, 0], [], []>, transpose_lhs_hint = false} : vector<112x256xbf16>, vector<112x256xbf16>, vector<112x112xf32> -> vector<112x112xf32>
    %mul3A_2224 = arith.mulf %rsqrt3A_2214, %rsqrt3A_2214 : vector<112x1xf32>
    %mul3A_2225 = vector.broadcast %mul3A_2224 : vector<112x1xf32> to vector<112x112xf32>
    %mul3A_2226 = arith.mulf %convert_element_type3A_76, %mul3A_2225 : vector<112x112xf32>
    %add3A_2227 = arith.addf %dot_general3A_2223, %mul3A_2226 : vector<112x112xf32>
    %convert_element_type3A_2228 = arith.truncf %add3A_2227 : vector<112x112xf32> to vector<112x112xbf16>
    %slice3A_2229 = vector.extract_strided_slice %convert_element_type3A_36 {offsets = [2184, 0], sizes = [56, 128], strides = [1, 1]} : vector<3584x128xbf16> to vector<56x128xbf16>
    %slice3A_2230 = vector.extract_strided_slice %convert_element_type3A_37 {offsets = [2184, 0], sizes = [56, 128], strides = [1, 1]} : vector<3584x128xbf16> to vector<56x128xbf16>
    %concatenate3A_2231 = tpu.concatenate %slice3A_2229, %slice3A_2230 in 0 : vector<56x128xbf16>, vector<56x128xbf16> -> vector<112x128xbf16>
    %dot_general3A_2232 = arith.constant dense<0.000000e+00> : vector<112x128xf32>
    %dot_general3A_2233 = tpu.matmul %convert_element_type3A_2228, %concatenate3A_2231, %dot_general3A_2232 {dimension_numbers = #tpu.dot_dimension_numbers<[1], [0], [0], [1], [0, 0, 1, 1], [], []>, transpose_lhs_hint = false} : vector<112x112xbf16>, vector<112x128xbf16>, vector<112x128xf32> -> vector<112x128xf32>
    %slice3A_2234 = vector.extract_strided_slice %squeeze3A {offsets = [80, 0], sizes = [1, 128], strides = [1, 1]} : vector<128x128xi32> to vector<1x128xi32>
    %slice3A_2235 = vector.extract_strided_slice %squeeze3A {offsets = [81, 0], sizes = [1, 128], strides = [1, 1]} : vector<128x128xi32> to vector<1x128xi32>
    %concatenate3A_2236 = tpu.concatenate %slice3A_2234, %slice3A_2235 in 1 : vector<1x128xi32>, vector<1x128xi32> -> vector<1x256xi32>
    %slice3A_2237 = vector.extract_strided_slice %select_n3A {offsets = [0, 0], sizes = [1, 256], strides = [1, 1]} : vector<112x256xi32> to vector<1x256xi32>
    %add3A_2238 = arith.addi %concatenate3A_2236, %slice3A_2237 : vector<1x256xi32>
    %slice3A_2239 = vector.extract_strided_slice %squeeze3A_44 {offsets = [80, 0], sizes = [1, 128], strides = [1, 1]} : vector<128x128xi32> to vector<1x128xi32>
    %slice3A_2240 = vector.extract_strided_slice %squeeze3A_44 {offsets = [81, 0], sizes = [1, 128], strides = [1, 1]} : vector<128x128xi32> to vector<1x128xi32>
    %concatenate3A_2241 = tpu.concatenate %slice3A_2239, %slice3A_2240 in 1 : vector<1x128xi32>, vector<1x128xi32> -> vector<1x256xi32>
    %slice3A_2242 = vector.extract_strided_slice %select_n3A {offsets = [0, 0], sizes = [1, 256], strides = [1, 1]} : vector<112x256xi32> to vector<1x256xi32>
    %add3A_2243 = arith.addi %concatenate3A_2241, %slice3A_2242 : vector<1x256xi32>
    %eq3A_2244 = vector.broadcast %add3A_2243 : vector<1x256xi32> to vector<112x256xi32>
    %eq3A_2245 = arith.cmpi eq, %iota3A, %eq3A_2244 : vector<112x256xi32>
    %convert_element_type3A_2246 = arith.extui %eq3A_2245 : vector<112x256xi1> to vector<112x256xi32>
    %convert_element_type3A_2247 = arith.sitofp %convert_element_type3A_2246 : vector<112x256xi32> to vector<112x256xf32>
    %eq3A_2248 = vector.broadcast %add3A_2238 : vector<1x256xi32> to vector<112x256xi32>
    %eq3A_2249 = arith.cmpi eq, %select_n3A_59, %eq3A_2248 : vector<112x256xi32>
    %convert_element_type3A_2250 = arith.extui %eq3A_2249 : vector<112x256xi1> to vector<112x256xi32>
    %convert_element_type3A_2251 = arith.sitofp %convert_element_type3A_2250 : vector<112x256xi32> to vector<112x256xf32>
    %reduce_sum3A_2252 = arith.constant dense<0.000000e+00> : vector<112xf32>
    %reduce_sum3A_2253 = vector.multi_reduction <add>, %convert_element_type3A_2247, %reduce_sum3A_2252 [1] : vector<112x256xf32> to vector<112xf32>
    %broadcast_in_dim3A_2254 = vector.shape_cast %reduce_sum3A_2253 : vector<112xf32> to vector<112x1xf32>
    %add3A_2255 = arith.constant 1.000000e+00 : f32
    %add3A_2256 = vector.broadcast %add3A_2255 : f32 to vector<112x1xf32>
    %add3A_2257 = arith.addf %add3A_2256, %broadcast_in_dim3A_2254 : vector<112x1xf32>
    %eq3A_2258 = vector.broadcast %add3A_2243 : vector<1x256xi32> to vector<112x256xi32>
    %eq3A_2259 = arith.cmpi eq, %select_n3A_59, %eq3A_2258 : vector<112x256xi32>
    %convert_element_type3A_2260 = arith.extui %eq3A_2259 : vector<112x256xi1> to vector<112x256xi32>
    %convert_element_type3A_2261 = arith.sitofp %convert_element_type3A_2260 : vector<112x256xi32> to vector<112x256xf32>
    %reduce_sum3A_2262 = arith.constant dense<0.000000e+00> : vector<112xf32>
    %reduce_sum3A_2263 = vector.multi_reduction <add>, %convert_element_type3A_2261, %reduce_sum3A_2262 [1] : vector<112x256xf32> to vector<112xf32>
    %broadcast_in_dim3A_2264 = vector.shape_cast %reduce_sum3A_2263 : vector<112xf32> to vector<112x1xf32>
    %add3A_2265 = arith.constant 1.000000e+00 : f32
    %add3A_2266 = vector.broadcast %add3A_2265 : f32 to vector<112x1xf32>
    %add3A_2267 = arith.addf %add3A_2266, %broadcast_in_dim3A_2264 : vector<112x1xf32>
    %rsqrt3A_2268 = math.rsqrt %add3A_2257 : vector<112x1xf32>
    %rsqrt3A_2269 = math.rsqrt %add3A_2267 : vector<112x1xf32>
    %mul3A_2270 = vector.broadcast %rsqrt3A_2268 : vector<112x1xf32> to vector<112x256xf32>
    %mul3A_2271 = arith.mulf %convert_element_type3A_2247, %mul3A_2270 : vector<112x256xf32>
    %convert_element_type3A_2272 = arith.truncf %mul3A_2271 : vector<112x256xf32> to vector<112x256xbf16>
    %mul3A_2273 = vector.broadcast %rsqrt3A_2269 : vector<112x1xf32> to vector<112x256xf32>
    %mul3A_2274 = arith.mulf %convert_element_type3A_2251, %mul3A_2273 : vector<112x256xf32>
    %convert_element_type3A_2275 = arith.truncf %mul3A_2274 : vector<112x256xf32> to vector<112x256xbf16>
    %dot_general3A_2276 = arith.constant dense<0.000000e+00> : vector<112x112xf32>
    %dot_general3A_2277 = tpu.matmul %convert_element_type3A_2272, %convert_element_type3A_2275, %dot_general3A_2276 {dimension_numbers = #tpu.dot_dimension_numbers<[1], [1], [0], [0], [0, 0, 1, 0], [], []>, transpose_lhs_hint = false} : vector<112x256xbf16>, vector<112x256xbf16>, vector<112x112xf32> -> vector<112x112xf32>
    %mul3A_2278 = arith.mulf %rsqrt3A_2268, %rsqrt3A_2268 : vector<112x1xf32>
    %mul3A_2279 = vector.broadcast %mul3A_2278 : vector<112x1xf32> to vector<112x112xf32>
    %mul3A_2280 = arith.mulf %convert_element_type3A_76, %mul3A_2279 : vector<112x112xf32>
    %add3A_2281 = arith.addf %dot_general3A_2277, %mul3A_2280 : vector<112x112xf32>
    %convert_element_type3A_2282 = arith.truncf %add3A_2281 : vector<112x112xf32> to vector<112x112xbf16>
    %slice3A_2283 = vector.extract_strided_slice %convert_element_type3A_36 {offsets = [2240, 0], sizes = [56, 128], strides = [1, 1]} : vector<3584x128xbf16> to vector<56x128xbf16>
    %slice3A_2284 = vector.extract_strided_slice %convert_element_type3A_37 {offsets = [2240, 0], sizes = [56, 128], strides = [1, 1]} : vector<3584x128xbf16> to vector<56x128xbf16>
    %concatenate3A_2285 = tpu.concatenate %slice3A_2283, %slice3A_2284 in 0 : vector<56x128xbf16>, vector<56x128xbf16> -> vector<112x128xbf16>
    %dot_general3A_2286 = arith.constant dense<0.000000e+00> : vector<112x128xf32>
    %dot_general3A_2287 = tpu.matmul %convert_element_type3A_2282, %concatenate3A_2285, %dot_general3A_2286 {dimension_numbers = #tpu.dot_dimension_numbers<[1], [0], [0], [1], [0, 0, 1, 1], [], []>, transpose_lhs_hint = false} : vector<112x112xbf16>, vector<112x128xbf16>, vector<112x128xf32> -> vector<112x128xf32>
    %slice3A_2288 = vector.extract_strided_slice %squeeze3A {offsets = [82, 0], sizes = [1, 128], strides = [1, 1]} : vector<128x128xi32> to vector<1x128xi32>
    %slice3A_2289 = vector.extract_strided_slice %squeeze3A {offsets = [83, 0], sizes = [1, 128], strides = [1, 1]} : vector<128x128xi32> to vector<1x128xi32>
    %concatenate3A_2290 = tpu.concatenate %slice3A_2288, %slice3A_2289 in 1 : vector<1x128xi32>, vector<1x128xi32> -> vector<1x256xi32>
    %slice3A_2291 = vector.extract_strided_slice %select_n3A {offsets = [0, 0], sizes = [1, 256], strides = [1, 1]} : vector<112x256xi32> to vector<1x256xi32>
    %add3A_2292 = arith.addi %concatenate3A_2290, %slice3A_2291 : vector<1x256xi32>
    %slice3A_2293 = vector.extract_strided_slice %squeeze3A_44 {offsets = [82, 0], sizes = [1, 128], strides = [1, 1]} : vector<128x128xi32> to vector<1x128xi32>
    %slice3A_2294 = vector.extract_strided_slice %squeeze3A_44 {offsets = [83, 0], sizes = [1, 128], strides = [1, 1]} : vector<128x128xi32> to vector<1x128xi32>
    %concatenate3A_2295 = tpu.concatenate %slice3A_2293, %slice3A_2294 in 1 : vector<1x128xi32>, vector<1x128xi32> -> vector<1x256xi32>
    %slice3A_2296 = vector.extract_strided_slice %select_n3A {offsets = [0, 0], sizes = [1, 256], strides = [1, 1]} : vector<112x256xi32> to vector<1x256xi32>
    %add3A_2297 = arith.addi %concatenate3A_2295, %slice3A_2296 : vector<1x256xi32>
    %eq3A_2298 = vector.broadcast %add3A_2297 : vector<1x256xi32> to vector<112x256xi32>
    %eq3A_2299 = arith.cmpi eq, %iota3A, %eq3A_2298 : vector<112x256xi32>
    %convert_element_type3A_2300 = arith.extui %eq3A_2299 : vector<112x256xi1> to vector<112x256xi32>
    %convert_element_type3A_2301 = arith.sitofp %convert_element_type3A_2300 : vector<112x256xi32> to vector<112x256xf32>
    %eq3A_2302 = vector.broadcast %add3A_2292 : vector<1x256xi32> to vector<112x256xi32>
    %eq3A_2303 = arith.cmpi eq, %select_n3A_59, %eq3A_2302 : vector<112x256xi32>
    %convert_element_type3A_2304 = arith.extui %eq3A_2303 : vector<112x256xi1> to vector<112x256xi32>
    %convert_element_type3A_2305 = arith.sitofp %convert_element_type3A_2304 : vector<112x256xi32> to vector<112x256xf32>
    %reduce_sum3A_2306 = arith.constant dense<0.000000e+00> : vector<112xf32>
    %reduce_sum3A_2307 = vector.multi_reduction <add>, %convert_element_type3A_2301, %reduce_sum3A_2306 [1] : vector<112x256xf32> to vector<112xf32>
    %broadcast_in_dim3A_2308 = vector.shape_cast %reduce_sum3A_2307 : vector<112xf32> to vector<112x1xf32>
    %add3A_2309 = arith.constant 1.000000e+00 : f32
    %add3A_2310 = vector.broadcast %add3A_2309 : f32 to vector<112x1xf32>
    %add3A_2311 = arith.addf %add3A_2310, %broadcast_in_dim3A_2308 : vector<112x1xf32>
    %eq3A_2312 = vector.broadcast %add3A_2297 : vector<1x256xi32> to vector<112x256xi32>
    %eq3A_2313 = arith.cmpi eq, %select_n3A_59, %eq3A_2312 : vector<112x256xi32>
    %convert_element_type3A_2314 = arith.extui %eq3A_2313 : vector<112x256xi1> to vector<112x256xi32>
    %convert_element_type3A_2315 = arith.sitofp %convert_element_type3A_2314 : vector<112x256xi32> to vector<112x256xf32>
    %reduce_sum3A_2316 = arith.constant dense<0.000000e+00> : vector<112xf32>
    %reduce_sum3A_2317 = vector.multi_reduction <add>, %convert_element_type3A_2315, %reduce_sum3A_2316 [1] : vector<112x256xf32> to vector<112xf32>
    %broadcast_in_dim3A_2318 = vector.shape_cast %reduce_sum3A_2317 : vector<112xf32> to vector<112x1xf32>
    %add3A_2319 = arith.constant 1.000000e+00 : f32
    %add3A_2320 = vector.broadcast %add3A_2319 : f32 to vector<112x1xf32>
    %add3A_2321 = arith.addf %add3A_2320, %broadcast_in_dim3A_2318 : vector<112x1xf32>
    %rsqrt3A_2322 = math.rsqrt %add3A_2311 : vector<112x1xf32>
    %rsqrt3A_2323 = math.rsqrt %add3A_2321 : vector<112x1xf32>
    %mul3A_2324 = vector.broadcast %rsqrt3A_2322 : vector<112x1xf32> to vector<112x256xf32>
    %mul3A_2325 = arith.mulf %convert_element_type3A_2301, %mul3A_2324 : vector<112x256xf32>
    %convert_element_type3A_2326 = arith.truncf %mul3A_2325 : vector<112x256xf32> to vector<112x256xbf16>
    %mul3A_2327 = vector.broadcast %rsqrt3A_2323 : vector<112x1xf32> to vector<112x256xf32>
    %mul3A_2328 = arith.mulf %convert_element_type3A_2305, %mul3A_2327 : vector<112x256xf32>
    %convert_element_type3A_2329 = arith.truncf %mul3A_2328 : vector<112x256xf32> to vector<112x256xbf16>
    %dot_general3A_2330 = arith.constant dense<0.000000e+00> : vector<112x112xf32>
    %dot_general3A_2331 = tpu.matmul %convert_element_type3A_2326, %convert_element_type3A_2329, %dot_general3A_2330 {dimension_numbers = #tpu.dot_dimension_numbers<[1], [1], [0], [0], [0, 0, 1, 0], [], []>, transpose_lhs_hint = false} : vector<112x256xbf16>, vector<112x256xbf16>, vector<112x112xf32> -> vector<112x112xf32>
    %mul3A_2332 = arith.mulf %rsqrt3A_2322, %rsqrt3A_2322 : vector<112x1xf32>
    %mul3A_2333 = vector.broadcast %mul3A_2332 : vector<112x1xf32> to vector<112x112xf32>
    %mul3A_2334 = arith.mulf %convert_element_type3A_76, %mul3A_2333 : vector<112x112xf32>
    %add3A_2335 = arith.addf %dot_general3A_2331, %mul3A_2334 : vector<112x112xf32>
    %convert_element_type3A_2336 = arith.truncf %add3A_2335 : vector<112x112xf32> to vector<112x112xbf16>
    %slice3A_2337 = vector.extract_strided_slice %convert_element_type3A_36 {offsets = [2296, 0], sizes = [56, 128], strides = [1, 1]} : vector<3584x128xbf16> to vector<56x128xbf16>
    %slice3A_2338 = vector.extract_strided_slice %convert_element_type3A_37 {offsets = [2296, 0], sizes = [56, 128], strides = [1, 1]} : vector<3584x128xbf16> to vector<56x128xbf16>
    %concatenate3A_2339 = tpu.concatenate %slice3A_2337, %slice3A_2338 in 0 : vector<56x128xbf16>, vector<56x128xbf16> -> vector<112x128xbf16>
    %dot_general3A_2340 = arith.constant dense<0.000000e+00> : vector<112x128xf32>
    %dot_general3A_2341 = tpu.matmul %convert_element_type3A_2336, %concatenate3A_2339, %dot_general3A_2340 {dimension_numbers = #tpu.dot_dimension_numbers<[1], [0], [0], [1], [0, 0, 1, 1], [], []>, transpose_lhs_hint = false} : vector<112x112xbf16>, vector<112x128xbf16>, vector<112x128xf32> -> vector<112x128xf32>
    %slice3A_2342 = vector.extract_strided_slice %squeeze3A {offsets = [84, 0], sizes = [1, 128], strides = [1, 1]} : vector<128x128xi32> to vector<1x128xi32>
    %slice3A_2343 = vector.extract_strided_slice %squeeze3A {offsets = [85, 0], sizes = [1, 128], strides = [1, 1]} : vector<128x128xi32> to vector<1x128xi32>
    %concatenate3A_2344 = tpu.concatenate %slice3A_2342, %slice3A_2343 in 1 : vector<1x128xi32>, vector<1x128xi32> -> vector<1x256xi32>
    %slice3A_2345 = vector.extract_strided_slice %select_n3A {offsets = [0, 0], sizes = [1, 256], strides = [1, 1]} : vector<112x256xi32> to vector<1x256xi32>
    %add3A_2346 = arith.addi %concatenate3A_2344, %slice3A_2345 : vector<1x256xi32>
    %slice3A_2347 = vector.extract_strided_slice %squeeze3A_44 {offsets = [84, 0], sizes = [1, 128], strides = [1, 1]} : vector<128x128xi32> to vector<1x128xi32>
    %slice3A_2348 = vector.extract_strided_slice %squeeze3A_44 {offsets = [85, 0], sizes = [1, 128], strides = [1, 1]} : vector<128x128xi32> to vector<1x128xi32>
    %concatenate3A_2349 = tpu.concatenate %slice3A_2347, %slice3A_2348 in 1 : vector<1x128xi32>, vector<1x128xi32> -> vector<1x256xi32>
    %slice3A_2350 = vector.extract_strided_slice %select_n3A {offsets = [0, 0], sizes = [1, 256], strides = [1, 1]} : vector<112x256xi32> to vector<1x256xi32>
    %add3A_2351 = arith.addi %concatenate3A_2349, %slice3A_2350 : vector<1x256xi32>
    %eq3A_2352 = vector.broadcast %add3A_2351 : vector<1x256xi32> to vector<112x256xi32>
    %eq3A_2353 = arith.cmpi eq, %iota3A, %eq3A_2352 : vector<112x256xi32>
    %convert_element_type3A_2354 = arith.extui %eq3A_2353 : vector<112x256xi1> to vector<112x256xi32>
    %convert_element_type3A_2355 = arith.sitofp %convert_element_type3A_2354 : vector<112x256xi32> to vector<112x256xf32>
    %eq3A_2356 = vector.broadcast %add3A_2346 : vector<1x256xi32> to vector<112x256xi32>
    %eq3A_2357 = arith.cmpi eq, %select_n3A_59, %eq3A_2356 : vector<112x256xi32>
    %convert_element_type3A_2358 = arith.extui %eq3A_2357 : vector<112x256xi1> to vector<112x256xi32>
    %convert_element_type3A_2359 = arith.sitofp %convert_element_type3A_2358 : vector<112x256xi32> to vector<112x256xf32>
    %reduce_sum3A_2360 = arith.constant dense<0.000000e+00> : vector<112xf32>
    %reduce_sum3A_2361 = vector.multi_reduction <add>, %convert_element_type3A_2355, %reduce_sum3A_2360 [1] : vector<112x256xf32> to vector<112xf32>
    %broadcast_in_dim3A_2362 = vector.shape_cast %reduce_sum3A_2361 : vector<112xf32> to vector<112x1xf32>
    %add3A_2363 = arith.constant 1.000000e+00 : f32
    %add3A_2364 = vector.broadcast %add3A_2363 : f32 to vector<112x1xf32>
    %add3A_2365 = arith.addf %add3A_2364, %broadcast_in_dim3A_2362 : vector<112x1xf32>
    %eq3A_2366 = vector.broadcast %add3A_2351 : vector<1x256xi32> to vector<112x256xi32>
    %eq3A_2367 = arith.cmpi eq, %select_n3A_59, %eq3A_2366 : vector<112x256xi32>
    %convert_element_type3A_2368 = arith.extui %eq3A_2367 : vector<112x256xi1> to vector<112x256xi32>
    %convert_element_type3A_2369 = arith.sitofp %convert_element_type3A_2368 : vector<112x256xi32> to vector<112x256xf32>
    %reduce_sum3A_2370 = arith.constant dense<0.000000e+00> : vector<112xf32>
    %reduce_sum3A_2371 = vector.multi_reduction <add>, %convert_element_type3A_2369, %reduce_sum3A_2370 [1] : vector<112x256xf32> to vector<112xf32>
    %broadcast_in_dim3A_2372 = vector.shape_cast %reduce_sum3A_2371 : vector<112xf32> to vector<112x1xf32>
    %add3A_2373 = arith.constant 1.000000e+00 : f32
    %add3A_2374 = vector.broadcast %add3A_2373 : f32 to vector<112x1xf32>
    %add3A_2375 = arith.addf %add3A_2374, %broadcast_in_dim3A_2372 : vector<112x1xf32>
    %rsqrt3A_2376 = math.rsqrt %add3A_2365 : vector<112x1xf32>
    %rsqrt3A_2377 = math.rsqrt %add3A_2375 : vector<112x1xf32>
    %mul3A_2378 = vector.broadcast %rsqrt3A_2376 : vector<112x1xf32> to vector<112x256xf32>
    %mul3A_2379 = arith.mulf %convert_element_type3A_2355, %mul3A_2378 : vector<112x256xf32>
    %convert_element_type3A_2380 = arith.truncf %mul3A_2379 : vector<112x256xf32> to vector<112x256xbf16>
    %mul3A_2381 = vector.broadcast %rsqrt3A_2377 : vector<112x1xf32> to vector<112x256xf32>
    %mul3A_2382 = arith.mulf %convert_element_type3A_2359, %mul3A_2381 : vector<112x256xf32>
    %convert_element_type3A_2383 = arith.truncf %mul3A_2382 : vector<112x256xf32> to vector<112x256xbf16>
    %dot_general3A_2384 = arith.constant dense<0.000000e+00> : vector<112x112xf32>
    %dot_general3A_2385 = tpu.matmul %convert_element_type3A_2380, %convert_element_type3A_2383, %dot_general3A_2384 {dimension_numbers = #tpu.dot_dimension_numbers<[1], [1], [0], [0], [0, 0, 1, 0], [], []>, transpose_lhs_hint = false} : vector<112x256xbf16>, vector<112x256xbf16>, vector<112x112xf32> -> vector<112x112xf32>
    %mul3A_2386 = arith.mulf %rsqrt3A_2376, %rsqrt3A_2376 : vector<112x1xf32>
    %mul3A_2387 = vector.broadcast %mul3A_2386 : vector<112x1xf32> to vector<112x112xf32>
    %mul3A_2388 = arith.mulf %convert_element_type3A_76, %mul3A_2387 : vector<112x112xf32>
    %add3A_2389 = arith.addf %dot_general3A_2385, %mul3A_2388 : vector<112x112xf32>
    %convert_element_type3A_2390 = arith.truncf %add3A_2389 : vector<112x112xf32> to vector<112x112xbf16>
    %slice3A_2391 = vector.extract_strided_slice %convert_element_type3A_36 {offsets = [2352, 0], sizes = [56, 128], strides = [1, 1]} : vector<3584x128xbf16> to vector<56x128xbf16>
    %slice3A_2392 = vector.extract_strided_slice %convert_element_type3A_37 {offsets = [2352, 0], sizes = [56, 128], strides = [1, 1]} : vector<3584x128xbf16> to vector<56x128xbf16>
    %concatenate3A_2393 = tpu.concatenate %slice3A_2391, %slice3A_2392 in 0 : vector<56x128xbf16>, vector<56x128xbf16> -> vector<112x128xbf16>
    %dot_general3A_2394 = arith.constant dense<0.000000e+00> : vector<112x128xf32>
    %dot_general3A_2395 = tpu.matmul %convert_element_type3A_2390, %concatenate3A_2393, %dot_general3A_2394 {dimension_numbers = #tpu.dot_dimension_numbers<[1], [0], [0], [1], [0, 0, 1, 1], [], []>, transpose_lhs_hint = false} : vector<112x112xbf16>, vector<112x128xbf16>, vector<112x128xf32> -> vector<112x128xf32>
    %slice3A_2396 = vector.extract_strided_slice %squeeze3A {offsets = [86, 0], sizes = [1, 128], strides = [1, 1]} : vector<128x128xi32> to vector<1x128xi32>
    %slice3A_2397 = vector.extract_strided_slice %squeeze3A {offsets = [87, 0], sizes = [1, 128], strides = [1, 1]} : vector<128x128xi32> to vector<1x128xi32>
    %concatenate3A_2398 = tpu.concatenate %slice3A_2396, %slice3A_2397 in 1 : vector<1x128xi32>, vector<1x128xi32> -> vector<1x256xi32>
    %slice3A_2399 = vector.extract_strided_slice %select_n3A {offsets = [0, 0], sizes = [1, 256], strides = [1, 1]} : vector<112x256xi32> to vector<1x256xi32>
    %add3A_2400 = arith.addi %concatenate3A_2398, %slice3A_2399 : vector<1x256xi32>
    %slice3A_2401 = vector.extract_strided_slice %squeeze3A_44 {offsets = [86, 0], sizes = [1, 128], strides = [1, 1]} : vector<128x128xi32> to vector<1x128xi32>
    %slice3A_2402 = vector.extract_strided_slice %squeeze3A_44 {offsets = [87, 0], sizes = [1, 128], strides = [1, 1]} : vector<128x128xi32> to vector<1x128xi32>
    %concatenate3A_2403 = tpu.concatenate %slice3A_2401, %slice3A_2402 in 1 : vector<1x128xi32>, vector<1x128xi32> -> vector<1x256xi32>
    %slice3A_2404 = vector.extract_strided_slice %select_n3A {offsets = [0, 0], sizes = [1, 256], strides = [1, 1]} : vector<112x256xi32> to vector<1x256xi32>
    %add3A_2405 = arith.addi %concatenate3A_2403, %slice3A_2404 : vector<1x256xi32>
    %eq3A_2406 = vector.broadcast %add3A_2405 : vector<1x256xi32> to vector<112x256xi32>
    %eq3A_2407 = arith.cmpi eq, %iota3A, %eq3A_2406 : vector<112x256xi32>
    %convert_element_type3A_2408 = arith.extui %eq3A_2407 : vector<112x256xi1> to vector<112x256xi32>
    %convert_element_type3A_2409 = arith.sitofp %convert_element_type3A_2408 : vector<112x256xi32> to vector<112x256xf32>
    %eq3A_2410 = vector.broadcast %add3A_2400 : vector<1x256xi32> to vector<112x256xi32>
    %eq3A_2411 = arith.cmpi eq, %select_n3A_59, %eq3A_2410 : vector<112x256xi32>
    %convert_element_type3A_2412 = arith.extui %eq3A_2411 : vector<112x256xi1> to vector<112x256xi32>
    %convert_element_type3A_2413 = arith.sitofp %convert_element_type3A_2412 : vector<112x256xi32> to vector<112x256xf32>
    %reduce_sum3A_2414 = arith.constant dense<0.000000e+00> : vector<112xf32>
    %reduce_sum3A_2415 = vector.multi_reduction <add>, %convert_element_type3A_2409, %reduce_sum3A_2414 [1] : vector<112x256xf32> to vector<112xf32>
    %broadcast_in_dim3A_2416 = vector.shape_cast %reduce_sum3A_2415 : vector<112xf32> to vector<112x1xf32>
    %add3A_2417 = arith.constant 1.000000e+00 : f32
    %add3A_2418 = vector.broadcast %add3A_2417 : f32 to vector<112x1xf32>
    %add3A_2419 = arith.addf %add3A_2418, %broadcast_in_dim3A_2416 : vector<112x1xf32>
    %eq3A_2420 = vector.broadcast %add3A_2405 : vector<1x256xi32> to vector<112x256xi32>
    %eq3A_2421 = arith.cmpi eq, %select_n3A_59, %eq3A_2420 : vector<112x256xi32>
    %convert_element_type3A_2422 = arith.extui %eq3A_2421 : vector<112x256xi1> to vector<112x256xi32>
    %convert_element_type3A_2423 = arith.sitofp %convert_element_type3A_2422 : vector<112x256xi32> to vector<112x256xf32>
    %reduce_sum3A_2424 = arith.constant dense<0.000000e+00> : vector<112xf32>
    %reduce_sum3A_2425 = vector.multi_reduction <add>, %convert_element_type3A_2423, %reduce_sum3A_2424 [1] : vector<112x256xf32> to vector<112xf32>
    %broadcast_in_dim3A_2426 = vector.shape_cast %reduce_sum3A_2425 : vector<112xf32> to vector<112x1xf32>
    %add3A_2427 = arith.constant 1.000000e+00 : f32
    %add3A_2428 = vector.broadcast %add3A_2427 : f32 to vector<112x1xf32>
    %add3A_2429 = arith.addf %add3A_2428, %broadcast_in_dim3A_2426 : vector<112x1xf32>
    %rsqrt3A_2430 = math.rsqrt %add3A_2419 : vector<112x1xf32>
    %rsqrt3A_2431 = math.rsqrt %add3A_2429 : vector<112x1xf32>
    %mul3A_2432 = vector.broadcast %rsqrt3A_2430 : vector<112x1xf32> to vector<112x256xf32>
    %mul3A_2433 = arith.mulf %convert_element_type3A_2409, %mul3A_2432 : vector<112x256xf32>
    %convert_element_type3A_2434 = arith.truncf %mul3A_2433 : vector<112x256xf32> to vector<112x256xbf16>
    %mul3A_2435 = vector.broadcast %rsqrt3A_2431 : vector<112x1xf32> to vector<112x256xf32>
    %mul3A_2436 = arith.mulf %convert_element_type3A_2413, %mul3A_2435 : vector<112x256xf32>
    %convert_element_type3A_2437 = arith.truncf %mul3A_2436 : vector<112x256xf32> to vector<112x256xbf16>
    %dot_general3A_2438 = arith.constant dense<0.000000e+00> : vector<112x112xf32>
    %dot_general3A_2439 = tpu.matmul %convert_element_type3A_2434, %convert_element_type3A_2437, %dot_general3A_2438 {dimension_numbers = #tpu.dot_dimension_numbers<[1], [1], [0], [0], [0, 0, 1, 0], [], []>, transpose_lhs_hint = false} : vector<112x256xbf16>, vector<112x256xbf16>, vector<112x112xf32> -> vector<112x112xf32>
    %mul3A_2440 = arith.mulf %rsqrt3A_2430, %rsqrt3A_2430 : vector<112x1xf32>
    %mul3A_2441 = vector.broadcast %mul3A_2440 : vector<112x1xf32> to vector<112x112xf32>
    %mul3A_2442 = arith.mulf %convert_element_type3A_76, %mul3A_2441 : vector<112x112xf32>
    %add3A_2443 = arith.addf %dot_general3A_2439, %mul3A_2442 : vector<112x112xf32>
    %convert_element_type3A_2444 = arith.truncf %add3A_2443 : vector<112x112xf32> to vector<112x112xbf16>
    %slice3A_2445 = vector.extract_strided_slice %convert_element_type3A_36 {offsets = [2408, 0], sizes = [56, 128], strides = [1, 1]} : vector<3584x128xbf16> to vector<56x128xbf16>
    %slice3A_2446 = vector.extract_strided_slice %convert_element_type3A_37 {offsets = [2408, 0], sizes = [56, 128], strides = [1, 1]} : vector<3584x128xbf16> to vector<56x128xbf16>
    %concatenate3A_2447 = tpu.concatenate %slice3A_2445, %slice3A_2446 in 0 : vector<56x128xbf16>, vector<56x128xbf16> -> vector<112x128xbf16>
    %dot_general3A_2448 = arith.constant dense<0.000000e+00> : vector<112x128xf32>
    %dot_general3A_2449 = tpu.matmul %convert_element_type3A_2444, %concatenate3A_2447, %dot_general3A_2448 {dimension_numbers = #tpu.dot_dimension_numbers<[1], [0], [0], [1], [0, 0, 1, 1], [], []>, transpose_lhs_hint = false} : vector<112x112xbf16>, vector<112x128xbf16>, vector<112x128xf32> -> vector<112x128xf32>
    %slice3A_2450 = vector.extract_strided_slice %squeeze3A {offsets = [88, 0], sizes = [1, 128], strides = [1, 1]} : vector<128x128xi32> to vector<1x128xi32>
    %slice3A_2451 = vector.extract_strided_slice %squeeze3A {offsets = [89, 0], sizes = [1, 128], strides = [1, 1]} : vector<128x128xi32> to vector<1x128xi32>
    %concatenate3A_2452 = tpu.concatenate %slice3A_2450, %slice3A_2451 in 1 : vector<1x128xi32>, vector<1x128xi32> -> vector<1x256xi32>
    %slice3A_2453 = vector.extract_strided_slice %select_n3A {offsets = [0, 0], sizes = [1, 256], strides = [1, 1]} : vector<112x256xi32> to vector<1x256xi32>
    %add3A_2454 = arith.addi %concatenate3A_2452, %slice3A_2453 : vector<1x256xi32>
    %slice3A_2455 = vector.extract_strided_slice %squeeze3A_44 {offsets = [88, 0], sizes = [1, 128], strides = [1, 1]} : vector<128x128xi32> to vector<1x128xi32>
    %slice3A_2456 = vector.extract_strided_slice %squeeze3A_44 {offsets = [89, 0], sizes = [1, 128], strides = [1, 1]} : vector<128x128xi32> to vector<1x128xi32>
    %concatenate3A_2457 = tpu.concatenate %slice3A_2455, %slice3A_2456 in 1 : vector<1x128xi32>, vector<1x128xi32> -> vector<1x256xi32>
    %slice3A_2458 = vector.extract_strided_slice %select_n3A {offsets = [0, 0], sizes = [1, 256], strides = [1, 1]} : vector<112x256xi32> to vector<1x256xi32>
    %add3A_2459 = arith.addi %concatenate3A_2457, %slice3A_2458 : vector<1x256xi32>
    %eq3A_2460 = vector.broadcast %add3A_2459 : vector<1x256xi32> to vector<112x256xi32>
    %eq3A_2461 = arith.cmpi eq, %iota3A, %eq3A_2460 : vector<112x256xi32>
    %convert_element_type3A_2462 = arith.extui %eq3A_2461 : vector<112x256xi1> to vector<112x256xi32>
    %convert_element_type3A_2463 = arith.sitofp %convert_element_type3A_2462 : vector<112x256xi32> to vector<112x256xf32>
    %eq3A_2464 = vector.broadcast %add3A_2454 : vector<1x256xi32> to vector<112x256xi32>
    %eq3A_2465 = arith.cmpi eq, %select_n3A_59, %eq3A_2464 : vector<112x256xi32>
    %convert_element_type3A_2466 = arith.extui %eq3A_2465 : vector<112x256xi1> to vector<112x256xi32>
    %convert_element_type3A_2467 = arith.sitofp %convert_element_type3A_2466 : vector<112x256xi32> to vector<112x256xf32>
    %reduce_sum3A_2468 = arith.constant dense<0.000000e+00> : vector<112xf32>
    %reduce_sum3A_2469 = vector.multi_reduction <add>, %convert_element_type3A_2463, %reduce_sum3A_2468 [1] : vector<112x256xf32> to vector<112xf32>
    %broadcast_in_dim3A_2470 = vector.shape_cast %reduce_sum3A_2469 : vector<112xf32> to vector<112x1xf32>
    %add3A_2471 = arith.constant 1.000000e+00 : f32
    %add3A_2472 = vector.broadcast %add3A_2471 : f32 to vector<112x1xf32>
    %add3A_2473 = arith.addf %add3A_2472, %broadcast_in_dim3A_2470 : vector<112x1xf32>
    %eq3A_2474 = vector.broadcast %add3A_2459 : vector<1x256xi32> to vector<112x256xi32>
    %eq3A_2475 = arith.cmpi eq, %select_n3A_59, %eq3A_2474 : vector<112x256xi32>
    %convert_element_type3A_2476 = arith.extui %eq3A_2475 : vector<112x256xi1> to vector<112x256xi32>
    %convert_element_type3A_2477 = arith.sitofp %convert_element_type3A_2476 : vector<112x256xi32> to vector<112x256xf32>
    %reduce_sum3A_2478 = arith.constant dense<0.000000e+00> : vector<112xf32>
    %reduce_sum3A_2479 = vector.multi_reduction <add>, %convert_element_type3A_2477, %reduce_sum3A_2478 [1] : vector<112x256xf32> to vector<112xf32>
    %broadcast_in_dim3A_2480 = vector.shape_cast %reduce_sum3A_2479 : vector<112xf32> to vector<112x1xf32>
    %add3A_2481 = arith.constant 1.000000e+00 : f32
    %add3A_2482 = vector.broadcast %add3A_2481 : f32 to vector<112x1xf32>
    %add3A_2483 = arith.addf %add3A_2482, %broadcast_in_dim3A_2480 : vector<112x1xf32>
    %rsqrt3A_2484 = math.rsqrt %add3A_2473 : vector<112x1xf32>
    %rsqrt3A_2485 = math.rsqrt %add3A_2483 : vector<112x1xf32>
    %mul3A_2486 = vector.broadcast %rsqrt3A_2484 : vector<112x1xf32> to vector<112x256xf32>
    %mul3A_2487 = arith.mulf %convert_element_type3A_2463, %mul3A_2486 : vector<112x256xf32>
    %convert_element_type3A_2488 = arith.truncf %mul3A_2487 : vector<112x256xf32> to vector<112x256xbf16>
    %mul3A_2489 = vector.broadcast %rsqrt3A_2485 : vector<112x1xf32> to vector<112x256xf32>
    %mul3A_2490 = arith.mulf %convert_element_type3A_2467, %mul3A_2489 : vector<112x256xf32>
    %convert_element_type3A_2491 = arith.truncf %mul3A_2490 : vector<112x256xf32> to vector<112x256xbf16>
    %dot_general3A_2492 = arith.constant dense<0.000000e+00> : vector<112x112xf32>
    %dot_general3A_2493 = tpu.matmul %convert_element_type3A_2488, %convert_element_type3A_2491, %dot_general3A_2492 {dimension_numbers = #tpu.dot_dimension_numbers<[1], [1], [0], [0], [0, 0, 1, 0], [], []>, transpose_lhs_hint = false} : vector<112x256xbf16>, vector<112x256xbf16>, vector<112x112xf32> -> vector<112x112xf32>
    %mul3A_2494 = arith.mulf %rsqrt3A_2484, %rsqrt3A_2484 : vector<112x1xf32>
    %mul3A_2495 = vector.broadcast %mul3A_2494 : vector<112x1xf32> to vector<112x112xf32>
    %mul3A_2496 = arith.mulf %convert_element_type3A_76, %mul3A_2495 : vector<112x112xf32>
    %add3A_2497 = arith.addf %dot_general3A_2493, %mul3A_2496 : vector<112x112xf32>
    %convert_element_type3A_2498 = arith.truncf %add3A_2497 : vector<112x112xf32> to vector<112x112xbf16>
    %slice3A_2499 = vector.extract_strided_slice %convert_element_type3A_36 {offsets = [2464, 0], sizes = [56, 128], strides = [1, 1]} : vector<3584x128xbf16> to vector<56x128xbf16>
    %slice3A_2500 = vector.extract_strided_slice %convert_element_type3A_37 {offsets = [2464, 0], sizes = [56, 128], strides = [1, 1]} : vector<3584x128xbf16> to vector<56x128xbf16>
    %concatenate3A_2501 = tpu.concatenate %slice3A_2499, %slice3A_2500 in 0 : vector<56x128xbf16>, vector<56x128xbf16> -> vector<112x128xbf16>
    %dot_general3A_2502 = arith.constant dense<0.000000e+00> : vector<112x128xf32>
    %dot_general3A_2503 = tpu.matmul %convert_element_type3A_2498, %concatenate3A_2501, %dot_general3A_2502 {dimension_numbers = #tpu.dot_dimension_numbers<[1], [0], [0], [1], [0, 0, 1, 1], [], []>, transpose_lhs_hint = false} : vector<112x112xbf16>, vector<112x128xbf16>, vector<112x128xf32> -> vector<112x128xf32>
    %slice3A_2504 = vector.extract_strided_slice %squeeze3A {offsets = [90, 0], sizes = [1, 128], strides = [1, 1]} : vector<128x128xi32> to vector<1x128xi32>
    %slice3A_2505 = vector.extract_strided_slice %squeeze3A {offsets = [91, 0], sizes = [1, 128], strides = [1, 1]} : vector<128x128xi32> to vector<1x128xi32>
    %concatenate3A_2506 = tpu.concatenate %slice3A_2504, %slice3A_2505 in 1 : vector<1x128xi32>, vector<1x128xi32> -> vector<1x256xi32>
    %slice3A_2507 = vector.extract_strided_slice %select_n3A {offsets = [0, 0], sizes = [1, 256], strides = [1, 1]} : vector<112x256xi32> to vector<1x256xi32>
    %add3A_2508 = arith.addi %concatenate3A_2506, %slice3A_2507 : vector<1x256xi32>
    %slice3A_2509 = vector.extract_strided_slice %squeeze3A_44 {offsets = [90, 0], sizes = [1, 128], strides = [1, 1]} : vector<128x128xi32> to vector<1x128xi32>
    %slice3A_2510 = vector.extract_strided_slice %squeeze3A_44 {offsets = [91, 0], sizes = [1, 128], strides = [1, 1]} : vector<128x128xi32> to vector<1x128xi32>
    %concatenate3A_2511 = tpu.concatenate %slice3A_2509, %slice3A_2510 in 1 : vector<1x128xi32>, vector<1x128xi32> -> vector<1x256xi32>
    %slice3A_2512 = vector.extract_strided_slice %select_n3A {offsets = [0, 0], sizes = [1, 256], strides = [1, 1]} : vector<112x256xi32> to vector<1x256xi32>
    %add3A_2513 = arith.addi %concatenate3A_2511, %slice3A_2512 : vector<1x256xi32>
    %eq3A_2514 = vector.broadcast %add3A_2513 : vector<1x256xi32> to vector<112x256xi32>
    %eq3A_2515 = arith.cmpi eq, %iota3A, %eq3A_2514 : vector<112x256xi32>
    %convert_element_type3A_2516 = arith.extui %eq3A_2515 : vector<112x256xi1> to vector<112x256xi32>
    %convert_element_type3A_2517 = arith.sitofp %convert_element_type3A_2516 : vector<112x256xi32> to vector<112x256xf32>
    %eq3A_2518 = vector.broadcast %add3A_2508 : vector<1x256xi32> to vector<112x256xi32>
    %eq3A_2519 = arith.cmpi eq, %select_n3A_59, %eq3A_2518 : vector<112x256xi32>
    %convert_element_type3A_2520 = arith.extui %eq3A_2519 : vector<112x256xi1> to vector<112x256xi32>
    %convert_element_type3A_2521 = arith.sitofp %convert_element_type3A_2520 : vector<112x256xi32> to vector<112x256xf32>
    %reduce_sum3A_2522 = arith.constant dense<0.000000e+00> : vector<112xf32>
    %reduce_sum3A_2523 = vector.multi_reduction <add>, %convert_element_type3A_2517, %reduce_sum3A_2522 [1] : vector<112x256xf32> to vector<112xf32>
    %broadcast_in_dim3A_2524 = vector.shape_cast %reduce_sum3A_2523 : vector<112xf32> to vector<112x1xf32>
    %add3A_2525 = arith.constant 1.000000e+00 : f32
    %add3A_2526 = vector.broadcast %add3A_2525 : f32 to vector<112x1xf32>
    %add3A_2527 = arith.addf %add3A_2526, %broadcast_in_dim3A_2524 : vector<112x1xf32>
    %eq3A_2528 = vector.broadcast %add3A_2513 : vector<1x256xi32> to vector<112x256xi32>
    %eq3A_2529 = arith.cmpi eq, %select_n3A_59, %eq3A_2528 : vector<112x256xi32>
    %convert_element_type3A_2530 = arith.extui %eq3A_2529 : vector<112x256xi1> to vector<112x256xi32>
    %convert_element_type3A_2531 = arith.sitofp %convert_element_type3A_2530 : vector<112x256xi32> to vector<112x256xf32>
    %reduce_sum3A_2532 = arith.constant dense<0.000000e+00> : vector<112xf32>
    %reduce_sum3A_2533 = vector.multi_reduction <add>, %convert_element_type3A_2531, %reduce_sum3A_2532 [1] : vector<112x256xf32> to vector<112xf32>
    %broadcast_in_dim3A_2534 = vector.shape_cast %reduce_sum3A_2533 : vector<112xf32> to vector<112x1xf32>
    %add3A_2535 = arith.constant 1.000000e+00 : f32
    %add3A_2536 = vector.broadcast %add3A_2535 : f32 to vector<112x1xf32>
    %add3A_2537 = arith.addf %add3A_2536, %broadcast_in_dim3A_2534 : vector<112x1xf32>
    %rsqrt3A_2538 = math.rsqrt %add3A_2527 : vector<112x1xf32>
    %rsqrt3A_2539 = math.rsqrt %add3A_2537 : vector<112x1xf32>
    %mul3A_2540 = vector.broadcast %rsqrt3A_2538 : vector<112x1xf32> to vector<112x256xf32>
    %mul3A_2541 = arith.mulf %convert_element_type3A_2517, %mul3A_2540 : vector<112x256xf32>
    %convert_element_type3A_2542 = arith.truncf %mul3A_2541 : vector<112x256xf32> to vector<112x256xbf16>
    %mul3A_2543 = vector.broadcast %rsqrt3A_2539 : vector<112x1xf32> to vector<112x256xf32>
    %mul3A_2544 = arith.mulf %convert_element_type3A_2521, %mul3A_2543 : vector<112x256xf32>
    %convert_element_type3A_2545 = arith.truncf %mul3A_2544 : vector<112x256xf32> to vector<112x256xbf16>
    %dot_general3A_2546 = arith.constant dense<0.000000e+00> : vector<112x112xf32>
    %dot_general3A_2547 = tpu.matmul %convert_element_type3A_2542, %convert_element_type3A_2545, %dot_general3A_2546 {dimension_numbers = #tpu.dot_dimension_numbers<[1], [1], [0], [0], [0, 0, 1, 0], [], []>, transpose_lhs_hint = false} : vector<112x256xbf16>, vector<112x256xbf16>, vector<112x112xf32> -> vector<112x112xf32>
    %mul3A_2548 = arith.mulf %rsqrt3A_2538, %rsqrt3A_2538 : vector<112x1xf32>
    %mul3A_2549 = vector.broadcast %mul3A_2548 : vector<112x1xf32> to vector<112x112xf32>
    %mul3A_2550 = arith.mulf %convert_element_type3A_76, %mul3A_2549 : vector<112x112xf32>
    %add3A_2551 = arith.addf %dot_general3A_2547, %mul3A_2550 : vector<112x112xf32>
    %convert_element_type3A_2552 = arith.truncf %add3A_2551 : vector<112x112xf32> to vector<112x112xbf16>
    %slice3A_2553 = vector.extract_strided_slice %convert_element_type3A_36 {offsets = [2520, 0], sizes = [56, 128], strides = [1, 1]} : vector<3584x128xbf16> to vector<56x128xbf16>
    %slice3A_2554 = vector.extract_strided_slice %convert_element_type3A_37 {offsets = [2520, 0], sizes = [56, 128], strides = [1, 1]} : vector<3584x128xbf16> to vector<56x128xbf16>
    %concatenate3A_2555 = tpu.concatenate %slice3A_2553, %slice3A_2554 in 0 : vector<56x128xbf16>, vector<56x128xbf16> -> vector<112x128xbf16>
    %dot_general3A_2556 = arith.constant dense<0.000000e+00> : vector<112x128xf32>
    %dot_general3A_2557 = tpu.matmul %convert_element_type3A_2552, %concatenate3A_2555, %dot_general3A_2556 {dimension_numbers = #tpu.dot_dimension_numbers<[1], [0], [0], [1], [0, 0, 1, 1], [], []>, transpose_lhs_hint = false} : vector<112x112xbf16>, vector<112x128xbf16>, vector<112x128xf32> -> vector<112x128xf32>
    %slice3A_2558 = vector.extract_strided_slice %squeeze3A {offsets = [92, 0], sizes = [1, 128], strides = [1, 1]} : vector<128x128xi32> to vector<1x128xi32>
    %slice3A_2559 = vector.extract_strided_slice %squeeze3A {offsets = [93, 0], sizes = [1, 128], strides = [1, 1]} : vector<128x128xi32> to vector<1x128xi32>
    %concatenate3A_2560 = tpu.concatenate %slice3A_2558, %slice3A_2559 in 1 : vector<1x128xi32>, vector<1x128xi32> -> vector<1x256xi32>
    %slice3A_2561 = vector.extract_strided_slice %select_n3A {offsets = [0, 0], sizes = [1, 256], strides = [1, 1]} : vector<112x256xi32> to vector<1x256xi32>
    %add3A_2562 = arith.addi %concatenate3A_2560, %slice3A_2561 : vector<1x256xi32>
    %slice3A_2563 = vector.extract_strided_slice %squeeze3A_44 {offsets = [92, 0], sizes = [1, 128], strides = [1, 1]} : vector<128x128xi32> to vector<1x128xi32>
    %slice3A_2564 = vector.extract_strided_slice %squeeze3A_44 {offsets = [93, 0], sizes = [1, 128], strides = [1, 1]} : vector<128x128xi32> to vector<1x128xi32>
    %concatenate3A_2565 = tpu.concatenate %slice3A_2563, %slice3A_2564 in 1 : vector<1x128xi32>, vector<1x128xi32> -> vector<1x256xi32>
    %slice3A_2566 = vector.extract_strided_slice %select_n3A {offsets = [0, 0], sizes = [1, 256], strides = [1, 1]} : vector<112x256xi32> to vector<1x256xi32>
    %add3A_2567 = arith.addi %concatenate3A_2565, %slice3A_2566 : vector<1x256xi32>
    %eq3A_2568 = vector.broadcast %add3A_2567 : vector<1x256xi32> to vector<112x256xi32>
    %eq3A_2569 = arith.cmpi eq, %iota3A, %eq3A_2568 : vector<112x256xi32>
    %convert_element_type3A_2570 = arith.extui %eq3A_2569 : vector<112x256xi1> to vector<112x256xi32>
    %convert_element_type3A_2571 = arith.sitofp %convert_element_type3A_2570 : vector<112x256xi32> to vector<112x256xf32>
    %eq3A_2572 = vector.broadcast %add3A_2562 : vector<1x256xi32> to vector<112x256xi32>
    %eq3A_2573 = arith.cmpi eq, %select_n3A_59, %eq3A_2572 : vector<112x256xi32>
    %convert_element_type3A_2574 = arith.extui %eq3A_2573 : vector<112x256xi1> to vector<112x256xi32>
    %convert_element_type3A_2575 = arith.sitofp %convert_element_type3A_2574 : vector<112x256xi32> to vector<112x256xf32>
    %reduce_sum3A_2576 = arith.constant dense<0.000000e+00> : vector<112xf32>
    %reduce_sum3A_2577 = vector.multi_reduction <add>, %convert_element_type3A_2571, %reduce_sum3A_2576 [1] : vector<112x256xf32> to vector<112xf32>
    %broadcast_in_dim3A_2578 = vector.shape_cast %reduce_sum3A_2577 : vector<112xf32> to vector<112x1xf32>
    %add3A_2579 = arith.constant 1.000000e+00 : f32
    %add3A_2580 = vector.broadcast %add3A_2579 : f32 to vector<112x1xf32>
    %add3A_2581 = arith.addf %add3A_2580, %broadcast_in_dim3A_2578 : vector<112x1xf32>
    %eq3A_2582 = vector.broadcast %add3A_2567 : vector<1x256xi32> to vector<112x256xi32>
    %eq3A_2583 = arith.cmpi eq, %select_n3A_59, %eq3A_2582 : vector<112x256xi32>
    %convert_element_type3A_2584 = arith.extui %eq3A_2583 : vector<112x256xi1> to vector<112x256xi32>
    %convert_element_type3A_2585 = arith.sitofp %convert_element_type3A_2584 : vector<112x256xi32> to vector<112x256xf32>
    %reduce_sum3A_2586 = arith.constant dense<0.000000e+00> : vector<112xf32>
    %reduce_sum3A_2587 = vector.multi_reduction <add>, %convert_element_type3A_2585, %reduce_sum3A_2586 [1] : vector<112x256xf32> to vector<112xf32>
    %broadcast_in_dim3A_2588 = vector.shape_cast %reduce_sum3A_2587 : vector<112xf32> to vector<112x1xf32>
    %add3A_2589 = arith.constant 1.000000e+00 : f32
    %add3A_2590 = vector.broadcast %add3A_2589 : f32 to vector<112x1xf32>
    %add3A_2591 = arith.addf %add3A_2590, %broadcast_in_dim3A_2588 : vector<112x1xf32>
    %rsqrt3A_2592 = math.rsqrt %add3A_2581 : vector<112x1xf32>
    %rsqrt3A_2593 = math.rsqrt %add3A_2591 : vector<112x1xf32>
    %mul3A_2594 = vector.broadcast %rsqrt3A_2592 : vector<112x1xf32> to vector<112x256xf32>
    %mul3A_2595 = arith.mulf %convert_element_type3A_2571, %mul3A_2594 : vector<112x256xf32>
    %convert_element_type3A_2596 = arith.truncf %mul3A_2595 : vector<112x256xf32> to vector<112x256xbf16>
    %mul3A_2597 = vector.broadcast %rsqrt3A_2593 : vector<112x1xf32> to vector<112x256xf32>
    %mul3A_2598 = arith.mulf %convert_element_type3A_2575, %mul3A_2597 : vector<112x256xf32>
    %convert_element_type3A_2599 = arith.truncf %mul3A_2598 : vector<112x256xf32> to vector<112x256xbf16>
    %dot_general3A_2600 = arith.constant dense<0.000000e+00> : vector<112x112xf32>
    %dot_general3A_2601 = tpu.matmul %convert_element_type3A_2596, %convert_element_type3A_2599, %dot_general3A_2600 {dimension_numbers = #tpu.dot_dimension_numbers<[1], [1], [0], [0], [0, 0, 1, 0], [], []>, transpose_lhs_hint = false} : vector<112x256xbf16>, vector<112x256xbf16>, vector<112x112xf32> -> vector<112x112xf32>
    %mul3A_2602 = arith.mulf %rsqrt3A_2592, %rsqrt3A_2592 : vector<112x1xf32>
    %mul3A_2603 = vector.broadcast %mul3A_2602 : vector<112x1xf32> to vector<112x112xf32>
    %mul3A_2604 = arith.mulf %convert_element_type3A_76, %mul3A_2603 : vector<112x112xf32>
    %add3A_2605 = arith.addf %dot_general3A_2601, %mul3A_2604 : vector<112x112xf32>
    %convert_element_type3A_2606 = arith.truncf %add3A_2605 : vector<112x112xf32> to vector<112x112xbf16>
    %slice3A_2607 = vector.extract_strided_slice %convert_element_type3A_36 {offsets = [2576, 0], sizes = [56, 128], strides = [1, 1]} : vector<3584x128xbf16> to vector<56x128xbf16>
    %slice3A_2608 = vector.extract_strided_slice %convert_element_type3A_37 {offsets = [2576, 0], sizes = [56, 128], strides = [1, 1]} : vector<3584x128xbf16> to vector<56x128xbf16>
    %concatenate3A_2609 = tpu.concatenate %slice3A_2607, %slice3A_2608 in 0 : vector<56x128xbf16>, vector<56x128xbf16> -> vector<112x128xbf16>
    %dot_general3A_2610 = arith.constant dense<0.000000e+00> : vector<112x128xf32>
    %dot_general3A_2611 = tpu.matmul %convert_element_type3A_2606, %concatenate3A_2609, %dot_general3A_2610 {dimension_numbers = #tpu.dot_dimension_numbers<[1], [0], [0], [1], [0, 0, 1, 1], [], []>, transpose_lhs_hint = false} : vector<112x112xbf16>, vector<112x128xbf16>, vector<112x128xf32> -> vector<112x128xf32>
    %slice3A_2612 = vector.extract_strided_slice %squeeze3A {offsets = [94, 0], sizes = [1, 128], strides = [1, 1]} : vector<128x128xi32> to vector<1x128xi32>
    %slice3A_2613 = vector.extract_strided_slice %squeeze3A {offsets = [95, 0], sizes = [1, 128], strides = [1, 1]} : vector<128x128xi32> to vector<1x128xi32>
    %concatenate3A_2614 = tpu.concatenate %slice3A_2612, %slice3A_2613 in 1 : vector<1x128xi32>, vector<1x128xi32> -> vector<1x256xi32>
    %slice3A_2615 = vector.extract_strided_slice %select_n3A {offsets = [0, 0], sizes = [1, 256], strides = [1, 1]} : vector<112x256xi32> to vector<1x256xi32>
    %add3A_2616 = arith.addi %concatenate3A_2614, %slice3A_2615 : vector<1x256xi32>
    %slice3A_2617 = vector.extract_strided_slice %squeeze3A_44 {offsets = [94, 0], sizes = [1, 128], strides = [1, 1]} : vector<128x128xi32> to vector<1x128xi32>
    %slice3A_2618 = vector.extract_strided_slice %squeeze3A_44 {offsets = [95, 0], sizes = [1, 128], strides = [1, 1]} : vector<128x128xi32> to vector<1x128xi32>
    %concatenate3A_2619 = tpu.concatenate %slice3A_2617, %slice3A_2618 in 1 : vector<1x128xi32>, vector<1x128xi32> -> vector<1x256xi32>
    %slice3A_2620 = vector.extract_strided_slice %select_n3A {offsets = [0, 0], sizes = [1, 256], strides = [1, 1]} : vector<112x256xi32> to vector<1x256xi32>
    %add3A_2621 = arith.addi %concatenate3A_2619, %slice3A_2620 : vector<1x256xi32>
    %eq3A_2622 = vector.broadcast %add3A_2621 : vector<1x256xi32> to vector<112x256xi32>
    %eq3A_2623 = arith.cmpi eq, %iota3A, %eq3A_2622 : vector<112x256xi32>
    %convert_element_type3A_2624 = arith.extui %eq3A_2623 : vector<112x256xi1> to vector<112x256xi32>
    %convert_element_type3A_2625 = arith.sitofp %convert_element_type3A_2624 : vector<112x256xi32> to vector<112x256xf32>
    %eq3A_2626 = vector.broadcast %add3A_2616 : vector<1x256xi32> to vector<112x256xi32>
    %eq3A_2627 = arith.cmpi eq, %select_n3A_59, %eq3A_2626 : vector<112x256xi32>
    %convert_element_type3A_2628 = arith.extui %eq3A_2627 : vector<112x256xi1> to vector<112x256xi32>
    %convert_element_type3A_2629 = arith.sitofp %convert_element_type3A_2628 : vector<112x256xi32> to vector<112x256xf32>
    %reduce_sum3A_2630 = arith.constant dense<0.000000e+00> : vector<112xf32>
    %reduce_sum3A_2631 = vector.multi_reduction <add>, %convert_element_type3A_2625, %reduce_sum3A_2630 [1] : vector<112x256xf32> to vector<112xf32>
    %broadcast_in_dim3A_2632 = vector.shape_cast %reduce_sum3A_2631 : vector<112xf32> to vector<112x1xf32>
    %add3A_2633 = arith.constant 1.000000e+00 : f32
    %add3A_2634 = vector.broadcast %add3A_2633 : f32 to vector<112x1xf32>
    %add3A_2635 = arith.addf %add3A_2634, %broadcast_in_dim3A_2632 : vector<112x1xf32>
    %eq3A_2636 = vector.broadcast %add3A_2621 : vector<1x256xi32> to vector<112x256xi32>
    %eq3A_2637 = arith.cmpi eq, %select_n3A_59, %eq3A_2636 : vector<112x256xi32>
    %convert_element_type3A_2638 = arith.extui %eq3A_2637 : vector<112x256xi1> to vector<112x256xi32>
    %convert_element_type3A_2639 = arith.sitofp %convert_element_type3A_2638 : vector<112x256xi32> to vector<112x256xf32>
    %reduce_sum3A_2640 = arith.constant dense<0.000000e+00> : vector<112xf32>
    %reduce_sum3A_2641 = vector.multi_reduction <add>, %convert_element_type3A_2639, %reduce_sum3A_2640 [1] : vector<112x256xf32> to vector<112xf32>
    %broadcast_in_dim3A_2642 = vector.shape_cast %reduce_sum3A_2641 : vector<112xf32> to vector<112x1xf32>
    %add3A_2643 = arith.constant 1.000000e+00 : f32
    %add3A_2644 = vector.broadcast %add3A_2643 : f32 to vector<112x1xf32>
    %add3A_2645 = arith.addf %add3A_2644, %broadcast_in_dim3A_2642 : vector<112x1xf32>
    %rsqrt3A_2646 = math.rsqrt %add3A_2635 : vector<112x1xf32>
    %rsqrt3A_2647 = math.rsqrt %add3A_2645 : vector<112x1xf32>
    %mul3A_2648 = vector.broadcast %rsqrt3A_2646 : vector<112x1xf32> to vector<112x256xf32>
    %mul3A_2649 = arith.mulf %convert_element_type3A_2625, %mul3A_2648 : vector<112x256xf32>
    %convert_element_type3A_2650 = arith.truncf %mul3A_2649 : vector<112x256xf32> to vector<112x256xbf16>
    %mul3A_2651 = vector.broadcast %rsqrt3A_2647 : vector<112x1xf32> to vector<112x256xf32>
    %mul3A_2652 = arith.mulf %convert_element_type3A_2629, %mul3A_2651 : vector<112x256xf32>
    %convert_element_type3A_2653 = arith.truncf %mul3A_2652 : vector<112x256xf32> to vector<112x256xbf16>
    %dot_general3A_2654 = arith.constant dense<0.000000e+00> : vector<112x112xf32>
    %dot_general3A_2655 = tpu.matmul %convert_element_type3A_2650, %convert_element_type3A_2653, %dot_general3A_2654 {dimension_numbers = #tpu.dot_dimension_numbers<[1], [1], [0], [0], [0, 0, 1, 0], [], []>, transpose_lhs_hint = false} : vector<112x256xbf16>, vector<112x256xbf16>, vector<112x112xf32> -> vector<112x112xf32>
    %mul3A_2656 = arith.mulf %rsqrt3A_2646, %rsqrt3A_2646 : vector<112x1xf32>
    %mul3A_2657 = vector.broadcast %mul3A_2656 : vector<112x1xf32> to vector<112x112xf32>
    %mul3A_2658 = arith.mulf %convert_element_type3A_76, %mul3A_2657 : vector<112x112xf32>
    %add3A_2659 = arith.addf %dot_general3A_2655, %mul3A_2658 : vector<112x112xf32>
    %convert_element_type3A_2660 = arith.truncf %add3A_2659 : vector<112x112xf32> to vector<112x112xbf16>
    %slice3A_2661 = vector.extract_strided_slice %convert_element_type3A_36 {offsets = [2632, 0], sizes = [56, 128], strides = [1, 1]} : vector<3584x128xbf16> to vector<56x128xbf16>
    %slice3A_2662 = vector.extract_strided_slice %convert_element_type3A_37 {offsets = [2632, 0], sizes = [56, 128], strides = [1, 1]} : vector<3584x128xbf16> to vector<56x128xbf16>
    %concatenate3A_2663 = tpu.concatenate %slice3A_2661, %slice3A_2662 in 0 : vector<56x128xbf16>, vector<56x128xbf16> -> vector<112x128xbf16>
    %dot_general3A_2664 = arith.constant dense<0.000000e+00> : vector<112x128xf32>
    %dot_general3A_2665 = tpu.matmul %convert_element_type3A_2660, %concatenate3A_2663, %dot_general3A_2664 {dimension_numbers = #tpu.dot_dimension_numbers<[1], [0], [0], [1], [0, 0, 1, 1], [], []>, transpose_lhs_hint = false} : vector<112x112xbf16>, vector<112x128xbf16>, vector<112x128xf32> -> vector<112x128xf32>
    %slice3A_2666 = vector.extract_strided_slice %squeeze3A {offsets = [96, 0], sizes = [1, 128], strides = [1, 1]} : vector<128x128xi32> to vector<1x128xi32>
    %slice3A_2667 = vector.extract_strided_slice %squeeze3A {offsets = [97, 0], sizes = [1, 128], strides = [1, 1]} : vector<128x128xi32> to vector<1x128xi32>
    %concatenate3A_2668 = tpu.concatenate %slice3A_2666, %slice3A_2667 in 1 : vector<1x128xi32>, vector<1x128xi32> -> vector<1x256xi32>
    %slice3A_2669 = vector.extract_strided_slice %select_n3A {offsets = [0, 0], sizes = [1, 256], strides = [1, 1]} : vector<112x256xi32> to vector<1x256xi32>
    %add3A_2670 = arith.addi %concatenate3A_2668, %slice3A_2669 : vector<1x256xi32>
    %slice3A_2671 = vector.extract_strided_slice %squeeze3A_44 {offsets = [96, 0], sizes = [1, 128], strides = [1, 1]} : vector<128x128xi32> to vector<1x128xi32>
    %slice3A_2672 = vector.extract_strided_slice %squeeze3A_44 {offsets = [97, 0], sizes = [1, 128], strides = [1, 1]} : vector<128x128xi32> to vector<1x128xi32>
    %concatenate3A_2673 = tpu.concatenate %slice3A_2671, %slice3A_2672 in 1 : vector<1x128xi32>, vector<1x128xi32> -> vector<1x256xi32>
    %slice3A_2674 = vector.extract_strided_slice %select_n3A {offsets = [0, 0], sizes = [1, 256], strides = [1, 1]} : vector<112x256xi32> to vector<1x256xi32>
    %add3A_2675 = arith.addi %concatenate3A_2673, %slice3A_2674 : vector<1x256xi32>
    %eq3A_2676 = vector.broadcast %add3A_2675 : vector<1x256xi32> to vector<112x256xi32>
    %eq3A_2677 = arith.cmpi eq, %iota3A, %eq3A_2676 : vector<112x256xi32>
    %convert_element_type3A_2678 = arith.extui %eq3A_2677 : vector<112x256xi1> to vector<112x256xi32>
    %convert_element_type3A_2679 = arith.sitofp %convert_element_type3A_2678 : vector<112x256xi32> to vector<112x256xf32>
    %eq3A_2680 = vector.broadcast %add3A_2670 : vector<1x256xi32> to vector<112x256xi32>
    %eq3A_2681 = arith.cmpi eq, %select_n3A_59, %eq3A_2680 : vector<112x256xi32>
    %convert_element_type3A_2682 = arith.extui %eq3A_2681 : vector<112x256xi1> to vector<112x256xi32>
    %convert_element_type3A_2683 = arith.sitofp %convert_element_type3A_2682 : vector<112x256xi32> to vector<112x256xf32>
    %reduce_sum3A_2684 = arith.constant dense<0.000000e+00> : vector<112xf32>
    %reduce_sum3A_2685 = vector.multi_reduction <add>, %convert_element_type3A_2679, %reduce_sum3A_2684 [1] : vector<112x256xf32> to vector<112xf32>
    %broadcast_in_dim3A_2686 = vector.shape_cast %reduce_sum3A_2685 : vector<112xf32> to vector<112x1xf32>
    %add3A_2687 = arith.constant 1.000000e+00 : f32
    %add3A_2688 = vector.broadcast %add3A_2687 : f32 to vector<112x1xf32>
    %add3A_2689 = arith.addf %add3A_2688, %broadcast_in_dim3A_2686 : vector<112x1xf32>
    %eq3A_2690 = vector.broadcast %add3A_2675 : vector<1x256xi32> to vector<112x256xi32>
    %eq3A_2691 = arith.cmpi eq, %select_n3A_59, %eq3A_2690 : vector<112x256xi32>
    %convert_element_type3A_2692 = arith.extui %eq3A_2691 : vector<112x256xi1> to vector<112x256xi32>
    %convert_element_type3A_2693 = arith.sitofp %convert_element_type3A_2692 : vector<112x256xi32> to vector<112x256xf32>
    %reduce_sum3A_2694 = arith.constant dense<0.000000e+00> : vector<112xf32>
    %reduce_sum3A_2695 = vector.multi_reduction <add>, %convert_element_type3A_2693, %reduce_sum3A_2694 [1] : vector<112x256xf32> to vector<112xf32>
    %broadcast_in_dim3A_2696 = vector.shape_cast %reduce_sum3A_2695 : vector<112xf32> to vector<112x1xf32>
    %add3A_2697 = arith.constant 1.000000e+00 : f32
    %add3A_2698 = vector.broadcast %add3A_2697 : f32 to vector<112x1xf32>
    %add3A_2699 = arith.addf %add3A_2698, %broadcast_in_dim3A_2696 : vector<112x1xf32>
    %rsqrt3A_2700 = math.rsqrt %add3A_2689 : vector<112x1xf32>
    %rsqrt3A_2701 = math.rsqrt %add3A_2699 : vector<112x1xf32>
    %mul3A_2702 = vector.broadcast %rsqrt3A_2700 : vector<112x1xf32> to vector<112x256xf32>
    %mul3A_2703 = arith.mulf %convert_element_type3A_2679, %mul3A_2702 : vector<112x256xf32>
    %convert_element_type3A_2704 = arith.truncf %mul3A_2703 : vector<112x256xf32> to vector<112x256xbf16>
    %mul3A_2705 = vector.broadcast %rsqrt3A_2701 : vector<112x1xf32> to vector<112x256xf32>
    %mul3A_2706 = arith.mulf %convert_element_type3A_2683, %mul3A_2705 : vector<112x256xf32>
    %convert_element_type3A_2707 = arith.truncf %mul3A_2706 : vector<112x256xf32> to vector<112x256xbf16>
    %dot_general3A_2708 = arith.constant dense<0.000000e+00> : vector<112x112xf32>
    %dot_general3A_2709 = tpu.matmul %convert_element_type3A_2704, %convert_element_type3A_2707, %dot_general3A_2708 {dimension_numbers = #tpu.dot_dimension_numbers<[1], [1], [0], [0], [0, 0, 1, 0], [], []>, transpose_lhs_hint = false} : vector<112x256xbf16>, vector<112x256xbf16>, vector<112x112xf32> -> vector<112x112xf32>
    %mul3A_2710 = arith.mulf %rsqrt3A_2700, %rsqrt3A_2700 : vector<112x1xf32>
    %mul3A_2711 = vector.broadcast %mul3A_2710 : vector<112x1xf32> to vector<112x112xf32>
    %mul3A_2712 = arith.mulf %convert_element_type3A_76, %mul3A_2711 : vector<112x112xf32>
    %add3A_2713 = arith.addf %dot_general3A_2709, %mul3A_2712 : vector<112x112xf32>
    %convert_element_type3A_2714 = arith.truncf %add3A_2713 : vector<112x112xf32> to vector<112x112xbf16>
    %slice3A_2715 = vector.extract_strided_slice %convert_element_type3A_36 {offsets = [2688, 0], sizes = [56, 128], strides = [1, 1]} : vector<3584x128xbf16> to vector<56x128xbf16>
    %slice3A_2716 = vector.extract_strided_slice %convert_element_type3A_37 {offsets = [2688, 0], sizes = [56, 128], strides = [1, 1]} : vector<3584x128xbf16> to vector<56x128xbf16>
    %concatenate3A_2717 = tpu.concatenate %slice3A_2715, %slice3A_2716 in 0 : vector<56x128xbf16>, vector<56x128xbf16> -> vector<112x128xbf16>
    %dot_general3A_2718 = arith.constant dense<0.000000e+00> : vector<112x128xf32>
    %dot_general3A_2719 = tpu.matmul %convert_element_type3A_2714, %concatenate3A_2717, %dot_general3A_2718 {dimension_numbers = #tpu.dot_dimension_numbers<[1], [0], [0], [1], [0, 0, 1, 1], [], []>, transpose_lhs_hint = false} : vector<112x112xbf16>, vector<112x128xbf16>, vector<112x128xf32> -> vector<112x128xf32>
    %slice3A_2720 = vector.extract_strided_slice %squeeze3A {offsets = [98, 0], sizes = [1, 128], strides = [1, 1]} : vector<128x128xi32> to vector<1x128xi32>
    %slice3A_2721 = vector.extract_strided_slice %squeeze3A {offsets = [99, 0], sizes = [1, 128], strides = [1, 1]} : vector<128x128xi32> to vector<1x128xi32>
    %concatenate3A_2722 = tpu.concatenate %slice3A_2720, %slice3A_2721 in 1 : vector<1x128xi32>, vector<1x128xi32> -> vector<1x256xi32>
    %slice3A_2723 = vector.extract_strided_slice %select_n3A {offsets = [0, 0], sizes = [1, 256], strides = [1, 1]} : vector<112x256xi32> to vector<1x256xi32>
    %add3A_2724 = arith.addi %concatenate3A_2722, %slice3A_2723 : vector<1x256xi32>
    %slice3A_2725 = vector.extract_strided_slice %squeeze3A_44 {offsets = [98, 0], sizes = [1, 128], strides = [1, 1]} : vector<128x128xi32> to vector<1x128xi32>
    %slice3A_2726 = vector.extract_strided_slice %squeeze3A_44 {offsets = [99, 0], sizes = [1, 128], strides = [1, 1]} : vector<128x128xi32> to vector<1x128xi32>
    %concatenate3A_2727 = tpu.concatenate %slice3A_2725, %slice3A_2726 in 1 : vector<1x128xi32>, vector<1x128xi32> -> vector<1x256xi32>
    %slice3A_2728 = vector.extract_strided_slice %select_n3A {offsets = [0, 0], sizes = [1, 256], strides = [1, 1]} : vector<112x256xi32> to vector<1x256xi32>
    %add3A_2729 = arith.addi %concatenate3A_2727, %slice3A_2728 : vector<1x256xi32>
    %eq3A_2730 = vector.broadcast %add3A_2729 : vector<1x256xi32> to vector<112x256xi32>
    %eq3A_2731 = arith.cmpi eq, %iota3A, %eq3A_2730 : vector<112x256xi32>
    %convert_element_type3A_2732 = arith.extui %eq3A_2731 : vector<112x256xi1> to vector<112x256xi32>
    %convert_element_type3A_2733 = arith.sitofp %convert_element_type3A_2732 : vector<112x256xi32> to vector<112x256xf32>
    %eq3A_2734 = vector.broadcast %add3A_2724 : vector<1x256xi32> to vector<112x256xi32>
    %eq3A_2735 = arith.cmpi eq, %select_n3A_59, %eq3A_2734 : vector<112x256xi32>
    %convert_element_type3A_2736 = arith.extui %eq3A_2735 : vector<112x256xi1> to vector<112x256xi32>
    %convert_element_type3A_2737 = arith.sitofp %convert_element_type3A_2736 : vector<112x256xi32> to vector<112x256xf32>
    %reduce_sum3A_2738 = arith.constant dense<0.000000e+00> : vector<112xf32>
    %reduce_sum3A_2739 = vector.multi_reduction <add>, %convert_element_type3A_2733, %reduce_sum3A_2738 [1] : vector<112x256xf32> to vector<112xf32>
    %broadcast_in_dim3A_2740 = vector.shape_cast %reduce_sum3A_2739 : vector<112xf32> to vector<112x1xf32>
    %add3A_2741 = arith.constant 1.000000e+00 : f32
    %add3A_2742 = vector.broadcast %add3A_2741 : f32 to vector<112x1xf32>
    %add3A_2743 = arith.addf %add3A_2742, %broadcast_in_dim3A_2740 : vector<112x1xf32>
    %eq3A_2744 = vector.broadcast %add3A_2729 : vector<1x256xi32> to vector<112x256xi32>
    %eq3A_2745 = arith.cmpi eq, %select_n3A_59, %eq3A_2744 : vector<112x256xi32>
    %convert_element_type3A_2746 = arith.extui %eq3A_2745 : vector<112x256xi1> to vector<112x256xi32>
    %convert_element_type3A_2747 = arith.sitofp %convert_element_type3A_2746 : vector<112x256xi32> to vector<112x256xf32>
    %reduce_sum3A_2748 = arith.constant dense<0.000000e+00> : vector<112xf32>
    %reduce_sum3A_2749 = vector.multi_reduction <add>, %convert_element_type3A_2747, %reduce_sum3A_2748 [1] : vector<112x256xf32> to vector<112xf32>
    %broadcast_in_dim3A_2750 = vector.shape_cast %reduce_sum3A_2749 : vector<112xf32> to vector<112x1xf32>
    %add3A_2751 = arith.constant 1.000000e+00 : f32
    %add3A_2752 = vector.broadcast %add3A_2751 : f32 to vector<112x1xf32>
    %add3A_2753 = arith.addf %add3A_2752, %broadcast_in_dim3A_2750 : vector<112x1xf32>
    %rsqrt3A_2754 = math.rsqrt %add3A_2743 : vector<112x1xf32>
    %rsqrt3A_2755 = math.rsqrt %add3A_2753 : vector<112x1xf32>
    %mul3A_2756 = vector.broadcast %rsqrt3A_2754 : vector<112x1xf32> to vector<112x256xf32>
    %mul3A_2757 = arith.mulf %convert_element_type3A_2733, %mul3A_2756 : vector<112x256xf32>
    %convert_element_type3A_2758 = arith.truncf %mul3A_2757 : vector<112x256xf32> to vector<112x256xbf16>
    %mul3A_2759 = vector.broadcast %rsqrt3A_2755 : vector<112x1xf32> to vector<112x256xf32>
    %mul3A_2760 = arith.mulf %convert_element_type3A_2737, %mul3A_2759 : vector<112x256xf32>
    %convert_element_type3A_2761 = arith.truncf %mul3A_2760 : vector<112x256xf32> to vector<112x256xbf16>
    %dot_general3A_2762 = arith.constant dense<0.000000e+00> : vector<112x112xf32>
    %dot_general3A_2763 = tpu.matmul %convert_element_type3A_2758, %convert_element_type3A_2761, %dot_general3A_2762 {dimension_numbers = #tpu.dot_dimension_numbers<[1], [1], [0], [0], [0, 0, 1, 0], [], []>, transpose_lhs_hint = false} : vector<112x256xbf16>, vector<112x256xbf16>, vector<112x112xf32> -> vector<112x112xf32>
    %mul3A_2764 = arith.mulf %rsqrt3A_2754, %rsqrt3A_2754 : vector<112x1xf32>
    %mul3A_2765 = vector.broadcast %mul3A_2764 : vector<112x1xf32> to vector<112x112xf32>
    %mul3A_2766 = arith.mulf %convert_element_type3A_76, %mul3A_2765 : vector<112x112xf32>
    %add3A_2767 = arith.addf %dot_general3A_2763, %mul3A_2766 : vector<112x112xf32>
    %convert_element_type3A_2768 = arith.truncf %add3A_2767 : vector<112x112xf32> to vector<112x112xbf16>
    %slice3A_2769 = vector.extract_strided_slice %convert_element_type3A_36 {offsets = [2744, 0], sizes = [56, 128], strides = [1, 1]} : vector<3584x128xbf16> to vector<56x128xbf16>
    %slice3A_2770 = vector.extract_strided_slice %convert_element_type3A_37 {offsets = [2744, 0], sizes = [56, 128], strides = [1, 1]} : vector<3584x128xbf16> to vector<56x128xbf16>
    %concatenate3A_2771 = tpu.concatenate %slice3A_2769, %slice3A_2770 in 0 : vector<56x128xbf16>, vector<56x128xbf16> -> vector<112x128xbf16>
    %dot_general3A_2772 = arith.constant dense<0.000000e+00> : vector<112x128xf32>
    %dot_general3A_2773 = tpu.matmul %convert_element_type3A_2768, %concatenate3A_2771, %dot_general3A_2772 {dimension_numbers = #tpu.dot_dimension_numbers<[1], [0], [0], [1], [0, 0, 1, 1], [], []>, transpose_lhs_hint = false} : vector<112x112xbf16>, vector<112x128xbf16>, vector<112x128xf32> -> vector<112x128xf32>
    %slice3A_2774 = vector.extract_strided_slice %squeeze3A {offsets = [100, 0], sizes = [1, 128], strides = [1, 1]} : vector<128x128xi32> to vector<1x128xi32>
    %slice3A_2775 = vector.extract_strided_slice %squeeze3A {offsets = [101, 0], sizes = [1, 128], strides = [1, 1]} : vector<128x128xi32> to vector<1x128xi32>
    %concatenate3A_2776 = tpu.concatenate %slice3A_2774, %slice3A_2775 in 1 : vector<1x128xi32>, vector<1x128xi32> -> vector<1x256xi32>
    %slice3A_2777 = vector.extract_strided_slice %select_n3A {offsets = [0, 0], sizes = [1, 256], strides = [1, 1]} : vector<112x256xi32> to vector<1x256xi32>
    %add3A_2778 = arith.addi %concatenate3A_2776, %slice3A_2777 : vector<1x256xi32>
    %slice3A_2779 = vector.extract_strided_slice %squeeze3A_44 {offsets = [100, 0], sizes = [1, 128], strides = [1, 1]} : vector<128x128xi32> to vector<1x128xi32>
    %slice3A_2780 = vector.extract_strided_slice %squeeze3A_44 {offsets = [101, 0], sizes = [1, 128], strides = [1, 1]} : vector<128x128xi32> to vector<1x128xi32>
    %concatenate3A_2781 = tpu.concatenate %slice3A_2779, %slice3A_2780 in 1 : vector<1x128xi32>, vector<1x128xi32> -> vector<1x256xi32>
    %slice3A_2782 = vector.extract_strided_slice %select_n3A {offsets = [0, 0], sizes = [1, 256], strides = [1, 1]} : vector<112x256xi32> to vector<1x256xi32>
    %add3A_2783 = arith.addi %concatenate3A_2781, %slice3A_2782 : vector<1x256xi32>
    %eq3A_2784 = vector.broadcast %add3A_2783 : vector<1x256xi32> to vector<112x256xi32>
    %eq3A_2785 = arith.cmpi eq, %iota3A, %eq3A_2784 : vector<112x256xi32>
    %convert_element_type3A_2786 = arith.extui %eq3A_2785 : vector<112x256xi1> to vector<112x256xi32>
    %convert_element_type3A_2787 = arith.sitofp %convert_element_type3A_2786 : vector<112x256xi32> to vector<112x256xf32>
    %eq3A_2788 = vector.broadcast %add3A_2778 : vector<1x256xi32> to vector<112x256xi32>
    %eq3A_2789 = arith.cmpi eq, %select_n3A_59, %eq3A_2788 : vector<112x256xi32>
    %convert_element_type3A_2790 = arith.extui %eq3A_2789 : vector<112x256xi1> to vector<112x256xi32>
    %convert_element_type3A_2791 = arith.sitofp %convert_element_type3A_2790 : vector<112x256xi32> to vector<112x256xf32>
    %reduce_sum3A_2792 = arith.constant dense<0.000000e+00> : vector<112xf32>
    %reduce_sum3A_2793 = vector.multi_reduction <add>, %convert_element_type3A_2787, %reduce_sum3A_2792 [1] : vector<112x256xf32> to vector<112xf32>
    %broadcast_in_dim3A_2794 = vector.shape_cast %reduce_sum3A_2793 : vector<112xf32> to vector<112x1xf32>
    %add3A_2795 = arith.constant 1.000000e+00 : f32
    %add3A_2796 = vector.broadcast %add3A_2795 : f32 to vector<112x1xf32>
    %add3A_2797 = arith.addf %add3A_2796, %broadcast_in_dim3A_2794 : vector<112x1xf32>
    %eq3A_2798 = vector.broadcast %add3A_2783 : vector<1x256xi32> to vector<112x256xi32>
    %eq3A_2799 = arith.cmpi eq, %select_n3A_59, %eq3A_2798 : vector<112x256xi32>
    %convert_element_type3A_2800 = arith.extui %eq3A_2799 : vector<112x256xi1> to vector<112x256xi32>
    %convert_element_type3A_2801 = arith.sitofp %convert_element_type3A_2800 : vector<112x256xi32> to vector<112x256xf32>
    %reduce_sum3A_2802 = arith.constant dense<0.000000e+00> : vector<112xf32>
    %reduce_sum3A_2803 = vector.multi_reduction <add>, %convert_element_type3A_2801, %reduce_sum3A_2802 [1] : vector<112x256xf32> to vector<112xf32>
    %broadcast_in_dim3A_2804 = vector.shape_cast %reduce_sum3A_2803 : vector<112xf32> to vector<112x1xf32>
    %add3A_2805 = arith.constant 1.000000e+00 : f32
    %add3A_2806 = vector.broadcast %add3A_2805 : f32 to vector<112x1xf32>
    %add3A_2807 = arith.addf %add3A_2806, %broadcast_in_dim3A_2804 : vector<112x1xf32>
    %rsqrt3A_2808 = math.rsqrt %add3A_2797 : vector<112x1xf32>
    %rsqrt3A_2809 = math.rsqrt %add3A_2807 : vector<112x1xf32>
    %mul3A_2810 = vector.broadcast %rsqrt3A_2808 : vector<112x1xf32> to vector<112x256xf32>
    %mul3A_2811 = arith.mulf %convert_element_type3A_2787, %mul3A_2810 : vector<112x256xf32>
    %convert_element_type3A_2812 = arith.truncf %mul3A_2811 : vector<112x256xf32> to vector<112x256xbf16>
    %mul3A_2813 = vector.broadcast %rsqrt3A_2809 : vector<112x1xf32> to vector<112x256xf32>
    %mul3A_2814 = arith.mulf %convert_element_type3A_2791, %mul3A_2813 : vector<112x256xf32>
    %convert_element_type3A_2815 = arith.truncf %mul3A_2814 : vector<112x256xf32> to vector<112x256xbf16>
    %dot_general3A_2816 = arith.constant dense<0.000000e+00> : vector<112x112xf32>
    %dot_general3A_2817 = tpu.matmul %convert_element_type3A_2812, %convert_element_type3A_2815, %dot_general3A_2816 {dimension_numbers = #tpu.dot_dimension_numbers<[1], [1], [0], [0], [0, 0, 1, 0], [], []>, transpose_lhs_hint = false} : vector<112x256xbf16>, vector<112x256xbf16>, vector<112x112xf32> -> vector<112x112xf32>
    %mul3A_2818 = arith.mulf %rsqrt3A_2808, %rsqrt3A_2808 : vector<112x1xf32>
    %mul3A_2819 = vector.broadcast %mul3A_2818 : vector<112x1xf32> to vector<112x112xf32>
    %mul3A_2820 = arith.mulf %convert_element_type3A_76, %mul3A_2819 : vector<112x112xf32>
    %add3A_2821 = arith.addf %dot_general3A_2817, %mul3A_2820 : vector<112x112xf32>
    %convert_element_type3A_2822 = arith.truncf %add3A_2821 : vector<112x112xf32> to vector<112x112xbf16>
    %slice3A_2823 = vector.extract_strided_slice %convert_element_type3A_36 {offsets = [2800, 0], sizes = [56, 128], strides = [1, 1]} : vector<3584x128xbf16> to vector<56x128xbf16>
    %slice3A_2824 = vector.extract_strided_slice %convert_element_type3A_37 {offsets = [2800, 0], sizes = [56, 128], strides = [1, 1]} : vector<3584x128xbf16> to vector<56x128xbf16>
    %concatenate3A_2825 = tpu.concatenate %slice3A_2823, %slice3A_2824 in 0 : vector<56x128xbf16>, vector<56x128xbf16> -> vector<112x128xbf16>
    %dot_general3A_2826 = arith.constant dense<0.000000e+00> : vector<112x128xf32>
    %dot_general3A_2827 = tpu.matmul %convert_element_type3A_2822, %concatenate3A_2825, %dot_general3A_2826 {dimension_numbers = #tpu.dot_dimension_numbers<[1], [0], [0], [1], [0, 0, 1, 1], [], []>, transpose_lhs_hint = false} : vector<112x112xbf16>, vector<112x128xbf16>, vector<112x128xf32> -> vector<112x128xf32>
    %slice3A_2828 = vector.extract_strided_slice %squeeze3A {offsets = [102, 0], sizes = [1, 128], strides = [1, 1]} : vector<128x128xi32> to vector<1x128xi32>
    %slice3A_2829 = vector.extract_strided_slice %squeeze3A {offsets = [103, 0], sizes = [1, 128], strides = [1, 1]} : vector<128x128xi32> to vector<1x128xi32>
    %concatenate3A_2830 = tpu.concatenate %slice3A_2828, %slice3A_2829 in 1 : vector<1x128xi32>, vector<1x128xi32> -> vector<1x256xi32>
    %slice3A_2831 = vector.extract_strided_slice %select_n3A {offsets = [0, 0], sizes = [1, 256], strides = [1, 1]} : vector<112x256xi32> to vector<1x256xi32>
    %add3A_2832 = arith.addi %concatenate3A_2830, %slice3A_2831 : vector<1x256xi32>
    %slice3A_2833 = vector.extract_strided_slice %squeeze3A_44 {offsets = [102, 0], sizes = [1, 128], strides = [1, 1]} : vector<128x128xi32> to vector<1x128xi32>
    %slice3A_2834 = vector.extract_strided_slice %squeeze3A_44 {offsets = [103, 0], sizes = [1, 128], strides = [1, 1]} : vector<128x128xi32> to vector<1x128xi32>
    %concatenate3A_2835 = tpu.concatenate %slice3A_2833, %slice3A_2834 in 1 : vector<1x128xi32>, vector<1x128xi32> -> vector<1x256xi32>
    %slice3A_2836 = vector.extract_strided_slice %select_n3A {offsets = [0, 0], sizes = [1, 256], strides = [1, 1]} : vector<112x256xi32> to vector<1x256xi32>
    %add3A_2837 = arith.addi %concatenate3A_2835, %slice3A_2836 : vector<1x256xi32>
    %eq3A_2838 = vector.broadcast %add3A_2837 : vector<1x256xi32> to vector<112x256xi32>
    %eq3A_2839 = arith.cmpi eq, %iota3A, %eq3A_2838 : vector<112x256xi32>
    %convert_element_type3A_2840 = arith.extui %eq3A_2839 : vector<112x256xi1> to vector<112x256xi32>
    %convert_element_type3A_2841 = arith.sitofp %convert_element_type3A_2840 : vector<112x256xi32> to vector<112x256xf32>
    %eq3A_2842 = vector.broadcast %add3A_2832 : vector<1x256xi32> to vector<112x256xi32>
    %eq3A_2843 = arith.cmpi eq, %select_n3A_59, %eq3A_2842 : vector<112x256xi32>
    %convert_element_type3A_2844 = arith.extui %eq3A_2843 : vector<112x256xi1> to vector<112x256xi32>
    %convert_element_type3A_2845 = arith.sitofp %convert_element_type3A_2844 : vector<112x256xi32> to vector<112x256xf32>
    %reduce_sum3A_2846 = arith.constant dense<0.000000e+00> : vector<112xf32>
    %reduce_sum3A_2847 = vector.multi_reduction <add>, %convert_element_type3A_2841, %reduce_sum3A_2846 [1] : vector<112x256xf32> to vector<112xf32>
    %broadcast_in_dim3A_2848 = vector.shape_cast %reduce_sum3A_2847 : vector<112xf32> to vector<112x1xf32>
    %add3A_2849 = arith.constant 1.000000e+00 : f32
    %add3A_2850 = vector.broadcast %add3A_2849 : f32 to vector<112x1xf32>
    %add3A_2851 = arith.addf %add3A_2850, %broadcast_in_dim3A_2848 : vector<112x1xf32>
    %eq3A_2852 = vector.broadcast %add3A_2837 : vector<1x256xi32> to vector<112x256xi32>
    %eq3A_2853 = arith.cmpi eq, %select_n3A_59, %eq3A_2852 : vector<112x256xi32>
    %convert_element_type3A_2854 = arith.extui %eq3A_2853 : vector<112x256xi1> to vector<112x256xi32>
    %convert_element_type3A_2855 = arith.sitofp %convert_element_type3A_2854 : vector<112x256xi32> to vector<112x256xf32>
    %reduce_sum3A_2856 = arith.constant dense<0.000000e+00> : vector<112xf32>
    %reduce_sum3A_2857 = vector.multi_reduction <add>, %convert_element_type3A_2855, %reduce_sum3A_2856 [1] : vector<112x256xf32> to vector<112xf32>
    %broadcast_in_dim3A_2858 = vector.shape_cast %reduce_sum3A_2857 : vector<112xf32> to vector<112x1xf32>
    %add3A_2859 = arith.constant 1.000000e+00 : f32
    %add3A_2860 = vector.broadcast %add3A_2859 : f32 to vector<112x1xf32>
    %add3A_2861 = arith.addf %add3A_2860, %broadcast_in_dim3A_2858 : vector<112x1xf32>
    %rsqrt3A_2862 = math.rsqrt %add3A_2851 : vector<112x1xf32>
    %rsqrt3A_2863 = math.rsqrt %add3A_2861 : vector<112x1xf32>
    %mul3A_2864 = vector.broadcast %rsqrt3A_2862 : vector<112x1xf32> to vector<112x256xf32>
    %mul3A_2865 = arith.mulf %convert_element_type3A_2841, %mul3A_2864 : vector<112x256xf32>
    %convert_element_type3A_2866 = arith.truncf %mul3A_2865 : vector<112x256xf32> to vector<112x256xbf16>
    %mul3A_2867 = vector.broadcast %rsqrt3A_2863 : vector<112x1xf32> to vector<112x256xf32>
    %mul3A_2868 = arith.mulf %convert_element_type3A_2845, %mul3A_2867 : vector<112x256xf32>
    %convert_element_type3A_2869 = arith.truncf %mul3A_2868 : vector<112x256xf32> to vector<112x256xbf16>
    %dot_general3A_2870 = arith.constant dense<0.000000e+00> : vector<112x112xf32>
    %dot_general3A_2871 = tpu.matmul %convert_element_type3A_2866, %convert_element_type3A_2869, %dot_general3A_2870 {dimension_numbers = #tpu.dot_dimension_numbers<[1], [1], [0], [0], [0, 0, 1, 0], [], []>, transpose_lhs_hint = false} : vector<112x256xbf16>, vector<112x256xbf16>, vector<112x112xf32> -> vector<112x112xf32>
    %mul3A_2872 = arith.mulf %rsqrt3A_2862, %rsqrt3A_2862 : vector<112x1xf32>
    %mul3A_2873 = vector.broadcast %mul3A_2872 : vector<112x1xf32> to vector<112x112xf32>
    %mul3A_2874 = arith.mulf %convert_element_type3A_76, %mul3A_2873 : vector<112x112xf32>
    %add3A_2875 = arith.addf %dot_general3A_2871, %mul3A_2874 : vector<112x112xf32>
    %convert_element_type3A_2876 = arith.truncf %add3A_2875 : vector<112x112xf32> to vector<112x112xbf16>
    %slice3A_2877 = vector.extract_strided_slice %convert_element_type3A_36 {offsets = [2856, 0], sizes = [56, 128], strides = [1, 1]} : vector<3584x128xbf16> to vector<56x128xbf16>
    %slice3A_2878 = vector.extract_strided_slice %convert_element_type3A_37 {offsets = [2856, 0], sizes = [56, 128], strides = [1, 1]} : vector<3584x128xbf16> to vector<56x128xbf16>
    %concatenate3A_2879 = tpu.concatenate %slice3A_2877, %slice3A_2878 in 0 : vector<56x128xbf16>, vector<56x128xbf16> -> vector<112x128xbf16>
    %dot_general3A_2880 = arith.constant dense<0.000000e+00> : vector<112x128xf32>
    %dot_general3A_2881 = tpu.matmul %convert_element_type3A_2876, %concatenate3A_2879, %dot_general3A_2880 {dimension_numbers = #tpu.dot_dimension_numbers<[1], [0], [0], [1], [0, 0, 1, 1], [], []>, transpose_lhs_hint = false} : vector<112x112xbf16>, vector<112x128xbf16>, vector<112x128xf32> -> vector<112x128xf32>
    %slice3A_2882 = vector.extract_strided_slice %squeeze3A {offsets = [104, 0], sizes = [1, 128], strides = [1, 1]} : vector<128x128xi32> to vector<1x128xi32>
    %slice3A_2883 = vector.extract_strided_slice %squeeze3A {offsets = [105, 0], sizes = [1, 128], strides = [1, 1]} : vector<128x128xi32> to vector<1x128xi32>
    %concatenate3A_2884 = tpu.concatenate %slice3A_2882, %slice3A_2883 in 1 : vector<1x128xi32>, vector<1x128xi32> -> vector<1x256xi32>
    %slice3A_2885 = vector.extract_strided_slice %select_n3A {offsets = [0, 0], sizes = [1, 256], strides = [1, 1]} : vector<112x256xi32> to vector<1x256xi32>
    %add3A_2886 = arith.addi %concatenate3A_2884, %slice3A_2885 : vector<1x256xi32>
    %slice3A_2887 = vector.extract_strided_slice %squeeze3A_44 {offsets = [104, 0], sizes = [1, 128], strides = [1, 1]} : vector<128x128xi32> to vector<1x128xi32>
    %slice3A_2888 = vector.extract_strided_slice %squeeze3A_44 {offsets = [105, 0], sizes = [1, 128], strides = [1, 1]} : vector<128x128xi32> to vector<1x128xi32>
    %concatenate3A_2889 = tpu.concatenate %slice3A_2887, %slice3A_2888 in 1 : vector<1x128xi32>, vector<1x128xi32> -> vector<1x256xi32>
    %slice3A_2890 = vector.extract_strided_slice %select_n3A {offsets = [0, 0], sizes = [1, 256], strides = [1, 1]} : vector<112x256xi32> to vector<1x256xi32>
    %add3A_2891 = arith.addi %concatenate3A_2889, %slice3A_2890 : vector<1x256xi32>
    %eq3A_2892 = vector.broadcast %add3A_2891 : vector<1x256xi32> to vector<112x256xi32>
    %eq3A_2893 = arith.cmpi eq, %iota3A, %eq3A_2892 : vector<112x256xi32>
    %convert_element_type3A_2894 = arith.extui %eq3A_2893 : vector<112x256xi1> to vector<112x256xi32>
    %convert_element_type3A_2895 = arith.sitofp %convert_element_type3A_2894 : vector<112x256xi32> to vector<112x256xf32>
    %eq3A_2896 = vector.broadcast %add3A_2886 : vector<1x256xi32> to vector<112x256xi32>
    %eq3A_2897 = arith.cmpi eq, %select_n3A_59, %eq3A_2896 : vector<112x256xi32>
    %convert_element_type3A_2898 = arith.extui %eq3A_2897 : vector<112x256xi1> to vector<112x256xi32>
    %convert_element_type3A_2899 = arith.sitofp %convert_element_type3A_2898 : vector<112x256xi32> to vector<112x256xf32>
    %reduce_sum3A_2900 = arith.constant dense<0.000000e+00> : vector<112xf32>
    %reduce_sum3A_2901 = vector.multi_reduction <add>, %convert_element_type3A_2895, %reduce_sum3A_2900 [1] : vector<112x256xf32> to vector<112xf32>
    %broadcast_in_dim3A_2902 = vector.shape_cast %reduce_sum3A_2901 : vector<112xf32> to vector<112x1xf32>
    %add3A_2903 = arith.constant 1.000000e+00 : f32
    %add3A_2904 = vector.broadcast %add3A_2903 : f32 to vector<112x1xf32>
    %add3A_2905 = arith.addf %add3A_2904, %broadcast_in_dim3A_2902 : vector<112x1xf32>
    %eq3A_2906 = vector.broadcast %add3A_2891 : vector<1x256xi32> to vector<112x256xi32>
    %eq3A_2907 = arith.cmpi eq, %select_n3A_59, %eq3A_2906 : vector<112x256xi32>
    %convert_element_type3A_2908 = arith.extui %eq3A_2907 : vector<112x256xi1> to vector<112x256xi32>
    %convert_element_type3A_2909 = arith.sitofp %convert_element_type3A_2908 : vector<112x256xi32> to vector<112x256xf32>
    %reduce_sum3A_2910 = arith.constant dense<0.000000e+00> : vector<112xf32>
    %reduce_sum3A_2911 = vector.multi_reduction <add>, %convert_element_type3A_2909, %reduce_sum3A_2910 [1] : vector<112x256xf32> to vector<112xf32>
    %broadcast_in_dim3A_2912 = vector.shape_cast %reduce_sum3A_2911 : vector<112xf32> to vector<112x1xf32>
    %add3A_2913 = arith.constant 1.000000e+00 : f32
    %add3A_2914 = vector.broadcast %add3A_2913 : f32 to vector<112x1xf32>
    %add3A_2915 = arith.addf %add3A_2914, %broadcast_in_dim3A_2912 : vector<112x1xf32>
    %rsqrt3A_2916 = math.rsqrt %add3A_2905 : vector<112x1xf32>
    %rsqrt3A_2917 = math.rsqrt %add3A_2915 : vector<112x1xf32>
    %mul3A_2918 = vector.broadcast %rsqrt3A_2916 : vector<112x1xf32> to vector<112x256xf32>
    %mul3A_2919 = arith.mulf %convert_element_type3A_2895, %mul3A_2918 : vector<112x256xf32>
    %convert_element_type3A_2920 = arith.truncf %mul3A_2919 : vector<112x256xf32> to vector<112x256xbf16>
    %mul3A_2921 = vector.broadcast %rsqrt3A_2917 : vector<112x1xf32> to vector<112x256xf32>
    %mul3A_2922 = arith.mulf %convert_element_type3A_2899, %mul3A_2921 : vector<112x256xf32>
    %convert_element_type3A_2923 = arith.truncf %mul3A_2922 : vector<112x256xf32> to vector<112x256xbf16>
    %dot_general3A_2924 = arith.constant dense<0.000000e+00> : vector<112x112xf32>
    %dot_general3A_2925 = tpu.matmul %convert_element_type3A_2920, %convert_element_type3A_2923, %dot_general3A_2924 {dimension_numbers = #tpu.dot_dimension_numbers<[1], [1], [0], [0], [0, 0, 1, 0], [], []>, transpose_lhs_hint = false} : vector<112x256xbf16>, vector<112x256xbf16>, vector<112x112xf32> -> vector<112x112xf32>
    %mul3A_2926 = arith.mulf %rsqrt3A_2916, %rsqrt3A_2916 : vector<112x1xf32>
    %mul3A_2927 = vector.broadcast %mul3A_2926 : vector<112x1xf32> to vector<112x112xf32>
    %mul3A_2928 = arith.mulf %convert_element_type3A_76, %mul3A_2927 : vector<112x112xf32>
    %add3A_2929 = arith.addf %dot_general3A_2925, %mul3A_2928 : vector<112x112xf32>
    %convert_element_type3A_2930 = arith.truncf %add3A_2929 : vector<112x112xf32> to vector<112x112xbf16>
    %slice3A_2931 = vector.extract_strided_slice %convert_element_type3A_36 {offsets = [2912, 0], sizes = [56, 128], strides = [1, 1]} : vector<3584x128xbf16> to vector<56x128xbf16>
    %slice3A_2932 = vector.extract_strided_slice %convert_element_type3A_37 {offsets = [2912, 0], sizes = [56, 128], strides = [1, 1]} : vector<3584x128xbf16> to vector<56x128xbf16>
    %concatenate3A_2933 = tpu.concatenate %slice3A_2931, %slice3A_2932 in 0 : vector<56x128xbf16>, vector<56x128xbf16> -> vector<112x128xbf16>
    %dot_general3A_2934 = arith.constant dense<0.000000e+00> : vector<112x128xf32>
    %dot_general3A_2935 = tpu.matmul %convert_element_type3A_2930, %concatenate3A_2933, %dot_general3A_2934 {dimension_numbers = #tpu.dot_dimension_numbers<[1], [0], [0], [1], [0, 0, 1, 1], [], []>, transpose_lhs_hint = false} : vector<112x112xbf16>, vector<112x128xbf16>, vector<112x128xf32> -> vector<112x128xf32>
    %slice3A_2936 = vector.extract_strided_slice %squeeze3A {offsets = [106, 0], sizes = [1, 128], strides = [1, 1]} : vector<128x128xi32> to vector<1x128xi32>
    %slice3A_2937 = vector.extract_strided_slice %squeeze3A {offsets = [107, 0], sizes = [1, 128], strides = [1, 1]} : vector<128x128xi32> to vector<1x128xi32>
    %concatenate3A_2938 = tpu.concatenate %slice3A_2936, %slice3A_2937 in 1 : vector<1x128xi32>, vector<1x128xi32> -> vector<1x256xi32>
    %slice3A_2939 = vector.extract_strided_slice %select_n3A {offsets = [0, 0], sizes = [1, 256], strides = [1, 1]} : vector<112x256xi32> to vector<1x256xi32>
    %add3A_2940 = arith.addi %concatenate3A_2938, %slice3A_2939 : vector<1x256xi32>
    %slice3A_2941 = vector.extract_strided_slice %squeeze3A_44 {offsets = [106, 0], sizes = [1, 128], strides = [1, 1]} : vector<128x128xi32> to vector<1x128xi32>
    %slice3A_2942 = vector.extract_strided_slice %squeeze3A_44 {offsets = [107, 0], sizes = [1, 128], strides = [1, 1]} : vector<128x128xi32> to vector<1x128xi32>
    %concatenate3A_2943 = tpu.concatenate %slice3A_2941, %slice3A_2942 in 1 : vector<1x128xi32>, vector<1x128xi32> -> vector<1x256xi32>
    %slice3A_2944 = vector.extract_strided_slice %select_n3A {offsets = [0, 0], sizes = [1, 256], strides = [1, 1]} : vector<112x256xi32> to vector<1x256xi32>
    %add3A_2945 = arith.addi %concatenate3A_2943, %slice3A_2944 : vector<1x256xi32>
    %eq3A_2946 = vector.broadcast %add3A_2945 : vector<1x256xi32> to vector<112x256xi32>
    %eq3A_2947 = arith.cmpi eq, %iota3A, %eq3A_2946 : vector<112x256xi32>
    %convert_element_type3A_2948 = arith.extui %eq3A_2947 : vector<112x256xi1> to vector<112x256xi32>
    %convert_element_type3A_2949 = arith.sitofp %convert_element_type3A_2948 : vector<112x256xi32> to vector<112x256xf32>
    %eq3A_2950 = vector.broadcast %add3A_2940 : vector<1x256xi32> to vector<112x256xi32>
    %eq3A_2951 = arith.cmpi eq, %select_n3A_59, %eq3A_2950 : vector<112x256xi32>
    %convert_element_type3A_2952 = arith.extui %eq3A_2951 : vector<112x256xi1> to vector<112x256xi32>
    %convert_element_type3A_2953 = arith.sitofp %convert_element_type3A_2952 : vector<112x256xi32> to vector<112x256xf32>
    %reduce_sum3A_2954 = arith.constant dense<0.000000e+00> : vector<112xf32>
    %reduce_sum3A_2955 = vector.multi_reduction <add>, %convert_element_type3A_2949, %reduce_sum3A_2954 [1] : vector<112x256xf32> to vector<112xf32>
    %broadcast_in_dim3A_2956 = vector.shape_cast %reduce_sum3A_2955 : vector<112xf32> to vector<112x1xf32>
    %add3A_2957 = arith.constant 1.000000e+00 : f32
    %add3A_2958 = vector.broadcast %add3A_2957 : f32 to vector<112x1xf32>
    %add3A_2959 = arith.addf %add3A_2958, %broadcast_in_dim3A_2956 : vector<112x1xf32>
    %eq3A_2960 = vector.broadcast %add3A_2945 : vector<1x256xi32> to vector<112x256xi32>
    %eq3A_2961 = arith.cmpi eq, %select_n3A_59, %eq3A_2960 : vector<112x256xi32>
    %convert_element_type3A_2962 = arith.extui %eq3A_2961 : vector<112x256xi1> to vector<112x256xi32>
    %convert_element_type3A_2963 = arith.sitofp %convert_element_type3A_2962 : vector<112x256xi32> to vector<112x256xf32>
    %reduce_sum3A_2964 = arith.constant dense<0.000000e+00> : vector<112xf32>
    %reduce_sum3A_2965 = vector.multi_reduction <add>, %convert_element_type3A_2963, %reduce_sum3A_2964 [1] : vector<112x256xf32> to vector<112xf32>
    %broadcast_in_dim3A_2966 = vector.shape_cast %reduce_sum3A_2965 : vector<112xf32> to vector<112x1xf32>
    %add3A_2967 = arith.constant 1.000000e+00 : f32
    %add3A_2968 = vector.broadcast %add3A_2967 : f32 to vector<112x1xf32>
    %add3A_2969 = arith.addf %add3A_2968, %broadcast_in_dim3A_2966 : vector<112x1xf32>
    %rsqrt3A_2970 = math.rsqrt %add3A_2959 : vector<112x1xf32>
    %rsqrt3A_2971 = math.rsqrt %add3A_2969 : vector<112x1xf32>
    %mul3A_2972 = vector.broadcast %rsqrt3A_2970 : vector<112x1xf32> to vector<112x256xf32>
    %mul3A_2973 = arith.mulf %convert_element_type3A_2949, %mul3A_2972 : vector<112x256xf32>
    %convert_element_type3A_2974 = arith.truncf %mul3A_2973 : vector<112x256xf32> to vector<112x256xbf16>
    %mul3A_2975 = vector.broadcast %rsqrt3A_2971 : vector<112x1xf32> to vector<112x256xf32>
    %mul3A_2976 = arith.mulf %convert_element_type3A_2953, %mul3A_2975 : vector<112x256xf32>
    %convert_element_type3A_2977 = arith.truncf %mul3A_2976 : vector<112x256xf32> to vector<112x256xbf16>
    %dot_general3A_2978 = arith.constant dense<0.000000e+00> : vector<112x112xf32>
    %dot_general3A_2979 = tpu.matmul %convert_element_type3A_2974, %convert_element_type3A_2977, %dot_general3A_2978 {dimension_numbers = #tpu.dot_dimension_numbers<[1], [1], [0], [0], [0, 0, 1, 0], [], []>, transpose_lhs_hint = false} : vector<112x256xbf16>, vector<112x256xbf16>, vector<112x112xf32> -> vector<112x112xf32>
    %mul3A_2980 = arith.mulf %rsqrt3A_2970, %rsqrt3A_2970 : vector<112x1xf32>
    %mul3A_2981 = vector.broadcast %mul3A_2980 : vector<112x1xf32> to vector<112x112xf32>
    %mul3A_2982 = arith.mulf %convert_element_type3A_76, %mul3A_2981 : vector<112x112xf32>
    %add3A_2983 = arith.addf %dot_general3A_2979, %mul3A_2982 : vector<112x112xf32>
    %convert_element_type3A_2984 = arith.truncf %add3A_2983 : vector<112x112xf32> to vector<112x112xbf16>
    %slice3A_2985 = vector.extract_strided_slice %convert_element_type3A_36 {offsets = [2968, 0], sizes = [56, 128], strides = [1, 1]} : vector<3584x128xbf16> to vector<56x128xbf16>
    %slice3A_2986 = vector.extract_strided_slice %convert_element_type3A_37 {offsets = [2968, 0], sizes = [56, 128], strides = [1, 1]} : vector<3584x128xbf16> to vector<56x128xbf16>
    %concatenate3A_2987 = tpu.concatenate %slice3A_2985, %slice3A_2986 in 0 : vector<56x128xbf16>, vector<56x128xbf16> -> vector<112x128xbf16>
    %dot_general3A_2988 = arith.constant dense<0.000000e+00> : vector<112x128xf32>
    %dot_general3A_2989 = tpu.matmul %convert_element_type3A_2984, %concatenate3A_2987, %dot_general3A_2988 {dimension_numbers = #tpu.dot_dimension_numbers<[1], [0], [0], [1], [0, 0, 1, 1], [], []>, transpose_lhs_hint = false} : vector<112x112xbf16>, vector<112x128xbf16>, vector<112x128xf32> -> vector<112x128xf32>
    %slice3A_2990 = vector.extract_strided_slice %squeeze3A {offsets = [108, 0], sizes = [1, 128], strides = [1, 1]} : vector<128x128xi32> to vector<1x128xi32>
    %slice3A_2991 = vector.extract_strided_slice %squeeze3A {offsets = [109, 0], sizes = [1, 128], strides = [1, 1]} : vector<128x128xi32> to vector<1x128xi32>
    %concatenate3A_2992 = tpu.concatenate %slice3A_2990, %slice3A_2991 in 1 : vector<1x128xi32>, vector<1x128xi32> -> vector<1x256xi32>
    %slice3A_2993 = vector.extract_strided_slice %select_n3A {offsets = [0, 0], sizes = [1, 256], strides = [1, 1]} : vector<112x256xi32> to vector<1x256xi32>
    %add3A_2994 = arith.addi %concatenate3A_2992, %slice3A_2993 : vector<1x256xi32>
    %slice3A_2995 = vector.extract_strided_slice %squeeze3A_44 {offsets = [108, 0], sizes = [1, 128], strides = [1, 1]} : vector<128x128xi32> to vector<1x128xi32>
    %slice3A_2996 = vector.extract_strided_slice %squeeze3A_44 {offsets = [109, 0], sizes = [1, 128], strides = [1, 1]} : vector<128x128xi32> to vector<1x128xi32>
    %concatenate3A_2997 = tpu.concatenate %slice3A_2995, %slice3A_2996 in 1 : vector<1x128xi32>, vector<1x128xi32> -> vector<1x256xi32>
    %slice3A_2998 = vector.extract_strided_slice %select_n3A {offsets = [0, 0], sizes = [1, 256], strides = [1, 1]} : vector<112x256xi32> to vector<1x256xi32>
    %add3A_2999 = arith.addi %concatenate3A_2997, %slice3A_2998 : vector<1x256xi32>
    %eq3A_3000 = vector.broadcast %add3A_2999 : vector<1x256xi32> to vector<112x256xi32>
    %eq3A_3001 = arith.cmpi eq, %iota3A, %eq3A_3000 : vector<112x256xi32>
    %convert_element_type3A_3002 = arith.extui %eq3A_3001 : vector<112x256xi1> to vector<112x256xi32>
    %convert_element_type3A_3003 = arith.sitofp %convert_element_type3A_3002 : vector<112x256xi32> to vector<112x256xf32>
    %eq3A_3004 = vector.broadcast %add3A_2994 : vector<1x256xi32> to vector<112x256xi32>
    %eq3A_3005 = arith.cmpi eq, %select_n3A_59, %eq3A_3004 : vector<112x256xi32>
    %convert_element_type3A_3006 = arith.extui %eq3A_3005 : vector<112x256xi1> to vector<112x256xi32>
    %convert_element_type3A_3007 = arith.sitofp %convert_element_type3A_3006 : vector<112x256xi32> to vector<112x256xf32>
    %reduce_sum3A_3008 = arith.constant dense<0.000000e+00> : vector<112xf32>
    %reduce_sum3A_3009 = vector.multi_reduction <add>, %convert_element_type3A_3003, %reduce_sum3A_3008 [1] : vector<112x256xf32> to vector<112xf32>
    %broadcast_in_dim3A_3010 = vector.shape_cast %reduce_sum3A_3009 : vector<112xf32> to vector<112x1xf32>
    %add3A_3011 = arith.constant 1.000000e+00 : f32
    %add3A_3012 = vector.broadcast %add3A_3011 : f32 to vector<112x1xf32>
    %add3A_3013 = arith.addf %add3A_3012, %broadcast_in_dim3A_3010 : vector<112x1xf32>
    %eq3A_3014 = vector.broadcast %add3A_2999 : vector<1x256xi32> to vector<112x256xi32>
    %eq3A_3015 = arith.cmpi eq, %select_n3A_59, %eq3A_3014 : vector<112x256xi32>
    %convert_element_type3A_3016 = arith.extui %eq3A_3015 : vector<112x256xi1> to vector<112x256xi32>
    %convert_element_type3A_3017 = arith.sitofp %convert_element_type3A_3016 : vector<112x256xi32> to vector<112x256xf32>
    %reduce_sum3A_3018 = arith.constant dense<0.000000e+00> : vector<112xf32>
    %reduce_sum3A_3019 = vector.multi_reduction <add>, %convert_element_type3A_3017, %reduce_sum3A_3018 [1] : vector<112x256xf32> to vector<112xf32>
    %broadcast_in_dim3A_3020 = vector.shape_cast %reduce_sum3A_3019 : vector<112xf32> to vector<112x1xf32>
    %add3A_3021 = arith.constant 1.000000e+00 : f32
    %add3A_3022 = vector.broadcast %add3A_3021 : f32 to vector<112x1xf32>
    %add3A_3023 = arith.addf %add3A_3022, %broadcast_in_dim3A_3020 : vector<112x1xf32>
    %rsqrt3A_3024 = math.rsqrt %add3A_3013 : vector<112x1xf32>
    %rsqrt3A_3025 = math.rsqrt %add3A_3023 : vector<112x1xf32>
    %mul3A_3026 = vector.broadcast %rsqrt3A_3024 : vector<112x1xf32> to vector<112x256xf32>
    %mul3A_3027 = arith.mulf %convert_element_type3A_3003, %mul3A_3026 : vector<112x256xf32>
    %convert_element_type3A_3028 = arith.truncf %mul3A_3027 : vector<112x256xf32> to vector<112x256xbf16>
    %mul3A_3029 = vector.broadcast %rsqrt3A_3025 : vector<112x1xf32> to vector<112x256xf32>
    %mul3A_3030 = arith.mulf %convert_element_type3A_3007, %mul3A_3029 : vector<112x256xf32>
    %convert_element_type3A_3031 = arith.truncf %mul3A_3030 : vector<112x256xf32> to vector<112x256xbf16>
    %dot_general3A_3032 = arith.constant dense<0.000000e+00> : vector<112x112xf32>
    %dot_general3A_3033 = tpu.matmul %convert_element_type3A_3028, %convert_element_type3A_3031, %dot_general3A_3032 {dimension_numbers = #tpu.dot_dimension_numbers<[1], [1], [0], [0], [0, 0, 1, 0], [], []>, transpose_lhs_hint = false} : vector<112x256xbf16>, vector<112x256xbf16>, vector<112x112xf32> -> vector<112x112xf32>
    %mul3A_3034 = arith.mulf %rsqrt3A_3024, %rsqrt3A_3024 : vector<112x1xf32>
    %mul3A_3035 = vector.broadcast %mul3A_3034 : vector<112x1xf32> to vector<112x112xf32>
    %mul3A_3036 = arith.mulf %convert_element_type3A_76, %mul3A_3035 : vector<112x112xf32>
    %add3A_3037 = arith.addf %dot_general3A_3033, %mul3A_3036 : vector<112x112xf32>
    %convert_element_type3A_3038 = arith.truncf %add3A_3037 : vector<112x112xf32> to vector<112x112xbf16>
    %slice3A_3039 = vector.extract_strided_slice %convert_element_type3A_36 {offsets = [3024, 0], sizes = [56, 128], strides = [1, 1]} : vector<3584x128xbf16> to vector<56x128xbf16>
    %slice3A_3040 = vector.extract_strided_slice %convert_element_type3A_37 {offsets = [3024, 0], sizes = [56, 128], strides = [1, 1]} : vector<3584x128xbf16> to vector<56x128xbf16>
    %concatenate3A_3041 = tpu.concatenate %slice3A_3039, %slice3A_3040 in 0 : vector<56x128xbf16>, vector<56x128xbf16> -> vector<112x128xbf16>
    %dot_general3A_3042 = arith.constant dense<0.000000e+00> : vector<112x128xf32>
    %dot_general3A_3043 = tpu.matmul %convert_element_type3A_3038, %concatenate3A_3041, %dot_general3A_3042 {dimension_numbers = #tpu.dot_dimension_numbers<[1], [0], [0], [1], [0, 0, 1, 1], [], []>, transpose_lhs_hint = false} : vector<112x112xbf16>, vector<112x128xbf16>, vector<112x128xf32> -> vector<112x128xf32>
    %slice3A_3044 = vector.extract_strided_slice %squeeze3A {offsets = [110, 0], sizes = [1, 128], strides = [1, 1]} : vector<128x128xi32> to vector<1x128xi32>
    %slice3A_3045 = vector.extract_strided_slice %squeeze3A {offsets = [111, 0], sizes = [1, 128], strides = [1, 1]} : vector<128x128xi32> to vector<1x128xi32>
    %concatenate3A_3046 = tpu.concatenate %slice3A_3044, %slice3A_3045 in 1 : vector<1x128xi32>, vector<1x128xi32> -> vector<1x256xi32>
    %slice3A_3047 = vector.extract_strided_slice %select_n3A {offsets = [0, 0], sizes = [1, 256], strides = [1, 1]} : vector<112x256xi32> to vector<1x256xi32>
    %add3A_3048 = arith.addi %concatenate3A_3046, %slice3A_3047 : vector<1x256xi32>
    %slice3A_3049 = vector.extract_strided_slice %squeeze3A_44 {offsets = [110, 0], sizes = [1, 128], strides = [1, 1]} : vector<128x128xi32> to vector<1x128xi32>
    %slice3A_3050 = vector.extract_strided_slice %squeeze3A_44 {offsets = [111, 0], sizes = [1, 128], strides = [1, 1]} : vector<128x128xi32> to vector<1x128xi32>
    %concatenate3A_3051 = tpu.concatenate %slice3A_3049, %slice3A_3050 in 1 : vector<1x128xi32>, vector<1x128xi32> -> vector<1x256xi32>
    %slice3A_3052 = vector.extract_strided_slice %select_n3A {offsets = [0, 0], sizes = [1, 256], strides = [1, 1]} : vector<112x256xi32> to vector<1x256xi32>
    %add3A_3053 = arith.addi %concatenate3A_3051, %slice3A_3052 : vector<1x256xi32>
    %eq3A_3054 = vector.broadcast %add3A_3053 : vector<1x256xi32> to vector<112x256xi32>
    %eq3A_3055 = arith.cmpi eq, %iota3A, %eq3A_3054 : vector<112x256xi32>
    %convert_element_type3A_3056 = arith.extui %eq3A_3055 : vector<112x256xi1> to vector<112x256xi32>
    %convert_element_type3A_3057 = arith.sitofp %convert_element_type3A_3056 : vector<112x256xi32> to vector<112x256xf32>
    %eq3A_3058 = vector.broadcast %add3A_3048 : vector<1x256xi32> to vector<112x256xi32>
    %eq3A_3059 = arith.cmpi eq, %select_n3A_59, %eq3A_3058 : vector<112x256xi32>
    %convert_element_type3A_3060 = arith.extui %eq3A_3059 : vector<112x256xi1> to vector<112x256xi32>
    %convert_element_type3A_3061 = arith.sitofp %convert_element_type3A_3060 : vector<112x256xi32> to vector<112x256xf32>
    %reduce_sum3A_3062 = arith.constant dense<0.000000e+00> : vector<112xf32>
    %reduce_sum3A_3063 = vector.multi_reduction <add>, %convert_element_type3A_3057, %reduce_sum3A_3062 [1] : vector<112x256xf32> to vector<112xf32>
    %broadcast_in_dim3A_3064 = vector.shape_cast %reduce_sum3A_3063 : vector<112xf32> to vector<112x1xf32>
    %add3A_3065 = arith.constant 1.000000e+00 : f32
    %add3A_3066 = vector.broadcast %add3A_3065 : f32 to vector<112x1xf32>
    %add3A_3067 = arith.addf %add3A_3066, %broadcast_in_dim3A_3064 : vector<112x1xf32>
    %eq3A_3068 = vector.broadcast %add3A_3053 : vector<1x256xi32> to vector<112x256xi32>
    %eq3A_3069 = arith.cmpi eq, %select_n3A_59, %eq3A_3068 : vector<112x256xi32>
    %convert_element_type3A_3070 = arith.extui %eq3A_3069 : vector<112x256xi1> to vector<112x256xi32>
    %convert_element_type3A_3071 = arith.sitofp %convert_element_type3A_3070 : vector<112x256xi32> to vector<112x256xf32>
    %reduce_sum3A_3072 = arith.constant dense<0.000000e+00> : vector<112xf32>
    %reduce_sum3A_3073 = vector.multi_reduction <add>, %convert_element_type3A_3071, %reduce_sum3A_3072 [1] : vector<112x256xf32> to vector<112xf32>
    %broadcast_in_dim3A_3074 = vector.shape_cast %reduce_sum3A_3073 : vector<112xf32> to vector<112x1xf32>
    %add3A_3075 = arith.constant 1.000000e+00 : f32
    %add3A_3076 = vector.broadcast %add3A_3075 : f32 to vector<112x1xf32>
    %add3A_3077 = arith.addf %add3A_3076, %broadcast_in_dim3A_3074 : vector<112x1xf32>
    %rsqrt3A_3078 = math.rsqrt %add3A_3067 : vector<112x1xf32>
    %rsqrt3A_3079 = math.rsqrt %add3A_3077 : vector<112x1xf32>
    %mul3A_3080 = vector.broadcast %rsqrt3A_3078 : vector<112x1xf32> to vector<112x256xf32>
    %mul3A_3081 = arith.mulf %convert_element_type3A_3057, %mul3A_3080 : vector<112x256xf32>
    %convert_element_type3A_3082 = arith.truncf %mul3A_3081 : vector<112x256xf32> to vector<112x256xbf16>
    %mul3A_3083 = vector.broadcast %rsqrt3A_3079 : vector<112x1xf32> to vector<112x256xf32>
    %mul3A_3084 = arith.mulf %convert_element_type3A_3061, %mul3A_3083 : vector<112x256xf32>
    %convert_element_type3A_3085 = arith.truncf %mul3A_3084 : vector<112x256xf32> to vector<112x256xbf16>
    %dot_general3A_3086 = arith.constant dense<0.000000e+00> : vector<112x112xf32>
    %dot_general3A_3087 = tpu.matmul %convert_element_type3A_3082, %convert_element_type3A_3085, %dot_general3A_3086 {dimension_numbers = #tpu.dot_dimension_numbers<[1], [1], [0], [0], [0, 0, 1, 0], [], []>, transpose_lhs_hint = false} : vector<112x256xbf16>, vector<112x256xbf16>, vector<112x112xf32> -> vector<112x112xf32>
    %mul3A_3088 = arith.mulf %rsqrt3A_3078, %rsqrt3A_3078 : vector<112x1xf32>
    %mul3A_3089 = vector.broadcast %mul3A_3088 : vector<112x1xf32> to vector<112x112xf32>
    %mul3A_3090 = arith.mulf %convert_element_type3A_76, %mul3A_3089 : vector<112x112xf32>
    %add3A_3091 = arith.addf %dot_general3A_3087, %mul3A_3090 : vector<112x112xf32>
    %convert_element_type3A_3092 = arith.truncf %add3A_3091 : vector<112x112xf32> to vector<112x112xbf16>
    %slice3A_3093 = vector.extract_strided_slice %convert_element_type3A_36 {offsets = [3080, 0], sizes = [56, 128], strides = [1, 1]} : vector<3584x128xbf16> to vector<56x128xbf16>
    %slice3A_3094 = vector.extract_strided_slice %convert_element_type3A_37 {offsets = [3080, 0], sizes = [56, 128], strides = [1, 1]} : vector<3584x128xbf16> to vector<56x128xbf16>
    %concatenate3A_3095 = tpu.concatenate %slice3A_3093, %slice3A_3094 in 0 : vector<56x128xbf16>, vector<56x128xbf16> -> vector<112x128xbf16>
    %dot_general3A_3096 = arith.constant dense<0.000000e+00> : vector<112x128xf32>
    %dot_general3A_3097 = tpu.matmul %convert_element_type3A_3092, %concatenate3A_3095, %dot_general3A_3096 {dimension_numbers = #tpu.dot_dimension_numbers<[1], [0], [0], [1], [0, 0, 1, 1], [], []>, transpose_lhs_hint = false} : vector<112x112xbf16>, vector<112x128xbf16>, vector<112x128xf32> -> vector<112x128xf32>
    %slice3A_3098 = vector.extract_strided_slice %squeeze3A {offsets = [112, 0], sizes = [1, 128], strides = [1, 1]} : vector<128x128xi32> to vector<1x128xi32>
    %slice3A_3099 = vector.extract_strided_slice %squeeze3A {offsets = [113, 0], sizes = [1, 128], strides = [1, 1]} : vector<128x128xi32> to vector<1x128xi32>
    %concatenate3A_3100 = tpu.concatenate %slice3A_3098, %slice3A_3099 in 1 : vector<1x128xi32>, vector<1x128xi32> -> vector<1x256xi32>
    %slice3A_3101 = vector.extract_strided_slice %select_n3A {offsets = [0, 0], sizes = [1, 256], strides = [1, 1]} : vector<112x256xi32> to vector<1x256xi32>
    %add3A_3102 = arith.addi %concatenate3A_3100, %slice3A_3101 : vector<1x256xi32>
    %slice3A_3103 = vector.extract_strided_slice %squeeze3A_44 {offsets = [112, 0], sizes = [1, 128], strides = [1, 1]} : vector<128x128xi32> to vector<1x128xi32>
    %slice3A_3104 = vector.extract_strided_slice %squeeze3A_44 {offsets = [113, 0], sizes = [1, 128], strides = [1, 1]} : vector<128x128xi32> to vector<1x128xi32>
    %concatenate3A_3105 = tpu.concatenate %slice3A_3103, %slice3A_3104 in 1 : vector<1x128xi32>, vector<1x128xi32> -> vector<1x256xi32>
    %slice3A_3106 = vector.extract_strided_slice %select_n3A {offsets = [0, 0], sizes = [1, 256], strides = [1, 1]} : vector<112x256xi32> to vector<1x256xi32>
    %add3A_3107 = arith.addi %concatenate3A_3105, %slice3A_3106 : vector<1x256xi32>
    %eq3A_3108 = vector.broadcast %add3A_3107 : vector<1x256xi32> to vector<112x256xi32>
    %eq3A_3109 = arith.cmpi eq, %iota3A, %eq3A_3108 : vector<112x256xi32>
    %convert_element_type3A_3110 = arith.extui %eq3A_3109 : vector<112x256xi1> to vector<112x256xi32>
    %convert_element_type3A_3111 = arith.sitofp %convert_element_type3A_3110 : vector<112x256xi32> to vector<112x256xf32>
    %eq3A_3112 = vector.broadcast %add3A_3102 : vector<1x256xi32> to vector<112x256xi32>
    %eq3A_3113 = arith.cmpi eq, %select_n3A_59, %eq3A_3112 : vector<112x256xi32>
    %convert_element_type3A_3114 = arith.extui %eq3A_3113 : vector<112x256xi1> to vector<112x256xi32>
    %convert_element_type3A_3115 = arith.sitofp %convert_element_type3A_3114 : vector<112x256xi32> to vector<112x256xf32>
    %reduce_sum3A_3116 = arith.constant dense<0.000000e+00> : vector<112xf32>
    %reduce_sum3A_3117 = vector.multi_reduction <add>, %convert_element_type3A_3111, %reduce_sum3A_3116 [1] : vector<112x256xf32> to vector<112xf32>
    %broadcast_in_dim3A_3118 = vector.shape_cast %reduce_sum3A_3117 : vector<112xf32> to vector<112x1xf32>
    %add3A_3119 = arith.constant 1.000000e+00 : f32
    %add3A_3120 = vector.broadcast %add3A_3119 : f32 to vector<112x1xf32>
    %add3A_3121 = arith.addf %add3A_3120, %broadcast_in_dim3A_3118 : vector<112x1xf32>
    %eq3A_3122 = vector.broadcast %add3A_3107 : vector<1x256xi32> to vector<112x256xi32>
    %eq3A_3123 = arith.cmpi eq, %select_n3A_59, %eq3A_3122 : vector<112x256xi32>
    %convert_element_type3A_3124 = arith.extui %eq3A_3123 : vector<112x256xi1> to vector<112x256xi32>
    %convert_element_type3A_3125 = arith.sitofp %convert_element_type3A_3124 : vector<112x256xi32> to vector<112x256xf32>
    %reduce_sum3A_3126 = arith.constant dense<0.000000e+00> : vector<112xf32>
    %reduce_sum3A_3127 = vector.multi_reduction <add>, %convert_element_type3A_3125, %reduce_sum3A_3126 [1] : vector<112x256xf32> to vector<112xf32>
    %broadcast_in_dim3A_3128 = vector.shape_cast %reduce_sum3A_3127 : vector<112xf32> to vector<112x1xf32>
    %add3A_3129 = arith.constant 1.000000e+00 : f32
    %add3A_3130 = vector.broadcast %add3A_3129 : f32 to vector<112x1xf32>
    %add3A_3131 = arith.addf %add3A_3130, %broadcast_in_dim3A_3128 : vector<112x1xf32>
    %rsqrt3A_3132 = math.rsqrt %add3A_3121 : vector<112x1xf32>
    %rsqrt3A_3133 = math.rsqrt %add3A_3131 : vector<112x1xf32>
    %mul3A_3134 = vector.broadcast %rsqrt3A_3132 : vector<112x1xf32> to vector<112x256xf32>
    %mul3A_3135 = arith.mulf %convert_element_type3A_3111, %mul3A_3134 : vector<112x256xf32>
    %convert_element_type3A_3136 = arith.truncf %mul3A_3135 : vector<112x256xf32> to vector<112x256xbf16>
    %mul3A_3137 = vector.broadcast %rsqrt3A_3133 : vector<112x1xf32> to vector<112x256xf32>
    %mul3A_3138 = arith.mulf %convert_element_type3A_3115, %mul3A_3137 : vector<112x256xf32>
    %convert_element_type3A_3139 = arith.truncf %mul3A_3138 : vector<112x256xf32> to vector<112x256xbf16>
    %dot_general3A_3140 = arith.constant dense<0.000000e+00> : vector<112x112xf32>
    %dot_general3A_3141 = tpu.matmul %convert_element_type3A_3136, %convert_element_type3A_3139, %dot_general3A_3140 {dimension_numbers = #tpu.dot_dimension_numbers<[1], [1], [0], [0], [0, 0, 1, 0], [], []>, transpose_lhs_hint = false} : vector<112x256xbf16>, vector<112x256xbf16>, vector<112x112xf32> -> vector<112x112xf32>
    %mul3A_3142 = arith.mulf %rsqrt3A_3132, %rsqrt3A_3132 : vector<112x1xf32>
    %mul3A_3143 = vector.broadcast %mul3A_3142 : vector<112x1xf32> to vector<112x112xf32>
    %mul3A_3144 = arith.mulf %convert_element_type3A_76, %mul3A_3143 : vector<112x112xf32>
    %add3A_3145 = arith.addf %dot_general3A_3141, %mul3A_3144 : vector<112x112xf32>
    %convert_element_type3A_3146 = arith.truncf %add3A_3145 : vector<112x112xf32> to vector<112x112xbf16>
    %slice3A_3147 = vector.extract_strided_slice %convert_element_type3A_36 {offsets = [3136, 0], sizes = [56, 128], strides = [1, 1]} : vector<3584x128xbf16> to vector<56x128xbf16>
    %slice3A_3148 = vector.extract_strided_slice %convert_element_type3A_37 {offsets = [3136, 0], sizes = [56, 128], strides = [1, 1]} : vector<3584x128xbf16> to vector<56x128xbf16>
    %concatenate3A_3149 = tpu.concatenate %slice3A_3147, %slice3A_3148 in 0 : vector<56x128xbf16>, vector<56x128xbf16> -> vector<112x128xbf16>
    %dot_general3A_3150 = arith.constant dense<0.000000e+00> : vector<112x128xf32>
    %dot_general3A_3151 = tpu.matmul %convert_element_type3A_3146, %concatenate3A_3149, %dot_general3A_3150 {dimension_numbers = #tpu.dot_dimension_numbers<[1], [0], [0], [1], [0, 0, 1, 1], [], []>, transpose_lhs_hint = false} : vector<112x112xbf16>, vector<112x128xbf16>, vector<112x128xf32> -> vector<112x128xf32>
    %slice3A_3152 = vector.extract_strided_slice %squeeze3A {offsets = [114, 0], sizes = [1, 128], strides = [1, 1]} : vector<128x128xi32> to vector<1x128xi32>
    %slice3A_3153 = vector.extract_strided_slice %squeeze3A {offsets = [115, 0], sizes = [1, 128], strides = [1, 1]} : vector<128x128xi32> to vector<1x128xi32>
    %concatenate3A_3154 = tpu.concatenate %slice3A_3152, %slice3A_3153 in 1 : vector<1x128xi32>, vector<1x128xi32> -> vector<1x256xi32>
    %slice3A_3155 = vector.extract_strided_slice %select_n3A {offsets = [0, 0], sizes = [1, 256], strides = [1, 1]} : vector<112x256xi32> to vector<1x256xi32>
    %add3A_3156 = arith.addi %concatenate3A_3154, %slice3A_3155 : vector<1x256xi32>
    %slice3A_3157 = vector.extract_strided_slice %squeeze3A_44 {offsets = [114, 0], sizes = [1, 128], strides = [1, 1]} : vector<128x128xi32> to vector<1x128xi32>
    %slice3A_3158 = vector.extract_strided_slice %squeeze3A_44 {offsets = [115, 0], sizes = [1, 128], strides = [1, 1]} : vector<128x128xi32> to vector<1x128xi32>
    %concatenate3A_3159 = tpu.concatenate %slice3A_3157, %slice3A_3158 in 1 : vector<1x128xi32>, vector<1x128xi32> -> vector<1x256xi32>
    %slice3A_3160 = vector.extract_strided_slice %select_n3A {offsets = [0, 0], sizes = [1, 256], strides = [1, 1]} : vector<112x256xi32> to vector<1x256xi32>
    %add3A_3161 = arith.addi %concatenate3A_3159, %slice3A_3160 : vector<1x256xi32>
    %eq3A_3162 = vector.broadcast %add3A_3161 : vector<1x256xi32> to vector<112x256xi32>
    %eq3A_3163 = arith.cmpi eq, %iota3A, %eq3A_3162 : vector<112x256xi32>
    %convert_element_type3A_3164 = arith.extui %eq3A_3163 : vector<112x256xi1> to vector<112x256xi32>
    %convert_element_type3A_3165 = arith.sitofp %convert_element_type3A_3164 : vector<112x256xi32> to vector<112x256xf32>
    %eq3A_3166 = vector.broadcast %add3A_3156 : vector<1x256xi32> to vector<112x256xi32>
    %eq3A_3167 = arith.cmpi eq, %select_n3A_59, %eq3A_3166 : vector<112x256xi32>
    %convert_element_type3A_3168 = arith.extui %eq3A_3167 : vector<112x256xi1> to vector<112x256xi32>
    %convert_element_type3A_3169 = arith.sitofp %convert_element_type3A_3168 : vector<112x256xi32> to vector<112x256xf32>
    %reduce_sum3A_3170 = arith.constant dense<0.000000e+00> : vector<112xf32>
    %reduce_sum3A_3171 = vector.multi_reduction <add>, %convert_element_type3A_3165, %reduce_sum3A_3170 [1] : vector<112x256xf32> to vector<112xf32>
    %broadcast_in_dim3A_3172 = vector.shape_cast %reduce_sum3A_3171 : vector<112xf32> to vector<112x1xf32>
    %add3A_3173 = arith.constant 1.000000e+00 : f32
    %add3A_3174 = vector.broadcast %add3A_3173 : f32 to vector<112x1xf32>
    %add3A_3175 = arith.addf %add3A_3174, %broadcast_in_dim3A_3172 : vector<112x1xf32>
    %eq3A_3176 = vector.broadcast %add3A_3161 : vector<1x256xi32> to vector<112x256xi32>
    %eq3A_3177 = arith.cmpi eq, %select_n3A_59, %eq3A_3176 : vector<112x256xi32>
    %convert_element_type3A_3178 = arith.extui %eq3A_3177 : vector<112x256xi1> to vector<112x256xi32>
    %convert_element_type3A_3179 = arith.sitofp %convert_element_type3A_3178 : vector<112x256xi32> to vector<112x256xf32>
    %reduce_sum3A_3180 = arith.constant dense<0.000000e+00> : vector<112xf32>
    %reduce_sum3A_3181 = vector.multi_reduction <add>, %convert_element_type3A_3179, %reduce_sum3A_3180 [1] : vector<112x256xf32> to vector<112xf32>
    %broadcast_in_dim3A_3182 = vector.shape_cast %reduce_sum3A_3181 : vector<112xf32> to vector<112x1xf32>
    %add3A_3183 = arith.constant 1.000000e+00 : f32
    %add3A_3184 = vector.broadcast %add3A_3183 : f32 to vector<112x1xf32>
    %add3A_3185 = arith.addf %add3A_3184, %broadcast_in_dim3A_3182 : vector<112x1xf32>
    %rsqrt3A_3186 = math.rsqrt %add3A_3175 : vector<112x1xf32>
    %rsqrt3A_3187 = math.rsqrt %add3A_3185 : vector<112x1xf32>
    %mul3A_3188 = vector.broadcast %rsqrt3A_3186 : vector<112x1xf32> to vector<112x256xf32>
    %mul3A_3189 = arith.mulf %convert_element_type3A_3165, %mul3A_3188 : vector<112x256xf32>
    %convert_element_type3A_3190 = arith.truncf %mul3A_3189 : vector<112x256xf32> to vector<112x256xbf16>
    %mul3A_3191 = vector.broadcast %rsqrt3A_3187 : vector<112x1xf32> to vector<112x256xf32>
    %mul3A_3192 = arith.mulf %convert_element_type3A_3169, %mul3A_3191 : vector<112x256xf32>
    %convert_element_type3A_3193 = arith.truncf %mul3A_3192 : vector<112x256xf32> to vector<112x256xbf16>
    %dot_general3A_3194 = arith.constant dense<0.000000e+00> : vector<112x112xf32>
    %dot_general3A_3195 = tpu.matmul %convert_element_type3A_3190, %convert_element_type3A_3193, %dot_general3A_3194 {dimension_numbers = #tpu.dot_dimension_numbers<[1], [1], [0], [0], [0, 0, 1, 0], [], []>, transpose_lhs_hint = false} : vector<112x256xbf16>, vector<112x256xbf16>, vector<112x112xf32> -> vector<112x112xf32>
    %mul3A_3196 = arith.mulf %rsqrt3A_3186, %rsqrt3A_3186 : vector<112x1xf32>
    %mul3A_3197 = vector.broadcast %mul3A_3196 : vector<112x1xf32> to vector<112x112xf32>
    %mul3A_3198 = arith.mulf %convert_element_type3A_76, %mul3A_3197 : vector<112x112xf32>
    %add3A_3199 = arith.addf %dot_general3A_3195, %mul3A_3198 : vector<112x112xf32>
    %convert_element_type3A_3200 = arith.truncf %add3A_3199 : vector<112x112xf32> to vector<112x112xbf16>
    %slice3A_3201 = vector.extract_strided_slice %convert_element_type3A_36 {offsets = [3192, 0], sizes = [56, 128], strides = [1, 1]} : vector<3584x128xbf16> to vector<56x128xbf16>
    %slice3A_3202 = vector.extract_strided_slice %convert_element_type3A_37 {offsets = [3192, 0], sizes = [56, 128], strides = [1, 1]} : vector<3584x128xbf16> to vector<56x128xbf16>
    %concatenate3A_3203 = tpu.concatenate %slice3A_3201, %slice3A_3202 in 0 : vector<56x128xbf16>, vector<56x128xbf16> -> vector<112x128xbf16>
    %dot_general3A_3204 = arith.constant dense<0.000000e+00> : vector<112x128xf32>
    %dot_general3A_3205 = tpu.matmul %convert_element_type3A_3200, %concatenate3A_3203, %dot_general3A_3204 {dimension_numbers = #tpu.dot_dimension_numbers<[1], [0], [0], [1], [0, 0, 1, 1], [], []>, transpose_lhs_hint = false} : vector<112x112xbf16>, vector<112x128xbf16>, vector<112x128xf32> -> vector<112x128xf32>
    %slice3A_3206 = vector.extract_strided_slice %squeeze3A {offsets = [116, 0], sizes = [1, 128], strides = [1, 1]} : vector<128x128xi32> to vector<1x128xi32>
    %slice3A_3207 = vector.extract_strided_slice %squeeze3A {offsets = [117, 0], sizes = [1, 128], strides = [1, 1]} : vector<128x128xi32> to vector<1x128xi32>
    %concatenate3A_3208 = tpu.concatenate %slice3A_3206, %slice3A_3207 in 1 : vector<1x128xi32>, vector<1x128xi32> -> vector<1x256xi32>
    %slice3A_3209 = vector.extract_strided_slice %select_n3A {offsets = [0, 0], sizes = [1, 256], strides = [1, 1]} : vector<112x256xi32> to vector<1x256xi32>
    %add3A_3210 = arith.addi %concatenate3A_3208, %slice3A_3209 : vector<1x256xi32>
    %slice3A_3211 = vector.extract_strided_slice %squeeze3A_44 {offsets = [116, 0], sizes = [1, 128], strides = [1, 1]} : vector<128x128xi32> to vector<1x128xi32>
    %slice3A_3212 = vector.extract_strided_slice %squeeze3A_44 {offsets = [117, 0], sizes = [1, 128], strides = [1, 1]} : vector<128x128xi32> to vector<1x128xi32>
    %concatenate3A_3213 = tpu.concatenate %slice3A_3211, %slice3A_3212 in 1 : vector<1x128xi32>, vector<1x128xi32> -> vector<1x256xi32>
    %slice3A_3214 = vector.extract_strided_slice %select_n3A {offsets = [0, 0], sizes = [1, 256], strides = [1, 1]} : vector<112x256xi32> to vector<1x256xi32>
    %add3A_3215 = arith.addi %concatenate3A_3213, %slice3A_3214 : vector<1x256xi32>
    %eq3A_3216 = vector.broadcast %add3A_3215 : vector<1x256xi32> to vector<112x256xi32>
    %eq3A_3217 = arith.cmpi eq, %iota3A, %eq3A_3216 : vector<112x256xi32>
    %convert_element_type3A_3218 = arith.extui %eq3A_3217 : vector<112x256xi1> to vector<112x256xi32>
    %convert_element_type3A_3219 = arith.sitofp %convert_element_type3A_3218 : vector<112x256xi32> to vector<112x256xf32>
    %eq3A_3220 = vector.broadcast %add3A_3210 : vector<1x256xi32> to vector<112x256xi32>
    %eq3A_3221 = arith.cmpi eq, %select_n3A_59, %eq3A_3220 : vector<112x256xi32>
    %convert_element_type3A_3222 = arith.extui %eq3A_3221 : vector<112x256xi1> to vector<112x256xi32>
    %convert_element_type3A_3223 = arith.sitofp %convert_element_type3A_3222 : vector<112x256xi32> to vector<112x256xf32>
    %reduce_sum3A_3224 = arith.constant dense<0.000000e+00> : vector<112xf32>
    %reduce_sum3A_3225 = vector.multi_reduction <add>, %convert_element_type3A_3219, %reduce_sum3A_3224 [1] : vector<112x256xf32> to vector<112xf32>
    %broadcast_in_dim3A_3226 = vector.shape_cast %reduce_sum3A_3225 : vector<112xf32> to vector<112x1xf32>
    %add3A_3227 = arith.constant 1.000000e+00 : f32
    %add3A_3228 = vector.broadcast %add3A_3227 : f32 to vector<112x1xf32>
    %add3A_3229 = arith.addf %add3A_3228, %broadcast_in_dim3A_3226 : vector<112x1xf32>
    %eq3A_3230 = vector.broadcast %add3A_3215 : vector<1x256xi32> to vector<112x256xi32>
    %eq3A_3231 = arith.cmpi eq, %select_n3A_59, %eq3A_3230 : vector<112x256xi32>
    %convert_element_type3A_3232 = arith.extui %eq3A_3231 : vector<112x256xi1> to vector<112x256xi32>
    %convert_element_type3A_3233 = arith.sitofp %convert_element_type3A_3232 : vector<112x256xi32> to vector<112x256xf32>
    %reduce_sum3A_3234 = arith.constant dense<0.000000e+00> : vector<112xf32>
    %reduce_sum3A_3235 = vector.multi_reduction <add>, %convert_element_type3A_3233, %reduce_sum3A_3234 [1] : vector<112x256xf32> to vector<112xf32>
    %broadcast_in_dim3A_3236 = vector.shape_cast %reduce_sum3A_3235 : vector<112xf32> to vector<112x1xf32>
    %add3A_3237 = arith.constant 1.000000e+00 : f32
    %add3A_3238 = vector.broadcast %add3A_3237 : f32 to vector<112x1xf32>
    %add3A_3239 = arith.addf %add3A_3238, %broadcast_in_dim3A_3236 : vector<112x1xf32>
    %rsqrt3A_3240 = math.rsqrt %add3A_3229 : vector<112x1xf32>
    %rsqrt3A_3241 = math.rsqrt %add3A_3239 : vector<112x1xf32>
    %mul3A_3242 = vector.broadcast %rsqrt3A_3240 : vector<112x1xf32> to vector<112x256xf32>
    %mul3A_3243 = arith.mulf %convert_element_type3A_3219, %mul3A_3242 : vector<112x256xf32>
    %convert_element_type3A_3244 = arith.truncf %mul3A_3243 : vector<112x256xf32> to vector<112x256xbf16>
    %mul3A_3245 = vector.broadcast %rsqrt3A_3241 : vector<112x1xf32> to vector<112x256xf32>
    %mul3A_3246 = arith.mulf %convert_element_type3A_3223, %mul3A_3245 : vector<112x256xf32>
    %convert_element_type3A_3247 = arith.truncf %mul3A_3246 : vector<112x256xf32> to vector<112x256xbf16>
    %dot_general3A_3248 = arith.constant dense<0.000000e+00> : vector<112x112xf32>
    %dot_general3A_3249 = tpu.matmul %convert_element_type3A_3244, %convert_element_type3A_3247, %dot_general3A_3248 {dimension_numbers = #tpu.dot_dimension_numbers<[1], [1], [0], [0], [0, 0, 1, 0], [], []>, transpose_lhs_hint = false} : vector<112x256xbf16>, vector<112x256xbf16>, vector<112x112xf32> -> vector<112x112xf32>
    %mul3A_3250 = arith.mulf %rsqrt3A_3240, %rsqrt3A_3240 : vector<112x1xf32>
    %mul3A_3251 = vector.broadcast %mul3A_3250 : vector<112x1xf32> to vector<112x112xf32>
    %mul3A_3252 = arith.mulf %convert_element_type3A_76, %mul3A_3251 : vector<112x112xf32>
    %add3A_3253 = arith.addf %dot_general3A_3249, %mul3A_3252 : vector<112x112xf32>
    %convert_element_type3A_3254 = arith.truncf %add3A_3253 : vector<112x112xf32> to vector<112x112xbf16>
    %slice3A_3255 = vector.extract_strided_slice %convert_element_type3A_36 {offsets = [3248, 0], sizes = [56, 128], strides = [1, 1]} : vector<3584x128xbf16> to vector<56x128xbf16>
    %slice3A_3256 = vector.extract_strided_slice %convert_element_type3A_37 {offsets = [3248, 0], sizes = [56, 128], strides = [1, 1]} : vector<3584x128xbf16> to vector<56x128xbf16>
    %concatenate3A_3257 = tpu.concatenate %slice3A_3255, %slice3A_3256 in 0 : vector<56x128xbf16>, vector<56x128xbf16> -> vector<112x128xbf16>
    %dot_general3A_3258 = arith.constant dense<0.000000e+00> : vector<112x128xf32>
    %dot_general3A_3259 = tpu.matmul %convert_element_type3A_3254, %concatenate3A_3257, %dot_general3A_3258 {dimension_numbers = #tpu.dot_dimension_numbers<[1], [0], [0], [1], [0, 0, 1, 1], [], []>, transpose_lhs_hint = false} : vector<112x112xbf16>, vector<112x128xbf16>, vector<112x128xf32> -> vector<112x128xf32>
    %slice3A_3260 = vector.extract_strided_slice %squeeze3A {offsets = [118, 0], sizes = [1, 128], strides = [1, 1]} : vector<128x128xi32> to vector<1x128xi32>
    %slice3A_3261 = vector.extract_strided_slice %squeeze3A {offsets = [119, 0], sizes = [1, 128], strides = [1, 1]} : vector<128x128xi32> to vector<1x128xi32>
    %concatenate3A_3262 = tpu.concatenate %slice3A_3260, %slice3A_3261 in 1 : vector<1x128xi32>, vector<1x128xi32> -> vector<1x256xi32>
    %slice3A_3263 = vector.extract_strided_slice %select_n3A {offsets = [0, 0], sizes = [1, 256], strides = [1, 1]} : vector<112x256xi32> to vector<1x256xi32>
    %add3A_3264 = arith.addi %concatenate3A_3262, %slice3A_3263 : vector<1x256xi32>
    %slice3A_3265 = vector.extract_strided_slice %squeeze3A_44 {offsets = [118, 0], sizes = [1, 128], strides = [1, 1]} : vector<128x128xi32> to vector<1x128xi32>
    %slice3A_3266 = vector.extract_strided_slice %squeeze3A_44 {offsets = [119, 0], sizes = [1, 128], strides = [1, 1]} : vector<128x128xi32> to vector<1x128xi32>
    %concatenate3A_3267 = tpu.concatenate %slice3A_3265, %slice3A_3266 in 1 : vector<1x128xi32>, vector<1x128xi32> -> vector<1x256xi32>
    %slice3A_3268 = vector.extract_strided_slice %select_n3A {offsets = [0, 0], sizes = [1, 256], strides = [1, 1]} : vector<112x256xi32> to vector<1x256xi32>
    %add3A_3269 = arith.addi %concatenate3A_3267, %slice3A_3268 : vector<1x256xi32>
    %eq3A_3270 = vector.broadcast %add3A_3269 : vector<1x256xi32> to vector<112x256xi32>
    %eq3A_3271 = arith.cmpi eq, %iota3A, %eq3A_3270 : vector<112x256xi32>
    %convert_element_type3A_3272 = arith.extui %eq3A_3271 : vector<112x256xi1> to vector<112x256xi32>
    %convert_element_type3A_3273 = arith.sitofp %convert_element_type3A_3272 : vector<112x256xi32> to vector<112x256xf32>
    %eq3A_3274 = vector.broadcast %add3A_3264 : vector<1x256xi32> to vector<112x256xi32>
    %eq3A_3275 = arith.cmpi eq, %select_n3A_59, %eq3A_3274 : vector<112x256xi32>
    %convert_element_type3A_3276 = arith.extui %eq3A_3275 : vector<112x256xi1> to vector<112x256xi32>
    %convert_element_type3A_3277 = arith.sitofp %convert_element_type3A_3276 : vector<112x256xi32> to vector<112x256xf32>
    %reduce_sum3A_3278 = arith.constant dense<0.000000e+00> : vector<112xf32>
    %reduce_sum3A_3279 = vector.multi_reduction <add>, %convert_element_type3A_3273, %reduce_sum3A_3278 [1] : vector<112x256xf32> to vector<112xf32>
    %broadcast_in_dim3A_3280 = vector.shape_cast %reduce_sum3A_3279 : vector<112xf32> to vector<112x1xf32>
    %add3A_3281 = arith.constant 1.000000e+00 : f32
    %add3A_3282 = vector.broadcast %add3A_3281 : f32 to vector<112x1xf32>
    %add3A_3283 = arith.addf %add3A_3282, %broadcast_in_dim3A_3280 : vector<112x1xf32>
    %eq3A_3284 = vector.broadcast %add3A_3269 : vector<1x256xi32> to vector<112x256xi32>
    %eq3A_3285 = arith.cmpi eq, %select_n3A_59, %eq3A_3284 : vector<112x256xi32>
    %convert_element_type3A_3286 = arith.extui %eq3A_3285 : vector<112x256xi1> to vector<112x256xi32>
    %convert_element_type3A_3287 = arith.sitofp %convert_element_type3A_3286 : vector<112x256xi32> to vector<112x256xf32>
    %reduce_sum3A_3288 = arith.constant dense<0.000000e+00> : vector<112xf32>
    %reduce_sum3A_3289 = vector.multi_reduction <add>, %convert_element_type3A_3287, %reduce_sum3A_3288 [1] : vector<112x256xf32> to vector<112xf32>
    %broadcast_in_dim3A_3290 = vector.shape_cast %reduce_sum3A_3289 : vector<112xf32> to vector<112x1xf32>
    %add3A_3291 = arith.constant 1.000000e+00 : f32
    %add3A_3292 = vector.broadcast %add3A_3291 : f32 to vector<112x1xf32>
    %add3A_3293 = arith.addf %add3A_3292, %broadcast_in_dim3A_3290 : vector<112x1xf32>
    %rsqrt3A_3294 = math.rsqrt %add3A_3283 : vector<112x1xf32>
    %rsqrt3A_3295 = math.rsqrt %add3A_3293 : vector<112x1xf32>
    %mul3A_3296 = vector.broadcast %rsqrt3A_3294 : vector<112x1xf32> to vector<112x256xf32>
    %mul3A_3297 = arith.mulf %convert_element_type3A_3273, %mul3A_3296 : vector<112x256xf32>
    %convert_element_type3A_3298 = arith.truncf %mul3A_3297 : vector<112x256xf32> to vector<112x256xbf16>
    %mul3A_3299 = vector.broadcast %rsqrt3A_3295 : vector<112x1xf32> to vector<112x256xf32>
    %mul3A_3300 = arith.mulf %convert_element_type3A_3277, %mul3A_3299 : vector<112x256xf32>
    %convert_element_type3A_3301 = arith.truncf %mul3A_3300 : vector<112x256xf32> to vector<112x256xbf16>
    %dot_general3A_3302 = arith.constant dense<0.000000e+00> : vector<112x112xf32>
    %dot_general3A_3303 = tpu.matmul %convert_element_type3A_3298, %convert_element_type3A_3301, %dot_general3A_3302 {dimension_numbers = #tpu.dot_dimension_numbers<[1], [1], [0], [0], [0, 0, 1, 0], [], []>, transpose_lhs_hint = false} : vector<112x256xbf16>, vector<112x256xbf16>, vector<112x112xf32> -> vector<112x112xf32>
    %mul3A_3304 = arith.mulf %rsqrt3A_3294, %rsqrt3A_3294 : vector<112x1xf32>
    %mul3A_3305 = vector.broadcast %mul3A_3304 : vector<112x1xf32> to vector<112x112xf32>
    %mul3A_3306 = arith.mulf %convert_element_type3A_76, %mul3A_3305 : vector<112x112xf32>
    %add3A_3307 = arith.addf %dot_general3A_3303, %mul3A_3306 : vector<112x112xf32>
    %convert_element_type3A_3308 = arith.truncf %add3A_3307 : vector<112x112xf32> to vector<112x112xbf16>
    %slice3A_3309 = vector.extract_strided_slice %convert_element_type3A_36 {offsets = [3304, 0], sizes = [56, 128], strides = [1, 1]} : vector<3584x128xbf16> to vector<56x128xbf16>
    %slice3A_3310 = vector.extract_strided_slice %convert_element_type3A_37 {offsets = [3304, 0], sizes = [56, 128], strides = [1, 1]} : vector<3584x128xbf16> to vector<56x128xbf16>
    %concatenate3A_3311 = tpu.concatenate %slice3A_3309, %slice3A_3310 in 0 : vector<56x128xbf16>, vector<56x128xbf16> -> vector<112x128xbf16>
    %dot_general3A_3312 = arith.constant dense<0.000000e+00> : vector<112x128xf32>
    %dot_general3A_3313 = tpu.matmul %convert_element_type3A_3308, %concatenate3A_3311, %dot_general3A_3312 {dimension_numbers = #tpu.dot_dimension_numbers<[1], [0], [0], [1], [0, 0, 1, 1], [], []>, transpose_lhs_hint = false} : vector<112x112xbf16>, vector<112x128xbf16>, vector<112x128xf32> -> vector<112x128xf32>
    %slice3A_3314 = vector.extract_strided_slice %squeeze3A {offsets = [120, 0], sizes = [1, 128], strides = [1, 1]} : vector<128x128xi32> to vector<1x128xi32>
    %slice3A_3315 = vector.extract_strided_slice %squeeze3A {offsets = [121, 0], sizes = [1, 128], strides = [1, 1]} : vector<128x128xi32> to vector<1x128xi32>
    %concatenate3A_3316 = tpu.concatenate %slice3A_3314, %slice3A_3315 in 1 : vector<1x128xi32>, vector<1x128xi32> -> vector<1x256xi32>
    %slice3A_3317 = vector.extract_strided_slice %select_n3A {offsets = [0, 0], sizes = [1, 256], strides = [1, 1]} : vector<112x256xi32> to vector<1x256xi32>
    %add3A_3318 = arith.addi %concatenate3A_3316, %slice3A_3317 : vector<1x256xi32>
    %slice3A_3319 = vector.extract_strided_slice %squeeze3A_44 {offsets = [120, 0], sizes = [1, 128], strides = [1, 1]} : vector<128x128xi32> to vector<1x128xi32>
    %slice3A_3320 = vector.extract_strided_slice %squeeze3A_44 {offsets = [121, 0], sizes = [1, 128], strides = [1, 1]} : vector<128x128xi32> to vector<1x128xi32>
    %concatenate3A_3321 = tpu.concatenate %slice3A_3319, %slice3A_3320 in 1 : vector<1x128xi32>, vector<1x128xi32> -> vector<1x256xi32>
    %slice3A_3322 = vector.extract_strided_slice %select_n3A {offsets = [0, 0], sizes = [1, 256], strides = [1, 1]} : vector<112x256xi32> to vector<1x256xi32>
    %add3A_3323 = arith.addi %concatenate3A_3321, %slice3A_3322 : vector<1x256xi32>
    %eq3A_3324 = vector.broadcast %add3A_3323 : vector<1x256xi32> to vector<112x256xi32>
    %eq3A_3325 = arith.cmpi eq, %iota3A, %eq3A_3324 : vector<112x256xi32>
    %convert_element_type3A_3326 = arith.extui %eq3A_3325 : vector<112x256xi1> to vector<112x256xi32>
    %convert_element_type3A_3327 = arith.sitofp %convert_element_type3A_3326 : vector<112x256xi32> to vector<112x256xf32>
    %eq3A_3328 = vector.broadcast %add3A_3318 : vector<1x256xi32> to vector<112x256xi32>
    %eq3A_3329 = arith.cmpi eq, %select_n3A_59, %eq3A_3328 : vector<112x256xi32>
    %convert_element_type3A_3330 = arith.extui %eq3A_3329 : vector<112x256xi1> to vector<112x256xi32>
    %convert_element_type3A_3331 = arith.sitofp %convert_element_type3A_3330 : vector<112x256xi32> to vector<112x256xf32>
    %reduce_sum3A_3332 = arith.constant dense<0.000000e+00> : vector<112xf32>
    %reduce_sum3A_3333 = vector.multi_reduction <add>, %convert_element_type3A_3327, %reduce_sum3A_3332 [1] : vector<112x256xf32> to vector<112xf32>
    %broadcast_in_dim3A_3334 = vector.shape_cast %reduce_sum3A_3333 : vector<112xf32> to vector<112x1xf32>
    %add3A_3335 = arith.constant 1.000000e+00 : f32
    %add3A_3336 = vector.broadcast %add3A_3335 : f32 to vector<112x1xf32>
    %add3A_3337 = arith.addf %add3A_3336, %broadcast_in_dim3A_3334 : vector<112x1xf32>
    %eq3A_3338 = vector.broadcast %add3A_3323 : vector<1x256xi32> to vector<112x256xi32>
    %eq3A_3339 = arith.cmpi eq, %select_n3A_59, %eq3A_3338 : vector<112x256xi32>
    %convert_element_type3A_3340 = arith.extui %eq3A_3339 : vector<112x256xi1> to vector<112x256xi32>
    %convert_element_type3A_3341 = arith.sitofp %convert_element_type3A_3340 : vector<112x256xi32> to vector<112x256xf32>
    %reduce_sum3A_3342 = arith.constant dense<0.000000e+00> : vector<112xf32>
    %reduce_sum3A_3343 = vector.multi_reduction <add>, %convert_element_type3A_3341, %reduce_sum3A_3342 [1] : vector<112x256xf32> to vector<112xf32>
    %broadcast_in_dim3A_3344 = vector.shape_cast %reduce_sum3A_3343 : vector<112xf32> to vector<112x1xf32>
    %add3A_3345 = arith.constant 1.000000e+00 : f32
    %add3A_3346 = vector.broadcast %add3A_3345 : f32 to vector<112x1xf32>
    %add3A_3347 = arith.addf %add3A_3346, %broadcast_in_dim3A_3344 : vector<112x1xf32>
    %rsqrt3A_3348 = math.rsqrt %add3A_3337 : vector<112x1xf32>
    %rsqrt3A_3349 = math.rsqrt %add3A_3347 : vector<112x1xf32>
    %mul3A_3350 = vector.broadcast %rsqrt3A_3348 : vector<112x1xf32> to vector<112x256xf32>
    %mul3A_3351 = arith.mulf %convert_element_type3A_3327, %mul3A_3350 : vector<112x256xf32>
    %convert_element_type3A_3352 = arith.truncf %mul3A_3351 : vector<112x256xf32> to vector<112x256xbf16>
    %mul3A_3353 = vector.broadcast %rsqrt3A_3349 : vector<112x1xf32> to vector<112x256xf32>
    %mul3A_3354 = arith.mulf %convert_element_type3A_3331, %mul3A_3353 : vector<112x256xf32>
    %convert_element_type3A_3355 = arith.truncf %mul3A_3354 : vector<112x256xf32> to vector<112x256xbf16>
    %dot_general3A_3356 = arith.constant dense<0.000000e+00> : vector<112x112xf32>
    %dot_general3A_3357 = tpu.matmul %convert_element_type3A_3352, %convert_element_type3A_3355, %dot_general3A_3356 {dimension_numbers = #tpu.dot_dimension_numbers<[1], [1], [0], [0], [0, 0, 1, 0], [], []>, transpose_lhs_hint = false} : vector<112x256xbf16>, vector<112x256xbf16>, vector<112x112xf32> -> vector<112x112xf32>
    %mul3A_3358 = arith.mulf %rsqrt3A_3348, %rsqrt3A_3348 : vector<112x1xf32>
    %mul3A_3359 = vector.broadcast %mul3A_3358 : vector<112x1xf32> to vector<112x112xf32>
    %mul3A_3360 = arith.mulf %convert_element_type3A_76, %mul3A_3359 : vector<112x112xf32>
    %add3A_3361 = arith.addf %dot_general3A_3357, %mul3A_3360 : vector<112x112xf32>
    %convert_element_type3A_3362 = arith.truncf %add3A_3361 : vector<112x112xf32> to vector<112x112xbf16>
    %slice3A_3363 = vector.extract_strided_slice %convert_element_type3A_36 {offsets = [3360, 0], sizes = [56, 128], strides = [1, 1]} : vector<3584x128xbf16> to vector<56x128xbf16>
    %slice3A_3364 = vector.extract_strided_slice %convert_element_type3A_37 {offsets = [3360, 0], sizes = [56, 128], strides = [1, 1]} : vector<3584x128xbf16> to vector<56x128xbf16>
    %concatenate3A_3365 = tpu.concatenate %slice3A_3363, %slice3A_3364 in 0 : vector<56x128xbf16>, vector<56x128xbf16> -> vector<112x128xbf16>
    %dot_general3A_3366 = arith.constant dense<0.000000e+00> : vector<112x128xf32>
    %dot_general3A_3367 = tpu.matmul %convert_element_type3A_3362, %concatenate3A_3365, %dot_general3A_3366 {dimension_numbers = #tpu.dot_dimension_numbers<[1], [0], [0], [1], [0, 0, 1, 1], [], []>, transpose_lhs_hint = false} : vector<112x112xbf16>, vector<112x128xbf16>, vector<112x128xf32> -> vector<112x128xf32>
    %slice3A_3368 = vector.extract_strided_slice %squeeze3A {offsets = [122, 0], sizes = [1, 128], strides = [1, 1]} : vector<128x128xi32> to vector<1x128xi32>
    %slice3A_3369 = vector.extract_strided_slice %squeeze3A {offsets = [123, 0], sizes = [1, 128], strides = [1, 1]} : vector<128x128xi32> to vector<1x128xi32>
    %concatenate3A_3370 = tpu.concatenate %slice3A_3368, %slice3A_3369 in 1 : vector<1x128xi32>, vector<1x128xi32> -> vector<1x256xi32>
    %slice3A_3371 = vector.extract_strided_slice %select_n3A {offsets = [0, 0], sizes = [1, 256], strides = [1, 1]} : vector<112x256xi32> to vector<1x256xi32>
    %add3A_3372 = arith.addi %concatenate3A_3370, %slice3A_3371 : vector<1x256xi32>
    %slice3A_3373 = vector.extract_strided_slice %squeeze3A_44 {offsets = [122, 0], sizes = [1, 128], strides = [1, 1]} : vector<128x128xi32> to vector<1x128xi32>
    %slice3A_3374 = vector.extract_strided_slice %squeeze3A_44 {offsets = [123, 0], sizes = [1, 128], strides = [1, 1]} : vector<128x128xi32> to vector<1x128xi32>
    %concatenate3A_3375 = tpu.concatenate %slice3A_3373, %slice3A_3374 in 1 : vector<1x128xi32>, vector<1x128xi32> -> vector<1x256xi32>
    %slice3A_3376 = vector.extract_strided_slice %select_n3A {offsets = [0, 0], sizes = [1, 256], strides = [1, 1]} : vector<112x256xi32> to vector<1x256xi32>
    %add3A_3377 = arith.addi %concatenate3A_3375, %slice3A_3376 : vector<1x256xi32>
    %eq3A_3378 = vector.broadcast %add3A_3377 : vector<1x256xi32> to vector<112x256xi32>
    %eq3A_3379 = arith.cmpi eq, %iota3A, %eq3A_3378 : vector<112x256xi32>
    %convert_element_type3A_3380 = arith.extui %eq3A_3379 : vector<112x256xi1> to vector<112x256xi32>
    %convert_element_type3A_3381 = arith.sitofp %convert_element_type3A_3380 : vector<112x256xi32> to vector<112x256xf32>
    %eq3A_3382 = vector.broadcast %add3A_3372 : vector<1x256xi32> to vector<112x256xi32>
    %eq3A_3383 = arith.cmpi eq, %select_n3A_59, %eq3A_3382 : vector<112x256xi32>
    %convert_element_type3A_3384 = arith.extui %eq3A_3383 : vector<112x256xi1> to vector<112x256xi32>
    %convert_element_type3A_3385 = arith.sitofp %convert_element_type3A_3384 : vector<112x256xi32> to vector<112x256xf32>
    %reduce_sum3A_3386 = arith.constant dense<0.000000e+00> : vector<112xf32>
    %reduce_sum3A_3387 = vector.multi_reduction <add>, %convert_element_type3A_3381, %reduce_sum3A_3386 [1] : vector<112x256xf32> to vector<112xf32>
    %broadcast_in_dim3A_3388 = vector.shape_cast %reduce_sum3A_3387 : vector<112xf32> to vector<112x1xf32>
    %add3A_3389 = arith.constant 1.000000e+00 : f32
    %add3A_3390 = vector.broadcast %add3A_3389 : f32 to vector<112x1xf32>
    %add3A_3391 = arith.addf %add3A_3390, %broadcast_in_dim3A_3388 : vector<112x1xf32>
    %eq3A_3392 = vector.broadcast %add3A_3377 : vector<1x256xi32> to vector<112x256xi32>
    %eq3A_3393 = arith.cmpi eq, %select_n3A_59, %eq3A_3392 : vector<112x256xi32>
    %convert_element_type3A_3394 = arith.extui %eq3A_3393 : vector<112x256xi1> to vector<112x256xi32>
    %convert_element_type3A_3395 = arith.sitofp %convert_element_type3A_3394 : vector<112x256xi32> to vector<112x256xf32>
    %reduce_sum3A_3396 = arith.constant dense<0.000000e+00> : vector<112xf32>
    %reduce_sum3A_3397 = vector.multi_reduction <add>, %convert_element_type3A_3395, %reduce_sum3A_3396 [1] : vector<112x256xf32> to vector<112xf32>
    %broadcast_in_dim3A_3398 = vector.shape_cast %reduce_sum3A_3397 : vector<112xf32> to vector<112x1xf32>
    %add3A_3399 = arith.constant 1.000000e+00 : f32
    %add3A_3400 = vector.broadcast %add3A_3399 : f32 to vector<112x1xf32>
    %add3A_3401 = arith.addf %add3A_3400, %broadcast_in_dim3A_3398 : vector<112x1xf32>
    %rsqrt3A_3402 = math.rsqrt %add3A_3391 : vector<112x1xf32>
    %rsqrt3A_3403 = math.rsqrt %add3A_3401 : vector<112x1xf32>
    %mul3A_3404 = vector.broadcast %rsqrt3A_3402 : vector<112x1xf32> to vector<112x256xf32>
    %mul3A_3405 = arith.mulf %convert_element_type3A_3381, %mul3A_3404 : vector<112x256xf32>
    %convert_element_type3A_3406 = arith.truncf %mul3A_3405 : vector<112x256xf32> to vector<112x256xbf16>
    %mul3A_3407 = vector.broadcast %rsqrt3A_3403 : vector<112x1xf32> to vector<112x256xf32>
    %mul3A_3408 = arith.mulf %convert_element_type3A_3385, %mul3A_3407 : vector<112x256xf32>
    %convert_element_type3A_3409 = arith.truncf %mul3A_3408 : vector<112x256xf32> to vector<112x256xbf16>
    %dot_general3A_3410 = arith.constant dense<0.000000e+00> : vector<112x112xf32>
    %dot_general3A_3411 = tpu.matmul %convert_element_type3A_3406, %convert_element_type3A_3409, %dot_general3A_3410 {dimension_numbers = #tpu.dot_dimension_numbers<[1], [1], [0], [0], [0, 0, 1, 0], [], []>, transpose_lhs_hint = false} : vector<112x256xbf16>, vector<112x256xbf16>, vector<112x112xf32> -> vector<112x112xf32>
    %mul3A_3412 = arith.mulf %rsqrt3A_3402, %rsqrt3A_3402 : vector<112x1xf32>
    %mul3A_3413 = vector.broadcast %mul3A_3412 : vector<112x1xf32> to vector<112x112xf32>
    %mul3A_3414 = arith.mulf %convert_element_type3A_76, %mul3A_3413 : vector<112x112xf32>
    %add3A_3415 = arith.addf %dot_general3A_3411, %mul3A_3414 : vector<112x112xf32>
    %convert_element_type3A_3416 = arith.truncf %add3A_3415 : vector<112x112xf32> to vector<112x112xbf16>
    %slice3A_3417 = vector.extract_strided_slice %convert_element_type3A_36 {offsets = [3416, 0], sizes = [56, 128], strides = [1, 1]} : vector<3584x128xbf16> to vector<56x128xbf16>
    %slice3A_3418 = vector.extract_strided_slice %convert_element_type3A_37 {offsets = [3416, 0], sizes = [56, 128], strides = [1, 1]} : vector<3584x128xbf16> to vector<56x128xbf16>
    %concatenate3A_3419 = tpu.concatenate %slice3A_3417, %slice3A_3418 in 0 : vector<56x128xbf16>, vector<56x128xbf16> -> vector<112x128xbf16>
    %dot_general3A_3420 = arith.constant dense<0.000000e+00> : vector<112x128xf32>
    %dot_general3A_3421 = tpu.matmul %convert_element_type3A_3416, %concatenate3A_3419, %dot_general3A_3420 {dimension_numbers = #tpu.dot_dimension_numbers<[1], [0], [0], [1], [0, 0, 1, 1], [], []>, transpose_lhs_hint = false} : vector<112x112xbf16>, vector<112x128xbf16>, vector<112x128xf32> -> vector<112x128xf32>
    %slice3A_3422 = vector.extract_strided_slice %squeeze3A {offsets = [124, 0], sizes = [1, 128], strides = [1, 1]} : vector<128x128xi32> to vector<1x128xi32>
    %slice3A_3423 = vector.extract_strided_slice %squeeze3A {offsets = [125, 0], sizes = [1, 128], strides = [1, 1]} : vector<128x128xi32> to vector<1x128xi32>
    %concatenate3A_3424 = tpu.concatenate %slice3A_3422, %slice3A_3423 in 1 : vector<1x128xi32>, vector<1x128xi32> -> vector<1x256xi32>
    %slice3A_3425 = vector.extract_strided_slice %select_n3A {offsets = [0, 0], sizes = [1, 256], strides = [1, 1]} : vector<112x256xi32> to vector<1x256xi32>
    %add3A_3426 = arith.addi %concatenate3A_3424, %slice3A_3425 : vector<1x256xi32>
    %slice3A_3427 = vector.extract_strided_slice %squeeze3A_44 {offsets = [124, 0], sizes = [1, 128], strides = [1, 1]} : vector<128x128xi32> to vector<1x128xi32>
    %slice3A_3428 = vector.extract_strided_slice %squeeze3A_44 {offsets = [125, 0], sizes = [1, 128], strides = [1, 1]} : vector<128x128xi32> to vector<1x128xi32>
    %concatenate3A_3429 = tpu.concatenate %slice3A_3427, %slice3A_3428 in 1 : vector<1x128xi32>, vector<1x128xi32> -> vector<1x256xi32>
    %slice3A_3430 = vector.extract_strided_slice %select_n3A {offsets = [0, 0], sizes = [1, 256], strides = [1, 1]} : vector<112x256xi32> to vector<1x256xi32>
    %add3A_3431 = arith.addi %concatenate3A_3429, %slice3A_3430 : vector<1x256xi32>
    %eq3A_3432 = vector.broadcast %add3A_3431 : vector<1x256xi32> to vector<112x256xi32>
    %eq3A_3433 = arith.cmpi eq, %iota3A, %eq3A_3432 : vector<112x256xi32>
    %convert_element_type3A_3434 = arith.extui %eq3A_3433 : vector<112x256xi1> to vector<112x256xi32>
    %convert_element_type3A_3435 = arith.sitofp %convert_element_type3A_3434 : vector<112x256xi32> to vector<112x256xf32>
    %eq3A_3436 = vector.broadcast %add3A_3426 : vector<1x256xi32> to vector<112x256xi32>
    %eq3A_3437 = arith.cmpi eq, %select_n3A_59, %eq3A_3436 : vector<112x256xi32>
    %convert_element_type3A_3438 = arith.extui %eq3A_3437 : vector<112x256xi1> to vector<112x256xi32>
    %convert_element_type3A_3439 = arith.sitofp %convert_element_type3A_3438 : vector<112x256xi32> to vector<112x256xf32>
    %reduce_sum3A_3440 = arith.constant dense<0.000000e+00> : vector<112xf32>
    %reduce_sum3A_3441 = vector.multi_reduction <add>, %convert_element_type3A_3435, %reduce_sum3A_3440 [1] : vector<112x256xf32> to vector<112xf32>
    %broadcast_in_dim3A_3442 = vector.shape_cast %reduce_sum3A_3441 : vector<112xf32> to vector<112x1xf32>
    %add3A_3443 = arith.constant 1.000000e+00 : f32
    %add3A_3444 = vector.broadcast %add3A_3443 : f32 to vector<112x1xf32>
    %add3A_3445 = arith.addf %add3A_3444, %broadcast_in_dim3A_3442 : vector<112x1xf32>
    %eq3A_3446 = vector.broadcast %add3A_3431 : vector<1x256xi32> to vector<112x256xi32>
    %eq3A_3447 = arith.cmpi eq, %select_n3A_59, %eq3A_3446 : vector<112x256xi32>
    %convert_element_type3A_3448 = arith.extui %eq3A_3447 : vector<112x256xi1> to vector<112x256xi32>
    %convert_element_type3A_3449 = arith.sitofp %convert_element_type3A_3448 : vector<112x256xi32> to vector<112x256xf32>
    %reduce_sum3A_3450 = arith.constant dense<0.000000e+00> : vector<112xf32>
    %reduce_sum3A_3451 = vector.multi_reduction <add>, %convert_element_type3A_3449, %reduce_sum3A_3450 [1] : vector<112x256xf32> to vector<112xf32>
    %broadcast_in_dim3A_3452 = vector.shape_cast %reduce_sum3A_3451 : vector<112xf32> to vector<112x1xf32>
    %add3A_3453 = arith.constant 1.000000e+00 : f32
    %add3A_3454 = vector.broadcast %add3A_3453 : f32 to vector<112x1xf32>
    %add3A_3455 = arith.addf %add3A_3454, %broadcast_in_dim3A_3452 : vector<112x1xf32>
    %rsqrt3A_3456 = math.rsqrt %add3A_3445 : vector<112x1xf32>
    %rsqrt3A_3457 = math.rsqrt %add3A_3455 : vector<112x1xf32>
    %mul3A_3458 = vector.broadcast %rsqrt3A_3456 : vector<112x1xf32> to vector<112x256xf32>
    %mul3A_3459 = arith.mulf %convert_element_type3A_3435, %mul3A_3458 : vector<112x256xf32>
    %convert_element_type3A_3460 = arith.truncf %mul3A_3459 : vector<112x256xf32> to vector<112x256xbf16>
    %mul3A_3461 = vector.broadcast %rsqrt3A_3457 : vector<112x1xf32> to vector<112x256xf32>
    %mul3A_3462 = arith.mulf %convert_element_type3A_3439, %mul3A_3461 : vector<112x256xf32>
    %convert_element_type3A_3463 = arith.truncf %mul3A_3462 : vector<112x256xf32> to vector<112x256xbf16>
    %dot_general3A_3464 = arith.constant dense<0.000000e+00> : vector<112x112xf32>
    %dot_general3A_3465 = tpu.matmul %convert_element_type3A_3460, %convert_element_type3A_3463, %dot_general3A_3464 {dimension_numbers = #tpu.dot_dimension_numbers<[1], [1], [0], [0], [0, 0, 1, 0], [], []>, transpose_lhs_hint = false} : vector<112x256xbf16>, vector<112x256xbf16>, vector<112x112xf32> -> vector<112x112xf32>
    %mul3A_3466 = arith.mulf %rsqrt3A_3456, %rsqrt3A_3456 : vector<112x1xf32>
    %mul3A_3467 = vector.broadcast %mul3A_3466 : vector<112x1xf32> to vector<112x112xf32>
    %mul3A_3468 = arith.mulf %convert_element_type3A_76, %mul3A_3467 : vector<112x112xf32>
    %add3A_3469 = arith.addf %dot_general3A_3465, %mul3A_3468 : vector<112x112xf32>
    %convert_element_type3A_3470 = arith.truncf %add3A_3469 : vector<112x112xf32> to vector<112x112xbf16>
    %slice3A_3471 = vector.extract_strided_slice %convert_element_type3A_36 {offsets = [3472, 0], sizes = [56, 128], strides = [1, 1]} : vector<3584x128xbf16> to vector<56x128xbf16>
    %slice3A_3472 = vector.extract_strided_slice %convert_element_type3A_37 {offsets = [3472, 0], sizes = [56, 128], strides = [1, 1]} : vector<3584x128xbf16> to vector<56x128xbf16>
    %concatenate3A_3473 = tpu.concatenate %slice3A_3471, %slice3A_3472 in 0 : vector<56x128xbf16>, vector<56x128xbf16> -> vector<112x128xbf16>
    %dot_general3A_3474 = arith.constant dense<0.000000e+00> : vector<112x128xf32>
    %dot_general3A_3475 = tpu.matmul %convert_element_type3A_3470, %concatenate3A_3473, %dot_general3A_3474 {dimension_numbers = #tpu.dot_dimension_numbers<[1], [0], [0], [1], [0, 0, 1, 1], [], []>, transpose_lhs_hint = false} : vector<112x112xbf16>, vector<112x128xbf16>, vector<112x128xf32> -> vector<112x128xf32>
    %slice3A_3476 = vector.extract_strided_slice %squeeze3A {offsets = [126, 0], sizes = [1, 128], strides = [1, 1]} : vector<128x128xi32> to vector<1x128xi32>
    %slice3A_3477 = vector.extract_strided_slice %squeeze3A {offsets = [127, 0], sizes = [1, 128], strides = [1, 1]} : vector<128x128xi32> to vector<1x128xi32>
    %concatenate3A_3478 = tpu.concatenate %slice3A_3476, %slice3A_3477 in 1 : vector<1x128xi32>, vector<1x128xi32> -> vector<1x256xi32>
    %slice3A_3479 = vector.extract_strided_slice %select_n3A {offsets = [0, 0], sizes = [1, 256], strides = [1, 1]} : vector<112x256xi32> to vector<1x256xi32>
    %add3A_3480 = arith.addi %concatenate3A_3478, %slice3A_3479 : vector<1x256xi32>
    %slice3A_3481 = vector.extract_strided_slice %squeeze3A_44 {offsets = [126, 0], sizes = [1, 128], strides = [1, 1]} : vector<128x128xi32> to vector<1x128xi32>
    %slice3A_3482 = vector.extract_strided_slice %squeeze3A_44 {offsets = [127, 0], sizes = [1, 128], strides = [1, 1]} : vector<128x128xi32> to vector<1x128xi32>
    %concatenate3A_3483 = tpu.concatenate %slice3A_3481, %slice3A_3482 in 1 : vector<1x128xi32>, vector<1x128xi32> -> vector<1x256xi32>
    %slice3A_3484 = vector.extract_strided_slice %select_n3A {offsets = [0, 0], sizes = [1, 256], strides = [1, 1]} : vector<112x256xi32> to vector<1x256xi32>
    %add3A_3485 = arith.addi %concatenate3A_3483, %slice3A_3484 : vector<1x256xi32>
    %eq3A_3486 = vector.broadcast %add3A_3485 : vector<1x256xi32> to vector<112x256xi32>
    %eq3A_3487 = arith.cmpi eq, %iota3A, %eq3A_3486 : vector<112x256xi32>
    %convert_element_type3A_3488 = arith.extui %eq3A_3487 : vector<112x256xi1> to vector<112x256xi32>
    %convert_element_type3A_3489 = arith.sitofp %convert_element_type3A_3488 : vector<112x256xi32> to vector<112x256xf32>
    %eq3A_3490 = vector.broadcast %add3A_3480 : vector<1x256xi32> to vector<112x256xi32>
    %eq3A_3491 = arith.cmpi eq, %select_n3A_59, %eq3A_3490 : vector<112x256xi32>
    %convert_element_type3A_3492 = arith.extui %eq3A_3491 : vector<112x256xi1> to vector<112x256xi32>
    %convert_element_type3A_3493 = arith.sitofp %convert_element_type3A_3492 : vector<112x256xi32> to vector<112x256xf32>
    %reduce_sum3A_3494 = arith.constant dense<0.000000e+00> : vector<112xf32>
    %reduce_sum3A_3495 = vector.multi_reduction <add>, %convert_element_type3A_3489, %reduce_sum3A_3494 [1] : vector<112x256xf32> to vector<112xf32>
    %broadcast_in_dim3A_3496 = vector.shape_cast %reduce_sum3A_3495 : vector<112xf32> to vector<112x1xf32>
    %add3A_3497 = arith.constant 1.000000e+00 : f32
    %add3A_3498 = vector.broadcast %add3A_3497 : f32 to vector<112x1xf32>
    %add3A_3499 = arith.addf %add3A_3498, %broadcast_in_dim3A_3496 : vector<112x1xf32>
    %eq3A_3500 = vector.broadcast %add3A_3485 : vector<1x256xi32> to vector<112x256xi32>
    %eq3A_3501 = arith.cmpi eq, %select_n3A_59, %eq3A_3500 : vector<112x256xi32>
    %convert_element_type3A_3502 = arith.extui %eq3A_3501 : vector<112x256xi1> to vector<112x256xi32>
    %convert_element_type3A_3503 = arith.sitofp %convert_element_type3A_3502 : vector<112x256xi32> to vector<112x256xf32>
    %reduce_sum3A_3504 = arith.constant dense<0.000000e+00> : vector<112xf32>
    %reduce_sum3A_3505 = vector.multi_reduction <add>, %convert_element_type3A_3503, %reduce_sum3A_3504 [1] : vector<112x256xf32> to vector<112xf32>
    %broadcast_in_dim3A_3506 = vector.shape_cast %reduce_sum3A_3505 : vector<112xf32> to vector<112x1xf32>
    %add3A_3507 = arith.constant 1.000000e+00 : f32
    %add3A_3508 = vector.broadcast %add3A_3507 : f32 to vector<112x1xf32>
    %add3A_3509 = arith.addf %add3A_3508, %broadcast_in_dim3A_3506 : vector<112x1xf32>
    %rsqrt3A_3510 = math.rsqrt %add3A_3499 : vector<112x1xf32>
    %rsqrt3A_3511 = math.rsqrt %add3A_3509 : vector<112x1xf32>
    %mul3A_3512 = vector.broadcast %rsqrt3A_3510 : vector<112x1xf32> to vector<112x256xf32>
    %mul3A_3513 = arith.mulf %convert_element_type3A_3489, %mul3A_3512 : vector<112x256xf32>
    %convert_element_type3A_3514 = arith.truncf %mul3A_3513 : vector<112x256xf32> to vector<112x256xbf16>
    %mul3A_3515 = vector.broadcast %rsqrt3A_3511 : vector<112x1xf32> to vector<112x256xf32>
    %mul3A_3516 = arith.mulf %convert_element_type3A_3493, %mul3A_3515 : vector<112x256xf32>
    %convert_element_type3A_3517 = arith.truncf %mul3A_3516 : vector<112x256xf32> to vector<112x256xbf16>
    %dot_general3A_3518 = arith.constant dense<0.000000e+00> : vector<112x112xf32>
    %dot_general3A_3519 = tpu.matmul %convert_element_type3A_3514, %convert_element_type3A_3517, %dot_general3A_3518 {dimension_numbers = #tpu.dot_dimension_numbers<[1], [1], [0], [0], [0, 0, 1, 0], [], []>, transpose_lhs_hint = false} : vector<112x256xbf16>, vector<112x256xbf16>, vector<112x112xf32> -> vector<112x112xf32>
    %mul3A_3520 = arith.mulf %rsqrt3A_3510, %rsqrt3A_3510 : vector<112x1xf32>
    %mul3A_3521 = vector.broadcast %mul3A_3520 : vector<112x1xf32> to vector<112x112xf32>
    %mul3A_3522 = arith.mulf %convert_element_type3A_76, %mul3A_3521 : vector<112x112xf32>
    %add3A_3523 = arith.addf %dot_general3A_3519, %mul3A_3522 : vector<112x112xf32>
    %convert_element_type3A_3524 = arith.truncf %add3A_3523 : vector<112x112xf32> to vector<112x112xbf16>
    %slice3A_3525 = vector.extract_strided_slice %convert_element_type3A_36 {offsets = [3528, 0], sizes = [56, 128], strides = [1, 1]} : vector<3584x128xbf16> to vector<56x128xbf16>
    %slice3A_3526 = vector.extract_strided_slice %convert_element_type3A_37 {offsets = [3528, 0], sizes = [56, 128], strides = [1, 1]} : vector<3584x128xbf16> to vector<56x128xbf16>
    %concatenate3A_3527 = tpu.concatenate %slice3A_3525, %slice3A_3526 in 0 : vector<56x128xbf16>, vector<56x128xbf16> -> vector<112x128xbf16>
    %dot_general3A_3528 = arith.constant dense<0.000000e+00> : vector<112x128xf32>
    %dot_general3A_3529 = tpu.matmul %convert_element_type3A_3524, %concatenate3A_3527, %dot_general3A_3528 {dimension_numbers = #tpu.dot_dimension_numbers<[1], [0], [0], [1], [0, 0, 1, 1], [], []>, transpose_lhs_hint = false} : vector<112x112xbf16>, vector<112x128xbf16>, vector<112x128xf32> -> vector<112x128xf32>
    %concatenate3A_3530 = tpu.concatenate %dot_general3A_127, %dot_general3A_181, %dot_general3A_235, %dot_general3A_289, %dot_general3A_343, %dot_general3A_397, %dot_general3A_451, %dot_general3A_505, %dot_general3A_559, %dot_general3A_613, %dot_general3A_667, %dot_general3A_721, %dot_general3A_775, %dot_general3A_829, %dot_general3A_883, %dot_general3A_937, %dot_general3A_991, %dot_general3A_1045, %dot_general3A_1099, %dot_general3A_1153, %dot_general3A_1207, %dot_general3A_1261, %dot_general3A_1315, %dot_general3A_1369, %dot_general3A_1423, %dot_general3A_1477, %dot_general3A_1531, %dot_general3A_1585, %dot_general3A_1639, %dot_general3A_1693, %dot_general3A_1747, %dot_general3A_1801, %dot_general3A_1855, %dot_general3A_1909, %dot_general3A_1963, %dot_general3A_2017, %dot_general3A_2071, %dot_general3A_2125, %dot_general3A_2179, %dot_general3A_2233, %dot_general3A_2287, %dot_general3A_2341, %dot_general3A_2395, %dot_general3A_2449, %dot_general3A_2503, %dot_general3A_2557, %dot_general3A_2611, %dot_general3A_2665, %dot_general3A_2719, %dot_general3A_2773, %dot_general3A_2827, %dot_general3A_2881, %dot_general3A_2935, %dot_general3A_2989, %dot_general3A_3043, %dot_general3A_3097, %dot_general3A_3151, %dot_general3A_3205, %dot_general3A_3259, %dot_general3A_3313, %dot_general3A_3367, %dot_general3A_3421, %dot_general3A_3475, %dot_general3A_3529 in 0 : vector<112x128xf32>, vector<112x128xf32>, vector<112x128xf32>, vector<112x128xf32>, vector<112x128xf32>, vector<112x128xf32>, vector<112x128xf32>, vector<112x128xf32>, vector<112x128xf32>, vector<112x128xf32>, vector<112x128xf32>, vector<112x128xf32>, vector<112x128xf32>, vector<112x128xf32>, vector<112x128xf32>, vector<112x128xf32>, vector<112x128xf32>, vector<112x128xf32>, vector<112x128xf32>, vector<112x128xf32>, vector<112x128xf32>, vector<112x128xf32>, vector<112x128xf32>, vector<112x128xf32>, vector<112x128xf32>, vector<112x128xf32>, vector<112x128xf32>, vector<112x128xf32>, vector<112x128xf32>, vector<112x128xf32>, vector<112x128xf32>, vector<112x128xf32>, vector<112x128xf32>, vector<112x128xf32>, vector<112x128xf32>, vector<112x128xf32>, vector<112x128xf32>, vector<112x128xf32>, vector<112x128xf32>, vector<112x128xf32>, vector<112x128xf32>, vector<112x128xf32>, vector<112x128xf32>, vector<112x128xf32>, vector<112x128xf32>, vector<112x128xf32>, vector<112x128xf32>, vector<112x128xf32>, vector<112x128xf32>, vector<112x128xf32>, vector<112x128xf32>, vector<112x128xf32>, vector<112x128xf32>, vector<112x128xf32>, vector<112x128xf32>, vector<112x128xf32>, vector<112x128xf32>, vector<112x128xf32>, vector<112x128xf32>, vector<112x128xf32>, vector<112x128xf32>, vector<112x128xf32>, vector<112x128xf32>, vector<112x128xf32> -> vector<7168x128xf32>
    %add3A_3531 = vector.broadcast %get3A_4 : vector<1x128xf32> to vector<7168x128xf32>
    %add3A_3532 = arith.addf %concatenate3A_3530, %add3A_3531 : vector<7168x128xf32>
    %reduce_sum3A_3533 = arith.constant dense<0.000000e+00> : vector<7168xf32>
    %reduce_sum3A_3534 = vector.multi_reduction <add>, %add3A_3532, %reduce_sum3A_3533 [1] : vector<7168x128xf32> to vector<7168xf32>
    %broadcast_in_dim3A_3535 = vector.shape_cast %reduce_sum3A_3534 : vector<7168xf32> to vector<7168x1xf32>
    %div3A = arith.constant 1.280000e+02 : f32
    %div3A_3536 = vector.broadcast %div3A : f32 to vector<7168x1xf32>
    %div3A_3537 = arith.divf %broadcast_in_dim3A_3535, %div3A_3536 : vector<7168x1xf32>
    %sub3A_3538 = vector.broadcast %div3A_3537 : vector<7168x1xf32> to vector<7168x128xf32>
    %sub3A_3539 = arith.subf %add3A_3532, %sub3A_3538 : vector<7168x128xf32>
    %mul3A_3540 = arith.mulf %sub3A_3539, %sub3A_3539 : vector<7168x128xf32>
    %reduce_sum3A_3541 = arith.constant dense<0.000000e+00> : vector<7168xf32>
    %reduce_sum3A_3542 = vector.multi_reduction <add>, %mul3A_3540, %reduce_sum3A_3541 [1] : vector<7168x128xf32> to vector<7168xf32>
    %broadcast_in_dim3A_3543 = vector.shape_cast %reduce_sum3A_3542 : vector<7168xf32> to vector<7168x1xf32>
    %div3A_3544 = arith.constant 1.280000e+02 : f32
    %div3A_3545 = vector.broadcast %div3A_3544 : f32 to vector<7168x1xf32>
    %div3A_3546 = arith.divf %broadcast_in_dim3A_3543, %div3A_3545 : vector<7168x1xf32>
    %add3A_3547 = arith.constant 9.99999974E-6 : f32
    %add3A_3548 = vector.broadcast %add3A_3547 : f32 to vector<7168x1xf32>
    %add3A_3549 = arith.addf %div3A_3546, %add3A_3548 : vector<7168x1xf32>
    %rsqrt3A_3550 = math.rsqrt %add3A_3549 : vector<7168x1xf32>
    %mul3A_3551 = vector.broadcast %rsqrt3A_3550 : vector<7168x1xf32> to vector<7168x128xf32>
    %mul3A_3552 = arith.mulf %sub3A_3539, %mul3A_3551 : vector<7168x128xf32>
    %mul3A_3553 = vector.broadcast %get3A_7 : vector<1x128xf32> to vector<7168x128xf32>
    %mul3A_3554 = arith.mulf %mul3A_3552, %mul3A_3553 : vector<7168x128xf32>
    %add3A_3555 = vector.broadcast %get3A_10 : vector<1x128xf32> to vector<7168x128xf32>
    %add3A_3556 = arith.addf %mul3A_3554, %add3A_3555 : vector<7168x128xf32>
    %convert_element_type3A_3557 = arith.truncf %add3A_3556 : vector<7168x128xf32> to vector<7168x128xbf16>
    %dot_general3A_3558 = arith.constant dense<0.000000e+00> : vector<7168x64xf32>
    %dot_general3A_3559 = tpu.matmul %convert_element_type3A_3557, %get3A_13, %dot_general3A_3558 {dimension_numbers = #tpu.dot_dimension_numbers<[1], [0], [0], [1], [0, 0, 1, 1], [], []>, transpose_lhs_hint = false} : vector<7168x128xbf16>, vector<128x64xbf16>, vector<7168x64xf32> -> vector<7168x64xf32>
    %add3A_3560 = vector.broadcast %get3A_16 : vector<1x64xf32> to vector<7168x64xf32>
    %add3A_3561 = arith.addf %dot_general3A_3559, %add3A_3560 : vector<7168x64xf32>
    %tanh3A = math.tanh %add3A_3561 : vector<7168x64xf32>
    %convert_element_type3A_3562 = arith.truncf %tanh3A : vector<7168x64xf32> to vector<7168x64xbf16>
    %dot_general3A_3563 = arith.constant dense<0.000000e+00> : vector<7168x1xf32>
    %dot_general3A_3564 = tpu.matmul %convert_element_type3A_3562, %get3A_19, %dot_general3A_3563 {dimension_numbers = #tpu.dot_dimension_numbers<[1], [0], [0], [1], [0, 0, 1, 1], [], []>, transpose_lhs_hint = false} : vector<7168x64xbf16>, vector<64x1xbf16>, vector<7168x1xf32> -> vector<7168x1xf32>
    %reshape3A = vector.shape_cast %dot_general3A_3564 : vector<7168x1xf32> to vector<128x56xf32>
    %iota3A_3565 = tpu.iota {dimensions = array<i32: 1>} : vector<128x56xi32>
    %lt3A_3566 = arith.constant 50 : i32
    %lt3A_3567 = vector.broadcast %lt3A_3566 : i32 to vector<128x56xi32>
    %lt3A_3568 = arith.cmpi slt, %iota3A_3565, %lt3A_3567 : vector<128x56xi32>
    %jit3A_3569 = arith.constant -1.000000e+30 : f32
    %broadcast_in_dim3A_3570 = vector.broadcast %jit3A_3569 : f32 to vector<128x56xf32>
    %select_n3A_3571 = arith.select %lt3A_3568, %reshape3A, %broadcast_in_dim3A_3570 : vector<128x56xi1>, vector<128x56xf32>
    %reduce_max3A = arith.constant dense<0xFF800000> : vector<128xf32>
    %reduce_max3A_3572 = vector.multi_reduction <maximumf>, %select_n3A_3571, %reduce_max3A [1] : vector<128x56xf32> to vector<128xf32>
    %broadcast_in_dim3A_3573 = vector.shape_cast %reduce_max3A_3572 : vector<128xf32> to vector<128x1xf32>
    %sub3A_3574 = vector.broadcast %broadcast_in_dim3A_3573 : vector<128x1xf32> to vector<128x56xf32>
    %sub3A_3575 = arith.subf %select_n3A_3571, %sub3A_3574 : vector<128x56xf32>
    %exp3A = math.exp %sub3A_3575 : vector<128x56xf32>
    %reduce_sum3A_3576 = arith.constant dense<0.000000e+00> : vector<128xf32>
    %reduce_sum3A_3577 = vector.multi_reduction <add>, %exp3A, %reduce_sum3A_3576 [1] : vector<128x56xf32> to vector<128xf32>
    %broadcast_in_dim3A_3578 = vector.shape_cast %reduce_sum3A_3577 : vector<128xf32> to vector<128x1xf32>
    %div3A_3579 = vector.broadcast %broadcast_in_dim3A_3578 : vector<128x1xf32> to vector<128x56xf32>
    %div3A_3580 = arith.divf %exp3A, %div3A_3579 : vector<128x56xf32>
    %reshape3A_3581 = vector.shape_cast %add3A_3532 : vector<7168x128xf32> to vector<128x56x128xf32>
    %slice3A_3582 = vector.extract_strided_slice %div3A_3580 {offsets = [0, 0], sizes = [128, 50], strides = [1, 1]} : vector<128x56xf32> to vector<128x50xf32>
    %slice3A_3583 = vector.extract_strided_slice %reshape3A_3581 {offsets = [0, 0, 0], sizes = [128, 50, 128], strides = [1, 1, 1]} : vector<128x56x128xf32> to vector<128x50x128xf32>
    %broadcast_in_dim3A_3584 = vector.shape_cast %slice3A_3582 : vector<128x50xf32> to vector<128x50x1xf32>
    %mul3A_3585 = vector.broadcast %broadcast_in_dim3A_3584 : vector<128x50x1xf32> to vector<128x50x128xf32>
    %mul3A_3586 = arith.mulf %slice3A_3583, %mul3A_3585 : vector<128x50x128xf32>
    %swap3A = arith.constant 0 : index
    %swap3A_3587 = arith.constant 0 : index
    %swap3A_3588 = arith.constant 0 : index
    %swap3A_3589 = vector.load %arg10[%swap3A, %swap3A_3587, %swap3A_3588] : memref<128x50x128xf32, #tpu.memory_space<vmem>>, vector<128x50x128xf32>
    tpu.vector_store %arg10[%swap3A, %swap3A_3587, %swap3A_3588], %mul3A_3586 {strides = array<i32>} : memref<128x50x128xf32, #tpu.memory_space<vmem>>, vector<128x50x128xf32>,
    %swap3A_3590 = arith.constant 0 : index
    %swap3A_3591 = arith.constant 0 : index
    %swap3A_3592 = vector.load %arg11[%swap3A_3590, %swap3A_3591] : memref<128x50xf32, #tpu.memory_space<vmem>>, vector<128x50xf32>
    tpu.vector_store %arg11[%swap3A_3590, %swap3A_3591], %slice3A_3582 {strides = array<i32>} : memref<128x50xf32, #tpu.memory_space<vmem>>, vector<128x50xf32>,
    return
  }
  func.func @transform_0(%arg0: i32) -> (i32, i32) {
    %c0_i32 = arith.constant 0 : i32
    %c0_i32_0 = arith.constant 0 : i32
    return %arg0, %c0_i32 : i32, i32
  }
  func.func @transform_1(%arg0: i32) -> (i32, i32, i32) {
    %c0_i32 = arith.constant 0 : i32
    %c0_i32_0 = arith.constant 0 : i32
    %c0_i32_1 = arith.constant 0 : i32
    return %arg0, %c0_i32, %c0_i32_0 : i32, i32, i32
  }
  func.func @transform_2(%arg0: i32) -> (i32, i32) {
    %c0_i32 = arith.constant 0 : i32
    %c0_i32_0 = arith.constant 0 : i32
    %c0_i32_1 = arith.constant 0 : i32
    return %c0_i32, %c0_i32_0 : i32, i32
  }
  func.func @transform_3(%arg0: i32) -> (i32, i32) {
    %c0_i32 = arith.constant 0 : i32
    %c0_i32_0 = arith.constant 0 : i32
    %c0_i32_1 = arith.constant 0 : i32
    return %c0_i32, %c0_i32_0 : i32, i32
  }
  func.func @transform_4(%arg0: i32) -> (i32, i32) {
    %c0_i32 = arith.constant 0 : i32
    %c0_i32_0 = arith.constant 0 : i32
    %c0_i32_1 = arith.constant 0 : i32
    return %c0_i32, %c0_i32_0 : i32, i32
  }
  func.func @transform_5(%arg0: i32) -> (i32, i32) {
    %c0_i32 = arith.constant 0 : i32
    %c0_i32_0 = arith.constant 0 : i32
    %c0_i32_1 = arith.constant 0 : i32
    return %c0_i32, %c0_i32_0 : i32, i32
  }
  func.func @transform_6(%arg0: i32) -> (i32, i32) {
    %c0_i32 = arith.constant 0 : i32
    %c0_i32_0 = arith.constant 0 : i32
    %c0_i32_1 = arith.constant 0 : i32
    return %c0_i32, %c0_i32_0 : i32, i32
  }
  func.func @transform_7(%arg0: i32) -> (i32, i32) {
    %c0_i32 = arith.constant 0 : i32
    %c0_i32_0 = arith.constant 0 : i32
    %c0_i32_1 = arith.constant 0 : i32
    return %c0_i32, %c0_i32_0 : i32, i32
  }
  func.func @transform_8(%arg0: i32) -> (i32, i32) {
    %c0_i32 = arith.constant 0 : i32
    %c0_i32_0 = arith.constant 0 : i32
    %c0_i32_1 = arith.constant 0 : i32
    return %c0_i32, %c0_i32_0 : i32, i32
  }
  func.func @transform_9(%arg0: i32) -> (i32, i32, i32) {
    %c0_i32 = arith.constant 0 : i32
    %c0_i32_0 = arith.constant 0 : i32
    %c0_i32_1 = arith.constant 0 : i32
    return %arg0, %c0_i32, %c0_i32_0 : i32, i32, i32
  }
  func.func @transform_10(%arg0: i32) -> (i32, i32) {
    %c0_i32 = arith.constant 0 : i32
    %c0_i32_0 = arith.constant 0 : i32
    return %arg0, %c0_i32 : i32, i32
  }
}

</mosaic_0001>

<sc_bundles>
// kernel: kernel.6.cloned.1.call-start
scs
__scs_entry_jumppad:
0x0: {  	(pc) =	sbr.rel $0x88, $3  }
0x1: {  	(tag) =	ssettag $0x0;
	lr =	simm.s32 $0x1  }
0x2: {  	[smem:$0x3F97] =	sst lr;
	_ =	strace $0xD0000000  }
0x3: {  	_ = 	snop  }
0x4: {  	_ = 	snop  }
0x5: {  	_ = 	snop  }
0x6: {  	_ = 	snop  }
0x7: {  	_ = 	snop  }
__scs_overlays_trampoline_lowered:
0x8: {  	[smem:$0x3FA6] =	sst s0  }
0x9: {  	[smem:$0x3FA7] =	sst s1  }
0xa: {  	[smem:$0x3FA8] =	sst s2  }
0xb: {  	[smem:$0x3FA9] =	sst s3  }
0xc: {  	[smem:$0x3FAA] =	sst s4  }
0xd: {  	[smem:$0x3FAB] =	sst s5  }
0xe: {  	[smem:$0x3FAC] =	sst s6  }
0xf: {  	[smem:$0x3FAD] =	sst s7  }
0x10: {  	[smem:$0x3FAE] =	sst s8  }
0x11: {  	[smem:$0x3FAF] =	sst s9;
	s0 =	simm.s32 @!p0 $0x0  }
0x12: {  	s1 =	sld [smem:$0x3F95];
	s0 =	simm.s32 @p0 $0x1  }
0x13: {  	[smem:$0x3FB0] =	sst s0;
	s0 =	simm.s32 @!p1 $0x0  }
0x14: {  	s2 =	sld [smem:$0x3F94];
	s0 =	simm.s32 @p1 $0x1  }
0x15: {  	[smem:$0x3FB1] =	sst s0;
	s0 =	simm.s32 @!p2 $0x0  }
0x16: {  	s3 =	sld [smem:$0x3FDB];
	s0 =	simm.s32 @p2 $0x1  }
0x17: {  	s4 =	simm.s32 $0x1BF5;
	[smem:$0x3FB3] =	sst s0  }
0x18: {  	s0 =	sld [smem:$0x3F96];
	_ =	swait.ge [sflag:s4], $0x0  }
0x19: {  	s7 =	sld [smem:$0x3F97]  }
0x1a: {  	s8 =	sadd.s32 $0xFFFFE003, lr  }
0x1b: {  	s9 =	sadd.s32 $0xFFFFFEF7, lr;
	s5 =	simm.s32 $0xFFFFFFFF;
	p2 =	slt.u32 s8, $0xFFFFF086  }
0x1c: {  	p1 =	slt.u32 s9, $0xF7A;
	s5 =	simm.s32 @!p2 $0x0  }
0x1d: {  	s5 =	simm.s32 @p1 $0x1;
	p0 =	seq.s32 s7, s2  }
0x1e: {  	s7 =	smul.u32 @!p0 $0xF7A, s2;
	p2 =	seq.s32 @!p0 s5, $0x0  }
0x1f: {  	s9 =	smul.u32 $0xF7A, s1;
	s8 =	simm.s32 @!p0 $0x1BF5;
	p2 =	por !p2, p0  }
0x20: {  	[sflag:s8] =	ssyncset.s32 @!p0 $0xFFFFF086;
	s6 =	sadd.s32 @!p0 s3, s7;
	s7 =	simm.s32 @!p0 $0x108  }
0x21: {  	s3 =	sadd.s32 s3, s9;
	s6 =	sadd.s32 @!p0 $0x88, s6;
	s7 =	simm.s32 @p2 $0x1082  }
0x22: {  	[simem:s7], [sflag:s8] =	dma.local @!p0 [hbm:s6], $0xF7A  }
0x23: {  	s9 =	sor.u32 $0xD0000000, s2;
	s6 =	simm.s32 $0x108;
	_ =	swait.ge @!p0 [sflag:s8], $0x0  }
0x24: {  	s3 =	sadd.s32 $0x88, s3;
	s6 =	simm.s32 @!p1 $0x1082;
	[sflag:s4] =	ssyncset.s32 $0xFFFFF086  }
0x25: {  	[simem:s6], [sflag:s4] =	dma.local [hbm:s3], $0xF7A  }
0x26: {  	[smem:$0x3F97] =	sst s1;
	(tag) =	ssettag s2;
	_ =	strace s9  }
0x27: {  	s1 =	sld [smem:$0x3FA7]  }
0x28: {  	s2 =	sld [smem:$0x3FA8]  }
0x29: {  	s4 =	sld [smem:$0x3FAA]  }
0x2a: {  	p0 =	seq.s32 s5, $0x0;
	s5 =	sld [smem:$0x3FAB]  }
0x2b: {  	s6 =	sld [smem:$0x3FAC]  }
0x2c: {  	s7 =	sld [smem:$0x3FAD]  }
0x2d: {  	s3 =	simm.s32 $0x108;
	s8 =	sld [smem:$0x3FAE]  }
0x2e: {  	s3 =	simm.s32 @!p0 $0x1082;
	s9 =	sld [smem:$0x3FAF]  }
0x2f: {  	lr =	sadd.s32 s0, s3;
	s0 =	sld [smem:$0x3FA6]  }
0x30: {  	s3 =	sld [smem:$0x3FA9]  }
0x31: {  	[smem:$0x3FB2] =	sst s10  }
0x32: {  	s10 =	sld [smem:$0x3FB0];
	_ =	sdelay $0x3  }
0x33: {  	p0 =	seq.s32 s10, $0x1;
	s10 =	sld [smem:$0x3FB2];
	_ =	sdelay $0x3  }
0x34: {  	[smem:$0x3FB2] =	sst s10  }
0x35: {  	s10 =	sld [smem:$0x3FB1];
	_ =	sdelay $0x3  }
0x36: {  	p1 =	seq.s32 s10, $0x1;
	s10 =	sld [smem:$0x3FB2];
	_ =	sdelay $0x3  }
0x37: {  	[smem:$0x3FB2] =	sst s10  }
0x38: {  	s10 =	sld [smem:$0x3FB3]  }
0x39: {  	_ = 	snop;
	(pc) =	sbr.ind lr, $3  }
0x3a: {  	_ = 	snop  }
0x3b: {  	_ = 	snop  }
0x3c: {  	p2 =	seq.s32 s10, $0x1;
	s10 =	sld [smem:$0x3FB2]  }
0x3d: {  	_ =	shalt  }
0x3e: {  	_ =	shalt  }
0x3f: {  	_ =	shalt  }
0x40: {  	_ =	shalt  }
0x41: {  	_ =	shalt  }
0x42: {  	_ =	shalt  }
0x43: {  	_ =	shalt  }
0x44: {  	_ =	shalt  }
0x45: {  	_ =	shalt  }
0x46: {  	_ =	shalt  }
0x47: {  	_ =	shalt  }
0x48: {  	_ =	shalt  }
0x49: {  	_ =	shalt  }
0x4a: {  	_ =	shalt  }
0x4b: {  	_ =	shalt  }
0x4c: {  	_ =	shalt  }
0x4d: {  	_ =	shalt  }
0x4e: {  	_ =	shalt  }
0x4f: {  	_ =	shalt  }
0x50: {  	_ =	shalt  }
0x51: {  	_ =	shalt  }
0x52: {  	_ =	shalt  }
0x53: {  	_ =	shalt  }
0x54: {  	_ =	shalt  }
0x55: {  	_ =	shalt  }
0x56: {  	_ =	shalt  }
0x57: {  	_ =	shalt  }
0x58: {  	_ =	shalt  }
0x59: {  	_ =	shalt  }
0x5a: {  	_ =	shalt  }
0x5b: {  	_ =	shalt  }
0x5c: {  	_ =	shalt  }
0x5d: {  	_ =	shalt  }
0x5e: {  	_ =	shalt  }
0x5f: {  	_ =	shalt  }
0x60: {  	_ =	shalt  }
0x61: {  	_ =	shalt  }
0x62: {  	_ =	shalt  }
0x63: {  	_ =	shalt  }
0x64: {  	_ =	shalt  }
0x65: {  	_ =	shalt  }
0x66: {  	_ =	shalt  }
0x67: {  	_ =	shalt  }
0x68: {  	_ =	shalt  }
0x69: {  	_ =	shalt  }
0x6a: {  	_ =	shalt  }
0x6b: {  	_ =	shalt  }
0x6c: {  	_ =	shalt  }
0x6d: {  	_ =	shalt  }
0x6e: {  	_ =	shalt  }
0x6f: {  	_ =	shalt  }
0x70: {  	_ =	shalt  }
0x71: {  	_ =	shalt  }
0x72: {  	_ =	shalt  }
0x73: {  	_ =	shalt  }
0x74: {  	_ =	shalt  }
0x75: {  	_ =	shalt  }
0x76: {  	_ =	shalt  }
0x77: {  	_ =	shalt  }
0x78: {  	_ =	shalt  }
0x79: {  	_ =	shalt  }
0x7a: {  	_ =	shalt  }
0x7b: {  	_ =	shalt  }
0x7c: {  	_ =	shalt  }
0x7d: {  	_ =	shalt  }
0x7e: {  	_ =	shalt  }
0x7f: {  	_ =	shalt  }
0x80: {  	_ =	shalt  }
0x81: {  	_ =	shalt  }
0x82: {  	_ =	shalt  }
0x83: {  	_ =	shalt  }
0x84: {  	_ =	shalt  }
0x85: {  	_ =	shalt  }
0x86: {  	_ =	shalt  }
0x87: {  	_ =	shalt  }
.Lfunc_end0:
.L_simem_size_0:
called_computation.2_lowered:
.L_overlay_start_0:
0x88: {  	s2 =	sld [smem:$0x3FD9]  }
0x89: {  	s3 =	sld [smem:$0x3FFE];
	_ =	sdelay $0x1  }
0x8a: {  	s1 =	srdreg.scid  }
0x8b: {  	s0 =	sand.u32 $0x1, s1  }
0x8c: {  	s14 =	sshll.u32 s0, $0xA;
	s2 =	sadd.s32 s3, s2  }
0x8d: {  	s2 =	sadd.s32 s2, s14  }
0x8e: {  	[smem:$0x3FBE] =	sst s2  }
0x8f: {  	_ = 	snop  }
0x90: {  	s2 =	sld [smem:$0x3FD0];
	_ =	sdelay $0x2  }
0x91: {  	s15 =	simm.s32 $0xB;
	s4 =	simm.s32 $0x10  }
0x92: {  	[smem:s4], [sflag:s15] =	dma.local [hbm:s2], $0x1  }
0x93: {  	_ =	swait.eq [sflag:s15], $0x1  }
0x94: {  	[sflag:s15] =	ssyncset.done $0x0  }
0x95: {  	[sflag:s15] =	ssyncadd.s32 $0xFFFFFFFF  }
0x96: {  	s16 =	sld [smem:$0x10];
	(tm) =	ssettm $0x1  }
0x97: {  	s17 =	sld [smem:$0x3FFB];
	_ =	sdelay $0x3  }
0x98: {  	_ =	strace s17  }
0x99: {  	s3 =	sld [smem:$0x3FFC];
	_ =	sdelay $0x3  }
0x9a: {  	_ =	strace s3  }
0x9b: {  	s3 =	sld [smem:$0x3FFD];
	_ =	sdelay $0x3  }
0x9c: {  	_ =	strace s3  }
0x9d: {  	_ =	strace $0x8FFFFFFF  }
0x9e: {  	s18 =	sld [smem:$0x3FDB];
	_ =	sdelay $0x1  }
0x9f: {  	s19 =	simm.s32 $_scs_section_size  }
0xa0: {  	s5 =	simm.s32 $_size__tile_overlayer_lowered;
	s6 =	simm.s32 $_tile_overlayer_lowered  }
0xa1: {  	s22 =	simm.s32 $0x1BFF;
	s21 =	sshll.u32 s6, $0x1;
	s3 =	sadd.s32 s19, s18  }
0xa2: {  	s7 =	simm.s32 $0x0;
	s20 =	sshll.u32 s5, $0x1;
	s5 =	sadd.s32 s21, s3  }
0xa3: {  	[timem:s7], [sflag:s22] =	dma.local [hbm:s5], s20  }
0xa4: {  	_ =	swait.ge [sflag:s22], s20  }
0xa5: {  	s4 =	ssub.s32 $0x0, s20;
	[sflag:s22] =	ssyncset.done $0x0  }
0xa6: {  	[sflag:s22] =	ssyncadd.s32 s4;
	_ =	sdelay $0x1  }
0xa7: {  	s23 =	simm.s32 $0x1B8B  }
0xa8: {  	_ =	swait.ge [sflag:s23], $0x1  }
0xa9: {  	[sflag:s23] =	ssyncset.done $0x0  }
0xaa: {  	s25 =	simm.s32 $0x1B8E;
	s24 =	sld [smem:$0x3FFE];
	[sflag:s23] =	ssyncadd.s32 $0xFFFFFFFF  }
0xab: {  	s26 =	simm.s32 $execute0_lowered;
	[smem:$0x3FD2] =	sst s25  }
0xac: {  	s5 =	sshll.u32 s26, $0x1;
	_ =	strace $0x80000049;
	[dreg:$0x1] =	wrdreg $0xFFFFFFFF  }
0xad: {  	s28 =	simm.s32 $_size_execute0_lowered;
	s3 =	sadd.s32 s3, s5;
	[dreg:$0x0] =	wrdreg $0x0  }
0xae: {  	s5 =	sshll.u32 s28, $0x1;
	[dreg:$0x2] =	wrdreg s3  }
0xaf: {  	[dreg:$0x3] =	wrdreg s5  }
0xb0: {  	[dreg:$0x4] =	wrdreg $0xC0  }
0xb1: {  	_ =	task [dreg:s7], $0x5FFFF  }
0xb2: {  	[dreg:$0x1] =	wrdreg $0xFFFFFFFF  }
0xb3: {  	[dreg:$0x0] =	wrdreg $0x60  }
0xb4: {  	[dreg:$0x2] =	wrdreg s24  }
0xb5: {  	[dreg:$0x3] =	wrdreg s16  }
0xb6: {  	[dreg:$0x4] =	wrdreg $0x9  }
0xb7: {  	_ =	task.clear_ibuf [dreg:s7], $0x5FFFF;
	_ =	strace $0x90000049  }
0xb8: {  	s29 =	simm.s32 $0x9;
	_ =	strace $0x8000004B  }
0xb9: {  	_ =	swait.ge [sflag:s29], $0x1  }
0xba: {  	[sflag:s29] =	ssyncadd.s32 $0xFFFFFFFF  }
0xbb: {  	_ =	strace $0x9000004B  }
0xbc: {  	_ =	sfence  }
0xbd: {  	s30 =	sld [smem:$0x0];
	_ =	sdelay $0x2  }
0xbe: {  	s31 =	sshll.u32 s1, $0xD;
	s1 =	sshrl.u32 s1, $0x2  }
0xbf: {  	s3 =	sand.u32 $0x4000, s31;
	s1 =	sadd.s32 s1, s30  }
0xc0: {  	s0 =	sor.u32 s3, s0;
	s1 =	sshll.u32 s1, $0x11  }
0xc1: {  	s0 =	sor.u32 s1, s0  }
0xc2: {  	s0 =	sadd.s32 $0x8F2B, s0  }
0xc3: {  	[sflag:s0] =	ssyncadd.remote.s32 $0x1  }
0xc4: {  	_ =	sfence.sel $0xFFFF  }
0xc5: {  	[dreg:$0x0] =	wrdreg $0xFFFFFFFF;
	(pc) =	sbr.abs _section_cstart, $3  }
0xc6: {  	[dreg:$0x1] =	wrdreg $0xFFFFFFFF  }
0xc7: {  	_ =	task.clear_ibuf [dreg:s7], $0x2FFFF;
	_ =	strace $0x9FFFFFFF  }
0xc8: {  	(tm) =	ssettm $0x7FFFFFFF  }
0xc9: {  	_ =	shalt  }
tec
execute0_lowered:
.L_overlay_start_1:
0x0: {  	(tag) =	ssettag $0x1  }
0x1: {  	s4 =	rddreg [dreg:$0x0]  }
0x2: {  	s1 =	srdreg.scid;
	s0 =	stileid.u32  }
0x3: {  	s7 =	rddreg [dreg:$0x1];
	s2 =	simm.s32 $0x0;
	s12 =	simm.s32 $0x4E00  }
0x4: {  	s13 =	simm.s32 $0x6E00;
	s14 =	simm.s32 $0x2;
	s15 =	simm.s32 $0x4  }
0x5: {  	s16 =	simm.s32 $0x5;
	s17 =	simm.s32 $0x6;
	s18 =	simm.s32 $0x7  }
0x6: {  	s19 =	simm.s32 $0x8;
	s20 =	simm.s32 $0x0;
	s5 =	sand.u32 $0x1, s1  }
0x7: {  	s3 =	sshll.u32 s0, $0x1;
	[smem:$0x7FF] =	sst s2;
	s10 =	smul.u32 $0x70000, s0  }
0x8: {  	s3 =	sor.u32 s5, s3;
	_ =	strace $0x8000004A;
	s11 =	smul.u32 $0x38000, s5  }
0x9: {  	s9 =	ssub.s32 $0x2, s5;
	[dreg:$0x3] =	wrdreg s12;
	s6 =	smul.u32 $0x1C0, s3  }
0xa: {  	s12 =	simm.s32 $0x1;
	s8 =	smul.u32 $0x38000, s3;
	s23 =	sshrl.u32 s9, $0x1  }
0xb: {  	s3 =	sadd.s32 $0x3200, s4;
	s24 =	ssub.s32 s9, s23;
	s26 =	sadd.s32 s11, s10  }
0xc: {  	s11 =	simm.s32 $0x2E00;
	s4 =	sadd.s32 s6, s4;
	s25 =	sshrl.u32 s8, $0x3  }
0xd: {  	s5 =	smax.u32 s24, $0x1;
	s28 =	sor.u32 $0x6000, s26;
	s10 =	sor.u32 $0x2000, s26  }
0xe: {  	s31 =	sor.u32 $0x4000, s26;
	s8 =	sshrl.u32 s26, $0x3;
	s4 =	sadd.s32 $0x18A200, s4  }
0xf: {  	s6 =	sadd.s32 s7, s25;
	s29 =	sshrl.u32 s28, $0x3;
	s8 =	sadd.s32 s8, s7  }
0x10: {  	s30 =	sshrl.u32 s10, $0x3;
	s6 =	sadd.s32 $0x6800, s6;
	[dreg:$0x4] =	wrdreg s8  }
0x11: {  	s10 =	sshrl.u32 s31, $0x3;
	s9 =	sadd.s32 s30, s7;
	[dreg:$0x6] =	wrdreg s6  }
0x12: {  	s8 =	simm.s32 $0x9;
	[dreg:$0x5] =	wrdreg s9;
	s6 =	sadd.s32 s29, s7  }
0x13: {  	s7 =	sadd.s32 s10, s7;
	s9 =	simm.s32 $0x80;
	s10 =	simm.s32 $0xE00  }
.LBB2_1:
0x14: {  	[tilespmem:s2], [sflag:$0x9] =	stream.linear.gather [hbm4b:s4+s2], $0xE00, $0x38;
	[tilespmem:$0x8E00] =	vst v63  }
0x15: {  	_ =	swait.ge [sflag:s8], $0xE00  }
0x16: {  	[sflag:s8] =	ssyncset.done $0x0  }
0x17: {  	p0 =	por $0x1, $0x1;
	[sflag:s8] =	ssyncadd.s32 $0xFFFFF200  }
0x18: {  	[tilespmem:s10], [sflag:$0x1] =	stream.indirect.gather [hbm4b:s3+s9], $0x40, s2, s9, $0xb8;
	[tilespmem:$0x8E00] =	vst v63  }
0x19: {  	s21 =	simm.s32 @!p0 $0x7  }
0x1a: {  	[tilespmem:s11], [sflag:$0x2] =	stream.indirect.gather [hbm4b:s3+s9], $0x40, s9, s9, $0xb8;
	[tilespmem:$0x8E00] =	vst v63  }
0x1b: {  	_ =	swait.ge @!p0 [sflag:s21], $0x2000  }
0x1c: {  	[sflag:s21] =	ssyncset.done @!p0 $0x0  }
0x1d: {  	s28 =	simm.s32 $0x100;
	s22 =	rddreg [dreg:$0x3];
	[sflag:s21] =	ssyncadd.s32 @!p0 $0xFFFFE000  }
0x1e: {  	[tilespmem:s22], [sflag:$0x3] =	stream.indirect.gather [hbm4b:s3+s9], $0x40, s28, s9, $0xb8;
	[tilespmem:$0x8E00] =	vst v63  }
0x1f: {  	_ =	swait.ge [sflag:s12], $0x2000  }
0x20: {  	s29 =	rddreg [dreg:$0x4];
	[sflag:s12] =	ssyncset.done $0x0  }
0x21: {  	s22 =	simm.s32 @!p0 $0x8;
	[sflag:s12] =	ssyncadd.s32 $0xFFFFE000;
	s21 =	sadd.s32 $0x0, s29  }
0x22: {  	[hbm4b:s21+s2] =	stream.linear.scatter [tilespmem:s10], [sflag:$0x5], $0x2000, $0x38;
	[tilespmem:$0x8E00] =	vst v63  }
0x23: {  	_ =	swait.ge @!p0 [sflag:s22], $0x2000  }
0x24: {  	[sflag:s22] =	ssyncset.done @!p0 $0x0  }
0x25: {  	s30 =	simm.s32 $0x180;
	[sflag:s22] =	ssyncadd.s32 @!p0 $0xFFFFE000  }
0x26: {  	[tilespmem:s13], [sflag:$0x4] =	stream.indirect.gather [hbm4b:s3+s9], $0x40, s30, s9, $0xb8;
	[tilespmem:$0x8E00] =	vst v63  }
0x27: {  	_ =	swait.ge [sflag:s14], $0x2000  }
0x28: {  	p0 =	por $0x0, $0x0;
	s31 =	rddreg [dreg:$0x5];
	[sflag:s14] =	ssyncset.done $0x0  }
0x29: {  	s22 =	simm.s32 @p0 $0x3;
	[sflag:s14] =	ssyncadd.s32 $0xFFFFE000;
	s21 =	sadd.s32 $0x0, s31  }
0x2a: {  	[hbm4b:s21+s2] =	stream.linear.scatter [tilespmem:s11], [sflag:$0x6], $0x2000, $0x38;
	[tilespmem:$0x8E00] =	vst v63  }
0x2b: {  	_ =	swait.ge @p0 [sflag:s22], $0x2000  }
0x2c: {  	s23 =	simm.s32 @p0 $0x4E00;
	s24 =	simm.s32 @!p0 $0x5;
	[sflag:s22] =	ssyncset.done @p0 $0x0  }
0x2d: {  	s21 =	rddreg [dreg:$0x6];
	[sflag:s22] =	ssyncadd.s32 @p0 $0xFFFFE000;
	s22 =	simm.s32 @p0 $0x0  }
0x2e: {  	[hbm4b:s21+s22] =	stream.linear.scatter @p0 [tilespmem:s23], [sflag:$0x7], $0x2000, $0x38;
	[tilespmem:$0x8E00] =	vst v63  }
0x2f: {  	_ =	swait.ge @!p0 [sflag:s24], $0x2000  }
0x30: {  	s25 =	simm.s32 @!p0 $0x80;
	s21 =	simm.s32 @!p0 $0xE00;
	[sflag:s24] =	ssyncset.done @!p0 $0x0  }
0x31: {  	s22 =	simm.s32 @!p0 $0x200;
	s23 =	simm.s32 @!p0 $0x3;
	[sflag:s24] =	ssyncadd.s32 @!p0 $0xFFFFE000  }
0x32: {  	[tilespmem:s21], [sflag:$0x1] =	stream.indirect.gather @!p0 [hbm4b:s3+s25], $0x40, s22, s25, $0xb8;
	[tilespmem:$0x8E00] =	vst v63  }
0x33: {  	_ =	swait.ge @!p0 [sflag:s23], $0x2000  }
0x34: {  	s26 =	simm.s32 @!p0 $0x6;
	s24 =	simm.s32 @!p0 $0x0;
	[sflag:s23] =	ssyncset.done @!p0 $0x0  }
0x35: {  	s21 =	simm.s32 @!p0 $0x4E00;
	s22 =	sadd.s32 @!p0 $0x0, s7;
	[sflag:s23] =	ssyncadd.s32 @!p0 $0xFFFFE000  }
0x36: {  	[hbm4b:s22+s24] =	stream.linear.scatter @!p0 [tilespmem:s21], [sflag:$0x7], $0x2000, $0x38;
	[tilespmem:$0x8E00] =	vst v63  }
0x37: {  	_ =	swait.ge @!p0 [sflag:s26], $0x2000  }
0x38: {  	p1 =	por $0x0, $0x0;
	[sflag:s26] =	ssyncset.done @!p0 $0x0  }
0x39: {  	s21 =	simm.s32 $0x280;
	s22 =	simm.s32 @!p0 $0x2E00;
	[sflag:s26] =	ssyncadd.s32 @!p0 $0xFFFFE000  }
0x3a: {  	[tilespmem:s22], [sflag:$0x2] =	stream.indirect.gather @!p0 [hbm4b:s3+s25], $0x40, s21, s25, $0xb8;
	[tilespmem:$0x8E00] =	vst v63  }
0x3b: {  	s23 =	simm.s32 $0x1000;
	s24 =	sadd.s32 $0x0, s6;
	s25 =	simm.s32 $0x2000  }
0x3c: {  	s21 =	sadd.s32 $0x1000, s6;
	s22 =	simm.s32 $0x480;
	_ =	swait.ge [sflag:s15], $0x2000  }
.LBB2_2:
0x3d: {  	[sflag:s15] =	ssyncset.done $0x0  }
0x3e: {  	s28 =	simm.s32 @!p1 $0x7;
	[sflag:s15] =	ssyncadd.s32 $0xFFFFE000  }
0x3f: {  	[hbm4b:s24+s2] =	stream.linear.scatter [tilespmem:s13], [sflag:$0x8], $0x2000, $0x38;
	[tilespmem:$0x8E00] =	vst v63  }
0x40: {  	_ =	swait.ge @!p1 [sflag:s28], $0x2000  }
0x41: {  	s26 =	smov.u32 s25;
	[sflag:s28] =	ssyncset.done @!p1 $0x0  }
0x42: {  	s31 =	sadd.s32 $0xFFFFFE80, s22;
	s30 =	rddreg [dreg:$0x3];
	[sflag:s28] =	ssyncadd.s32 @!p1 $0xFFFFE000  }
0x43: {  	[tilespmem:s30], [sflag:$0x3] =	stream.indirect.gather [hbm4b:s3+s9], $0x40, s31, s9, $0xb8;
	[tilespmem:$0x8E00] =	vst v63  }
0x44: {  	s29 =	sadd.s32 s26, s6;
	s24 =	smov.u32 s21;
	_ =	swait.ge [sflag:s12], $0x2000  }
0x45: {  	s21 =	smov.u32 s29;
	s1 =	rddreg [dreg:$0x4];
	[sflag:s12] =	ssyncset.done $0x0  }
0x46: {  	s29 =	simm.s32 @!p1 $0x8;
	[sflag:s12] =	ssyncadd.s32 $0xFFFFE000;
	s28 =	sadd.s32 s23, s1  }
0x47: {  	[hbm4b:s28+s2] =	stream.linear.scatter [tilespmem:s10], [sflag:$0x5], $0x2000, $0x38;
	[tilespmem:$0x8E00] =	vst v63  }
0x48: {  	_ =	swait.ge @!p1 [sflag:s29], $0x2000  }
0x49: {  	[sflag:s29] =	ssyncset.done @!p1 $0x0  }
0x4a: {  	s30 =	sadd.s32 $0xFFFFFF00, s22;
	[sflag:s29] =	ssyncadd.s32 @!p1 $0xFFFFE000  }
0x4b: {  	[tilespmem:s13], [sflag:$0x4] =	stream.indirect.gather [hbm4b:s3+s9], $0x40, s30, s9, $0xb8;
	[tilespmem:$0x8E00] =	vst v63  }
0x4c: {  	_ =	swait.ge [sflag:s14], $0x2000  }
0x4d: {  	p1 =	seq.s32 s23, $0x6000;
	s31 =	rddreg [dreg:$0x5];
	[sflag:s14] =	ssyncset.done $0x0  }
0x4e: {  	s29 =	simm.s32 @p1 $0x3;
	[sflag:s14] =	ssyncadd.s32 $0xFFFFE000;
	s28 =	sadd.s32 s23, s31  }
0x4f: {  	[hbm4b:s28+s2] =	stream.linear.scatter [tilespmem:s11], [sflag:$0x6], $0x2000, $0x38;
	[tilespmem:$0x8E00] =	vst v63  }
0x50: {  	_ =	swait.ge @p1 [sflag:s29], $0x2000  }
0x51: {  	s30 =	simm.s32 @p1 $0x4E00;
	s31 =	simm.s32 @!p1 $0x5;
	[sflag:s29] =	ssyncset.done @p1 $0x0  }
0x52: {  	s28 =	rddreg [dreg:$0x6];
	[sflag:s29] =	ssyncadd.s32 @p1 $0xFFFFE000;
	s29 =	simm.s32 @p1 $0x0  }
0x53: {  	[hbm4b:s28+s29] =	stream.linear.scatter @p1 [tilespmem:s30], [sflag:$0x7], $0x2000, $0x38;
	[tilespmem:$0x8E00] =	vst v63  }
0x54: {  	s25 =	sadd.s32 $0x1000, s25;
	_ =	swait.ge @!p1 [sflag:s31], $0x2000  }
0x55: {  	s28 =	simm.s32 @!p1 $0xE00;
	s29 =	sadd.s32 @!p1 $0xFFFFFF80, s22;
	[sflag:s31] =	ssyncset.done @!p1 $0x0  }
0x56: {  	s30 =	simm.s32 @!p1 $0x80;
	[sflag:s31] =	ssyncadd.s32 @!p1 $0xFFFFE000;
	s31 =	simm.s32 @!p1 $0x3  }
0x57: {  	[tilespmem:s28], [sflag:$0x1] =	stream.indirect.gather @!p1 [hbm4b:s3+s30], $0x40, s29, s30, $0xb8;
	[tilespmem:$0x8E00] =	vst v63  }
0x58: {  	p0 =	sne.s32 s25, $0x7000;
	_ =	swait.ge @!p1 [sflag:s31], $0x2000  }
0x59: {  	s1 =	simm.s32 @!p1 $0x0;
	s28 =	simm.s32 @!p1 $0x4E00;
	[sflag:s31] =	ssyncset.done @!p1 $0x0  }
0x5a: {  	s29 =	sadd.s32 @!p1 s23, s7;
	[sflag:s31] =	ssyncadd.s32 @!p1 $0xFFFFE000;
	s31 =	simm.s32 @!p1 $0x6  }
0x5b: {  	[hbm4b:s29+s1] =	stream.linear.scatter @!p1 [tilespmem:s28], [sflag:$0x7], $0x2000, $0x38;
	[tilespmem:$0x8E00] =	vst v63  }
.Ltmp0:
0x5c: {  	_ =	swait.ge @!p1 [sflag:s31], $0x2000;
	(pc) =	sbr.rel @p0 .LBB2_2-.Ltmp0, $4  }
0x5d: {  	[sflag:s31] =	ssyncset.done @!p1 $0x0  }
0x5e: {  	s23 =	smov.u32 s26;
	s1 =	simm.s32 @!p1 $0x2E00;
	[sflag:s31] =	ssyncadd.s32 @!p1 $0xFFFFE000  }
0x5f: {  	[tilespmem:s1], [sflag:$0x2] =	stream.indirect.gather @!p1 [hbm4b:s3+s30], $0x40, s22, s30, $0xb8;
	[tilespmem:$0x8E00] =	vst v63  }
0x60: {  	p1 =	seq.s32 s23, $0x0;
	s22 =	sadd.s32 $0x200, s22;
	_ =	swait.ge [sflag:s15], $0x2000  }
0x61: {  	[sflag:s15] =	ssyncset.done $0x0  }
0x62: {  	s1 =	simm.s32 @!p1 $0x7;
	[sflag:s15] =	ssyncadd.s32 $0xFFFFE000  }
0x63: {  	[hbm4b:s24+s2] =	stream.linear.scatter [tilespmem:s13], [sflag:$0x8], $0x2000, $0x38;
	[tilespmem:$0x8E00] =	vst v63  }
0x64: {  	_ =	swait.ge @!p1 [sflag:s1], $0x2000  }
0x65: {  	[sflag:s1] =	ssyncset.done @!p1 $0x0  }
0x66: {  	s28 =	sadd.s32 $0xFFFFFE80, s22;
	s26 =	rddreg [dreg:$0x3];
	[sflag:s1] =	ssyncadd.s32 @!p1 $0xFFFFE000  }
0x67: {  	[tilespmem:s26], [sflag:$0x3] =	stream.indirect.gather [hbm4b:s3+s9], $0x40, s28, s9, $0xb8;
	[tilespmem:$0x8E00] =	vst v63  }
0x68: {  	_ =	swait.ge [sflag:s12], $0x2000  }
0x69: {  	s29 =	rddreg [dreg:$0x4];
	[sflag:s12] =	ssyncset.done $0x0  }
0x6a: {  	s24 =	simm.s32 @!p1 $0x8;
	[sflag:s12] =	ssyncadd.s32 $0xFFFFE000;
	s1 =	sadd.s32 s23, s29  }
0x6b: {  	[hbm4b:s1+s2] =	stream.linear.scatter [tilespmem:s10], [sflag:$0x5], $0x2000, $0x38;
	[tilespmem:$0x8E00] =	vst v63  }
0x6c: {  	_ =	swait.ge @!p1 [sflag:s24], $0x2000  }
0x6d: {  	[sflag:s24] =	ssyncset.done @!p1 $0x0  }
0x6e: {  	s30 =	sadd.s32 $0xFFFFFF00, s22;
	[sflag:s24] =	ssyncadd.s32 @!p1 $0xFFFFE000  }
0x6f: {  	[tilespmem:s13], [sflag:$0x4] =	stream.indirect.gather [hbm4b:s3+s9], $0x40, s30, s9, $0xb8;
	[tilespmem:$0x8E00] =	vst v63  }
0x70: {  	_ =	swait.ge [sflag:s14], $0x2000  }
0x71: {  	p0 =	seq.s32 s23, $0x6000;
	s31 =	rddreg [dreg:$0x5];
	[sflag:s14] =	ssyncset.done $0x0  }
0x72: {  	s24 =	simm.s32 @p0 $0x3;
	[sflag:s14] =	ssyncadd.s32 $0xFFFFE000;
	s1 =	sadd.s32 s23, s31  }
0x73: {  	[hbm4b:s1+s2] =	stream.linear.scatter [tilespmem:s11], [sflag:$0x6], $0x2000, $0x38;
	[tilespmem:$0x8E00] =	vst v63  }
0x74: {  	_ =	swait.ge @p0 [sflag:s24], $0x2000  }
0x75: {  	s25 =	simm.s32 @p0 $0x4E00;
	s26 =	simm.s32 @!p0 $0x5;
	[sflag:s24] =	ssyncset.done @p0 $0x0  }
0x76: {  	s1 =	rddreg [dreg:$0x6];
	[sflag:s24] =	ssyncadd.s32 @p0 $0xFFFFE000;
	s24 =	simm.s32 @p0 $0x0  }
0x77: {  	[hbm4b:s1+s24] =	stream.linear.scatter @p0 [tilespmem:s25], [sflag:$0x7], $0x2000, $0x38;
	[tilespmem:$0x8E00] =	vst v63  }
0x78: {  	_ =	swait.ge @!p0 [sflag:s26], $0x2000  }
0x79: {  	s1 =	simm.s32 @!p0 $0xE00;
	s24 =	sadd.s32 @!p0 $0xFFFFFF80, s22;
	[sflag:s26] =	ssyncset.done @!p0 $0x0  }
0x7a: {  	s25 =	simm.s32 @!p0 $0x80;
	[sflag:s26] =	ssyncadd.s32 @!p0 $0xFFFFE000;
	s26 =	simm.s32 @!p0 $0x3  }
0x7b: {  	[tilespmem:s1], [sflag:$0x1] =	stream.indirect.gather @!p0 [hbm4b:s3+s25], $0x40, s24, s25, $0xb8;
	[tilespmem:$0x8E00] =	vst v63  }
0x7c: {  	_ =	swait.ge @!p0 [sflag:s26], $0x2000  }
0x7d: {  	s23 =	sadd.s32 @!p0 s23, s7;
	s1 =	simm.s32 @!p0 $0x4E00;
	[sflag:s26] =	ssyncset.done @!p0 $0x0  }
0x7e: {  	s24 =	simm.s32 @!p0 $0x0;
	[sflag:s26] =	ssyncadd.s32 @!p0 $0xFFFFE000;
	s26 =	simm.s32 @!p0 $0x6  }
0x7f: {  	[hbm4b:s23+s24] =	stream.linear.scatter @!p0 [tilespmem:s1], [sflag:$0x7], $0x2000, $0x38;
	[tilespmem:$0x8E00] =	vst v63  }
0x80: {  	_ =	swait.ge @!p0 [sflag:s26], $0x2000  }
0x81: {  	[sflag:s26] =	ssyncset.done @!p0 $0x0  }
0x82: {  	s1 =	simm.s32 @!p0 $0x2E00;
	[sflag:s26] =	ssyncadd.s32 @!p0 $0xFFFFE000  }
0x83: {  	[tilespmem:s1], [sflag:$0x2] =	stream.indirect.gather @!p0 [hbm4b:s3+s25], $0x40, s22, s25, $0xb8;
	[tilespmem:$0x8E00] =	vst v63  }
0x84: {  	_ =	swait.ge [sflag:s15], $0x2000  }
0x85: {  	[sflag:s15] =	ssyncset.done $0x0  }
0x86: {  	[sflag:s15] =	ssyncadd.s32 $0xFFFFE000  }
0x87: {  	[hbm4b:s21+s2] =	stream.linear.scatter [tilespmem:s13], [sflag:$0x8], $0x2000, $0x38;
	[tilespmem:$0x8E00] =	vst v63  }
0x88: {  	_ =	swait.ge [sflag:s16], $0x2000  }
0x89: {  	[sflag:s16] =	ssyncset.done $0x0  }
0x8a: {  	[sflag:s16] =	ssyncadd.s32 $0xFFFFE000  }
0x8b: {  	_ =	swait.ge [sflag:s17], $0x2000  }
0x8c: {  	[sflag:s17] =	ssyncset.done $0x0  }
0x8d: {  	s20 =	sadd.s32 $0x1, s20;
	[sflag:s17] =	ssyncadd.s32 $0xFFFFE000  }
0x8e: {  	p0 =	sne.s32 s20, s5;
	_ =	swait.ge [sflag:s18], $0x2000  }
.Ltmp1:
0x8f: {  	[sflag:s18] =	ssyncset.done $0x0;
	(pc) =	sbr.rel @p0 .LBB2_1-.Ltmp1, $4  }
0x90: {  	[sflag:s18] =	ssyncadd.s32 $0xFFFFE000  }
0x91: {  	_ =	swait.ge [sflag:s19], $0x2000  }
0x92: {  	[sflag:s19] =	ssyncset.done $0x0  }
0x93: {  	[sflag:s19] =	ssyncadd.s32 $0xFFFFE000  }
0x94: {  	_ =	sfence.sel $0x180000  }
0x95: {  	[bflag:$0x0] =	sbarrier.arrive $0xFFFF  }
0x96: {  	_ =	strace $0x9000004A  }
0x97: {  	[bflag:$0x2] =	sbarrier.arrive $0xFFFF  }
0x98: {  	p0 =	sne.s32 s0, $0x0;
	s0 =	rddreg [dreg:$0x2]  }
0x99: {  	s0 =	sadd.s32 @!p0 $0x100000, s0  }
0x9a: {  	[sflag:s0] =	ssyncadd.tile.s32 @!p0 $0x1;
	_ =	shalt  }
.Lfunc_end2:
_tile_overlayer_lowered:
.L_overlay_start_2:
0x9b: {  	(tag) =	ssettag $0x2  }
0x9c: {  	s0 =	rddreg [dreg:$0x0];
	s2 =	stileid.u32  }
0x9d: {  	s1 =	rddreg [dreg:$0x1];
	p0 =	sne.s32 s2, $0x0  }
0x9e: {  	s3 =	rddreg [dreg:$0x2];
	[bflag:$0x3] =	sbarrier.arrive $0xFFFF;
	s2 =	simm.s32 @!p0 $0x1C0A  }
0x9f: {  	[timem:s3], [sflag:s2] =	dma.local @!p0 [hbm:s0], s1  }
0xa0: {  	s0 =	simm.s32 @!p0 $0xA  }
0xa1: {  	_ =	swait.ge @!p0 [sflag:s0], s1  }
0xa2: {  	s1 =	ssub.s32 @!p0 $0x0, s1;
	[sflag:s0] =	ssyncset.done @!p0 $0x0  }
0xa3: {  	[sflag:s0] =	ssyncadd.s32 @!p0 s1  }
0xa4: {  	[bflag:$0x3] =	sbarrier.arrive $0xFFFF  }
0xa5: {  	_ =	shalt  }

// kernel: kernel.9.cloned.1.call-start
scs
__scs_entry_jumppad:
0x0: {  	(pc) =	sbr.rel $0x88, $3  }
0x1: {  	(tag) =	ssettag $0x0;
	lr =	simm.s32 $0x1  }
0x2: {  	[smem:$0x3F97] =	sst lr;
	_ =	strace $0xD0000000  }
0x3: {  	_ = 	snop  }
0x4: {  	_ = 	snop  }
0x5: {  	_ = 	snop  }
0x6: {  	_ = 	snop  }
0x7: {  	_ = 	snop  }
__scs_overlays_trampoline_lowered:
0x8: {  	[smem:$0x3FA6] =	sst s0  }
0x9: {  	[smem:$0x3FA7] =	sst s1  }
0xa: {  	[smem:$0x3FA8] =	sst s2  }
0xb: {  	[smem:$0x3FA9] =	sst s3  }
0xc: {  	[smem:$0x3FAA] =	sst s4  }
0xd: {  	[smem:$0x3FAB] =	sst s5  }
0xe: {  	[smem:$0x3FAC] =	sst s6  }
0xf: {  	[smem:$0x3FAD] =	sst s7  }
0x10: {  	[smem:$0x3FAE] =	sst s8  }
0x11: {  	[smem:$0x3FAF] =	sst s9;
	s0 =	simm.s32 @!p0 $0x0  }
0x12: {  	s1 =	sld [smem:$0x3F95];
	s0 =	simm.s32 @p0 $0x1  }
0x13: {  	[smem:$0x3FB0] =	sst s0;
	s0 =	simm.s32 @!p1 $0x0  }
0x14: {  	s2 =	sld [smem:$0x3F94];
	s0 =	simm.s32 @p1 $0x1  }
0x15: {  	[smem:$0x3FB1] =	sst s0;
	s0 =	simm.s32 @!p2 $0x0  }
0x16: {  	s3 =	sld [smem:$0x3FDB];
	s0 =	simm.s32 @p2 $0x1  }
0x17: {  	s4 =	simm.s32 $0x1BF5;
	[smem:$0x3FB3] =	sst s0  }
0x18: {  	s0 =	sld [smem:$0x3F96];
	_ =	swait.ge [sflag:s4], $0x0  }
0x19: {  	s7 =	sld [smem:$0x3F97]  }
0x1a: {  	s8 =	sadd.s32 $0xFFFFE003, lr  }
0x1b: {  	s9 =	sadd.s32 $0xFFFFFEF7, lr;
	s5 =	simm.s32 $0xFFFFFFFF;
	p2 =	slt.u32 s8, $0xFFFFF086  }
0x1c: {  	p1 =	slt.u32 s9, $0xF7A;
	s5 =	simm.s32 @!p2 $0x0  }
0x1d: {  	s5 =	simm.s32 @p1 $0x1;
	p0 =	seq.s32 s7, s2  }
0x1e: {  	s7 =	smul.u32 @!p0 $0xF7A, s2;
	p2 =	seq.s32 @!p0 s5, $0x0  }
0x1f: {  	s9 =	smul.u32 $0xF7A, s1;
	s8 =	simm.s32 @!p0 $0x1BF5;
	p2 =	por !p2, p0  }
0x20: {  	[sflag:s8] =	ssyncset.s32 @!p0 $0xFFFFF086;
	s6 =	sadd.s32 @!p0 s3, s7;
	s7 =	simm.s32 @!p0 $0x108  }
0x21: {  	s3 =	sadd.s32 s3, s9;
	s6 =	sadd.s32 @!p0 $0x88, s6;
	s7 =	simm.s32 @p2 $0x1082  }
0x22: {  	[simem:s7], [sflag:s8] =	dma.local @!p0 [hbm:s6], $0xF7A  }
0x23: {  	s9 =	sor.u32 $0xD0000000, s2;
	s6 =	simm.s32 $0x108;
	_ =	swait.ge @!p0 [sflag:s8], $0x0  }
0x24: {  	s3 =	sadd.s32 $0x88, s3;
	s6 =	simm.s32 @!p1 $0x1082;
	[sflag:s4] =	ssyncset.s32 $0xFFFFF086  }
0x25: {  	[simem:s6], [sflag:s4] =	dma.local [hbm:s3], $0xF7A  }
0x26: {  	[smem:$0x3F97] =	sst s1;
	(tag) =	ssettag s2;
	_ =	strace s9  }
0x27: {  	s1 =	sld [smem:$0x3FA7]  }
0x28: {  	s2 =	sld [smem:$0x3FA8]  }
0x29: {  	s4 =	sld [smem:$0x3FAA]  }
0x2a: {  	p0 =	seq.s32 s5, $0x0;
	s5 =	sld [smem:$0x3FAB]  }
0x2b: {  	s6 =	sld [smem:$0x3FAC]  }
0x2c: {  	s7 =	sld [smem:$0x3FAD]  }
0x2d: {  	s3 =	simm.s32 $0x108;
	s8 =	sld [smem:$0x3FAE]  }
0x2e: {  	s3 =	simm.s32 @!p0 $0x1082;
	s9 =	sld [smem:$0x3FAF]  }
0x2f: {  	lr =	sadd.s32 s0, s3;
	s0 =	sld [smem:$0x3FA6]  }
0x30: {  	s3 =	sld [smem:$0x3FA9]  }
0x31: {  	[smem:$0x3FB2] =	sst s10  }
0x32: {  	s10 =	sld [smem:$0x3FB0];
	_ =	sdelay $0x3  }
0x33: {  	p0 =	seq.s32 s10, $0x1;
	s10 =	sld [smem:$0x3FB2];
	_ =	sdelay $0x3  }
0x34: {  	[smem:$0x3FB2] =	sst s10  }
0x35: {  	s10 =	sld [smem:$0x3FB1];
	_ =	sdelay $0x3  }
0x36: {  	p1 =	seq.s32 s10, $0x1;
	s10 =	sld [smem:$0x3FB2];
	_ =	sdelay $0x3  }
0x37: {  	[smem:$0x3FB2] =	sst s10  }
0x38: {  	s10 =	sld [smem:$0x3FB3]  }
0x39: {  	_ = 	snop;
	(pc) =	sbr.ind lr, $3  }
0x3a: {  	_ = 	snop  }
0x3b: {  	_ = 	snop  }
0x3c: {  	p2 =	seq.s32 s10, $0x1;
	s10 =	sld [smem:$0x3FB2]  }
0x3d: {  	_ =	shalt  }
0x3e: {  	_ =	shalt  }
0x3f: {  	_ =	shalt  }
0x40: {  	_ =	shalt  }
0x41: {  	_ =	shalt  }
0x42: {  	_ =	shalt  }
0x43: {  	_ =	shalt  }
0x44: {  	_ =	shalt  }
0x45: {  	_ =	shalt  }
0x46: {  	_ =	shalt  }
0x47: {  	_ =	shalt  }
0x48: {  	_ =	shalt  }
0x49: {  	_ =	shalt  }
0x4a: {  	_ =	shalt  }
0x4b: {  	_ =	shalt  }
0x4c: {  	_ =	shalt  }
0x4d: {  	_ =	shalt  }
0x4e: {  	_ =	shalt  }
0x4f: {  	_ =	shalt  }
0x50: {  	_ =	shalt  }
0x51: {  	_ =	shalt  }
0x52: {  	_ =	shalt  }
0x53: {  	_ =	shalt  }
0x54: {  	_ =	shalt  }
0x55: {  	_ =	shalt  }
0x56: {  	_ =	shalt  }
0x57: {  	_ =	shalt  }
0x58: {  	_ =	shalt  }
0x59: {  	_ =	shalt  }
0x5a: {  	_ =	shalt  }
0x5b: {  	_ =	shalt  }
0x5c: {  	_ =	shalt  }
0x5d: {  	_ =	shalt  }
0x5e: {  	_ =	shalt  }
0x5f: {  	_ =	shalt  }
0x60: {  	_ =	shalt  }
0x61: {  	_ =	shalt  }
0x62: {  	_ =	shalt  }
0x63: {  	_ =	shalt  }
0x64: {  	_ =	shalt  }
0x65: {  	_ =	shalt  }
0x66: {  	_ =	shalt  }
0x67: {  	_ =	shalt  }
0x68: {  	_ =	shalt  }
0x69: {  	_ =	shalt  }
0x6a: {  	_ =	shalt  }
0x6b: {  	_ =	shalt  }
0x6c: {  	_ =	shalt  }
0x6d: {  	_ =	shalt  }
0x6e: {  	_ =	shalt  }
0x6f: {  	_ =	shalt  }
0x70: {  	_ =	shalt  }
0x71: {  	_ =	shalt  }
0x72: {  	_ =	shalt  }
0x73: {  	_ =	shalt  }
0x74: {  	_ =	shalt  }
0x75: {  	_ =	shalt  }
0x76: {  	_ =	shalt  }
0x77: {  	_ =	shalt  }
0x78: {  	_ =	shalt  }
0x79: {  	_ =	shalt  }
0x7a: {  	_ =	shalt  }
0x7b: {  	_ =	shalt  }
0x7c: {  	_ =	shalt  }
0x7d: {  	_ =	shalt  }
0x7e: {  	_ =	shalt  }
0x7f: {  	_ =	shalt  }
0x80: {  	_ =	shalt  }
0x81: {  	_ =	shalt  }
0x82: {  	_ =	shalt  }
0x83: {  	_ =	shalt  }
0x84: {  	_ =	shalt  }
0x85: {  	_ =	shalt  }
0x86: {  	_ =	shalt  }
0x87: {  	_ =	shalt  }
.Lfunc_end0:
.L_simem_size_0:
called_computation.3_lowered:
.L_overlay_start_0:
0x88: {  	s2 =	sld [smem:$0x3FD9]  }
0x89: {  	s3 =	sld [smem:$0x3FFE];
	_ =	sdelay $0x1  }
0x8a: {  	s1 =	srdreg.scid  }
0x8b: {  	s0 =	sand.u32 $0x1, s1  }
0x8c: {  	s15 =	sshll.u32 s0, $0xA;
	s2 =	sadd.s32 s3, s2  }
0x8d: {  	s2 =	sadd.s32 s2, s15  }
0x8e: {  	[smem:$0x3FBE] =	sst s2  }
0x8f: {  	_ = 	snop  }
0x90: {  	s2 =	sld [smem:$0x3FD0];
	_ =	sdelay $0x2  }
0x91: {  	s16 =	simm.s32 $0xB;
	s4 =	simm.s32 $0x10  }
0x92: {  	[smem:s4], [sflag:s16] =	dma.local [hbm:s2], $0x1  }
0x93: {  	_ =	swait.eq [sflag:s16], $0x1  }
0x94: {  	[sflag:s16] =	ssyncset.done $0x0  }
0x95: {  	[sflag:s16] =	ssyncadd.s32 $0xFFFFFFFF  }
0x96: {  	s17 =	sld [smem:$0x11];
	(tm) =	ssettm $0x1  }
0x97: {  	s18 =	sld [smem:$0x3FFB];
	_ =	sdelay $0x3  }
0x98: {  	_ =	strace s18  }
0x99: {  	s2 =	sld [smem:$0x3FFC];
	_ =	sdelay $0x3  }
0x9a: {  	_ =	strace s2  }
0x9b: {  	s2 =	sld [smem:$0x3FFD];
	_ =	sdelay $0x3  }
0x9c: {  	_ =	strace s2  }
0x9d: {  	_ =	strace $0x8FFFFFFF  }
0x9e: {  	s19 =	sld [smem:$0x3FDB];
	_ =	sdelay $0x1  }
0x9f: {  	s20 =	simm.s32 $_scs_section_size  }
0xa0: {  	s5 =	simm.s32 $_size__tile_overlayer_lowered;
	s6 =	simm.s32 $_tile_overlayer_lowered  }
0xa1: {  	s7 =	simm.s32 $0x1BFF;
	s21 =	sshll.u32 s6, $0x1;
	s4 =	sadd.s32 s20, s19  }
0xa2: {  	s22 =	simm.s32 $0x0;
	s5 =	sshll.u32 s5, $0x1;
	s6 =	sadd.s32 s21, s4  }
0xa3: {  	[timem:s22], [sflag:s7] =	dma.local [hbm:s6], s5  }
0xa4: {  	_ =	swait.ge [sflag:s7], s5  }
0xa5: {  	s5 =	ssub.s32 $0x0, s5;
	[sflag:s7] =	ssyncset.done $0x0  }
0xa6: {  	[sflag:s7] =	ssyncadd.s32 s5;
	_ =	sdelay $0x1  }
0xa7: {  	s23 =	simm.s32 $0x1B8B  }
0xa8: {  	_ =	swait.ge [sflag:s23], $0x1  }
0xa9: {  	[sflag:s23] =	ssyncset.done $0x0  }
0xaa: {  	[sflag:s23] =	ssyncadd.s32 $0xFFFFFFFF  }
0xab: {  	s5 =	sld [smem:$0x0]  }
0xac: {  	s6 =	sand.u32 $0xFFFFFFFE, s1  }
0xad: {  	p0 =	sne.s32 s1, s6  }
0xae: {  	s6 =	sshll.u32 @p0 s6, $0xE  }
0xaf: {  	s6 =	sadd.s32 @p0 $0x11B8D, s6;
	s7 =	sshll.u32 @p0 s5, $0x11  }
0xb0: {  	s6 =	sor.u32 @p0 s7, s6  }
0xb1: {  	[sflag:s6] =	ssyncadd.remote.s32 @p0 $0x1;
	_ =	sdelay $0x1  }
0xb2: {  	s6 =	simm.s32 @p0 $0x1B8D  }
0xb3: {  	_ =	swait.eq @p0 [sflag:s6], $0x1  }
0xb4: {  	[sflag:s6] =	ssyncadd.s32 @p0 $0xFFFFFFFF  }
0xb5: {  	s7 =	sshll.u32 @!p0 s1, $0xE  }
0xb6: {  	s7 =	sor.u32 @!p0 $0x4000, s7;
	s6 =	simm.s32 @!p0 $0x1B8D  }
0xb7: {  	s5 =	sshll.u32 @!p0 s5, $0x11;
	s7 =	sadd.s32 @!p0 $0x11B8D, s7;
	_ =	swait.eq @!p0 [sflag:s6], $0x1  }
0xb8: {  	s5 =	sor.u32 @!p0 s5, s7;
	[sflag:s6] =	ssyncadd.s32 @!p0 $0xFFFFFFFF  }
0xb9: {  	s25 =	simm.s32 $0x1B8E;
	s24 =	sld [smem:$0x3FFE];
	[sflag:s5] =	ssyncadd.remote.s32 @!p0 $0x1  }
0xba: {  	s26 =	simm.s32 $execute0_lowered;
	[smem:$0x3FD2] =	sst s25  }
0xbb: {  	s6 =	sshll.u32 s26, $0x1;
	_ =	strace $0x8000004C;
	[dreg:$0x1] =	wrdreg $0xFFFFFFFF  }
0xbc: {  	s28 =	simm.s32 $_size_execute0_lowered;
	s4 =	sadd.s32 s4, s6;
	[dreg:$0x0] =	wrdreg $0x0  }
0xbd: {  	s6 =	sshll.u32 s28, $0x1;
	[dreg:$0x2] =	wrdreg s4  }
0xbe: {  	[dreg:$0x3] =	wrdreg s6  }
0xbf: {  	[dreg:$0x4] =	wrdreg $0xC0  }
0xc0: {  	_ =	task [dreg:s22], $0x5FFFF  }
0xc1: {  	[dreg:$0x1] =	wrdreg $0xFFFFFFFF  }
0xc2: {  	[dreg:$0x0] =	wrdreg $0x60  }
0xc3: {  	[dreg:$0x2] =	wrdreg s24  }
0xc4: {  	[dreg:$0x3] =	wrdreg s17  }
0xc5: {  	[dreg:$0x4] =	wrdreg $0xA  }
0xc6: {  	_ =	task.clear_ibuf [dreg:s22], $0x5FFFF;
	_ =	strace $0x9000004C  }
0xc7: {  	s29 =	simm.s32 $0xA;
	_ =	strace $0x8000004E  }
0xc8: {  	_ =	swait.ge [sflag:s29], $0x1  }
0xc9: {  	[sflag:s29] =	ssyncadd.s32 $0xFFFFFFFF  }
0xca: {  	_ =	strace $0x9000004E  }
0xcb: {  	_ =	sfence  }
0xcc: {  	s30 =	sld [smem:$0x0];
	_ =	sdelay $0x2  }
0xcd: {  	s31 =	sshll.u32 s1, $0xD;
	s1 =	sshrl.u32 s1, $0x2  }
0xce: {  	s4 =	sand.u32 $0x4000, s31;
	s1 =	sadd.s32 s1, s30  }
0xcf: {  	s0 =	sor.u32 s4, s0;
	s1 =	sshll.u32 s1, $0x11  }
0xd0: {  	s0 =	sor.u32 s1, s0  }
0xd1: {  	s0 =	sadd.s32 $0x8F2B, s0  }
0xd2: {  	[sflag:s0] =	ssyncadd.remote.s32 $0x1  }
0xd3: {  	_ =	sfence.sel $0xFFFF  }
0xd4: {  	[dreg:$0x0] =	wrdreg $0xFFFFFFFF;
	(pc) =	sbr.abs _section_cstart, $3  }
0xd5: {  	[dreg:$0x1] =	wrdreg $0xFFFFFFFF  }
0xd6: {  	_ =	task.clear_ibuf [dreg:s22], $0x2FFFF;
	_ =	strace $0x9FFFFFFF  }
0xd7: {  	(tm) =	ssettm $0x7FFFFFFF  }
tec
execute0_lowered:
.L_overlay_start_1:
0x0: {  	(tag) =	ssettag $0x1  }
0x1: {  	s4 =	rddreg [dreg:$0x0]  }
0x2: {  	s1 =	srdreg.scid;
	s0 =	stileid.u32  }
0x3: {  	s5 =	rddreg [dreg:$0x1];
	s2 =	simm.s32 $0x0;
	s12 =	simm.s32 $0x4E00  }
0x4: {  	s13 =	simm.s32 $0x6E00;
	s14 =	simm.s32 $0x2;
	s15 =	simm.s32 $0x4  }
0x5: {  	s16 =	simm.s32 $0x5;
	s17 =	simm.s32 $0x6;
	s18 =	simm.s32 $0x7  }
0x6: {  	s19 =	simm.s32 $0x8;
	s20 =	simm.s32 $0x0;
	s6 =	sand.u32 $0x1, s1  }
0x7: {  	s3 =	sshll.u32 s0, $0x1;
	[smem:$0x7FF] =	sst s2;
	s10 =	smul.u32 $0x70000, s0  }
0x8: {  	s11 =	sadd.s32 $0x18DA00, s4;
	s3 =	sor.u32 s6, s3;
	_ =	strace $0x8000004D  }
0x9: {  	s9 =	ssub.s32 $0x2, s6;
	s6 =	smul.u32 $0x38000, s6;
	[dreg:$0x3] =	wrdreg s12  }
0xa: {  	s12 =	simm.s32 $0x1;
	s7 =	smul.u32 $0x1C0, s3;
	s23 =	sshrl.u32 s9, $0x1  }
0xb: {  	s8 =	smul.u32 $0x38000, s3;
	s3 =	sadd.s32 $0x3200, s4;
	s9 =	ssub.s32 s9, s23  }
0xc: {  	s6 =	sadd.s32 s6, s10;
	s10 =	simm.s32 $0xE00;
	s4 =	sadd.s32 s5, s7  }
0xd: {  	s24 =	sshrl.u32 s8, $0x3;
	s5 =	smax.u32 s9, $0x1;
	s25 =	sor.u32 $0x6000, s6  }
0xe: {  	s26 =	sor.u32 $0x2000, s6;
	s30 =	sor.u32 $0x4000, s6;
	s6 =	sshrl.u32 s6, $0x3  }
0xf: {  	s7 =	sadd.s32 s11, s24;
	s28 =	sshrl.u32 s25, $0x3;
	s31 =	sadd.s32 s6, s11  }
0x10: {  	s29 =	sshrl.u32 s26, $0x3;
	s7 =	sadd.s32 $0x6800, s7;
	[dreg:$0x4] =	wrdreg s31  }
0x11: {  	s9 =	sshrl.u32 s30, $0x3;
	s8 =	sadd.s32 s29, s11;
	[dreg:$0x6] =	wrdreg s7  }
0x12: {  	s6 =	sadd.s32 s28, s11;
	[dreg:$0x5] =	wrdreg s8;
	s7 =	sadd.s32 s9, s11  }
0x13: {  	s8 =	simm.s32 $0x9;
	s9 =	simm.s32 $0x80;
	s11 =	simm.s32 $0x2E00  }
.LBB2_1:
0x14: {  	[tilespmem:s2], [sflag:$0x9] =	stream.linear.gather [hbm4b:s4+s2], $0xE00, $0x38;
	[tilespmem:$0x8E00] =	vst v63  }
0x15: {  	_ =	swait.ge [sflag:s8], $0xE00  }
0x16: {  	[sflag:s8] =	ssyncset.done $0x0  }
0x17: {  	p0 =	por $0x1, $0x1;
	[sflag:s8] =	ssyncadd.s32 $0xFFFFF200  }
0x18: {  	[tilespmem:s10], [sflag:$0x1] =	stream.indirect.gather [hbm4b:s3+s9], $0x40, s2, s9, $0xb8;
	[tilespmem:$0x8E00] =	vst v63  }
0x19: {  	s21 =	simm.s32 @!p0 $0x7  }
0x1a: {  	[tilespmem:s11], [sflag:$0x2] =	stream.indirect.gather [hbm4b:s3+s9], $0x40, s9, s9, $0xb8;
	[tilespmem:$0x8E00] =	vst v63  }
0x1b: {  	_ =	swait.ge @!p0 [sflag:s21], $0x2000  }
0x1c: {  	[sflag:s21] =	ssyncset.done @!p0 $0x0  }
0x1d: {  	s28 =	simm.s32 $0x100;
	s22 =	rddreg [dreg:$0x3];
	[sflag:s21] =	ssyncadd.s32 @!p0 $0xFFFFE000  }
0x1e: {  	[tilespmem:s22], [sflag:$0x3] =	stream.indirect.gather [hbm4b:s3+s9], $0x40, s28, s9, $0xb8;
	[tilespmem:$0x8E00] =	vst v63  }
0x1f: {  	_ =	swait.ge [sflag:s12], $0x2000  }
0x20: {  	s29 =	rddreg [dreg:$0x4];
	[sflag:s12] =	ssyncset.done $0x0  }
0x21: {  	s22 =	simm.s32 @!p0 $0x8;
	[sflag:s12] =	ssyncadd.s32 $0xFFFFE000;
	s21 =	sadd.s32 $0x0, s29  }
0x22: {  	[hbm4b:s21+s2] =	stream.linear.scatter [tilespmem:s10], [sflag:$0x5], $0x2000, $0x38;
	[tilespmem:$0x8E00] =	vst v63  }
0x23: {  	_ =	swait.ge @!p0 [sflag:s22], $0x2000  }
0x24: {  	[sflag:s22] =	ssyncset.done @!p0 $0x0  }
0x25: {  	s30 =	simm.s32 $0x180;
	[sflag:s22] =	ssyncadd.s32 @!p0 $0xFFFFE000  }
0x26: {  	[tilespmem:s13], [sflag:$0x4] =	stream.indirect.gather [hbm4b:s3+s9], $0x40, s30, s9, $0xb8;
	[tilespmem:$0x8E00] =	vst v63  }
0x27: {  	_ =	swait.ge [sflag:s14], $0x2000  }
0x28: {  	p0 =	por $0x0, $0x0;
	s31 =	rddreg [dreg:$0x5];
	[sflag:s14] =	ssyncset.done $0x0  }
0x29: {  	s22 =	simm.s32 @p0 $0x3;
	[sflag:s14] =	ssyncadd.s32 $0xFFFFE000;
	s21 =	sadd.s32 $0x0, s31  }
0x2a: {  	[hbm4b:s21+s2] =	stream.linear.scatter [tilespmem:s11], [sflag:$0x6], $0x2000, $0x38;
	[tilespmem:$0x8E00] =	vst v63  }
0x2b: {  	_ =	swait.ge @p0 [sflag:s22], $0x2000  }
0x2c: {  	s23 =	simm.s32 @p0 $0x4E00;
	s24 =	simm.s32 @!p0 $0x5;
	[sflag:s22] =	ssyncset.done @p0 $0x0  }
0x2d: {  	s21 =	rddreg [dreg:$0x6];
	[sflag:s22] =	ssyncadd.s32 @p0 $0xFFFFE000;
	s22 =	simm.s32 @p0 $0x0  }
0x2e: {  	[hbm4b:s21+s22] =	stream.linear.scatter @p0 [tilespmem:s23], [sflag:$0x7], $0x2000, $0x38;
	[tilespmem:$0x8E00] =	vst v63  }
0x2f: {  	_ =	swait.ge @!p0 [sflag:s24], $0x2000  }
0x30: {  	s25 =	simm.s32 @!p0 $0x80;
	s21 =	simm.s32 @!p0 $0xE00;
	[sflag:s24] =	ssyncset.done @!p0 $0x0  }
0x31: {  	s22 =	simm.s32 @!p0 $0x200;
	s23 =	simm.s32 @!p0 $0x3;
	[sflag:s24] =	ssyncadd.s32 @!p0 $0xFFFFE000  }
0x32: {  	[tilespmem:s21], [sflag:$0x1] =	stream.indirect.gather @!p0 [hbm4b:s3+s25], $0x40, s22, s25, $0xb8;
	[tilespmem:$0x8E00] =	vst v63  }
0x33: {  	_ =	swait.ge @!p0 [sflag:s23], $0x2000  }
0x34: {  	s26 =	simm.s32 @!p0 $0x6;
	s24 =	simm.s32 @!p0 $0x0;
	[sflag:s23] =	ssyncset.done @!p0 $0x0  }
0x35: {  	s21 =	simm.s32 @!p0 $0x4E00;
	s22 =	sadd.s32 @!p0 $0x0, s7;
	[sflag:s23] =	ssyncadd.s32 @!p0 $0xFFFFE000  }
0x36: {  	[hbm4b:s22+s24] =	stream.linear.scatter @!p0 [tilespmem:s21], [sflag:$0x7], $0x2000, $0x38;
	[tilespmem:$0x8E00] =	vst v63  }
0x37: {  	_ =	swait.ge @!p0 [sflag:s26], $0x2000  }
0x38: {  	p1 =	por $0x0, $0x0;
	[sflag:s26] =	ssyncset.done @!p0 $0x0  }
0x39: {  	s21 =	simm.s32 $0x280;
	s22 =	simm.s32 @!p0 $0x2E00;
	[sflag:s26] =	ssyncadd.s32 @!p0 $0xFFFFE000  }
0x3a: {  	[tilespmem:s22], [sflag:$0x2] =	stream.indirect.gather @!p0 [hbm4b:s3+s25], $0x40, s21, s25, $0xb8;
	[tilespmem:$0x8E00] =	vst v63  }
0x3b: {  	s23 =	simm.s32 $0x1000;
	s24 =	sadd.s32 $0x0, s6;
	s25 =	simm.s32 $0x2000  }
0x3c: {  	s21 =	sadd.s32 $0x1000, s6;
	s22 =	simm.s32 $0x480;
	_ =	swait.ge [sflag:s15], $0x2000  }
.LBB2_2:
0x3d: {  	[sflag:s15] =	ssyncset.done $0x0  }
0x3e: {  	s28 =	simm.s32 @!p1 $0x7;
	[sflag:s15] =	ssyncadd.s32 $0xFFFFE000  }
0x3f: {  	[hbm4b:s24+s2] =	stream.linear.scatter [tilespmem:s13], [sflag:$0x8], $0x2000, $0x38;
	[tilespmem:$0x8E00] =	vst v63  }
0x40: {  	_ =	swait.ge @!p1 [sflag:s28], $0x2000  }
0x41: {  	s26 =	smov.u32 s25;
	[sflag:s28] =	ssyncset.done @!p1 $0x0  }
0x42: {  	s31 =	sadd.s32 $0xFFFFFE80, s22;
	s30 =	rddreg [dreg:$0x3];
	[sflag:s28] =	ssyncadd.s32 @!p1 $0xFFFFE000  }
0x43: {  	[tilespmem:s30], [sflag:$0x3] =	stream.indirect.gather [hbm4b:s3+s9], $0x40, s31, s9, $0xb8;
	[tilespmem:$0x8E00] =	vst v63  }
0x44: {  	s29 =	sadd.s32 s26, s6;
	s24 =	smov.u32 s21;
	_ =	swait.ge [sflag:s12], $0x2000  }
0x45: {  	s21 =	smov.u32 s29;
	s1 =	rddreg [dreg:$0x4];
	[sflag:s12] =	ssyncset.done $0x0  }
0x46: {  	s29 =	simm.s32 @!p1 $0x8;
	[sflag:s12] =	ssyncadd.s32 $0xFFFFE000;
	s28 =	sadd.s32 s23, s1  }
0x47: {  	[hbm4b:s28+s2] =	stream.linear.scatter [tilespmem:s10], [sflag:$0x5], $0x2000, $0x38;
	[tilespmem:$0x8E00] =	vst v63  }
0x48: {  	_ =	swait.ge @!p1 [sflag:s29], $0x2000  }
0x49: {  	[sflag:s29] =	ssyncset.done @!p1 $0x0  }
0x4a: {  	s30 =	sadd.s32 $0xFFFFFF00, s22;
	[sflag:s29] =	ssyncadd.s32 @!p1 $0xFFFFE000  }
0x4b: {  	[tilespmem:s13], [sflag:$0x4] =	stream.indirect.gather [hbm4b:s3+s9], $0x40, s30, s9, $0xb8;
	[tilespmem:$0x8E00] =	vst v63  }
0x4c: {  	_ =	swait.ge [sflag:s14], $0x2000  }
0x4d: {  	p1 =	seq.s32 s23, $0x6000;
	s31 =	rddreg [dreg:$0x5];
	[sflag:s14] =	ssyncset.done $0x0  }
0x4e: {  	s29 =	simm.s32 @p1 $0x3;
	[sflag:s14] =	ssyncadd.s32 $0xFFFFE000;
	s28 =	sadd.s32 s23, s31  }
0x4f: {  	[hbm4b:s28+s2] =	stream.linear.scatter [tilespmem:s11], [sflag:$0x6], $0x2000, $0x38;
	[tilespmem:$0x8E00] =	vst v63  }
0x50: {  	_ =	swait.ge @p1 [sflag:s29], $0x2000  }
0x51: {  	s30 =	simm.s32 @p1 $0x4E00;
	s31 =	simm.s32 @!p1 $0x5;
	[sflag:s29] =	ssyncset.done @p1 $0x0  }
0x52: {  	s28 =	rddreg [dreg:$0x6];
	[sflag:s29] =	ssyncadd.s32 @p1 $0xFFFFE000;
	s29 =	simm.s32 @p1 $0x0  }
0x53: {  	[hbm4b:s28+s29] =	stream.linear.scatter @p1 [tilespmem:s30], [sflag:$0x7], $0x2000, $0x38;
	[tilespmem:$0x8E00] =	vst v63  }
0x54: {  	s25 =	sadd.s32 $0x1000, s25;
	_ =	swait.ge @!p1 [sflag:s31], $0x2000  }
0x55: {  	s28 =	simm.s32 @!p1 $0xE00;
	s29 =	sadd.s32 @!p1 $0xFFFFFF80, s22;
	[sflag:s31] =	ssyncset.done @!p1 $0x0  }
0x56: {  	s30 =	simm.s32 @!p1 $0x80;
	[sflag:s31] =	ssyncadd.s32 @!p1 $0xFFFFE000;
	s31 =	simm.s32 @!p1 $0x3  }
0x57: {  	[tilespmem:s28], [sflag:$0x1] =	stream.indirect.gather @!p1 [hbm4b:s3+s30], $0x40, s29, s30, $0xb8;
	[tilespmem:$0x8E00] =	vst v63  }
0x58: {  	p0 =	sne.s32 s25, $0x7000;
	_ =	swait.ge @!p1 [sflag:s31], $0x2000  }
0x59: {  	s1 =	simm.s32 @!p1 $0x0;
	s28 =	simm.s32 @!p1 $0x4E00;
	[sflag:s31] =	ssyncset.done @!p1 $0x0  }
0x5a: {  	s29 =	sadd.s32 @!p1 s23, s7;
	[sflag:s31] =	ssyncadd.s32 @!p1 $0xFFFFE000;
	s31 =	simm.s32 @!p1 $0x6  }
0x5b: {  	[hbm4b:s29+s1] =	stream.linear.scatter @!p1 [tilespmem:s28], [sflag:$0x7], $0x2000, $0x38;
	[tilespmem:$0x8E00] =	vst v63  }
.Ltmp0:
0x5c: {  	_ =	swait.ge @!p1 [sflag:s31], $0x2000;
	(pc) =	sbr.rel @p0 .LBB2_2-.Ltmp0, $4  }
0x5d: {  	[sflag:s31] =	ssyncset.done @!p1 $0x0  }
0x5e: {  	s23 =	smov.u32 s26;
	s1 =	simm.s32 @!p1 $0x2E00;
	[sflag:s31] =	ssyncadd.s32 @!p1 $0xFFFFE000  }
0x5f: {  	[tilespmem:s1], [sflag:$0x2] =	stream.indirect.gather @!p1 [hbm4b:s3+s30], $0x40, s22, s30, $0xb8;
	[tilespmem:$0x8E00] =	vst v63  }
0x60: {  	p1 =	seq.s32 s23, $0x0;
	s22 =	sadd.s32 $0x200, s22;
	_ =	swait.ge [sflag:s15], $0x2000  }
0x61: {  	[sflag:s15] =	ssyncset.done $0x0  }
0x62: {  	s1 =	simm.s32 @!p1 $0x7;
	[sflag:s15] =	ssyncadd.s32 $0xFFFFE000  }
0x63: {  	[hbm4b:s24+s2] =	stream.linear.scatter [tilespmem:s13], [sflag:$0x8], $0x2000, $0x38;
	[tilespmem:$0x8E00] =	vst v63  }
0x64: {  	_ =	swait.ge @!p1 [sflag:s1], $0x2000  }
0x65: {  	[sflag:s1] =	ssyncset.done @!p1 $0x0  }
0x66: {  	s28 =	sadd.s32 $0xFFFFFE80, s22;
	s26 =	rddreg [dreg:$0x3];
	[sflag:s1] =	ssyncadd.s32 @!p1 $0xFFFFE000  }
0x67: {  	[tilespmem:s26], [sflag:$0x3] =	stream.indirect.gather [hbm4b:s3+s9], $0x40, s28, s9, $0xb8;
	[tilespmem:$0x8E00] =	vst v63  }
0x68: {  	_ =	swait.ge [sflag:s12], $0x2000  }
0x69: {  	s29 =	rddreg [dreg:$0x4];
	[sflag:s12] =	ssyncset.done $0x0  }
0x6a: {  	s24 =	simm.s32 @!p1 $0x8;
	[sflag:s12] =	ssyncadd.s32 $0xFFFFE000;
	s1 =	sadd.s32 s23, s29  }
0x6b: {  	[hbm4b:s1+s2] =	stream.linear.scatter [tilespmem:s10], [sflag:$0x5], $0x2000, $0x38;
	[tilespmem:$0x8E00] =	vst v63  }
0x6c: {  	_ =	swait.ge @!p1 [sflag:s24], $0x2000  }
0x6d: {  	[sflag:s24] =	ssyncset.done @!p1 $0x0  }
0x6e: {  	s30 =	sadd.s32 $0xFFFFFF00, s22;
	[sflag:s24] =	ssyncadd.s32 @!p1 $0xFFFFE000  }
0x6f: {  	[tilespmem:s13], [sflag:$0x4] =	stream.indirect.gather [hbm4b:s3+s9], $0x40, s30, s9, $0xb8;
	[tilespmem:$0x8E00] =	vst v63  }
0x70: {  	_ =	swait.ge [sflag:s14], $0x2000  }
0x71: {  	p0 =	seq.s32 s23, $0x6000;
	s31 =	rddreg [dreg:$0x5];
	[sflag:s14] =	ssyncset.done $0x0  }
0x72: {  	s24 =	simm.s32 @p0 $0x3;
	[sflag:s14] =	ssyncadd.s32 $0xFFFFE000;
	s1 =	sadd.s32 s23, s31  }
0x73: {  	[hbm4b:s1+s2] =	stream.linear.scatter [tilespmem:s11], [sflag:$0x6], $0x2000, $0x38;
	[tilespmem:$0x8E00] =	vst v63  }
0x74: {  	_ =	swait.ge @p0 [sflag:s24], $0x2000  }
0x75: {  	s25 =	simm.s32 @p0 $0x4E00;
	s26 =	simm.s32 @!p0 $0x5;
	[sflag:s24] =	ssyncset.done @p0 $0x0  }
0x76: {  	s1 =	rddreg [dreg:$0x6];
	[sflag:s24] =	ssyncadd.s32 @p0 $0xFFFFE000;
	s24 =	simm.s32 @p0 $0x0  }
0x77: {  	[hbm4b:s1+s24] =	stream.linear.scatter @p0 [tilespmem:s25], [sflag:$0x7], $0x2000, $0x38;
	[tilespmem:$0x8E00] =	vst v63  }
0x78: {  	_ =	swait.ge @!p0 [sflag:s26], $0x2000  }
0x79: {  	s1 =	simm.s32 @!p0 $0xE00;
	s24 =	sadd.s32 @!p0 $0xFFFFFF80, s22;
	[sflag:s26] =	ssyncset.done @!p0 $0x0  }
0x7a: {  	s25 =	simm.s32 @!p0 $0x80;
	[sflag:s26] =	ssyncadd.s32 @!p0 $0xFFFFE000;
	s26 =	simm.s32 @!p0 $0x3  }
0x7b: {  	[tilespmem:s1], [sflag:$0x1] =	stream.indirect.gather @!p0 [hbm4b:s3+s25], $0x40, s24, s25, $0xb8;
	[tilespmem:$0x8E00] =	vst v63  }
0x7c: {  	_ =	swait.ge @!p0 [sflag:s26], $0x2000  }
0x7d: {  	s23 =	sadd.s32 @!p0 s23, s7;
	s1 =	simm.s32 @!p0 $0x4E00;
	[sflag:s26] =	ssyncset.done @!p0 $0x0  }
0x7e: {  	s24 =	simm.s32 @!p0 $0x0;
	[sflag:s26] =	ssyncadd.s32 @!p0 $0xFFFFE000;
	s26 =	simm.s32 @!p0 $0x6  }
0x7f: {  	[hbm4b:s23+s24] =	stream.linear.scatter @!p0 [tilespmem:s1], [sflag:$0x7], $0x2000, $0x38;
	[tilespmem:$0x8E00] =	vst v63  }
0x80: {  	_ =	swait.ge @!p0 [sflag:s26], $0x2000  }
0x81: {  	[sflag:s26] =	ssyncset.done @!p0 $0x0  }
0x82: {  	s1 =	simm.s32 @!p0 $0x2E00;
	[sflag:s26] =	ssyncadd.s32 @!p0 $0xFFFFE000  }
0x83: {  	[tilespmem:s1], [sflag:$0x2] =	stream.indirect.gather @!p0 [hbm4b:s3+s25], $0x40, s22, s25, $0xb8;
	[tilespmem:$0x8E00] =	vst v63  }
0x84: {  	_ =	swait.ge [sflag:s15], $0x2000  }
0x85: {  	[sflag:s15] =	ssyncset.done $0x0  }
0x86: {  	[sflag:s15] =	ssyncadd.s32 $0xFFFFE000  }
0x87: {  	[hbm4b:s21+s2] =	stream.linear.scatter [tilespmem:s13], [sflag:$0x8], $0x2000, $0x38;
	[tilespmem:$0x8E00] =	vst v63  }
0x88: {  	_ =	swait.ge [sflag:s16], $0x2000  }
0x89: {  	[sflag:s16] =	ssyncset.done $0x0  }
0x8a: {  	[sflag:s16] =	ssyncadd.s32 $0xFFFFE000  }
0x8b: {  	_ =	swait.ge [sflag:s17], $0x2000  }
0x8c: {  	[sflag:s17] =	ssyncset.done $0x0  }
0x8d: {  	s20 =	sadd.s32 $0x1, s20;
	[sflag:s17] =	ssyncadd.s32 $0xFFFFE000  }
0x8e: {  	p0 =	sne.s32 s20, s5;
	_ =	swait.ge [sflag:s18], $0x2000  }
.Ltmp1:
0x8f: {  	[sflag:s18] =	ssyncset.done $0x0;
	(pc) =	sbr.rel @p0 .LBB2_1-.Ltmp1, $4  }
0x90: {  	[sflag:s18] =	ssyncadd.s32 $0xFFFFE000  }
0x91: {  	_ =	swait.ge [sflag:s19], $0x2000  }
0x92: {  	[sflag:s19] =	ssyncset.done $0x0  }
0x93: {  	[sflag:s19] =	ssyncadd.s32 $0xFFFFE000  }
0x94: {  	_ =	sfence.sel $0x180000  }
0x95: {  	[bflag:$0x0] =	sbarrier.arrive $0xFFFF  }
0x96: {  	_ =	strace $0x9000004D  }
0x97: {  	[bflag:$0x2] =	sbarrier.arrive $0xFFFF  }
0x98: {  	p0 =	sne.s32 s0, $0x0;
	s0 =	rddreg [dreg:$0x2]  }
0x99: {  	s0 =	sadd.s32 @!p0 $0x100000, s0  }
0x9a: {  	[sflag:s0] =	ssyncadd.tile.s32 @!p0 $0x1;
	_ =	shalt  }
.Lfunc_end2:
_tile_overlayer_lowered:
.L_overlay_start_2:
0x9b: {  	(tag) =	ssettag $0x2  }
0x9c: {  	s0 =	rddreg [dreg:$0x0];
	s2 =	stileid.u32  }
0x9d: {  	s1 =	rddreg [dreg:$0x1];
	p0 =	sne.s32 s2, $0x0  }
0x9e: {  	s3 =	rddreg [dreg:$0x2];
	[bflag:$0x3] =	sbarrier.arrive $0xFFFF;
	s2 =	simm.s32 @!p0 $0x1C0A  }
0x9f: {  	[timem:s3], [sflag:s2] =	dma.local @!p0 [hbm:s0], s1  }
0xa0: {  	s0 =	simm.s32 @!p0 $0xA  }
0xa1: {  	_ =	swait.ge @!p0 [sflag:s0], s1  }
0xa2: {  	s1 =	ssub.s32 @!p0 $0x0, s1;
	[sflag:s0] =	ssyncset.done @!p0 $0x0  }
0xa3: {  	[sflag:s0] =	ssyncadd.s32 @!p0 s1  }
0xa4: {  	[bflag:$0x3] =	sbarrier.arrive $0xFFFF  }
0xa5: {  	_ =	shalt  }

// kernel: sparse-core-data-format-call.1.cloned.1.call-start
scs
called_computation.1_lowered:
.L_overlay_start_0:
0x0: {  	s2 =	sld [smem:$0x3FD9]  }
0x1: {  	s3 =	sld [smem:$0x3FFE];
	_ =	sdelay $0x1  }
0x2: {  	s1 =	srdreg.scid  }
0x3: {  	s0 =	sand.u32 $0x1, s1  }
0x4: {  	s15 =	sshll.u32 s0, $0xA;
	s2 =	sadd.s32 s3, s2  }
0x5: {  	s2 =	sadd.s32 s2, s15  }
0x6: {  	[smem:$0x3FBE] =	sst s2  }
0x7: {  	_ = 	snop  }
0x8: {  	s2 =	sld [smem:$0x3FD0];
	_ =	sdelay $0x2  }
0x9: {  	s16 =	simm.s32 $0xB;
	s4 =	simm.s32 $0x10  }
0xa: {  	[smem:s4], [sflag:s16] =	dma.local [hbm:s2], $0x1  }
0xb: {  	_ =	swait.eq [sflag:s16], $0x1  }
0xc: {  	[sflag:s16] =	ssyncset.done $0x0  }
0xd: {  	[sflag:s16] =	ssyncadd.s32 $0xFFFFFFFF  }
0xe: {  	s17 =	sld [smem:$0x10];
	(tm) =	ssettm $0x1  }
0xf: {  	s18 =	sld [smem:$0x3FFB];
	_ =	sdelay $0x3  }
0x10: {  	_ =	strace s18  }
0x11: {  	s3 =	sld [smem:$0x3FFC];
	_ =	sdelay $0x3  }
0x12: {  	_ =	strace s3  }
0x13: {  	s3 =	sld [smem:$0x3FFD];
	_ =	sdelay $0x3  }
0x14: {  	_ =	strace s3  }
0x15: {  	_ =	strace $0x8FFFFFFF  }
0x16: {  	s19 =	sld [smem:$0x3FDB];
	_ =	sdelay $0x1  }
0x17: {  	s20 =	simm.s32 $_scs_section_size  }
0x18: {  	s5 =	simm.s32 $_size__tile_overlayer_lowered;
	s6 =	simm.s32 $_tile_overlayer_lowered  }
0x19: {  	s23 =	simm.s32 $0x1BFF;
	s22 =	sshll.u32 s6, $0x1;
	s3 =	sadd.s32 s20, s19  }
0x1a: {  	s7 =	simm.s32 $0x0;
	s21 =	sshll.u32 s5, $0x1;
	s5 =	sadd.s32 s22, s3  }
0x1b: {  	[timem:s7], [sflag:s23] =	dma.local [hbm:s5], s21  }
0x1c: {  	_ =	swait.ge [sflag:s23], s21  }
0x1d: {  	s4 =	ssub.s32 $0x0, s21;
	[sflag:s23] =	ssyncset.done $0x0  }
0x1e: {  	[sflag:s23] =	ssyncadd.s32 s4;
	_ =	sdelay $0x1  }
0x1f: {  	s24 =	simm.s32 $0x1B8B  }
0x20: {  	_ =	swait.ge [sflag:s24], $0x1  }
0x21: {  	[sflag:s24] =	ssyncset.done $0x0  }
0x22: {  	s26 =	simm.s32 $0x1B8E;
	s25 =	sld [smem:$0x3FFE];
	[sflag:s24] =	ssyncadd.s32 $0xFFFFFFFF  }
0x23: {  	s27 =	simm.s32 $execute0_lowered;
	[smem:$0x3FD2] =	sst s26  }
0x24: {  	s5 =	sshll.u32 s27, $0x1;
	_ =	strace $0x80000046;
	[dreg:$0x1] =	wrdreg $0xFFFFFFFF  }
0x25: {  	s28 =	simm.s32 $_size_execute0_lowered;
	s3 =	sadd.s32 s3, s5;
	[dreg:$0x0] =	wrdreg $0x0  }
0x26: {  	s5 =	sshll.u32 s28, $0x1;
	[dreg:$0x2] =	wrdreg s3  }
0x27: {  	[dreg:$0x3] =	wrdreg s5  }
0x28: {  	[dreg:$0x4] =	wrdreg $0xC0  }
0x29: {  	_ =	task [dreg:s7], $0x5FFFF  }
0x2a: {  	[dreg:$0x1] =	wrdreg $0xFFFFFFFF  }
0x2b: {  	[dreg:$0x0] =	wrdreg $0x60  }
0x2c: {  	[dreg:$0x2] =	wrdreg s17  }
0x2d: {  	[dreg:$0x3] =	wrdreg s25  }
0x2e: {  	[dreg:$0x4] =	wrdreg $0x9  }
0x2f: {  	_ =	task.clear_ibuf [dreg:s7], $0x5FFFF;
	_ =	strace $0x90000046  }
0x30: {  	s29 =	simm.s32 $0x9;
	_ =	strace $0x80000048  }
0x31: {  	_ =	swait.ge [sflag:s29], $0x1  }
0x32: {  	[sflag:s29] =	ssyncadd.s32 $0xFFFFFFFF  }
0x33: {  	_ =	strace $0x90000048  }
0x34: {  	_ =	sfence  }
0x35: {  	s30 =	sld [smem:$0x0];
	_ =	sdelay $0x2  }
0x36: {  	s31 =	sshll.u32 s1, $0xD;
	s1 =	sshrl.u32 s1, $0x2  }
0x37: {  	s3 =	sand.u32 $0x4000, s31;
	s1 =	sadd.s32 s1, s30  }
0x38: {  	s0 =	sor.u32 s3, s0;
	s1 =	sshll.u32 s1, $0x11  }
0x39: {  	s0 =	sor.u32 s1, s0  }
0x3a: {  	s0 =	sadd.s32 $0x8F2B, s0  }
0x3b: {  	[sflag:s0] =	ssyncadd.remote.s32 $0x1  }
0x3c: {  	_ =	sfence.sel $0xFFFF  }
0x3d: {  	[dreg:$0x0] =	wrdreg $0xFFFFFFFF;
	(pc) =	sbr.abs _section_cstart, $3  }
0x3e: {  	[dreg:$0x1] =	wrdreg $0xFFFFFFFF  }
0x3f: {  	_ =	task.clear_ibuf [dreg:s7], $0x2FFFF;
	_ =	strace $0x9FFFFFFF  }
0x40: {  	(tm) =	ssettm $0x7FFFFFFF  }
0x41: {  	_ =	shalt  }
tec
execute0_lowered:
.L_overlay_start_1:
0x0: {  	(tag) =	ssettag $0x1  }
0x1: {  	s2 =	rddreg [dreg:$0x0]  }
0x2: {  	s0 =	srdreg.scid;
	s4 =	rddreg [dreg:$0x1]  }
0x3: {  	s1 =	stileid.u32;
	s5 =	simm.s32 $0x1;
	s0 =	sshll.u32 s0, $0x4  }
0x4: {  	s7 =	simm.s32 $0x2;
	s11 =	simm.s32 $0x0;
	s3 =	sand.u32 $0x10, s0  }
.Ltmp0:
0x5: {  	p0 =	por $0x0, $0x0;
	s3 =	sor.u32 s1, s3;
	(pc) =	sbr.rel .LBB1_1-.Ltmp0, $4  }
0x6: {  	s8 =	simm.s32 $0xC3800;
	s10 =	simm.s32 $0x0;
	s3 =	sshll.u32 s3, $0x7  }
0x7: {  	s0 =	rddreg [dreg:$0x2];
	_ =	strace $0x80000047;
	s6 =	ssub.s32 $0x18680, s3  }
0x8: {  	s4 =	sadd.s32 $0x3200, s4;
	[sflag:s5] =	ssyncpa.u1 $0x0;
	s6 =	sshrl.u32 s6, $0xC  }
0x9: {  	[sflag:s7] =	ssyncpa.u1 $0x0;
	s9 =	smov.u32 s3;
	s7 =	sadd.s32 $0x2, s6  }
.LBB1_5:
0xa: {  	s13 =	sadd.s32 $0x1000, s9  }
0xb: {  	p2 =	sgt.s32 s13, $0x1869F  }
0xc: {  	s13 =	smov.u32 @p2 s3;
	p2 =	sne.s32 s10, s7  }
.Ltmp1:
0xd: {  	p1 =	slt.u32 s10, $0x2;
	(pc) =	sbr.rel @!p2 .LBB1_6-.Ltmp1, $4  }
0xe: {  	s12 =	simm.s32 @!p1 $0x2  }
0xf: {  	s14 =	sadd.s32 $0x1, s10;
	_ =	swait.ge @!p1 [sflag:s12], $0x4000  }
0x10: {  	s11 =	smov.u32 s9;
	p0 =	por !p0, !p0;
	[sflag:s12] =	ssyncset.done @!p1 $0x0  }
0x11: {  	s10 =	smov.u32 s14;
	s9 =	smov.u32 s13;
	[sflag:s12] =	ssyncadd.s32 @!p1 $0xFFFFC000  }
.LBB1_1:
0x12: {  	p1 =	sgt.u32 s10, s6  }
0x13: {  	s12 =	sand.u32 @!p1 $0x1FFFFFF, s9  }
0x14: {  	p2 =	sgt.s32 @!p1 s9, $0x18620;
	s13 =	smulhi.u32 @!p1 $0x14F8B59, s12  }
0x15: {  	s14 =	smov.u32 s9;
	s15 =	sshra.s32 @!p1 s9, $0x1F;
	p2 =	por !p2, p1  }
0x16: {  	s15 =	sand.u32 @!p1 s15, s9;
	s14 =	simm.s32 @p2 $0x18620;
	s13 =	sshrl.u32 @!p1 s13, $0x9  }
0x17: {  	s14 =	ssub.s32 @!p1 s14, s15;
	s13 =	smul.u32 @!p1 $0x186A0, s13  }
0x18: {  	s15 =	sxor.u32 @!p1 $0xFFFFFFFF, s10;
	s14 =	sadd.s32 @!p1 $0xFFFE79E0, s14  }
0x19: {  	s15 =	sshll.u32 @!p1 s15, $0xE;
	s12 =	ssub.s32 @!p1 s12, s13;
	s13 =	sshll.u32 @!p1 s14, $0x9  }
0x1a: {  	s15 =	sand.u32 @!p1 $0x4000, s15;
	p2 =	sgt.s32 @!p1 s14, $0x7F;
	s13 =	ssub.s32 @!p1 $0x10000, s13  }
0x1b: {  	p2 =	por !p2, p1;
	s12 =	sshll.u32 @!p1 s12, $0x4;
	s13 =	sshrl.u32 @!p1 s13, $0x2  }
0x1c: {  	s14 =	simm.s32 @!p1 $0x0;
	s12 =	sadd.s32 @!p1 s2, s12;
	s13 =	simm.s32 @!p2 $0x0  }
0x1d: {  	[tilespmem:s15], [sflag:$0x1] =	stream.linear.gather @!p1 [hbm4b:s12+s14], s13, $0x38;
	[tilespmem:$0x10100] =	vst v63  }
0x1e: {  	p1 =	seq.s32 s10, $0x0  }
0x1f: {  	p2 =	sge.u32 @!p1 s10, s7  }
0x20: {  	p1 =	por p1, p2  }
.Ltmp2:
0x21: {  	_ = 	snop;
	(pc) =	sbr.rel @p1 .LBB1_5-.Ltmp2, $1  }
0x22: {  	_ =	sdelay $0x3  }
0x23: {  	p1 =	sgt.s32 s11, $0x18620;
	s12 =	smov.u32 s11;
	s13 =	sshra.s32 s11, $0x1F  }
0x24: {  	s12 =	simm.s32 @!p1 $0x18620;
	s13 =	sand.u32 s13, s11  }
0x25: {  	s12 =	ssub.s32 s12, s13  }
0x26: {  	s12 =	sadd.s32 $0xFFFE79E0, s12  }
0x27: {  	s29 =	sshll.u32 s12, $0x9  }
0x28: {  	s13 =	ssub.s32 $0x10000, s29  }
0x29: {  	p1 =	sgt.s32 s12, $0x7F;
	s12 =	sshrl.u32 s13, $0x2  }
0x2a: {  	s13 =	simm.s32 $0x1;
	s12 =	simm.s32 @p1 $0x0  }
0x2b: {  	s13 =	simm.s32 @!p0 $0x0;
	_ =	swait.ge [sflag:s5], s12  }
0x2c: {  	s14 =	sshll.u32 s13, $0xE;
	s12 =	ssub.s32 $0x0, s12;
	[sflag:s5] =	ssyncset.done $0x0  }
0x2d: {  	s15 =	sor.u32 $0x40, s14;
	[sflag:s5] =	ssyncadd.s32 s12  }
0x2e: {  	s30 =	smul.u32 $0x10200, s13;
	v0 =	vld [tilespmem:s15+$0x30]  }
0x2f: {  	v1 =	vld [tilespmem:s15+$0xFFFFFFD0]  }
0x30: {  	s12 =	sshrl.u32 s30, $0x2;
	v5 =	vld [tilespmem:s15+$0xFFFFFFE0]  }
0x31: {  	s13 =	sor.u32 $0x8000, s12;
	v6 =	vld [tilespmem:s15+$0xFFFFFFF0]  }
0x32: {  	s31 =	sand.u32 $0x1, s10;
	v3 =	vld [tilespmem:s15+$0x0];
	s14 =	sadd.s32 $0x0, s13  }
0x33: {  	s12 =	smul.u32 $0x10200, s31;
	v4 =	vld [tilespmem:s15+$0x10];
	[tilespmem:s14+$0x3870 ss:$0x81] =	vst.msk $0xffff, v0  }
0x34: {  	v2 =	vld [tilespmem:s15+$0x20];
	[tilespmem:s14+$0x810 ss:$0x81] =	vst.msk $0xffff, v1  }
0x35: {  	s12 =	sshrl.u32 s12, $0x2;
	v0 =	vld [tilespmem:s15+$0xFFFFFFC0];
	[tilespmem:s14+$0x1020 ss:$0x81] =	vst.msk $0xffff, v5;
	s15 =	sadd.s32 $0x80, s15  }
0x36: {  	s16 =	simm.s32 $0x4;
	s17 =	simm.s32 $0x8;
	s12 =	sor.u32 $0x8000, s12;
	[tilespmem:s14+$0x1830 ss:$0x81] =	vst.msk $0xffff, v6;
	v1 =	vld [tilespmem:s15+$0x30]  }
.LBB1_3:
0x37: {  	p1 =	sne.s32 s17, $0x1FC;
	v5 =	vld [tilespmem:s15+$0xFFFFFFD0];
	[tilespmem:s14+$0x2040 ss:$0x81] =	vst.msk $0xffff, v3  }
0x38: {  	v6 =	vld [tilespmem:s15+$0xFFFFFFE0];
	[tilespmem:s14+$0x2850 ss:$0x81] =	vst.msk $0xffff, v4  }
0x39: {  	s18 =	sshra.s32 s16, $0x2;
	s16 =	smov.u32 s17;
	v7 =	vld [tilespmem:s15+$0xFFFFFFF0];
	[tilespmem:s14+$0x3060 ss:$0x81] =	vst.msk $0xffff, v2  }
.Ltmp3:
0x3a: {  	v3 =	vld [tilespmem:s15+$0x0];
	[tilespmem:s14+$0x0 ss:$0x81] =	vst.msk $0xffff, v0;
	s14 =	sadd.s32 s18, s13;
	(pc) =	sbr.rel @p1 .LBB1_3-.Ltmp3, $4  }
0x3b: {  	v4 =	vld [tilespmem:s15+$0x10];
	[tilespmem:s14+$0x3870 ss:$0x81] =	vst.msk $0xffff, v1  }
0x3c: {  	[tilespmem:s14+$0x810 ss:$0x81] =	vst.msk $0xffff, v5;
	v2 =	vld [tilespmem:s15+$0x20]  }
0x3d: {  	v0 =	vld [tilespmem:s15+$0xFFFFFFC0];
	[tilespmem:s14+$0x1020 ss:$0x81] =	vst.msk $0xffff, v6;
	s15 =	sadd.s32 $0x80, s15  }
0x3e: {  	s17 =	sadd.s32 $0x4, s17;
	v1 =	vld [tilespmem:s15+$0x30];
	[tilespmem:s14+$0x1830 ss:$0x81] =	vst.msk $0xffff, v7  }
0x3f: {  	v5 =	vld [tilespmem:s15+$0xFFFFFFD0];
	[tilespmem:s14+$0x2040 ss:$0x81] =	vst.msk $0xffff, v3;
	s17 =	sshll.u32 s11, $0x3  }
0x40: {  	v58 =	vld [tilespmem:s15+$0xFFFFFFE0];
	s25 =	sand.u32 $0x7F, s11;
	[tilespmem:s14+$0x2850 ss:$0x81] =	vst.msk $0xffff, v4;
	s17 =	sand.u32 $0xFFFFFC00, s17  }
0x41: {  	s16 =	sshra.s32 s16, $0x2;
	v59 =	vld [tilespmem:s15+$0xFFFFFFF0];
	[tilespmem:s14+$0x3060 ss:$0x81] =	vst.msk $0xffff, v2;
	s11 =	sor.u32 s25, s17  }
0x42: {  	v60 =	vld [tilespmem:s15+$0x0];
	s13 =	sadd.s32 s16, s13;
	[tilespmem:s14+$0x0 ss:$0x81] =	vst.msk $0xffff, v0;
	s26 =	smulhi.u32 $0xA79C7B17, s11  }
0x43: {  	v61 =	vld [tilespmem:s15+$0x10];
	[tilespmem:s13+$0x3870 ss:$0x81] =	vst.msk $0xffff, v1  }
0x44: {  	v62 =	vld [tilespmem:s15+$0x20];
	s27 =	smulhi.u32 $0xA79C7B17, s17;
	[tilespmem:s13+$0x810 ss:$0x81] =	vst.msk $0xffff, v5;
	s14 =	sshrl.u32 s26, $0x10  }
0x45: {  	v63 =	vld [tilespmem:s15+$0xFFFFFFC0];
	[tilespmem:s13+$0x1020 ss:$0x81] =	vst.msk $0xffff, v58;
	s14 =	smul.u32 $0x18700, s14  }
0x46: {  	s28 =	sshrl.u32 s27, $0x10;
	[tilespmem:s13+$0x1830 ss:$0x81] =	vst.msk $0xffff, v59  }
.Ltmp4:
0x47: {  	[tilespmem:s13+$0x2040 ss:$0x81] =	vst.msk $0xffff, v60;
	s29 =	sand.u32 $0x7F, s28;
	s11 =	ssub.s32 s11, s14;
	(pc) =	sbr.rel .LBB1_5-.Ltmp4, $4  }
0x48: {  	[tilespmem:s13+$0x2850 ss:$0x81] =	vst.msk $0xffff, v61;
	s14 =	smul.u32 $0x30E0, s29;
	s30 =	sshrl.u32 s11, $0x3;
	s11 =	sand.u32 $0x7, s11  }
0x49: {  	[tilespmem:s13+$0x3060 ss:$0x81] =	vst.msk $0xffff, v62;
	s15 =	sadd.s32 s4, s30;
	s11 =	sshll.u32 s11, $0x12  }
0x4a: {  	[tilespmem:s13+$0x0 ss:$0x81] =	vst.msk $0xffff, v63;
	s31 =	sadd.s32 s14, s15;
	s11 =	sor.u32 $0x400, s11  }
0x4b: {  	[hbm4b:s31+s11] =	stream.strided.scatter [tilespmem:s12], [sflag:$0x2], $0x4000, s8, s11, $0x20;
	[tilespmem:$0x10100] =	vst v63  }
.LBB1_6:
0x4c: {  	_ =	sfence.sel $0x180000  }
0x4d: {  	s2 =	simm.s32 $0x1;
	[bflag:$0x0] =	sbarrier.arrive $0xFFFF  }
0x4e: {  	s31 =	simm.s32 $0x2;
	[sflag:s2] =	ssyncpa.u1 $0x1  }
0x4f: {  	[sflag:s31] =	ssyncpa.u1 $0x1  }
0x50: {  	p0 =	sne.s32 s1, $0x0;
	_ =	strace $0x90000047  }
0x51: {  	s0 =	sadd.s32 @!p0 $0x100000, s0;
	[bflag:$0x2] =	sbarrier.arrive $0xFFFF  }
0x52: {  	[sflag:s0] =	ssyncadd.tile.s32 @!p0 $0x1;
	_ =	shalt  }
.Lfunc_end1:
_tile_overlayer_lowered:
.L_overlay_start_2:
0x53: {  	(tag) =	ssettag $0x2  }
0x54: {  	s0 =	rddreg [dreg:$0x0];
	s2 =	stileid.u32  }
0x55: {  	s1 =	rddreg [dreg:$0x1];
	p0 =	sne.s32 s2, $0x0  }
0x56: {  	s3 =	rddreg [dreg:$0x2];
	[bflag:$0x3] =	sbarrier.arrive $0xFFFF;
	s2 =	simm.s32 @!p0 $0x1C01  }
0x57: {  	[timem:s3], [sflag:s2] =	dma.local @!p0 [hbm:s0], s1  }
0x58: {  	s0 =	simm.s32 @!p0 $0x1  }
0x59: {  	_ =	swait.ge @!p0 [sflag:s0], s1  }
0x5a: {  	s1 =	ssub.s32 @!p0 $0x0, s1;
	[sflag:s0] =	ssyncset.done @!p0 $0x0  }
0x5b: {  	[sflag:s0] =	ssyncadd.s32 @!p0 s1  }
0x5c: {  	[bflag:$0x3] =	sbarrier.arrive $0xFFFF  }
0x5d: {  	_ =	shalt  }

// kernel: sparse-core-data-format-call.cloned.1.call-start
scs
called_computation_lowered:
.L_overlay_start_0:
0x0: {  	s2 =	sld [smem:$0x3FD9]  }
0x1: {  	s3 =	sld [smem:$0x3FFE];
	_ =	sdelay $0x1  }
0x2: {  	s1 =	srdreg.scid  }
0x3: {  	s0 =	sand.u32 $0x1, s1  }
0x4: {  	s15 =	sshll.u32 s0, $0xA;
	s2 =	sadd.s32 s3, s2  }
0x5: {  	s2 =	sadd.s32 s2, s15  }
0x6: {  	[smem:$0x3FBE] =	sst s2  }
0x7: {  	_ = 	snop  }
0x8: {  	s2 =	sld [smem:$0x3FD0];
	_ =	sdelay $0x2  }
0x9: {  	s16 =	simm.s32 $0xB;
	s4 =	simm.s32 $0x10  }
0xa: {  	[smem:s4], [sflag:s16] =	dma.local [hbm:s2], $0x1  }
0xb: {  	_ =	swait.eq [sflag:s16], $0x1  }
0xc: {  	[sflag:s16] =	ssyncset.done $0x0  }
0xd: {  	[sflag:s16] =	ssyncadd.s32 $0xFFFFFFFF  }
0xe: {  	s17 =	sld [smem:$0x10];
	(tm) =	ssettm $0x1  }
0xf: {  	s18 =	sld [smem:$0x3FFB];
	_ =	sdelay $0x3  }
0x10: {  	_ =	strace s18  }
0x11: {  	s3 =	sld [smem:$0x3FFC];
	_ =	sdelay $0x3  }
0x12: {  	_ =	strace s3  }
0x13: {  	s3 =	sld [smem:$0x3FFD];
	_ =	sdelay $0x3  }
0x14: {  	_ =	strace s3  }
0x15: {  	_ =	strace $0x8FFFFFFF  }
0x16: {  	s19 =	sld [smem:$0x3FDB];
	_ =	sdelay $0x1  }
0x17: {  	s20 =	simm.s32 $_scs_section_size  }
0x18: {  	s5 =	simm.s32 $_size__tile_overlayer_lowered;
	s6 =	simm.s32 $_tile_overlayer_lowered  }
0x19: {  	s23 =	simm.s32 $0x1BFF;
	s22 =	sshll.u32 s6, $0x1;
	s3 =	sadd.s32 s20, s19  }
0x1a: {  	s7 =	simm.s32 $0x0;
	s21 =	sshll.u32 s5, $0x1;
	s5 =	sadd.s32 s22, s3  }
0x1b: {  	[timem:s7], [sflag:s23] =	dma.local [hbm:s5], s21  }
0x1c: {  	_ =	swait.ge [sflag:s23], s21  }
0x1d: {  	s4 =	ssub.s32 $0x0, s21;
	[sflag:s23] =	ssyncset.done $0x0  }
0x1e: {  	[sflag:s23] =	ssyncadd.s32 s4;
	_ =	sdelay $0x1  }
0x1f: {  	s24 =	simm.s32 $0x1B8B  }
0x20: {  	_ =	swait.ge [sflag:s24], $0x1  }
0x21: {  	[sflag:s24] =	ssyncset.done $0x0  }
0x22: {  	s26 =	simm.s32 $0x1B8E;
	s25 =	sld [smem:$0x3FFE];
	[sflag:s24] =	ssyncadd.s32 $0xFFFFFFFF  }
0x23: {  	s27 =	simm.s32 $execute0_lowered;
	[smem:$0x3FD2] =	sst s26  }
0x24: {  	s5 =	sshll.u32 s27, $0x1;
	_ =	strace $0x8000004F;
	[dreg:$0x1] =	wrdreg $0xFFFFFFFF  }
0x25: {  	s28 =	simm.s32 $_size_execute0_lowered;
	s3 =	sadd.s32 s3, s5;
	[dreg:$0x0] =	wrdreg $0x0  }
0x26: {  	s5 =	sshll.u32 s28, $0x1;
	[dreg:$0x2] =	wrdreg s3  }
0x27: {  	[dreg:$0x3] =	wrdreg s5  }
0x28: {  	[dreg:$0x4] =	wrdreg $0xC0  }
0x29: {  	_ =	task [dreg:s7], $0x5FFFF  }
0x2a: {  	[dreg:$0x1] =	wrdreg $0xFFFFFFFF  }
0x2b: {  	[dreg:$0x0] =	wrdreg $0x60  }
0x2c: {  	[dreg:$0x2] =	wrdreg s25  }
0x2d: {  	[dreg:$0x3] =	wrdreg s17  }
0x2e: {  	[dreg:$0x4] =	wrdreg $0x9  }
0x2f: {  	_ =	task.clear_ibuf [dreg:s7], $0x5FFFF;
	_ =	strace $0x9000004F  }
0x30: {  	s29 =	simm.s32 $0x9;
	_ =	strace $0x80000051  }
0x31: {  	_ =	swait.ge [sflag:s29], $0x1  }
0x32: {  	[sflag:s29] =	ssyncadd.s32 $0xFFFFFFFF  }
0x33: {  	_ =	strace $0x90000051  }
0x34: {  	_ =	sfence  }
0x35: {  	s30 =	sld [smem:$0x0];
	_ =	sdelay $0x2  }
0x36: {  	s31 =	sshll.u32 s1, $0xD;
	s1 =	sshrl.u32 s1, $0x2  }
0x37: {  	s3 =	sand.u32 $0x4000, s31;
	s1 =	sadd.s32 s1, s30  }
0x38: {  	s0 =	sor.u32 s3, s0;
	s1 =	sshll.u32 s1, $0x11  }
0x39: {  	s0 =	sor.u32 s1, s0  }
0x3a: {  	s0 =	sadd.s32 $0x8F2B, s0  }
0x3b: {  	[sflag:s0] =	ssyncadd.remote.s32 $0x1  }
0x3c: {  	_ =	sfence.sel $0xFFFF  }
0x3d: {  	[dreg:$0x0] =	wrdreg $0xFFFFFFFF;
	(pc) =	sbr.abs _section_cstart, $3  }
0x3e: {  	[dreg:$0x1] =	wrdreg $0xFFFFFFFF  }
0x3f: {  	_ =	task.clear_ibuf [dreg:s7], $0x2FFFF;
	_ =	strace $0x9FFFFFFF  }
0x40: {  	(tm) =	ssettm $0x7FFFFFFF  }
0x41: {  	_ =	shalt  }
tec
execute0_lowered:
.L_overlay_start_1:
0x0: {  	(tag) =	ssettag $0x1  }
0x1: {  	s0 =	srdreg.scid  }
0x2: {  	s1 =	sshll.u32 s0, $0x4  }
0x3: {  	s0 =	stileid.u32;
	s1 =	sand.u32 $0x10, s1  }
0x4: {  	s1 =	sor.u32 s0, s1  }
0x5: {  	s6 =	rddreg [dreg:$0x0];
	s4 =	simm.s32 $0x1;
	s2 =	sshll.u32 s1, $0x6  }
0x6: {  	s7 =	simm.s32 $0x2;
	s13 =	simm.s32 $0x0;
	s1 =	ssub.s32 $0x1000, s2  }
0x7: {  	s8 =	simm.s32 $0x2000;
	s9 =	simm.s32 $0x80000;
	s3 =	sand.u32 $0x7C0, s1  }
0x8: {  	s14 =	simm.s32 $0x0;
	s5 =	sshrl.u32 s1, $0xB;
	p0 =	sne.s32 s3, $0x0  }
.Ltmp0:
0x9: {  	s1 =	rddreg [dreg:$0x2];
	s4 =	simm.s32 @!p0 $0x0;
	(pc) =	sbr.rel .LBB1_1-.Ltmp0, $4  }
0xa: {  	s10 =	simm.s32 $0x0;
	s3 =	rddreg [dreg:$0x1];
	s5 =	sadd.s32 s4, s5  }
0xb: {  	_ =	strace $0x80000050;
	s4 =	simm.s32 $0x1;
	s5 =	smul.u32 $0x19, s5  }
0xc: {  	s12 =	simm.s32 $0x0;
	s6 =	sadd.s32 $0x42DA00, s6;
	[sflag:s4] =	ssyncpa.u1 $0x0  }
0xd: {  	s11 =	smov.u32 s2;
	[sflag:s7] =	ssyncpa.u1 $0x0;
	s7 =	sadd.s32 $0x1, s5  }
.LBB1_7:
0xe: {  	s15 =	sadd.s32 $0x2, s10  }
0xf: {  	s13 =	sadd.s32 $0x800, s11;
	s17 =	smov.u32 s11;
	p1 =	sgt.s32 s15, $0x31  }
0x10: {  	s17 =	smov.u32 @p1 s13  }
0x11: {  	s15 =	simm.s32 @p1 $0x0;
	p1 =	sgt.s32 s17, $0xFFF  }
0x12: {  	s17 =	smov.u32 @p1 s2;
	p1 =	sne.s32 s12, s7  }
.Ltmp1:
0x13: {  	p0 =	slt.u32 s12, $0x2;
	(pc) =	sbr.rel @!p1 .LBB1_8-.Ltmp1, $4  }
0x14: {  	s16 =	simm.s32 @!p0 $0x2  }
0x15: {  	s14 =	smov.u32 s11;
	_ =	swait.ge @!p0 [sflag:s16], $0x4000  }
0x16: {  	s13 =	smov.u32 s10;
	[sflag:s16] =	ssyncset.done @!p0 $0x0;
	s10 =	smov.u32 s15  }
0x17: {  	s12 =	sadd.s32 $0x1, s12;
	[sflag:s16] =	ssyncadd.s32 @!p0 $0xFFFFC000;
	s11 =	smov.u32 s17  }
.LBB1_1:
0x18: {  	p0 =	sge.u32 s12, s5  }
0x19: {  	s15 =	sand.u32 @!p0 $0x1FFFFFF, s10  }
0x1a: {  	s16 =	smulhi.u32 @!p0 $0x4924925, s15;
	_ =	sdelay $0x1  }
0x1b: {  	s16 =	smul.u32 @!p0 $0x38, s16  }
0x1c: {  	s17 =	sxor.u32 @!p0 $0xFFFFFFFF, s12;
	s18 =	smul.u32 @!p0 $0x380, s11  }
0x1d: {  	s31 =	sadd.s32 $0xFFFFFFFF, s12;
	s17 =	sshll.u32 @!p0 s17, $0xE;
	s15 =	ssub.s32 @!p0 s15, s16  }
0x1e: {  	s16 =	sand.u32 @!p0 $0x4000, s17;
	s17 =	sadd.s32 @!p0 s6, s18;
	s15 =	sshll.u32 @!p0 s15, $0x4  }
0x1f: {  	s18 =	simm.s32 @!p0 $0x1C00;
	s15 =	sadd.s32 @!p0 s15, s17;
	s17 =	simm.s32 @!p0 $0x100  }
0x20: {  	[tilespmem:s16], [sflag:$0x1] =	stream.strided.gather @!p0 [hbm4b:s15+s17], $0x4000, s18, s17, $0x38;
	[tilespmem:$0x10000] =	vst v63  }
0x21: {  	p0 =	sge.u32 s31, s5  }
.Ltmp2:
0x22: {  	_ = 	snop;
	(pc) =	sbr.rel @p0 .LBB1_7-.Ltmp2, $1  }
0x23: {  	_ =	sdelay $0x3  }
0x24: {  	_ =	swait.ge [sflag:s4], $0x4000;
	s15 =	sshll.u32 s12, $0xE  }
0x25: {  	[sflag:s4] =	ssyncset.done $0x0;
	s16 =	sand.u32 $0x4000, s15  }
0x26: {  	s17 =	simm.s32 $0x0;
	[sflag:s4] =	ssyncadd.s32 $0xFFFFC000;
	s15 =	sor.u32 $0x8000, s16  }
.LBB1_3:
0x27: {  	s18 =	sshll.u32 s17, $0x8  }
0x28: {  	s18 =	sand.u32 $0x3FFFFF00, s18  }
0x29: {  	s19 =	sshll.u32 s17, $0x7;
	s18 =	sadd.s32 s18, s16  }
0x2a: {  	s19 =	sand.u32 $0x3FFFFF80, s19;
	v0 =	vmov s18  }
0x2b: {  	s19 =	sadd.s32 s19, s15  }
0x2c: {  	p0 =	por $0x1, $0x1;
	v1 =	vmov s19;
	s18 =	simm.s32 $0x0  }
.LBB1_4:
0x2d: {  	s19 =	sshll.u32 s18, $0x7  }
0x2e: {  	s19 =	sand.u32 $0x3FFFFF80, s19  }
0x2f: {  	v2 =	vld.idx.msk [tilespmem:v0+s19+$0x0 ss:$0x1], $0xffff  }
0x30: {  	v3 =	vld.idx.msk [tilespmem:v0+s19+$0x10 ss:$0x1], $0xffff  }
0x31: {  	v4 =	vld.idx.msk [tilespmem:v0+s19+$0x20 ss:$0x1], $0xffff  }
0x32: {  	s31 =	sshll.u32 s18, $0xD;
	v5 =	vld.idx.msk [tilespmem:v0+s19+$0x30 ss:$0x1], $0xffff  }
0x33: {  	s18 =	sand.u32 $0x3FFFE000, s31;
	v6 =	vld.idx.msk [tilespmem:v0+s19+$0x40 ss:$0x1], $0xffff  }
0x34: {  	v63 =	vld.idx.msk [tilespmem:v0+s19+$0x70 ss:$0x1], $0xffff;
	[tilespmem:v1+s18+$0x0 ss:$0x1] =	vst.idx.msk $0xffff, v2  }
0x35: {  	v2 =	vld.idx.msk [tilespmem:v0+s19+$0x50 ss:$0x1], $0xffff;
	[tilespmem:v1+s18+$0x10 ss:$0x1] =	vst.idx.msk $0xffff, v3  }
0x36: {  	p1 =	por p0, p0;
	v3 =	vld.idx.msk [tilespmem:v0+s19+$0x60 ss:$0x1], $0xffff;
	[tilespmem:v1+s18+$0x20 ss:$0x1] =	vst.idx.msk $0xffff, v4  }
.Ltmp3:
0x37: {  	[tilespmem:v1+s18+$0x30 ss:$0x1] =	vst.idx.msk $0xffff, v5;
	(pc) =	sbr.rel @p1 .LBB1_4-.Ltmp3, $4  }
0x38: {  	[tilespmem:v1+s18+$0x40 ss:$0x1] =	vst.idx.msk $0xffff, v6  }
0x39: {  	[tilespmem:v1+s18+$0x70 ss:$0x1] =	vst.idx.msk $0xffff, v63  }
0x3a: {  	[tilespmem:v1+s18+$0x50 ss:$0x1] =	vst.idx.msk $0xffff, v2  }
0x3b: {  	p0 =	por $0x0, $0x0;
	[tilespmem:v1+s18+$0x60 ss:$0x1] =	vst.idx.msk $0xffff, v3;
	s18 =	simm.s32 $0x1  }
0x3c: {  	s17 =	sadd.s32 $0x1, s17  }
0x3d: {  	p0 =	sne.s32 s17, $0x40  }
.Ltmp4:
0x3e: {  	_ = 	snop;
	(pc) =	sbr.rel @p0 .LBB1_3-.Ltmp4, $1  }
0x3f: {  	_ =	sdelay $0x3  }
.Ltmp5:
0x40: {  	s14 =	sshll.u32 s14, $0x4;
	(pc) =	sbr.rel .LBB1_7-.Ltmp5, $4  }
0x41: {  	s14 =	sand.u32 $0xFFF0, s14  }
0x42: {  	s13 =	sshll.u32 s13, $0x10;
	s14 =	sadd.s32 s3, s14  }
0x43: {  	s13 =	sadd.s32 s13, s14  }
0x44: {  	[hbm4b:s13+s8] =	stream.strided.scatter [tilespmem:s15], [sflag:$0x2], $0x4000, s9, s8, $0x38;
	[tilespmem:$0x10000] =	vst v63  }
.LBB1_8:
0x45: {  	_ =	sfence.sel $0x180000  }
0x46: {  	s2 =	simm.s32 $0x1;
	[bflag:$0x0] =	sbarrier.arrive $0xFFFF  }
0x47: {  	s31 =	simm.s32 $0x2;
	[sflag:s2] =	ssyncpa.u1 $0x1  }
0x48: {  	[sflag:s31] =	ssyncpa.u1 $0x1  }
0x49: {  	p0 =	sne.s32 s0, $0x0;
	_ =	strace $0x90000050  }
0x4a: {  	s0 =	sadd.s32 @!p0 $0x100000, s1;
	[bflag:$0x2] =	sbarrier.arrive $0xFFFF  }
0x4b: {  	[sflag:s0] =	ssyncadd.tile.s32 @!p0 $0x1;
	_ =	shalt  }
.Lfunc_end1:
_tile_overlayer_lowered:
.L_overlay_start_2:
0x4c: {  	(tag) =	ssettag $0x2  }
0x4d: {  	s0 =	rddreg [dreg:$0x0];
	s2 =	stileid.u32  }
0x4e: {  	s1 =	rddreg [dreg:$0x1];
	p0 =	sne.s32 s2, $0x0  }
0x4f: {  	s3 =	rddreg [dreg:$0x2];
	[bflag:$0x3] =	sbarrier.arrive $0xFFFF;
	s2 =	simm.s32 @!p0 $0x1C01  }
0x50: {  	[timem:s3], [sflag:s2] =	dma.local @!p0 [hbm:s0], s1  }
0x51: {  	s0 =	simm.s32 @!p0 $0x1  }
0x52: {  	_ =	swait.ge @!p0 [sflag:s0], s1  }
0x53: {  	s1 =	ssub.s32 @!p0 $0x0, s1;
	[sflag:s0] =	ssyncset.done @!p0 $0x0  }
0x54: {  	[sflag:s0] =	ssyncadd.s32 @!p0 s1  }
0x55: {  	[bflag:$0x3] =	sbarrier.arrive $0xFFFF  }
0x56: {  	_ =	shalt  }

</sc_bundles>
